<compile_context>
chip_gen: v7x
topology: tpu7x:2x2x1
jax: 0.10.2.dev20260603
libtpu: 0.0.44.dev20260713+nightly
codegen_flags: <defaults>
</compile_context>

<pallas_src>
import jax
import jax.numpy as jnp
from jax import lax
from jax.experimental import pallas as pl
from jax.experimental.pallas import tpu as pltpu
from jax.experimental.pallas import tpu_sc as plsc

N_NODES = 100000
N_EDGES = 3200000
B = 16

NC = 2
NS = 16
NW = NC * NS

EPT = N_EDGES // NW
CH = 1792
NFULL = EPT // CH
TAIL = EPT - NFULL * CH
G = 128
NPAIR = (NFULL - 1) // 2

UNROLL = 8


def _sc_body(xt_hbm, j_hbm, ei_hbm, ej_hbm, out_hbm,
             ei_v0, ei_v1, ej_v0, ej_v1, w_v0, w_v1,
             rows_a0, rows_a1, rows_b0, rows_b1,
             acc_v, red_v, shared, isem0, isem1, wsem0, wsem1, gsem0, gsem1):
    c = lax.axis_index("c")
    s = lax.axis_index("s")
    wid = c * NS + s

    ei_v = [ei_v0, ei_v1]
    ej_v = [ej_v0, ej_v1]
    w_v = [w_v0, w_v1]
    rows_a = [rows_a0, rows_a1]
    rows_b = [rows_b0, rows_b1]
    isem = [isem0, isem1]
    wsem = [wsem0, wsem1]
    gsem = [gsem0, gsem1]

    zero = jnp.zeros((B,), jnp.float32)
    accs = (zero,) * UNROLL

    ebase = wid * EPT

    def idx_copies(ch, slot):
        base = ebase + ch * CH
        return [
            pltpu.make_async_copy(ei_hbm.at[pl.ds(base, CH)], ei_v[slot], isem[slot]),
            pltpu.make_async_copy(ej_hbm.at[pl.ds(base, CH)], ej_v[slot], isem[slot]),
        ]

    def w_copy(ch, slot):
        base = ebase + ch * CH
        return pltpu.make_async_copy(j_hbm.at[pl.ds(base, CH)], w_v[slot], wsem[slot])

    def issue_idx(ch, slot):
        for cp in idx_copies(ch, slot):
            cp.start()

    def wait_idx(ch, slot):
        for cp in idx_copies(ch, slot):
            cp.wait()

    def issue_w(ch, slot):
        w_copy(ch, slot).start()

    def wait_w(ch, slot):
        w_copy(ch, slot).wait()

    def gather_copies(slot):
        cps = []
        for g0 in range(0, CH, G):
            sl = pl.ds(g0, G)
            cps.append(pltpu.make_async_copy(
                xt_hbm.at[ei_v[slot].at[sl]], rows_a[slot].at[sl], gsem[slot]))
            cps.append(pltpu.make_async_copy(
                xt_hbm.at[ej_v[slot].at[sl]], rows_b[slot].at[sl], gsem[slot]))
        return cps

    def issue_gathers(slot):
        for cp in gather_copies(slot):
            cp.start()

    def wait_gathers(slot):
        for cp in gather_copies(slot):
            cp.wait()

    def edge_accum(slot, n_rows, accs):
        ra, rb, wr = rows_a[slot], rows_b[slot], w_v[slot]

        def ib(i, accs):
            base = i * B
            wv = wr[pl.ds(base, B)]
            out = list(accs)
            for j in range(B):
                k = base + j
                out[j % UNROLL] = out[j % UNROLL] + ra[k] * rb[k] * wv[j]
            return tuple(out)
        return lax.fori_loop(0, n_rows // B, ib, accs)

    issue_idx(0, 0)
    issue_w(0, 0)
    issue_idx(1, 1)
    issue_w(1, 1)
    wait_idx(0, 0)
    issue_gathers(0)

    def pair_body(p, accs):
        c0 = p * 2
        wait_idx(c0 + 1, 1)
        issue_gathers(1)
        wait_gathers(0)
        issue_idx(c0 + 2, 0)
        wait_w(c0, 0)
        accs = edge_accum(0, CH, accs)
        issue_w(c0 + 2, 0)
        wait_idx(c0 + 2, 0)
        issue_gathers(0)
        wait_gathers(1)
        wait_w(c0 + 1, 1)
        accs = edge_accum(1, CH, accs)

        @pl.when(c0 + 3 < NFULL)
        def _():
            issue_idx(c0 + 3, 1)
            issue_w(c0 + 3, 1)
        return accs

    accs = lax.fori_loop(0, NPAIR, pair_body, accs)

    wait_gathers(0)
    wait_w(NFULL - 1, 0)
    accs = edge_accum(0, CH, accs)

    tbase = ebase + NFULL * CH
    tsl = pl.ds(0, TAIL)
    pltpu.sync_copy(ei_hbm.at[pl.ds(tbase, TAIL)], ei_v[1].at[tsl])
    pltpu.sync_copy(ej_hbm.at[pl.ds(tbase, TAIL)], ej_v[1].at[tsl])
    pltpu.sync_copy(j_hbm.at[pl.ds(tbase, TAIL)], w_v[1].at[tsl])
    tcps = []
    for g0 in range(0, TAIL, G):
        gl = min(G, TAIL - g0)
        sl = pl.ds(g0, gl)
        tcps.append(pltpu.make_async_copy(
            xt_hbm.at[ei_v[1].at[sl]], rows_a[1].at[sl], gsem[1]))
        tcps.append(pltpu.make_async_copy(
            xt_hbm.at[ej_v[1].at[sl]], rows_b[1].at[sl], gsem[1]))
    for cp in tcps:
        cp.start()
    for cp in tcps:
        cp.wait()
    accs = edge_accum(1, TAIL, accs)

    total = accs[0]
    for j in range(1, UNROLL):
        total = total + accs[j]
    acc_v[...] = total

    pltpu.sync_copy(acc_v, shared.at[s])
    plsc.subcore_barrier()

    @pl.when(s == 0)
    def _():
        pltpu.sync_copy(shared, red_v)
        t = red_v[0]
        for i in range(1, NS):
            t = t + red_v[i]
        acc_v[...] = t
        pltpu.sync_copy(acc_v, out_hbm.at[c])


def _hdot_body(x_ref, h_ref, out_ref):
    out_ref[...] = jnp.sum(x_ref[...] * h_ref[...][None, :], axis=1)


@jax.jit
def kernel(x, h, J, edge_idx_i, edge_idx_j):
    xtr = x.T

    mesh = plsc.VectorSubcoreMesh(core_axis_name="c", subcore_axis_name="s")
    out2 = pl.kernel(
        _sc_body,
        out_type=jax.ShapeDtypeStruct((NC, B), jnp.float32),
        mesh=mesh,
        compiler_params=pltpu.CompilerParams(use_tc_tiling_on_sc=False),
        scratch_types=[
            pltpu.VMEM((CH,), jnp.int32),
            pltpu.VMEM((CH,), jnp.int32),
            pltpu.VMEM((CH,), jnp.int32),
            pltpu.VMEM((CH,), jnp.int32),
            pltpu.VMEM((CH,), jnp.float32),
            pltpu.VMEM((CH,), jnp.float32),
            pltpu.VMEM((CH, B), jnp.float32),
            pltpu.VMEM((CH, B), jnp.float32),
            pltpu.VMEM((CH, B), jnp.float32),
            pltpu.VMEM((CH, B), jnp.float32),
            pltpu.VMEM((B,), jnp.float32),
            pltpu.VMEM((NS, B), jnp.float32),
            pltpu.VMEM_SHARED((NS, B), jnp.float32),
            pltpu.SemaphoreType.DMA,
            pltpu.SemaphoreType.DMA,
            pltpu.SemaphoreType.DMA,
            pltpu.SemaphoreType.DMA,
            pltpu.SemaphoreType.DMA,
            pltpu.SemaphoreType.DMA,
        ],
    )(xtr, J, edge_idx_i, edge_idx_j)

    hdot = pl.pallas_call(
        _hdot_body,
        out_shape=jax.ShapeDtypeStruct((B,), jnp.float32),
    )(x, h)

    return out2[0] + out2[1] + hdot

# --- scband reference (transcript-rebuilt; emitter-appended) ---
"""Pipeline reference for scband-graph-restricted-boltzmann-machine-8203387535980 (READ-ONLY COPY).

The authoritative reference and input builder live on the scoring server;
editing this copy changes nothing except your own understanding.
"""

import jax, jax.numpy as jnp
import numpy as np

N_NODES = 100000
N_EDGES = 3200000
BATCH = 16


def setup_inputs(seed: int = 0) -> dict:
    key = jax.random.key(seed)
    k1, k2, k3, k4, k5 = jax.random.split(key, 5)
    x = jax.random.normal(k1, (BATCH, N_NODES), dtype=jnp.float32)
    edge_idx_i = jax.random.randint(k2, (N_EDGES,), 0, N_NODES, dtype=jnp.int32)
    edge_idx_j = jax.random.randint(k3, (N_EDGES,), 0, N_NODES, dtype=jnp.int32)
    # Parameters as built in __init__: h = 0.05*(2*randint(0,2,(n,))-1), J = 5.0*(2*randint(0,2,(m,))-1)
    h = 0.05 * (2.0 * jax.random.randint(k4, (N_NODES,), 0, 2).astype(jnp.float32) - 1.0)
    J = 5.0 * (2.0 * jax.random.randint(k5, (N_EDGES,), 0, 2).astype(jnp.float32) - 1.0)
    return {"x": x, "h": h, "J": J, "edge_idx_i": edge_idx_i, "edge_idx_j": edge_idx_j}


def reference(x, h, J, edge_idx_i, edge_idx_j):
    # interactions(x): x[..., ei] * x[..., ej]  -> (B, M)   [gather-dominated]
    interactions = jnp.take(x, edge_idx_i, axis=1) * jnp.take(x, edge_idx_j, axis=1)
    # sufficient_statistics(x): cat([x, interactions], dim=1) -> (B, N+M)
    stats = jnp.concatenate([x, interactions], axis=1)
    # theta: cat([h, J]) -> (N+M,)
    theta = jnp.concatenate([h, J], axis=0)
    # Hamiltonian: stats @ theta -> (B,)
    return stats @ theta

if __name__ == "__main__":
    import jax
    _d = setup_inputs()
    print(jax.jit(kernel)(*tuple(_d.values())))

</pallas_src>

<mosaic_0001>
#map = affine_map<(d0, d1) -> (0, 0)>
#map1 = affine_map<(d0, d1) -> (0)>
module attributes {stable_mosaic.version = 14 : i64} {
  func.func @_sc_body(%arg0: i32, %arg1: i32, %arg2: memref<100000x16xf32, #tpu.memory_space<hbm>>, %arg3: memref<3200000xf32, #tpu.memory_space<hbm>>, %arg4: memref<3200000xi32, #tpu.memory_space<hbm>>, %arg5: memref<3200000xi32, #tpu.memory_space<hbm>>, %arg6: memref<2x16xf32, #tpu.memory_space<hbm>>, %arg7: memref<1792xi32, #tpu.memory_space<vmem>>, %arg8: memref<1792xi32, #tpu.memory_space<vmem>>, %arg9: memref<1792xi32, #tpu.memory_space<vmem>>, %arg10: memref<1792xi32, #tpu.memory_space<vmem>>, %arg11: memref<1792xf32, #tpu.memory_space<vmem>>, %arg12: memref<1792xf32, #tpu.memory_space<vmem>>, %arg13: memref<1792x16xf32, #tpu.memory_space<vmem>>, %arg14: memref<1792x16xf32, #tpu.memory_space<vmem>>, %arg15: memref<1792x16xf32, #tpu.memory_space<vmem>>, %arg16: memref<1792x16xf32, #tpu.memory_space<vmem>>, %arg17: memref<16xf32, #tpu.memory_space<vmem>>, %arg18: memref<16x16xf32, #tpu.memory_space<vmem>>, %arg19: memref<16x16xf32, #tpu.memory_space<vmem_shared>>, %arg20: memref<!tpu.dma_semaphore, #tpu.memory_space<semaphore_mem>>, %arg21: memref<!tpu.dma_semaphore, #tpu.memory_space<semaphore_mem>>, %arg22: memref<!tpu.dma_semaphore, #tpu.memory_space<semaphore_mem>>, %arg23: memref<!tpu.dma_semaphore, #tpu.memory_space<semaphore_mem>>, %arg24: memref<!tpu.dma_semaphore, #tpu.memory_space<semaphore_mem>>, %arg25: memref<!tpu.dma_semaphore, #tpu.memory_space<semaphore_mem>>) attributes {dimension_semantics = [#tpu.dimension_semantics<core_parallel>, #tpu.dimension_semantics<subcore_parallel>], iteration_bounds = array<i64: 2, 16>, scalar_prefetch = 0 : i64, scratch_operands = 19 : i64, tpu.core_type = #tpu.core_type<sc_vector_subcore>, window_params = [{transform_indices = #map}, {transform_indices = #map1}, {transform_indices = #map1}, {transform_indices = #map1}, {transform_indices = #map}]} {
    %mul3A = arith.constant 16 : i32
    %mul3A_0 = arith.muli %arg0, %mul3A : i32
    %add3A = arith.addi %mul3A_0, %arg1 : i32
    %broadcast_in_dim3A = arith.constant 0.000000e+00 : f32
    %broadcast_in_dim3A_1 = vector.broadcast %broadcast_in_dim3A : f32 to vector<16xf32>
    %mul3A_2 = arith.constant 100000 : i32
    %mul3A_3 = arith.muli %add3A, %mul3A_2 : i32
    %add3A_4 = arith.constant 0 : i32
    %add3A_5 = arith.addi %mul3A_3, %add3A_4 : i32
    %dma_start3A = tpu.memref_slice %arg4[%add3A_5] : memref<3200000xi32, #tpu.memory_space<hbm>> -> memref<1792xi32, #tpu.memory_space<hbm>>
    %dma_start3A_6 = tpu.memref_slice %arg4[%add3A_5] : memref<3200000xi32, #tpu.memory_space<hbm>> -> memref<1792xi32, #tpu.memory_space<hbm>>
    tpu.enqueue_dma source(%dma_start3A_6 : memref<1792xi32, #tpu.memory_space<hbm>>) target(%arg7 : memref<1792xi32, #tpu.memory_space<vmem>>) target_semaphore(%arg20 : memref<!tpu.dma_semaphore, #tpu.memory_space<semaphore_mem>>)
    %dma_start3A_7 = tpu.memref_slice %arg5[%add3A_5] : memref<3200000xi32, #tpu.memory_space<hbm>> -> memref<1792xi32, #tpu.memory_space<hbm>>
    %dma_start3A_8 = tpu.memref_slice %arg5[%add3A_5] : memref<3200000xi32, #tpu.memory_space<hbm>> -> memref<1792xi32, #tpu.memory_space<hbm>>
    tpu.enqueue_dma source(%dma_start3A_8 : memref<1792xi32, #tpu.memory_space<hbm>>) target(%arg9 : memref<1792xi32, #tpu.memory_space<vmem>>) target_semaphore(%arg20 : memref<!tpu.dma_semaphore, #tpu.memory_space<semaphore_mem>>)
    %add3A_9 = arith.constant 0 : i32
    %add3A_10 = arith.addi %mul3A_3, %add3A_9 : i32
    %dma_start3A_11 = tpu.memref_slice %arg3[%add3A_10] : memref<3200000xf32, #tpu.memory_space<hbm>> -> memref<1792xf32, #tpu.memory_space<hbm>>
    %dma_start3A_12 = tpu.memref_slice %arg3[%add3A_10] : memref<3200000xf32, #tpu.memory_space<hbm>> -> memref<1792xf32, #tpu.memory_space<hbm>>
    tpu.enqueue_dma source(%dma_start3A_12 : memref<1792xf32, #tpu.memory_space<hbm>>) target(%arg11 : memref<1792xf32, #tpu.memory_space<vmem>>) target_semaphore(%arg22 : memref<!tpu.dma_semaphore, #tpu.memory_space<semaphore_mem>>)
    %add3A_13 = arith.constant 1792 : i32
    %add3A_14 = arith.addi %mul3A_3, %add3A_13 : i32
    %dma_start3A_15 = tpu.memref_slice %arg4[%add3A_14] : memref<3200000xi32, #tpu.memory_space<hbm>> -> memref<1792xi32, #tpu.memory_space<hbm>>
    %dma_start3A_16 = tpu.memref_slice %arg4[%add3A_14] : memref<3200000xi32, #tpu.memory_space<hbm>> -> memref<1792xi32, #tpu.memory_space<hbm>>
    tpu.enqueue_dma source(%dma_start3A_16 : memref<1792xi32, #tpu.memory_space<hbm>>) target(%arg8 : memref<1792xi32, #tpu.memory_space<vmem>>) target_semaphore(%arg21 : memref<!tpu.dma_semaphore, #tpu.memory_space<semaphore_mem>>)
    %dma_start3A_17 = tpu.memref_slice %arg5[%add3A_14] : memref<3200000xi32, #tpu.memory_space<hbm>> -> memref<1792xi32, #tpu.memory_space<hbm>>
    %dma_start3A_18 = tpu.memref_slice %arg5[%add3A_14] : memref<3200000xi32, #tpu.memory_space<hbm>> -> memref<1792xi32, #tpu.memory_space<hbm>>
    tpu.enqueue_dma source(%dma_start3A_18 : memref<1792xi32, #tpu.memory_space<hbm>>) target(%arg10 : memref<1792xi32, #tpu.memory_space<vmem>>) target_semaphore(%arg21 : memref<!tpu.dma_semaphore, #tpu.memory_space<semaphore_mem>>)
    %add3A_19 = arith.constant 1792 : i32
    %add3A_20 = arith.addi %mul3A_3, %add3A_19 : i32
    %dma_start3A_21 = tpu.memref_slice %arg3[%add3A_20] : memref<3200000xf32, #tpu.memory_space<hbm>> -> memref<1792xf32, #tpu.memory_space<hbm>>
    %dma_start3A_22 = tpu.memref_slice %arg3[%add3A_20] : memref<3200000xf32, #tpu.memory_space<hbm>> -> memref<1792xf32, #tpu.memory_space<hbm>>
    tpu.enqueue_dma source(%dma_start3A_22 : memref<1792xf32, #tpu.memory_space<hbm>>) target(%arg12 : memref<1792xf32, #tpu.memory_space<vmem>>) target_semaphore(%arg23 : memref<!tpu.dma_semaphore, #tpu.memory_space<semaphore_mem>>)
    %add3A_23 = arith.constant 0 : i32
    %add3A_24 = arith.addi %mul3A_3, %add3A_23 : i32
    %dma_wait3A = tpu.memref_slice %arg4[%add3A_24] : memref<3200000xi32, #tpu.memory_space<hbm>> -> memref<1792xi32, #tpu.memory_space<hbm>>
    %dma_wait3A_25 = tpu.memref_slice %arg4[%add3A_24] : memref<3200000xi32, #tpu.memory_space<hbm>> -> memref<1792xi32, #tpu.memory_space<hbm>>
    tpu.wait_dma2 semaphore(%arg20 : memref<!tpu.dma_semaphore, #tpu.memory_space<semaphore_mem>>) src(%dma_wait3A_25 : memref<1792xi32, #tpu.memory_space<hbm>>) dst(%arg7 : memref<1792xi32, #tpu.memory_space<vmem>>)
    %dma_wait3A_26 = tpu.memref_slice %arg5[%add3A_24] : memref<3200000xi32, #tpu.memory_space<hbm>> -> memref<1792xi32, #tpu.memory_space<hbm>>
    %dma_wait3A_27 = tpu.memref_slice %arg5[%add3A_24] : memref<3200000xi32, #tpu.memory_space<hbm>> -> memref<1792xi32, #tpu.memory_space<hbm>>
    tpu.wait_dma2 semaphore(%arg20 : memref<!tpu.dma_semaphore, #tpu.memory_space<semaphore_mem>>) src(%dma_wait3A_27 : memref<1792xi32, #tpu.memory_space<hbm>>) dst(%arg9 : memref<1792xi32, #tpu.memory_space<vmem>>)
    %dma_start3A_28 = arith.constant 0 : i32
    %dma_start3A_29 = arith.constant 0 : i32
    %dma_start3A_30 = tpu.memref_slice %arg13[%dma_start3A_28, %dma_start3A_29] : memref<1792x16xf32, #tpu.memory_space<vmem>> -> memref<128x16xf32, #tpu.memory_space<vmem>>
    %dma_start3A_31 = arith.constant 0 : i32
    %dma_start3A_32 = tpu.memref_slice %arg7[%dma_start3A_31] : memref<1792xi32, #tpu.memory_space<vmem>> -> memref<128xi32, #tpu.memory_space<vmem>>
    %dma_start3A_33 = arith.constant 0 : i32
    %dma_start3A_34 = arith.constant 0 : i32
    %dma_start3A_35 = tpu.memref_slice %arg2[%dma_start3A_33, %dma_start3A_34] : memref<100000x16xf32, #tpu.memory_space<hbm>> -> memref<100000x16xf32, #tpu.memory_space<hbm>>
    tpu.enqueue_indirect_dma source(%dma_start3A_35 : memref<100000x16xf32, #tpu.memory_space<hbm>>) target(%dma_start3A_30 : memref<128x16xf32, #tpu.memory_space<vmem>>) offsets(%dma_start3A_32 : memref<128xi32, #tpu.memory_space<vmem>>) semaphore(%arg24 : memref<!tpu.dma_semaphore, #tpu.memory_space<semaphore_mem>>)
    %dma_start3A_36 = arith.constant 0 : i32
    %dma_start3A_37 = arith.constant 0 : i32
    %dma_start3A_38 = tpu.memref_slice %arg15[%dma_start3A_36, %dma_start3A_37] : memref<1792x16xf32, #tpu.memory_space<vmem>> -> memref<128x16xf32, #tpu.memory_space<vmem>>
    %dma_start3A_39 = arith.constant 0 : i32
    %dma_start3A_40 = tpu.memref_slice %arg9[%dma_start3A_39] : memref<1792xi32, #tpu.memory_space<vmem>> -> memref<128xi32, #tpu.memory_space<vmem>>
    %dma_start3A_41 = arith.constant 0 : i32
    %dma_start3A_42 = arith.constant 0 : i32
    %dma_start3A_43 = tpu.memref_slice %arg2[%dma_start3A_41, %dma_start3A_42] : memref<100000x16xf32, #tpu.memory_space<hbm>> -> memref<100000x16xf32, #tpu.memory_space<hbm>>
    tpu.enqueue_indirect_dma source(%dma_start3A_43 : memref<100000x16xf32, #tpu.memory_space<hbm>>) target(%dma_start3A_38 : memref<128x16xf32, #tpu.memory_space<vmem>>) offsets(%dma_start3A_40 : memref<128xi32, #tpu.memory_space<vmem>>) semaphore(%arg24 : memref<!tpu.dma_semaphore, #tpu.memory_space<semaphore_mem>>)
    %dma_start3A_44 = arith.constant 128 : i32
    %dma_start3A_45 = arith.constant 0 : i32
    %dma_start3A_46 = tpu.memref_slice %arg13[%dma_start3A_44, %dma_start3A_45] : memref<1792x16xf32, #tpu.memory_space<vmem>> -> memref<128x16xf32, #tpu.memory_space<vmem>>
    %dma_start3A_47 = arith.constant 128 : i32
    %dma_start3A_48 = tpu.memref_slice %arg7[%dma_start3A_47] : memref<1792xi32, #tpu.memory_space<vmem>> -> memref<128xi32, #tpu.memory_space<vmem>>
    %dma_start3A_49 = arith.constant 0 : i32
    %dma_start3A_50 = arith.constant 0 : i32
    %dma_start3A_51 = tpu.memref_slice %arg2[%dma_start3A_49, %dma_start3A_50] : memref<100000x16xf32, #tpu.memory_space<hbm>> -> memref<100000x16xf32, #tpu.memory_space<hbm>>
    tpu.enqueue_indirect_dma source(%dma_start3A_51 : memref<100000x16xf32, #tpu.memory_space<hbm>>) target(%dma_start3A_46 : memref<128x16xf32, #tpu.memory_space<vmem>>) offsets(%dma_start3A_48 : memref<128xi32, #tpu.memory_space<vmem>>) semaphore(%arg24 : memref<!tpu.dma_semaphore, #tpu.memory_space<semaphore_mem>>)
    %dma_start3A_52 = arith.constant 128 : i32
    %dma_start3A_53 = arith.constant 0 : i32
    %dma_start3A_54 = tpu.memref_slice %arg15[%dma_start3A_52, %dma_start3A_53] : memref<1792x16xf32, #tpu.memory_space<vmem>> -> memref<128x16xf32, #tpu.memory_space<vmem>>
    %dma_start3A_55 = arith.constant 128 : i32
    %dma_start3A_56 = tpu.memref_slice %arg9[%dma_start3A_55] : memref<1792xi32, #tpu.memory_space<vmem>> -> memref<128xi32, #tpu.memory_space<vmem>>
    %dma_start3A_57 = arith.constant 0 : i32
    %dma_start3A_58 = arith.constant 0 : i32
    %dma_start3A_59 = tpu.memref_slice %arg2[%dma_start3A_57, %dma_start3A_58] : memref<100000x16xf32, #tpu.memory_space<hbm>> -> memref<100000x16xf32, #tpu.memory_space<hbm>>
    tpu.enqueue_indirect_dma source(%dma_start3A_59 : memref<100000x16xf32, #tpu.memory_space<hbm>>) target(%dma_start3A_54 : memref<128x16xf32, #tpu.memory_space<vmem>>) offsets(%dma_start3A_56 : memref<128xi32, #tpu.memory_space<vmem>>) semaphore(%arg24 : memref<!tpu.dma_semaphore, #tpu.memory_space<semaphore_mem>>)
    %dma_start3A_60 = arith.constant 256 : i32
    %dma_start3A_61 = arith.constant 0 : i32
    %dma_start3A_62 = tpu.memref_slice %arg13[%dma_start3A_60, %dma_start3A_61] : memref<1792x16xf32, #tpu.memory_space<vmem>> -> memref<128x16xf32, #tpu.memory_space<vmem>>
    %dma_start3A_63 = arith.constant 256 : i32
    %dma_start3A_64 = tpu.memref_slice %arg7[%dma_start3A_63] : memref<1792xi32, #tpu.memory_space<vmem>> -> memref<128xi32, #tpu.memory_space<vmem>>
    %dma_start3A_65 = arith.constant 0 : i32
    %dma_start3A_66 = arith.constant 0 : i32
    %dma_start3A_67 = tpu.memref_slice %arg2[%dma_start3A_65, %dma_start3A_66] : memref<100000x16xf32, #tpu.memory_space<hbm>> -> memref<100000x16xf32, #tpu.memory_space<hbm>>
    tpu.enqueue_indirect_dma source(%dma_start3A_67 : memref<100000x16xf32, #tpu.memory_space<hbm>>) target(%dma_start3A_62 : memref<128x16xf32, #tpu.memory_space<vmem>>) offsets(%dma_start3A_64 : memref<128xi32, #tpu.memory_space<vmem>>) semaphore(%arg24 : memref<!tpu.dma_semaphore, #tpu.memory_space<semaphore_mem>>)
    %dma_start3A_68 = arith.constant 256 : i32
    %dma_start3A_69 = arith.constant 0 : i32
    %dma_start3A_70 = tpu.memref_slice %arg15[%dma_start3A_68, %dma_start3A_69] : memref<1792x16xf32, #tpu.memory_space<vmem>> -> memref<128x16xf32, #tpu.memory_space<vmem>>
    %dma_start3A_71 = arith.constant 256 : i32
    %dma_start3A_72 = tpu.memref_slice %arg9[%dma_start3A_71] : memref<1792xi32, #tpu.memory_space<vmem>> -> memref<128xi32, #tpu.memory_space<vmem>>
    %dma_start3A_73 = arith.constant 0 : i32
    %dma_start3A_74 = arith.constant 0 : i32
    %dma_start3A_75 = tpu.memref_slice %arg2[%dma_start3A_73, %dma_start3A_74] : memref<100000x16xf32, #tpu.memory_space<hbm>> -> memref<100000x16xf32, #tpu.memory_space<hbm>>
    tpu.enqueue_indirect_dma source(%dma_start3A_75 : memref<100000x16xf32, #tpu.memory_space<hbm>>) target(%dma_start3A_70 : memref<128x16xf32, #tpu.memory_space<vmem>>) offsets(%dma_start3A_72 : memref<128xi32, #tpu.memory_space<vmem>>) semaphore(%arg24 : memref<!tpu.dma_semaphore, #tpu.memory_space<semaphore_mem>>)
    %dma_start3A_76 = arith.constant 384 : i32
    %dma_start3A_77 = arith.constant 0 : i32
    %dma_start3A_78 = tpu.memref_slice %arg13[%dma_start3A_76, %dma_start3A_77] : memref<1792x16xf32, #tpu.memory_space<vmem>> -> memref<128x16xf32, #tpu.memory_space<vmem>>
    %dma_start3A_79 = arith.constant 384 : i32
    %dma_start3A_80 = tpu.memref_slice %arg7[%dma_start3A_79] : memref<1792xi32, #tpu.memory_space<vmem>> -> memref<128xi32, #tpu.memory_space<vmem>>
    %dma_start3A_81 = arith.constant 0 : i32
    %dma_start3A_82 = arith.constant 0 : i32
    %dma_start3A_83 = tpu.memref_slice %arg2[%dma_start3A_81, %dma_start3A_82] : memref<100000x16xf32, #tpu.memory_space<hbm>> -> memref<100000x16xf32, #tpu.memory_space<hbm>>
    tpu.enqueue_indirect_dma source(%dma_start3A_83 : memref<100000x16xf32, #tpu.memory_space<hbm>>) target(%dma_start3A_78 : memref<128x16xf32, #tpu.memory_space<vmem>>) offsets(%dma_start3A_80 : memref<128xi32, #tpu.memory_space<vmem>>) semaphore(%arg24 : memref<!tpu.dma_semaphore, #tpu.memory_space<semaphore_mem>>)
    %dma_start3A_84 = arith.constant 384 : i32
    %dma_start3A_85 = arith.constant 0 : i32
    %dma_start3A_86 = tpu.memref_slice %arg15[%dma_start3A_84, %dma_start3A_85] : memref<1792x16xf32, #tpu.memory_space<vmem>> -> memref<128x16xf32, #tpu.memory_space<vmem>>
    %dma_start3A_87 = arith.constant 384 : i32
    %dma_start3A_88 = tpu.memref_slice %arg9[%dma_start3A_87] : memref<1792xi32, #tpu.memory_space<vmem>> -> memref<128xi32, #tpu.memory_space<vmem>>
    %dma_start3A_89 = arith.constant 0 : i32
    %dma_start3A_90 = arith.constant 0 : i32
    %dma_start3A_91 = tpu.memref_slice %arg2[%dma_start3A_89, %dma_start3A_90] : memref<100000x16xf32, #tpu.memory_space<hbm>> -> memref<100000x16xf32, #tpu.memory_space<hbm>>
    tpu.enqueue_indirect_dma source(%dma_start3A_91 : memref<100000x16xf32, #tpu.memory_space<hbm>>) target(%dma_start3A_86 : memref<128x16xf32, #tpu.memory_space<vmem>>) offsets(%dma_start3A_88 : memref<128xi32, #tpu.memory_space<vmem>>) semaphore(%arg24 : memref<!tpu.dma_semaphore, #tpu.memory_space<semaphore_mem>>)
    %dma_start3A_92 = arith.constant 512 : i32
    %dma_start3A_93 = arith.constant 0 : i32
    %dma_start3A_94 = tpu.memref_slice %arg13[%dma_start3A_92, %dma_start3A_93] : memref<1792x16xf32, #tpu.memory_space<vmem>> -> memref<128x16xf32, #tpu.memory_space<vmem>>
    %dma_start3A_95 = arith.constant 512 : i32
    %dma_start3A_96 = tpu.memref_slice %arg7[%dma_start3A_95] : memref<1792xi32, #tpu.memory_space<vmem>> -> memref<128xi32, #tpu.memory_space<vmem>>
    %dma_start3A_97 = arith.constant 0 : i32
    %dma_start3A_98 = arith.constant 0 : i32
    %dma_start3A_99 = tpu.memref_slice %arg2[%dma_start3A_97, %dma_start3A_98] : memref<100000x16xf32, #tpu.memory_space<hbm>> -> memref<100000x16xf32, #tpu.memory_space<hbm>>
    tpu.enqueue_indirect_dma source(%dma_start3A_99 : memref<100000x16xf32, #tpu.memory_space<hbm>>) target(%dma_start3A_94 : memref<128x16xf32, #tpu.memory_space<vmem>>) offsets(%dma_start3A_96 : memref<128xi32, #tpu.memory_space<vmem>>) semaphore(%arg24 : memref<!tpu.dma_semaphore, #tpu.memory_space<semaphore_mem>>)
    %dma_start3A_100 = arith.constant 512 : i32
    %dma_start3A_101 = arith.constant 0 : i32
    %dma_start3A_102 = tpu.memref_slice %arg15[%dma_start3A_100, %dma_start3A_101] : memref<1792x16xf32, #tpu.memory_space<vmem>> -> memref<128x16xf32, #tpu.memory_space<vmem>>
    %dma_start3A_103 = arith.constant 512 : i32
    %dma_start3A_104 = tpu.memref_slice %arg9[%dma_start3A_103] : memref<1792xi32, #tpu.memory_space<vmem>> -> memref<128xi32, #tpu.memory_space<vmem>>
    %dma_start3A_105 = arith.constant 0 : i32
    %dma_start3A_106 = arith.constant 0 : i32
    %dma_start3A_107 = tpu.memref_slice %arg2[%dma_start3A_105, %dma_start3A_106] : memref<100000x16xf32, #tpu.memory_space<hbm>> -> memref<100000x16xf32, #tpu.memory_space<hbm>>
    tpu.enqueue_indirect_dma source(%dma_start3A_107 : memref<100000x16xf32, #tpu.memory_space<hbm>>) target(%dma_start3A_102 : memref<128x16xf32, #tpu.memory_space<vmem>>) offsets(%dma_start3A_104 : memref<128xi32, #tpu.memory_space<vmem>>) semaphore(%arg24 : memref<!tpu.dma_semaphore, #tpu.memory_space<semaphore_mem>>)
    %dma_start3A_108 = arith.constant 640 : i32
    %dma_start3A_109 = arith.constant 0 : i32
    %dma_start3A_110 = tpu.memref_slice %arg13[%dma_start3A_108, %dma_start3A_109] : memref<1792x16xf32, #tpu.memory_space<vmem>> -> memref<128x16xf32, #tpu.memory_space<vmem>>
    %dma_start3A_111 = arith.constant 640 : i32
    %dma_start3A_112 = tpu.memref_slice %arg7[%dma_start3A_111] : memref<1792xi32, #tpu.memory_space<vmem>> -> memref<128xi32, #tpu.memory_space<vmem>>
    %dma_start3A_113 = arith.constant 0 : i32
    %dma_start3A_114 = arith.constant 0 : i32
    %dma_start3A_115 = tpu.memref_slice %arg2[%dma_start3A_113, %dma_start3A_114] : memref<100000x16xf32, #tpu.memory_space<hbm>> -> memref<100000x16xf32, #tpu.memory_space<hbm>>
    tpu.enqueue_indirect_dma source(%dma_start3A_115 : memref<100000x16xf32, #tpu.memory_space<hbm>>) target(%dma_start3A_110 : memref<128x16xf32, #tpu.memory_space<vmem>>) offsets(%dma_start3A_112 : memref<128xi32, #tpu.memory_space<vmem>>) semaphore(%arg24 : memref<!tpu.dma_semaphore, #tpu.memory_space<semaphore_mem>>)
    %dma_start3A_116 = arith.constant 640 : i32
    %dma_start3A_117 = arith.constant 0 : i32
    %dma_start3A_118 = tpu.memref_slice %arg15[%dma_start3A_116, %dma_start3A_117] : memref<1792x16xf32, #tpu.memory_space<vmem>> -> memref<128x16xf32, #tpu.memory_space<vmem>>
    %dma_start3A_119 = arith.constant 640 : i32
    %dma_start3A_120 = tpu.memref_slice %arg9[%dma_start3A_119] : memref<1792xi32, #tpu.memory_space<vmem>> -> memref<128xi32, #tpu.memory_space<vmem>>
    %dma_start3A_121 = arith.constant 0 : i32
    %dma_start3A_122 = arith.constant 0 : i32
    %dma_start3A_123 = tpu.memref_slice %arg2[%dma_start3A_121, %dma_start3A_122] : memref<100000x16xf32, #tpu.memory_space<hbm>> -> memref<100000x16xf32, #tpu.memory_space<hbm>>
    tpu.enqueue_indirect_dma source(%dma_start3A_123 : memref<100000x16xf32, #tpu.memory_space<hbm>>) target(%dma_start3A_118 : memref<128x16xf32, #tpu.memory_space<vmem>>) offsets(%dma_start3A_120 : memref<128xi32, #tpu.memory_space<vmem>>) semaphore(%arg24 : memref<!tpu.dma_semaphore, #tpu.memory_space<semaphore_mem>>)
    %dma_start3A_124 = arith.constant 768 : i32
    %dma_start3A_125 = arith.constant 0 : i32
    %dma_start3A_126 = tpu.memref_slice %arg13[%dma_start3A_124, %dma_start3A_125] : memref<1792x16xf32, #tpu.memory_space<vmem>> -> memref<128x16xf32, #tpu.memory_space<vmem>>
    %dma_start3A_127 = arith.constant 768 : i32
    %dma_start3A_128 = tpu.memref_slice %arg7[%dma_start3A_127] : memref<1792xi32, #tpu.memory_space<vmem>> -> memref<128xi32, #tpu.memory_space<vmem>>
    %dma_start3A_129 = arith.constant 0 : i32
    %dma_start3A_130 = arith.constant 0 : i32
    %dma_start3A_131 = tpu.memref_slice %arg2[%dma_start3A_129, %dma_start3A_130] : memref<100000x16xf32, #tpu.memory_space<hbm>> -> memref<100000x16xf32, #tpu.memory_space<hbm>>
    tpu.enqueue_indirect_dma source(%dma_start3A_131 : memref<100000x16xf32, #tpu.memory_space<hbm>>) target(%dma_start3A_126 : memref<128x16xf32, #tpu.memory_space<vmem>>) offsets(%dma_start3A_128 : memref<128xi32, #tpu.memory_space<vmem>>) semaphore(%arg24 : memref<!tpu.dma_semaphore, #tpu.memory_space<semaphore_mem>>)
    %dma_start3A_132 = arith.constant 768 : i32
    %dma_start3A_133 = arith.constant 0 : i32
    %dma_start3A_134 = tpu.memref_slice %arg15[%dma_start3A_132, %dma_start3A_133] : memref<1792x16xf32, #tpu.memory_space<vmem>> -> memref<128x16xf32, #tpu.memory_space<vmem>>
    %dma_start3A_135 = arith.constant 768 : i32
    %dma_start3A_136 = tpu.memref_slice %arg9[%dma_start3A_135] : memref<1792xi32, #tpu.memory_space<vmem>> -> memref<128xi32, #tpu.memory_space<vmem>>
    %dma_start3A_137 = arith.constant 0 : i32
    %dma_start3A_138 = arith.constant 0 : i32
    %dma_start3A_139 = tpu.memref_slice %arg2[%dma_start3A_137, %dma_start3A_138] : memref<100000x16xf32, #tpu.memory_space<hbm>> -> memref<100000x16xf32, #tpu.memory_space<hbm>>
    tpu.enqueue_indirect_dma source(%dma_start3A_139 : memref<100000x16xf32, #tpu.memory_space<hbm>>) target(%dma_start3A_134 : memref<128x16xf32, #tpu.memory_space<vmem>>) offsets(%dma_start3A_136 : memref<128xi32, #tpu.memory_space<vmem>>) semaphore(%arg24 : memref<!tpu.dma_semaphore, #tpu.memory_space<semaphore_mem>>)
    %dma_start3A_140 = arith.constant 896 : i32
    %dma_start3A_141 = arith.constant 0 : i32
    %dma_start3A_142 = tpu.memref_slice %arg13[%dma_start3A_140, %dma_start3A_141] : memref<1792x16xf32, #tpu.memory_space<vmem>> -> memref<128x16xf32, #tpu.memory_space<vmem>>
    %dma_start3A_143 = arith.constant 896 : i32
    %dma_start3A_144 = tpu.memref_slice %arg7[%dma_start3A_143] : memref<1792xi32, #tpu.memory_space<vmem>> -> memref<128xi32, #tpu.memory_space<vmem>>
    %dma_start3A_145 = arith.constant 0 : i32
    %dma_start3A_146 = arith.constant 0 : i32
    %dma_start3A_147 = tpu.memref_slice %arg2[%dma_start3A_145, %dma_start3A_146] : memref<100000x16xf32, #tpu.memory_space<hbm>> -> memref<100000x16xf32, #tpu.memory_space<hbm>>
    tpu.enqueue_indirect_dma source(%dma_start3A_147 : memref<100000x16xf32, #tpu.memory_space<hbm>>) target(%dma_start3A_142 : memref<128x16xf32, #tpu.memory_space<vmem>>) offsets(%dma_start3A_144 : memref<128xi32, #tpu.memory_space<vmem>>) semaphore(%arg24 : memref<!tpu.dma_semaphore, #tpu.memory_space<semaphore_mem>>)
    %dma_start3A_148 = arith.constant 896 : i32
    %dma_start3A_149 = arith.constant 0 : i32
    %dma_start3A_150 = tpu.memref_slice %arg15[%dma_start3A_148, %dma_start3A_149] : memref<1792x16xf32, #tpu.memory_space<vmem>> -> memref<128x16xf32, #tpu.memory_space<vmem>>
    %dma_start3A_151 = arith.constant 896 : i32
    %dma_start3A_152 = tpu.memref_slice %arg9[%dma_start3A_151] : memref<1792xi32, #tpu.memory_space<vmem>> -> memref<128xi32, #tpu.memory_space<vmem>>
    %dma_start3A_153 = arith.constant 0 : i32
    %dma_start3A_154 = arith.constant 0 : i32
    %dma_start3A_155 = tpu.memref_slice %arg2[%dma_start3A_153, %dma_start3A_154] : memref<100000x16xf32, #tpu.memory_space<hbm>> -> memref<100000x16xf32, #tpu.memory_space<hbm>>
    tpu.enqueue_indirect_dma source(%dma_start3A_155 : memref<100000x16xf32, #tpu.memory_space<hbm>>) target(%dma_start3A_150 : memref<128x16xf32, #tpu.memory_space<vmem>>) offsets(%dma_start3A_152 : memref<128xi32, #tpu.memory_space<vmem>>) semaphore(%arg24 : memref<!tpu.dma_semaphore, #tpu.memory_space<semaphore_mem>>)
    %dma_start3A_156 = arith.constant 1024 : i32
    %dma_start3A_157 = arith.constant 0 : i32
    %dma_start3A_158 = tpu.memref_slice %arg13[%dma_start3A_156, %dma_start3A_157] : memref<1792x16xf32, #tpu.memory_space<vmem>> -> memref<128x16xf32, #tpu.memory_space<vmem>>
    %dma_start3A_159 = arith.constant 1024 : i32
    %dma_start3A_160 = tpu.memref_slice %arg7[%dma_start3A_159] : memref<1792xi32, #tpu.memory_space<vmem>> -> memref<128xi32, #tpu.memory_space<vmem>>
    %dma_start3A_161 = arith.constant 0 : i32
    %dma_start3A_162 = arith.constant 0 : i32
    %dma_start3A_163 = tpu.memref_slice %arg2[%dma_start3A_161, %dma_start3A_162] : memref<100000x16xf32, #tpu.memory_space<hbm>> -> memref<100000x16xf32, #tpu.memory_space<hbm>>
    tpu.enqueue_indirect_dma source(%dma_start3A_163 : memref<100000x16xf32, #tpu.memory_space<hbm>>) target(%dma_start3A_158 : memref<128x16xf32, #tpu.memory_space<vmem>>) offsets(%dma_start3A_160 : memref<128xi32, #tpu.memory_space<vmem>>) semaphore(%arg24 : memref<!tpu.dma_semaphore, #tpu.memory_space<semaphore_mem>>)
    %dma_start3A_164 = arith.constant 1024 : i32
    %dma_start3A_165 = arith.constant 0 : i32
    %dma_start3A_166 = tpu.memref_slice %arg15[%dma_start3A_164, %dma_start3A_165] : memref<1792x16xf32, #tpu.memory_space<vmem>> -> memref<128x16xf32, #tpu.memory_space<vmem>>
    %dma_start3A_167 = arith.constant 1024 : i32
    %dma_start3A_168 = tpu.memref_slice %arg9[%dma_start3A_167] : memref<1792xi32, #tpu.memory_space<vmem>> -> memref<128xi32, #tpu.memory_space<vmem>>
    %dma_start3A_169 = arith.constant 0 : i32
    %dma_start3A_170 = arith.constant 0 : i32
    %dma_start3A_171 = tpu.memref_slice %arg2[%dma_start3A_169, %dma_start3A_170] : memref<100000x16xf32, #tpu.memory_space<hbm>> -> memref<100000x16xf32, #tpu.memory_space<hbm>>
    tpu.enqueue_indirect_dma source(%dma_start3A_171 : memref<100000x16xf32, #tpu.memory_space<hbm>>) target(%dma_start3A_166 : memref<128x16xf32, #tpu.memory_space<vmem>>) offsets(%dma_start3A_168 : memref<128xi32, #tpu.memory_space<vmem>>) semaphore(%arg24 : memref<!tpu.dma_semaphore, #tpu.memory_space<semaphore_mem>>)
    %dma_start3A_172 = arith.constant 1152 : i32
    %dma_start3A_173 = arith.constant 0 : i32
    %dma_start3A_174 = tpu.memref_slice %arg13[%dma_start3A_172, %dma_start3A_173] : memref<1792x16xf32, #tpu.memory_space<vmem>> -> memref<128x16xf32, #tpu.memory_space<vmem>>
    %dma_start3A_175 = arith.constant 1152 : i32
    %dma_start3A_176 = tpu.memref_slice %arg7[%dma_start3A_175] : memref<1792xi32, #tpu.memory_space<vmem>> -> memref<128xi32, #tpu.memory_space<vmem>>
    %dma_start3A_177 = arith.constant 0 : i32
    %dma_start3A_178 = arith.constant 0 : i32
    %dma_start3A_179 = tpu.memref_slice %arg2[%dma_start3A_177, %dma_start3A_178] : memref<100000x16xf32, #tpu.memory_space<hbm>> -> memref<100000x16xf32, #tpu.memory_space<hbm>>
    tpu.enqueue_indirect_dma source(%dma_start3A_179 : memref<100000x16xf32, #tpu.memory_space<hbm>>) target(%dma_start3A_174 : memref<128x16xf32, #tpu.memory_space<vmem>>) offsets(%dma_start3A_176 : memref<128xi32, #tpu.memory_space<vmem>>) semaphore(%arg24 : memref<!tpu.dma_semaphore, #tpu.memory_space<semaphore_mem>>)
    %dma_start3A_180 = arith.constant 1152 : i32
    %dma_start3A_181 = arith.constant 0 : i32
    %dma_start3A_182 = tpu.memref_slice %arg15[%dma_start3A_180, %dma_start3A_181] : memref<1792x16xf32, #tpu.memory_space<vmem>> -> memref<128x16xf32, #tpu.memory_space<vmem>>
    %dma_start3A_183 = arith.constant 1152 : i32
    %dma_start3A_184 = tpu.memref_slice %arg9[%dma_start3A_183] : memref<1792xi32, #tpu.memory_space<vmem>> -> memref<128xi32, #tpu.memory_space<vmem>>
    %dma_start3A_185 = arith.constant 0 : i32
    %dma_start3A_186 = arith.constant 0 : i32
    %dma_start3A_187 = tpu.memref_slice %arg2[%dma_start3A_185, %dma_start3A_186] : memref<100000x16xf32, #tpu.memory_space<hbm>> -> memref<100000x16xf32, #tpu.memory_space<hbm>>
    tpu.enqueue_indirect_dma source(%dma_start3A_187 : memref<100000x16xf32, #tpu.memory_space<hbm>>) target(%dma_start3A_182 : memref<128x16xf32, #tpu.memory_space<vmem>>) offsets(%dma_start3A_184 : memref<128xi32, #tpu.memory_space<vmem>>) semaphore(%arg24 : memref<!tpu.dma_semaphore, #tpu.memory_space<semaphore_mem>>)
    %dma_start3A_188 = arith.constant 1280 : i32
    %dma_start3A_189 = arith.constant 0 : i32
    %dma_start3A_190 = tpu.memref_slice %arg13[%dma_start3A_188, %dma_start3A_189] : memref<1792x16xf32, #tpu.memory_space<vmem>> -> memref<128x16xf32, #tpu.memory_space<vmem>>
    %dma_start3A_191 = arith.constant 1280 : i32
    %dma_start3A_192 = tpu.memref_slice %arg7[%dma_start3A_191] : memref<1792xi32, #tpu.memory_space<vmem>> -> memref<128xi32, #tpu.memory_space<vmem>>
    %dma_start3A_193 = arith.constant 0 : i32
    %dma_start3A_194 = arith.constant 0 : i32
    %dma_start3A_195 = tpu.memref_slice %arg2[%dma_start3A_193, %dma_start3A_194] : memref<100000x16xf32, #tpu.memory_space<hbm>> -> memref<100000x16xf32, #tpu.memory_space<hbm>>
    tpu.enqueue_indirect_dma source(%dma_start3A_195 : memref<100000x16xf32, #tpu.memory_space<hbm>>) target(%dma_start3A_190 : memref<128x16xf32, #tpu.memory_space<vmem>>) offsets(%dma_start3A_192 : memref<128xi32, #tpu.memory_space<vmem>>) semaphore(%arg24 : memref<!tpu.dma_semaphore, #tpu.memory_space<semaphore_mem>>)
    %dma_start3A_196 = arith.constant 1280 : i32
    %dma_start3A_197 = arith.constant 0 : i32
    %dma_start3A_198 = tpu.memref_slice %arg15[%dma_start3A_196, %dma_start3A_197] : memref<1792x16xf32, #tpu.memory_space<vmem>> -> memref<128x16xf32, #tpu.memory_space<vmem>>
    %dma_start3A_199 = arith.constant 1280 : i32
    %dma_start3A_200 = tpu.memref_slice %arg9[%dma_start3A_199] : memref<1792xi32, #tpu.memory_space<vmem>> -> memref<128xi32, #tpu.memory_space<vmem>>
    %dma_start3A_201 = arith.constant 0 : i32
    %dma_start3A_202 = arith.constant 0 : i32
    %dma_start3A_203 = tpu.memref_slice %arg2[%dma_start3A_201, %dma_start3A_202] : memref<100000x16xf32, #tpu.memory_space<hbm>> -> memref<100000x16xf32, #tpu.memory_space<hbm>>
    tpu.enqueue_indirect_dma source(%dma_start3A_203 : memref<100000x16xf32, #tpu.memory_space<hbm>>) target(%dma_start3A_198 : memref<128x16xf32, #tpu.memory_space<vmem>>) offsets(%dma_start3A_200 : memref<128xi32, #tpu.memory_space<vmem>>) semaphore(%arg24 : memref<!tpu.dma_semaphore, #tpu.memory_space<semaphore_mem>>)
    %dma_start3A_204 = arith.constant 1408 : i32
    %dma_start3A_205 = arith.constant 0 : i32
    %dma_start3A_206 = tpu.memref_slice %arg13[%dma_start3A_204, %dma_start3A_205] : memref<1792x16xf32, #tpu.memory_space<vmem>> -> memref<128x16xf32, #tpu.memory_space<vmem>>
    %dma_start3A_207 = arith.constant 1408 : i32
    %dma_start3A_208 = tpu.memref_slice %arg7[%dma_start3A_207] : memref<1792xi32, #tpu.memory_space<vmem>> -> memref<128xi32, #tpu.memory_space<vmem>>
    %dma_start3A_209 = arith.constant 0 : i32
    %dma_start3A_210 = arith.constant 0 : i32
    %dma_start3A_211 = tpu.memref_slice %arg2[%dma_start3A_209, %dma_start3A_210] : memref<100000x16xf32, #tpu.memory_space<hbm>> -> memref<100000x16xf32, #tpu.memory_space<hbm>>
    tpu.enqueue_indirect_dma source(%dma_start3A_211 : memref<100000x16xf32, #tpu.memory_space<hbm>>) target(%dma_start3A_206 : memref<128x16xf32, #tpu.memory_space<vmem>>) offsets(%dma_start3A_208 : memref<128xi32, #tpu.memory_space<vmem>>) semaphore(%arg24 : memref<!tpu.dma_semaphore, #tpu.memory_space<semaphore_mem>>)
    %dma_start3A_212 = arith.constant 1408 : i32
    %dma_start3A_213 = arith.constant 0 : i32
    %dma_start3A_214 = tpu.memref_slice %arg15[%dma_start3A_212, %dma_start3A_213] : memref<1792x16xf32, #tpu.memory_space<vmem>> -> memref<128x16xf32, #tpu.memory_space<vmem>>
    %dma_start3A_215 = arith.constant 1408 : i32
    %dma_start3A_216 = tpu.memref_slice %arg9[%dma_start3A_215] : memref<1792xi32, #tpu.memory_space<vmem>> -> memref<128xi32, #tpu.memory_space<vmem>>
    %dma_start3A_217 = arith.constant 0 : i32
    %dma_start3A_218 = arith.constant 0 : i32
    %dma_start3A_219 = tpu.memref_slice %arg2[%dma_start3A_217, %dma_start3A_218] : memref<100000x16xf32, #tpu.memory_space<hbm>> -> memref<100000x16xf32, #tpu.memory_space<hbm>>
    tpu.enqueue_indirect_dma source(%dma_start3A_219 : memref<100000x16xf32, #tpu.memory_space<hbm>>) target(%dma_start3A_214 : memref<128x16xf32, #tpu.memory_space<vmem>>) offsets(%dma_start3A_216 : memref<128xi32, #tpu.memory_space<vmem>>) semaphore(%arg24 : memref<!tpu.dma_semaphore, #tpu.memory_space<semaphore_mem>>)
    %dma_start3A_220 = arith.constant 1536 : i32
    %dma_start3A_221 = arith.constant 0 : i32
    %dma_start3A_222 = tpu.memref_slice %arg13[%dma_start3A_220, %dma_start3A_221] : memref<1792x16xf32, #tpu.memory_space<vmem>> -> memref<128x16xf32, #tpu.memory_space<vmem>>
    %dma_start3A_223 = arith.constant 1536 : i32
    %dma_start3A_224 = tpu.memref_slice %arg7[%dma_start3A_223] : memref<1792xi32, #tpu.memory_space<vmem>> -> memref<128xi32, #tpu.memory_space<vmem>>
    %dma_start3A_225 = arith.constant 0 : i32
    %dma_start3A_226 = arith.constant 0 : i32
    %dma_start3A_227 = tpu.memref_slice %arg2[%dma_start3A_225, %dma_start3A_226] : memref<100000x16xf32, #tpu.memory_space<hbm>> -> memref<100000x16xf32, #tpu.memory_space<hbm>>
    tpu.enqueue_indirect_dma source(%dma_start3A_227 : memref<100000x16xf32, #tpu.memory_space<hbm>>) target(%dma_start3A_222 : memref<128x16xf32, #tpu.memory_space<vmem>>) offsets(%dma_start3A_224 : memref<128xi32, #tpu.memory_space<vmem>>) semaphore(%arg24 : memref<!tpu.dma_semaphore, #tpu.memory_space<semaphore_mem>>)
    %dma_start3A_228 = arith.constant 1536 : i32
    %dma_start3A_229 = arith.constant 0 : i32
    %dma_start3A_230 = tpu.memref_slice %arg15[%dma_start3A_228, %dma_start3A_229] : memref<1792x16xf32, #tpu.memory_space<vmem>> -> memref<128x16xf32, #tpu.memory_space<vmem>>
    %dma_start3A_231 = arith.constant 1536 : i32
    %dma_start3A_232 = tpu.memref_slice %arg9[%dma_start3A_231] : memref<1792xi32, #tpu.memory_space<vmem>> -> memref<128xi32, #tpu.memory_space<vmem>>
    %dma_start3A_233 = arith.constant 0 : i32
    %dma_start3A_234 = arith.constant 0 : i32
    %dma_start3A_235 = tpu.memref_slice %arg2[%dma_start3A_233, %dma_start3A_234] : memref<100000x16xf32, #tpu.memory_space<hbm>> -> memref<100000x16xf32, #tpu.memory_space<hbm>>
    tpu.enqueue_indirect_dma source(%dma_start3A_235 : memref<100000x16xf32, #tpu.memory_space<hbm>>) target(%dma_start3A_230 : memref<128x16xf32, #tpu.memory_space<vmem>>) offsets(%dma_start3A_232 : memref<128xi32, #tpu.memory_space<vmem>>) semaphore(%arg24 : memref<!tpu.dma_semaphore, #tpu.memory_space<semaphore_mem>>)
    %dma_start3A_236 = arith.constant 1664 : i32
    %dma_start3A_237 = arith.constant 0 : i32
    %dma_start3A_238 = tpu.memref_slice %arg13[%dma_start3A_236, %dma_start3A_237] : memref<1792x16xf32, #tpu.memory_space<vmem>> -> memref<128x16xf32, #tpu.memory_space<vmem>>
    %dma_start3A_239 = arith.constant 1664 : i32
    %dma_start3A_240 = tpu.memref_slice %arg7[%dma_start3A_239] : memref<1792xi32, #tpu.memory_space<vmem>> -> memref<128xi32, #tpu.memory_space<vmem>>
    %dma_start3A_241 = arith.constant 0 : i32
    %dma_start3A_242 = arith.constant 0 : i32
    %dma_start3A_243 = tpu.memref_slice %arg2[%dma_start3A_241, %dma_start3A_242] : memref<100000x16xf32, #tpu.memory_space<hbm>> -> memref<100000x16xf32, #tpu.memory_space<hbm>>
    tpu.enqueue_indirect_dma source(%dma_start3A_243 : memref<100000x16xf32, #tpu.memory_space<hbm>>) target(%dma_start3A_238 : memref<128x16xf32, #tpu.memory_space<vmem>>) offsets(%dma_start3A_240 : memref<128xi32, #tpu.memory_space<vmem>>) semaphore(%arg24 : memref<!tpu.dma_semaphore, #tpu.memory_space<semaphore_mem>>)
    %dma_start3A_244 = arith.constant 1664 : i32
    %dma_start3A_245 = arith.constant 0 : i32
    %dma_start3A_246 = tpu.memref_slice %arg15[%dma_start3A_244, %dma_start3A_245] : memref<1792x16xf32, #tpu.memory_space<vmem>> -> memref<128x16xf32, #tpu.memory_space<vmem>>
    %dma_start3A_247 = arith.constant 1664 : i32
    %dma_start3A_248 = tpu.memref_slice %arg9[%dma_start3A_247] : memref<1792xi32, #tpu.memory_space<vmem>> -> memref<128xi32, #tpu.memory_space<vmem>>
    %dma_start3A_249 = arith.constant 0 : i32
    %dma_start3A_250 = arith.constant 0 : i32
    %dma_start3A_251 = tpu.memref_slice %arg2[%dma_start3A_249, %dma_start3A_250] : memref<100000x16xf32, #tpu.memory_space<hbm>> -> memref<100000x16xf32, #tpu.memory_space<hbm>>
    tpu.enqueue_indirect_dma source(%dma_start3A_251 : memref<100000x16xf32, #tpu.memory_space<hbm>>) target(%dma_start3A_246 : memref<128x16xf32, #tpu.memory_space<vmem>>) offsets(%dma_start3A_248 : memref<128xi32, #tpu.memory_space<vmem>>) semaphore(%arg24 : memref<!tpu.dma_semaphore, #tpu.memory_space<semaphore_mem>>)
    %scan3A = arith.constant 0 : i32
    %scan3A_252 = arith.constant 27 : i32
    %scan3A_253 = arith.addi %scan3A, %scan3A_252 : i32
    %scan3A_254 = arith.constant 1 : i32
    %scan3A_255:8 = scf.for %scan3A_895 = %scan3A to %scan3A_253 step %scan3A_254 iter_args(%scan3A_896 = %broadcast_in_dim3A_1, %scan3A_897 = %broadcast_in_dim3A_1, %scan3A_898 = %broadcast_in_dim3A_1, %scan3A_899 = %broadcast_in_dim3A_1, %scan3A_900 = %broadcast_in_dim3A_1, %scan3A_901 = %broadcast_in_dim3A_1, %scan3A_902 = %broadcast_in_dim3A_1, %scan3A_903 = %broadcast_in_dim3A_1) -> (vector<16xf32>, vector<16xf32>, vector<16xf32>, vector<16xf32>, vector<16xf32>, vector<16xf32>, vector<16xf32>, vector<16xf32>)  : i32 {
      %mul3A_904 = arith.constant 2 : i32
      %mul3A_905 = arith.muli %scan3A_895, %mul3A_904 : i32
      %add3A_906 = arith.constant 1 : i32
      %add3A_907 = arith.addi %mul3A_905, %add3A_906 : i32
      %mul3A_908 = arith.constant 1792 : i32
      %mul3A_909 = arith.muli %add3A_907, %mul3A_908 : i32
      %add3A_910 = arith.addi %mul3A_3, %mul3A_909 : i32
      %dma_wait3A_911 = tpu.memref_slice %arg4[%add3A_910] : memref<3200000xi32, #tpu.memory_space<hbm>> -> memref<1792xi32, #tpu.memory_space<hbm>>
      %dma_wait3A_912 = tpu.memref_slice %arg4[%add3A_910] : memref<3200000xi32, #tpu.memory_space<hbm>> -> memref<1792xi32, #tpu.memory_space<hbm>>
      tpu.wait_dma2 semaphore(%arg21 : memref<!tpu.dma_semaphore, #tpu.memory_space<semaphore_mem>>) src(%dma_wait3A_912 : memref<1792xi32, #tpu.memory_space<hbm>>) dst(%arg8 : memref<1792xi32, #tpu.memory_space<vmem>>)
      %dma_wait3A_913 = tpu.memref_slice %arg5[%add3A_910] : memref<3200000xi32, #tpu.memory_space<hbm>> -> memref<1792xi32, #tpu.memory_space<hbm>>
      %dma_wait3A_914 = tpu.memref_slice %arg5[%add3A_910] : memref<3200000xi32, #tpu.memory_space<hbm>> -> memref<1792xi32, #tpu.memory_space<hbm>>
      tpu.wait_dma2 semaphore(%arg21 : memref<!tpu.dma_semaphore, #tpu.memory_space<semaphore_mem>>) src(%dma_wait3A_914 : memref<1792xi32, #tpu.memory_space<hbm>>) dst(%arg10 : memref<1792xi32, #tpu.memory_space<vmem>>)
      %dma_start3A_915 = arith.constant 0 : i32
      %dma_start3A_916 = arith.constant 0 : i32
      %dma_start3A_917 = tpu.memref_slice %arg14[%dma_start3A_915, %dma_start3A_916] : memref<1792x16xf32, #tpu.memory_space<vmem>> -> memref<128x16xf32, #tpu.memory_space<vmem>>
      %dma_start3A_918 = arith.constant 0 : i32
      %dma_start3A_919 = tpu.memref_slice %arg8[%dma_start3A_918] : memref<1792xi32, #tpu.memory_space<vmem>> -> memref<128xi32, #tpu.memory_space<vmem>>
      %dma_start3A_920 = arith.constant 0 : i32
      %dma_start3A_921 = arith.constant 0 : i32
      %dma_start3A_922 = tpu.memref_slice %arg2[%dma_start3A_920, %dma_start3A_921] : memref<100000x16xf32, #tpu.memory_space<hbm>> -> memref<100000x16xf32, #tpu.memory_space<hbm>>
      tpu.enqueue_indirect_dma source(%dma_start3A_922 : memref<100000x16xf32, #tpu.memory_space<hbm>>) target(%dma_start3A_917 : memref<128x16xf32, #tpu.memory_space<vmem>>) offsets(%dma_start3A_919 : memref<128xi32, #tpu.memory_space<vmem>>) semaphore(%arg25 : memref<!tpu.dma_semaphore, #tpu.memory_space<semaphore_mem>>)
      %dma_start3A_923 = arith.constant 0 : i32
      %dma_start3A_924 = arith.constant 0 : i32
      %dma_start3A_925 = tpu.memref_slice %arg16[%dma_start3A_923, %dma_start3A_924] : memref<1792x16xf32, #tpu.memory_space<vmem>> -> memref<128x16xf32, #tpu.memory_space<vmem>>
      %dma_start3A_926 = arith.constant 0 : i32
      %dma_start3A_927 = tpu.memref_slice %arg10[%dma_start3A_926] : memref<1792xi32, #tpu.memory_space<vmem>> -> memref<128xi32, #tpu.memory_space<vmem>>
      %dma_start3A_928 = arith.constant 0 : i32
      %dma_start3A_929 = arith.constant 0 : i32
      %dma_start3A_930 = tpu.memref_slice %arg2[%dma_start3A_928, %dma_start3A_929] : memref<100000x16xf32, #tpu.memory_space<hbm>> -> memref<100000x16xf32, #tpu.memory_space<hbm>>
      tpu.enqueue_indirect_dma source(%dma_start3A_930 : memref<100000x16xf32, #tpu.memory_space<hbm>>) target(%dma_start3A_925 : memref<128x16xf32, #tpu.memory_space<vmem>>) offsets(%dma_start3A_927 : memref<128xi32, #tpu.memory_space<vmem>>) semaphore(%arg25 : memref<!tpu.dma_semaphore, #tpu.memory_space<semaphore_mem>>)
      %dma_start3A_931 = arith.constant 128 : i32
      %dma_start3A_932 = arith.constant 0 : i32
      %dma_start3A_933 = tpu.memref_slice %arg14[%dma_start3A_931, %dma_start3A_932] : memref<1792x16xf32, #tpu.memory_space<vmem>> -> memref<128x16xf32, #tpu.memory_space<vmem>>
      %dma_start3A_934 = arith.constant 128 : i32
      %dma_start3A_935 = tpu.memref_slice %arg8[%dma_start3A_934] : memref<1792xi32, #tpu.memory_space<vmem>> -> memref<128xi32, #tpu.memory_space<vmem>>
      %dma_start3A_936 = arith.constant 0 : i32
      %dma_start3A_937 = arith.constant 0 : i32
      %dma_start3A_938 = tpu.memref_slice %arg2[%dma_start3A_936, %dma_start3A_937] : memref<100000x16xf32, #tpu.memory_space<hbm>> -> memref<100000x16xf32, #tpu.memory_space<hbm>>
      tpu.enqueue_indirect_dma source(%dma_start3A_938 : memref<100000x16xf32, #tpu.memory_space<hbm>>) target(%dma_start3A_933 : memref<128x16xf32, #tpu.memory_space<vmem>>) offsets(%dma_start3A_935 : memref<128xi32, #tpu.memory_space<vmem>>) semaphore(%arg25 : memref<!tpu.dma_semaphore, #tpu.memory_space<semaphore_mem>>)
      %dma_start3A_939 = arith.constant 128 : i32
      %dma_start3A_940 = arith.constant 0 : i32
      %dma_start3A_941 = tpu.memref_slice %arg16[%dma_start3A_939, %dma_start3A_940] : memref<1792x16xf32, #tpu.memory_space<vmem>> -> memref<128x16xf32, #tpu.memory_space<vmem>>
      %dma_start3A_942 = arith.constant 128 : i32
      %dma_start3A_943 = tpu.memref_slice %arg10[%dma_start3A_942] : memref<1792xi32, #tpu.memory_space<vmem>> -> memref<128xi32, #tpu.memory_space<vmem>>
      %dma_start3A_944 = arith.constant 0 : i32
      %dma_start3A_945 = arith.constant 0 : i32
      %dma_start3A_946 = tpu.memref_slice %arg2[%dma_start3A_944, %dma_start3A_945] : memref<100000x16xf32, #tpu.memory_space<hbm>> -> memref<100000x16xf32, #tpu.memory_space<hbm>>
      tpu.enqueue_indirect_dma source(%dma_start3A_946 : memref<100000x16xf32, #tpu.memory_space<hbm>>) target(%dma_start3A_941 : memref<128x16xf32, #tpu.memory_space<vmem>>) offsets(%dma_start3A_943 : memref<128xi32, #tpu.memory_space<vmem>>) semaphore(%arg25 : memref<!tpu.dma_semaphore, #tpu.memory_space<semaphore_mem>>)
      %dma_start3A_947 = arith.constant 256 : i32
      %dma_start3A_948 = arith.constant 0 : i32
      %dma_start3A_949 = tpu.memref_slice %arg14[%dma_start3A_947, %dma_start3A_948] : memref<1792x16xf32, #tpu.memory_space<vmem>> -> memref<128x16xf32, #tpu.memory_space<vmem>>
      %dma_start3A_950 = arith.constant 256 : i32
      %dma_start3A_951 = tpu.memref_slice %arg8[%dma_start3A_950] : memref<1792xi32, #tpu.memory_space<vmem>> -> memref<128xi32, #tpu.memory_space<vmem>>
      %dma_start3A_952 = arith.constant 0 : i32
      %dma_start3A_953 = arith.constant 0 : i32
      %dma_start3A_954 = tpu.memref_slice %arg2[%dma_start3A_952, %dma_start3A_953] : memref<100000x16xf32, #tpu.memory_space<hbm>> -> memref<100000x16xf32, #tpu.memory_space<hbm>>
      tpu.enqueue_indirect_dma source(%dma_start3A_954 : memref<100000x16xf32, #tpu.memory_space<hbm>>) target(%dma_start3A_949 : memref<128x16xf32, #tpu.memory_space<vmem>>) offsets(%dma_start3A_951 : memref<128xi32, #tpu.memory_space<vmem>>) semaphore(%arg25 : memref<!tpu.dma_semaphore, #tpu.memory_space<semaphore_mem>>)
      %dma_start3A_955 = arith.constant 256 : i32
      %dma_start3A_956 = arith.constant 0 : i32
      %dma_start3A_957 = tpu.memref_slice %arg16[%dma_start3A_955, %dma_start3A_956] : memref<1792x16xf32, #tpu.memory_space<vmem>> -> memref<128x16xf32, #tpu.memory_space<vmem>>
      %dma_start3A_958 = arith.constant 256 : i32
      %dma_start3A_959 = tpu.memref_slice %arg10[%dma_start3A_958] : memref<1792xi32, #tpu.memory_space<vmem>> -> memref<128xi32, #tpu.memory_space<vmem>>
      %dma_start3A_960 = arith.constant 0 : i32
      %dma_start3A_961 = arith.constant 0 : i32
      %dma_start3A_962 = tpu.memref_slice %arg2[%dma_start3A_960, %dma_start3A_961] : memref<100000x16xf32, #tpu.memory_space<hbm>> -> memref<100000x16xf32, #tpu.memory_space<hbm>>
      tpu.enqueue_indirect_dma source(%dma_start3A_962 : memref<100000x16xf32, #tpu.memory_space<hbm>>) target(%dma_start3A_957 : memref<128x16xf32, #tpu.memory_space<vmem>>) offsets(%dma_start3A_959 : memref<128xi32, #tpu.memory_space<vmem>>) semaphore(%arg25 : memref<!tpu.dma_semaphore, #tpu.memory_space<semaphore_mem>>)
      %dma_start3A_963 = arith.constant 384 : i32
      %dma_start3A_964 = arith.constant 0 : i32
      %dma_start3A_965 = tpu.memref_slice %arg14[%dma_start3A_963, %dma_start3A_964] : memref<1792x16xf32, #tpu.memory_space<vmem>> -> memref<128x16xf32, #tpu.memory_space<vmem>>
      %dma_start3A_966 = arith.constant 384 : i32
      %dma_start3A_967 = tpu.memref_slice %arg8[%dma_start3A_966] : memref<1792xi32, #tpu.memory_space<vmem>> -> memref<128xi32, #tpu.memory_space<vmem>>
      %dma_start3A_968 = arith.constant 0 : i32
      %dma_start3A_969 = arith.constant 0 : i32
      %dma_start3A_970 = tpu.memref_slice %arg2[%dma_start3A_968, %dma_start3A_969] : memref<100000x16xf32, #tpu.memory_space<hbm>> -> memref<100000x16xf32, #tpu.memory_space<hbm>>
      tpu.enqueue_indirect_dma source(%dma_start3A_970 : memref<100000x16xf32, #tpu.memory_space<hbm>>) target(%dma_start3A_965 : memref<128x16xf32, #tpu.memory_space<vmem>>) offsets(%dma_start3A_967 : memref<128xi32, #tpu.memory_space<vmem>>) semaphore(%arg25 : memref<!tpu.dma_semaphore, #tpu.memory_space<semaphore_mem>>)
      %dma_start3A_971 = arith.constant 384 : i32
      %dma_start3A_972 = arith.constant 0 : i32
      %dma_start3A_973 = tpu.memref_slice %arg16[%dma_start3A_971, %dma_start3A_972] : memref<1792x16xf32, #tpu.memory_space<vmem>> -> memref<128x16xf32, #tpu.memory_space<vmem>>
      %dma_start3A_974 = arith.constant 384 : i32
      %dma_start3A_975 = tpu.memref_slice %arg10[%dma_start3A_974] : memref<1792xi32, #tpu.memory_space<vmem>> -> memref<128xi32, #tpu.memory_space<vmem>>
      %dma_start3A_976 = arith.constant 0 : i32
      %dma_start3A_977 = arith.constant 0 : i32
      %dma_start3A_978 = tpu.memref_slice %arg2[%dma_start3A_976, %dma_start3A_977] : memref<100000x16xf32, #tpu.memory_space<hbm>> -> memref<100000x16xf32, #tpu.memory_space<hbm>>
      tpu.enqueue_indirect_dma source(%dma_start3A_978 : memref<100000x16xf32, #tpu.memory_space<hbm>>) target(%dma_start3A_973 : memref<128x16xf32, #tpu.memory_space<vmem>>) offsets(%dma_start3A_975 : memref<128xi32, #tpu.memory_space<vmem>>) semaphore(%arg25 : memref<!tpu.dma_semaphore, #tpu.memory_space<semaphore_mem>>)
      %dma_start3A_979 = arith.constant 512 : i32
      %dma_start3A_980 = arith.constant 0 : i32
      %dma_start3A_981 = tpu.memref_slice %arg14[%dma_start3A_979, %dma_start3A_980] : memref<1792x16xf32, #tpu.memory_space<vmem>> -> memref<128x16xf32, #tpu.memory_space<vmem>>
      %dma_start3A_982 = arith.constant 512 : i32
      %dma_start3A_983 = tpu.memref_slice %arg8[%dma_start3A_982] : memref<1792xi32, #tpu.memory_space<vmem>> -> memref<128xi32, #tpu.memory_space<vmem>>
      %dma_start3A_984 = arith.constant 0 : i32
      %dma_start3A_985 = arith.constant 0 : i32
      %dma_start3A_986 = tpu.memref_slice %arg2[%dma_start3A_984, %dma_start3A_985] : memref<100000x16xf32, #tpu.memory_space<hbm>> -> memref<100000x16xf32, #tpu.memory_space<hbm>>
      tpu.enqueue_indirect_dma source(%dma_start3A_986 : memref<100000x16xf32, #tpu.memory_space<hbm>>) target(%dma_start3A_981 : memref<128x16xf32, #tpu.memory_space<vmem>>) offsets(%dma_start3A_983 : memref<128xi32, #tpu.memory_space<vmem>>) semaphore(%arg25 : memref<!tpu.dma_semaphore, #tpu.memory_space<semaphore_mem>>)
      %dma_start3A_987 = arith.constant 512 : i32
      %dma_start3A_988 = arith.constant 0 : i32
      %dma_start3A_989 = tpu.memref_slice %arg16[%dma_start3A_987, %dma_start3A_988] : memref<1792x16xf32, #tpu.memory_space<vmem>> -> memref<128x16xf32, #tpu.memory_space<vmem>>
      %dma_start3A_990 = arith.constant 512 : i32
      %dma_start3A_991 = tpu.memref_slice %arg10[%dma_start3A_990] : memref<1792xi32, #tpu.memory_space<vmem>> -> memref<128xi32, #tpu.memory_space<vmem>>
      %dma_start3A_992 = arith.constant 0 : i32
      %dma_start3A_993 = arith.constant 0 : i32
      %dma_start3A_994 = tpu.memref_slice %arg2[%dma_start3A_992, %dma_start3A_993] : memref<100000x16xf32, #tpu.memory_space<hbm>> -> memref<100000x16xf32, #tpu.memory_space<hbm>>
      tpu.enqueue_indirect_dma source(%dma_start3A_994 : memref<100000x16xf32, #tpu.memory_space<hbm>>) target(%dma_start3A_989 : memref<128x16xf32, #tpu.memory_space<vmem>>) offsets(%dma_start3A_991 : memref<128xi32, #tpu.memory_space<vmem>>) semaphore(%arg25 : memref<!tpu.dma_semaphore, #tpu.memory_space<semaphore_mem>>)
      %dma_start3A_995 = arith.constant 640 : i32
      %dma_start3A_996 = arith.constant 0 : i32
      %dma_start3A_997 = tpu.memref_slice %arg14[%dma_start3A_995, %dma_start3A_996] : memref<1792x16xf32, #tpu.memory_space<vmem>> -> memref<128x16xf32, #tpu.memory_space<vmem>>
      %dma_start3A_998 = arith.constant 640 : i32
      %dma_start3A_999 = tpu.memref_slice %arg8[%dma_start3A_998] : memref<1792xi32, #tpu.memory_space<vmem>> -> memref<128xi32, #tpu.memory_space<vmem>>
      %dma_start3A_1000 = arith.constant 0 : i32
      %dma_start3A_1001 = arith.constant 0 : i32
      %dma_start3A_1002 = tpu.memref_slice %arg2[%dma_start3A_1000, %dma_start3A_1001] : memref<100000x16xf32, #tpu.memory_space<hbm>> -> memref<100000x16xf32, #tpu.memory_space<hbm>>
      tpu.enqueue_indirect_dma source(%dma_start3A_1002 : memref<100000x16xf32, #tpu.memory_space<hbm>>) target(%dma_start3A_997 : memref<128x16xf32, #tpu.memory_space<vmem>>) offsets(%dma_start3A_999 : memref<128xi32, #tpu.memory_space<vmem>>) semaphore(%arg25 : memref<!tpu.dma_semaphore, #tpu.memory_space<semaphore_mem>>)
      %dma_start3A_1003 = arith.constant 640 : i32
      %dma_start3A_1004 = arith.constant 0 : i32
      %dma_start3A_1005 = tpu.memref_slice %arg16[%dma_start3A_1003, %dma_start3A_1004] : memref<1792x16xf32, #tpu.memory_space<vmem>> -> memref<128x16xf32, #tpu.memory_space<vmem>>
      %dma_start3A_1006 = arith.constant 640 : i32
      %dma_start3A_1007 = tpu.memref_slice %arg10[%dma_start3A_1006] : memref<1792xi32, #tpu.memory_space<vmem>> -> memref<128xi32, #tpu.memory_space<vmem>>
      %dma_start3A_1008 = arith.constant 0 : i32
      %dma_start3A_1009 = arith.constant 0 : i32
      %dma_start3A_1010 = tpu.memref_slice %arg2[%dma_start3A_1008, %dma_start3A_1009] : memref<100000x16xf32, #tpu.memory_space<hbm>> -> memref<100000x16xf32, #tpu.memory_space<hbm>>
      tpu.enqueue_indirect_dma source(%dma_start3A_1010 : memref<100000x16xf32, #tpu.memory_space<hbm>>) target(%dma_start3A_1005 : memref<128x16xf32, #tpu.memory_space<vmem>>) offsets(%dma_start3A_1007 : memref<128xi32, #tpu.memory_space<vmem>>) semaphore(%arg25 : memref<!tpu.dma_semaphore, #tpu.memory_space<semaphore_mem>>)
      %dma_start3A_1011 = arith.constant 768 : i32
      %dma_start3A_1012 = arith.constant 0 : i32
      %dma_start3A_1013 = tpu.memref_slice %arg14[%dma_start3A_1011, %dma_start3A_1012] : memref<1792x16xf32, #tpu.memory_space<vmem>> -> memref<128x16xf32, #tpu.memory_space<vmem>>
      %dma_start3A_1014 = arith.constant 768 : i32
      %dma_start3A_1015 = tpu.memref_slice %arg8[%dma_start3A_1014] : memref<1792xi32, #tpu.memory_space<vmem>> -> memref<128xi32, #tpu.memory_space<vmem>>
      %dma_start3A_1016 = arith.constant 0 : i32
      %dma_start3A_1017 = arith.constant 0 : i32
      %dma_start3A_1018 = tpu.memref_slice %arg2[%dma_start3A_1016, %dma_start3A_1017] : memref<100000x16xf32, #tpu.memory_space<hbm>> -> memref<100000x16xf32, #tpu.memory_space<hbm>>
      tpu.enqueue_indirect_dma source(%dma_start3A_1018 : memref<100000x16xf32, #tpu.memory_space<hbm>>) target(%dma_start3A_1013 : memref<128x16xf32, #tpu.memory_space<vmem>>) offsets(%dma_start3A_1015 : memref<128xi32, #tpu.memory_space<vmem>>) semaphore(%arg25 : memref<!tpu.dma_semaphore, #tpu.memory_space<semaphore_mem>>)
      %dma_start3A_1019 = arith.constant 768 : i32
      %dma_start3A_1020 = arith.constant 0 : i32
      %dma_start3A_1021 = tpu.memref_slice %arg16[%dma_start3A_1019, %dma_start3A_1020] : memref<1792x16xf32, #tpu.memory_space<vmem>> -> memref<128x16xf32, #tpu.memory_space<vmem>>
      %dma_start3A_1022 = arith.constant 768 : i32
      %dma_start3A_1023 = tpu.memref_slice %arg10[%dma_start3A_1022] : memref<1792xi32, #tpu.memory_space<vmem>> -> memref<128xi32, #tpu.memory_space<vmem>>
      %dma_start3A_1024 = arith.constant 0 : i32
      %dma_start3A_1025 = arith.constant 0 : i32
      %dma_start3A_1026 = tpu.memref_slice %arg2[%dma_start3A_1024, %dma_start3A_1025] : memref<100000x16xf32, #tpu.memory_space<hbm>> -> memref<100000x16xf32, #tpu.memory_space<hbm>>
      tpu.enqueue_indirect_dma source(%dma_start3A_1026 : memref<100000x16xf32, #tpu.memory_space<hbm>>) target(%dma_start3A_1021 : memref<128x16xf32, #tpu.memory_space<vmem>>) offsets(%dma_start3A_1023 : memref<128xi32, #tpu.memory_space<vmem>>) semaphore(%arg25 : memref<!tpu.dma_semaphore, #tpu.memory_space<semaphore_mem>>)
      %dma_start3A_1027 = arith.constant 896 : i32
      %dma_start3A_1028 = arith.constant 0 : i32
      %dma_start3A_1029 = tpu.memref_slice %arg14[%dma_start3A_1027, %dma_start3A_1028] : memref<1792x16xf32, #tpu.memory_space<vmem>> -> memref<128x16xf32, #tpu.memory_space<vmem>>
      %dma_start3A_1030 = arith.constant 896 : i32
      %dma_start3A_1031 = tpu.memref_slice %arg8[%dma_start3A_1030] : memref<1792xi32, #tpu.memory_space<vmem>> -> memref<128xi32, #tpu.memory_space<vmem>>
      %dma_start3A_1032 = arith.constant 0 : i32
      %dma_start3A_1033 = arith.constant 0 : i32
      %dma_start3A_1034 = tpu.memref_slice %arg2[%dma_start3A_1032, %dma_start3A_1033] : memref<100000x16xf32, #tpu.memory_space<hbm>> -> memref<100000x16xf32, #tpu.memory_space<hbm>>
      tpu.enqueue_indirect_dma source(%dma_start3A_1034 : memref<100000x16xf32, #tpu.memory_space<hbm>>) target(%dma_start3A_1029 : memref<128x16xf32, #tpu.memory_space<vmem>>) offsets(%dma_start3A_1031 : memref<128xi32, #tpu.memory_space<vmem>>) semaphore(%arg25 : memref<!tpu.dma_semaphore, #tpu.memory_space<semaphore_mem>>)
      %dma_start3A_1035 = arith.constant 896 : i32
      %dma_start3A_1036 = arith.constant 0 : i32
      %dma_start3A_1037 = tpu.memref_slice %arg16[%dma_start3A_1035, %dma_start3A_1036] : memref<1792x16xf32, #tpu.memory_space<vmem>> -> memref<128x16xf32, #tpu.memory_space<vmem>>
      %dma_start3A_1038 = arith.constant 896 : i32
      %dma_start3A_1039 = tpu.memref_slice %arg10[%dma_start3A_1038] : memref<1792xi32, #tpu.memory_space<vmem>> -> memref<128xi32, #tpu.memory_space<vmem>>
      %dma_start3A_1040 = arith.constant 0 : i32
      %dma_start3A_1041 = arith.constant 0 : i32
      %dma_start3A_1042 = tpu.memref_slice %arg2[%dma_start3A_1040, %dma_start3A_1041] : memref<100000x16xf32, #tpu.memory_space<hbm>> -> memref<100000x16xf32, #tpu.memory_space<hbm>>
      tpu.enqueue_indirect_dma source(%dma_start3A_1042 : memref<100000x16xf32, #tpu.memory_space<hbm>>) target(%dma_start3A_1037 : memref<128x16xf32, #tpu.memory_space<vmem>>) offsets(%dma_start3A_1039 : memref<128xi32, #tpu.memory_space<vmem>>) semaphore(%arg25 : memref<!tpu.dma_semaphore, #tpu.memory_space<semaphore_mem>>)
      %dma_start3A_1043 = arith.constant 1024 : i32
      %dma_start3A_1044 = arith.constant 0 : i32
      %dma_start3A_1045 = tpu.memref_slice %arg14[%dma_start3A_1043, %dma_start3A_1044] : memref<1792x16xf32, #tpu.memory_space<vmem>> -> memref<128x16xf32, #tpu.memory_space<vmem>>
      %dma_start3A_1046 = arith.constant 1024 : i32
      %dma_start3A_1047 = tpu.memref_slice %arg8[%dma_start3A_1046] : memref<1792xi32, #tpu.memory_space<vmem>> -> memref<128xi32, #tpu.memory_space<vmem>>
      %dma_start3A_1048 = arith.constant 0 : i32
      %dma_start3A_1049 = arith.constant 0 : i32
      %dma_start3A_1050 = tpu.memref_slice %arg2[%dma_start3A_1048, %dma_start3A_1049] : memref<100000x16xf32, #tpu.memory_space<hbm>> -> memref<100000x16xf32, #tpu.memory_space<hbm>>
      tpu.enqueue_indirect_dma source(%dma_start3A_1050 : memref<100000x16xf32, #tpu.memory_space<hbm>>) target(%dma_start3A_1045 : memref<128x16xf32, #tpu.memory_space<vmem>>) offsets(%dma_start3A_1047 : memref<128xi32, #tpu.memory_space<vmem>>) semaphore(%arg25 : memref<!tpu.dma_semaphore, #tpu.memory_space<semaphore_mem>>)
      %dma_start3A_1051 = arith.constant 1024 : i32
      %dma_start3A_1052 = arith.constant 0 : i32
      %dma_start3A_1053 = tpu.memref_slice %arg16[%dma_start3A_1051, %dma_start3A_1052] : memref<1792x16xf32, #tpu.memory_space<vmem>> -> memref<128x16xf32, #tpu.memory_space<vmem>>
      %dma_start3A_1054 = arith.constant 1024 : i32
      %dma_start3A_1055 = tpu.memref_slice %arg10[%dma_start3A_1054] : memref<1792xi32, #tpu.memory_space<vmem>> -> memref<128xi32, #tpu.memory_space<vmem>>
      %dma_start3A_1056 = arith.constant 0 : i32
      %dma_start3A_1057 = arith.constant 0 : i32
      %dma_start3A_1058 = tpu.memref_slice %arg2[%dma_start3A_1056, %dma_start3A_1057] : memref<100000x16xf32, #tpu.memory_space<hbm>> -> memref<100000x16xf32, #tpu.memory_space<hbm>>
      tpu.enqueue_indirect_dma source(%dma_start3A_1058 : memref<100000x16xf32, #tpu.memory_space<hbm>>) target(%dma_start3A_1053 : memref<128x16xf32, #tpu.memory_space<vmem>>) offsets(%dma_start3A_1055 : memref<128xi32, #tpu.memory_space<vmem>>) semaphore(%arg25 : memref<!tpu.dma_semaphore, #tpu.memory_space<semaphore_mem>>)
      %dma_start3A_1059 = arith.constant 1152 : i32
      %dma_start3A_1060 = arith.constant 0 : i32
      %dma_start3A_1061 = tpu.memref_slice %arg14[%dma_start3A_1059, %dma_start3A_1060] : memref<1792x16xf32, #tpu.memory_space<vmem>> -> memref<128x16xf32, #tpu.memory_space<vmem>>
      %dma_start3A_1062 = arith.constant 1152 : i32
      %dma_start3A_1063 = tpu.memref_slice %arg8[%dma_start3A_1062] : memref<1792xi32, #tpu.memory_space<vmem>> -> memref<128xi32, #tpu.memory_space<vmem>>
      %dma_start3A_1064 = arith.constant 0 : i32
      %dma_start3A_1065 = arith.constant 0 : i32
      %dma_start3A_1066 = tpu.memref_slice %arg2[%dma_start3A_1064, %dma_start3A_1065] : memref<100000x16xf32, #tpu.memory_space<hbm>> -> memref<100000x16xf32, #tpu.memory_space<hbm>>
      tpu.enqueue_indirect_dma source(%dma_start3A_1066 : memref<100000x16xf32, #tpu.memory_space<hbm>>) target(%dma_start3A_1061 : memref<128x16xf32, #tpu.memory_space<vmem>>) offsets(%dma_start3A_1063 : memref<128xi32, #tpu.memory_space<vmem>>) semaphore(%arg25 : memref<!tpu.dma_semaphore, #tpu.memory_space<semaphore_mem>>)
      %dma_start3A_1067 = arith.constant 1152 : i32
      %dma_start3A_1068 = arith.constant 0 : i32
      %dma_start3A_1069 = tpu.memref_slice %arg16[%dma_start3A_1067, %dma_start3A_1068] : memref<1792x16xf32, #tpu.memory_space<vmem>> -> memref<128x16xf32, #tpu.memory_space<vmem>>
      %dma_start3A_1070 = arith.constant 1152 : i32
      %dma_start3A_1071 = tpu.memref_slice %arg10[%dma_start3A_1070] : memref<1792xi32, #tpu.memory_space<vmem>> -> memref<128xi32, #tpu.memory_space<vmem>>
      %dma_start3A_1072 = arith.constant 0 : i32
      %dma_start3A_1073 = arith.constant 0 : i32
      %dma_start3A_1074 = tpu.memref_slice %arg2[%dma_start3A_1072, %dma_start3A_1073] : memref<100000x16xf32, #tpu.memory_space<hbm>> -> memref<100000x16xf32, #tpu.memory_space<hbm>>
      tpu.enqueue_indirect_dma source(%dma_start3A_1074 : memref<100000x16xf32, #tpu.memory_space<hbm>>) target(%dma_start3A_1069 : memref<128x16xf32, #tpu.memory_space<vmem>>) offsets(%dma_start3A_1071 : memref<128xi32, #tpu.memory_space<vmem>>) semaphore(%arg25 : memref<!tpu.dma_semaphore, #tpu.memory_space<semaphore_mem>>)
      %dma_start3A_1075 = arith.constant 1280 : i32
      %dma_start3A_1076 = arith.constant 0 : i32
      %dma_start3A_1077 = tpu.memref_slice %arg14[%dma_start3A_1075, %dma_start3A_1076] : memref<1792x16xf32, #tpu.memory_space<vmem>> -> memref<128x16xf32, #tpu.memory_space<vmem>>
      %dma_start3A_1078 = arith.constant 1280 : i32
      %dma_start3A_1079 = tpu.memref_slice %arg8[%dma_start3A_1078] : memref<1792xi32, #tpu.memory_space<vmem>> -> memref<128xi32, #tpu.memory_space<vmem>>
      %dma_start3A_1080 = arith.constant 0 : i32
      %dma_start3A_1081 = arith.constant 0 : i32
      %dma_start3A_1082 = tpu.memref_slice %arg2[%dma_start3A_1080, %dma_start3A_1081] : memref<100000x16xf32, #tpu.memory_space<hbm>> -> memref<100000x16xf32, #tpu.memory_space<hbm>>
      tpu.enqueue_indirect_dma source(%dma_start3A_1082 : memref<100000x16xf32, #tpu.memory_space<hbm>>) target(%dma_start3A_1077 : memref<128x16xf32, #tpu.memory_space<vmem>>) offsets(%dma_start3A_1079 : memref<128xi32, #tpu.memory_space<vmem>>) semaphore(%arg25 : memref<!tpu.dma_semaphore, #tpu.memory_space<semaphore_mem>>)
      %dma_start3A_1083 = arith.constant 1280 : i32
      %dma_start3A_1084 = arith.constant 0 : i32
      %dma_start3A_1085 = tpu.memref_slice %arg16[%dma_start3A_1083, %dma_start3A_1084] : memref<1792x16xf32, #tpu.memory_space<vmem>> -> memref<128x16xf32, #tpu.memory_space<vmem>>
      %dma_start3A_1086 = arith.constant 1280 : i32
      %dma_start3A_1087 = tpu.memref_slice %arg10[%dma_start3A_1086] : memref<1792xi32, #tpu.memory_space<vmem>> -> memref<128xi32, #tpu.memory_space<vmem>>
      %dma_start3A_1088 = arith.constant 0 : i32
      %dma_start3A_1089 = arith.constant 0 : i32
      %dma_start3A_1090 = tpu.memref_slice %arg2[%dma_start3A_1088, %dma_start3A_1089] : memref<100000x16xf32, #tpu.memory_space<hbm>> -> memref<100000x16xf32, #tpu.memory_space<hbm>>
      tpu.enqueue_indirect_dma source(%dma_start3A_1090 : memref<100000x16xf32, #tpu.memory_space<hbm>>) target(%dma_start3A_1085 : memref<128x16xf32, #tpu.memory_space<vmem>>) offsets(%dma_start3A_1087 : memref<128xi32, #tpu.memory_space<vmem>>) semaphore(%arg25 : memref<!tpu.dma_semaphore, #tpu.memory_space<semaphore_mem>>)
      %dma_start3A_1091 = arith.constant 1408 : i32
      %dma_start3A_1092 = arith.constant 0 : i32
      %dma_start3A_1093 = tpu.memref_slice %arg14[%dma_start3A_1091, %dma_start3A_1092] : memref<1792x16xf32, #tpu.memory_space<vmem>> -> memref<128x16xf32, #tpu.memory_space<vmem>>
      %dma_start3A_1094 = arith.constant 1408 : i32
      %dma_start3A_1095 = tpu.memref_slice %arg8[%dma_start3A_1094] : memref<1792xi32, #tpu.memory_space<vmem>> -> memref<128xi32, #tpu.memory_space<vmem>>
      %dma_start3A_1096 = arith.constant 0 : i32
      %dma_start3A_1097 = arith.constant 0 : i32
      %dma_start3A_1098 = tpu.memref_slice %arg2[%dma_start3A_1096, %dma_start3A_1097] : memref<100000x16xf32, #tpu.memory_space<hbm>> -> memref<100000x16xf32, #tpu.memory_space<hbm>>
      tpu.enqueue_indirect_dma source(%dma_start3A_1098 : memref<100000x16xf32, #tpu.memory_space<hbm>>) target(%dma_start3A_1093 : memref<128x16xf32, #tpu.memory_space<vmem>>) offsets(%dma_start3A_1095 : memref<128xi32, #tpu.memory_space<vmem>>) semaphore(%arg25 : memref<!tpu.dma_semaphore, #tpu.memory_space<semaphore_mem>>)
      %dma_start3A_1099 = arith.constant 1408 : i32
      %dma_start3A_1100 = arith.constant 0 : i32
      %dma_start3A_1101 = tpu.memref_slice %arg16[%dma_start3A_1099, %dma_start3A_1100] : memref<1792x16xf32, #tpu.memory_space<vmem>> -> memref<128x16xf32, #tpu.memory_space<vmem>>
      %dma_start3A_1102 = arith.constant 1408 : i32
      %dma_start3A_1103 = tpu.memref_slice %arg10[%dma_start3A_1102] : memref<1792xi32, #tpu.memory_space<vmem>> -> memref<128xi32, #tpu.memory_space<vmem>>
      %dma_start3A_1104 = arith.constant 0 : i32
      %dma_start3A_1105 = arith.constant 0 : i32
      %dma_start3A_1106 = tpu.memref_slice %arg2[%dma_start3A_1104, %dma_start3A_1105] : memref<100000x16xf32, #tpu.memory_space<hbm>> -> memref<100000x16xf32, #tpu.memory_space<hbm>>
      tpu.enqueue_indirect_dma source(%dma_start3A_1106 : memref<100000x16xf32, #tpu.memory_space<hbm>>) target(%dma_start3A_1101 : memref<128x16xf32, #tpu.memory_space<vmem>>) offsets(%dma_start3A_1103 : memref<128xi32, #tpu.memory_space<vmem>>) semaphore(%arg25 : memref<!tpu.dma_semaphore, #tpu.memory_space<semaphore_mem>>)
      %dma_start3A_1107 = arith.constant 1536 : i32
      %dma_start3A_1108 = arith.constant 0 : i32
      %dma_start3A_1109 = tpu.memref_slice %arg14[%dma_start3A_1107, %dma_start3A_1108] : memref<1792x16xf32, #tpu.memory_space<vmem>> -> memref<128x16xf32, #tpu.memory_space<vmem>>
      %dma_start3A_1110 = arith.constant 1536 : i32
      %dma_start3A_1111 = tpu.memref_slice %arg8[%dma_start3A_1110] : memref<1792xi32, #tpu.memory_space<vmem>> -> memref<128xi32, #tpu.memory_space<vmem>>
      %dma_start3A_1112 = arith.constant 0 : i32
      %dma_start3A_1113 = arith.constant 0 : i32
      %dma_start3A_1114 = tpu.memref_slice %arg2[%dma_start3A_1112, %dma_start3A_1113] : memref<100000x16xf32, #tpu.memory_space<hbm>> -> memref<100000x16xf32, #tpu.memory_space<hbm>>
      tpu.enqueue_indirect_dma source(%dma_start3A_1114 : memref<100000x16xf32, #tpu.memory_space<hbm>>) target(%dma_start3A_1109 : memref<128x16xf32, #tpu.memory_space<vmem>>) offsets(%dma_start3A_1111 : memref<128xi32, #tpu.memory_space<vmem>>) semaphore(%arg25 : memref<!tpu.dma_semaphore, #tpu.memory_space<semaphore_mem>>)
      %dma_start3A_1115 = arith.constant 1536 : i32
      %dma_start3A_1116 = arith.constant 0 : i32
      %dma_start3A_1117 = tpu.memref_slice %arg16[%dma_start3A_1115, %dma_start3A_1116] : memref<1792x16xf32, #tpu.memory_space<vmem>> -> memref<128x16xf32, #tpu.memory_space<vmem>>
      %dma_start3A_1118 = arith.constant 1536 : i32
      %dma_start3A_1119 = tpu.memref_slice %arg10[%dma_start3A_1118] : memref<1792xi32, #tpu.memory_space<vmem>> -> memref<128xi32, #tpu.memory_space<vmem>>
      %dma_start3A_1120 = arith.constant 0 : i32
      %dma_start3A_1121 = arith.constant 0 : i32
      %dma_start3A_1122 = tpu.memref_slice %arg2[%dma_start3A_1120, %dma_start3A_1121] : memref<100000x16xf32, #tpu.memory_space<hbm>> -> memref<100000x16xf32, #tpu.memory_space<hbm>>
      tpu.enqueue_indirect_dma source(%dma_start3A_1122 : memref<100000x16xf32, #tpu.memory_space<hbm>>) target(%dma_start3A_1117 : memref<128x16xf32, #tpu.memory_space<vmem>>) offsets(%dma_start3A_1119 : memref<128xi32, #tpu.memory_space<vmem>>) semaphore(%arg25 : memref<!tpu.dma_semaphore, #tpu.memory_space<semaphore_mem>>)
      %dma_start3A_1123 = arith.constant 1664 : i32
      %dma_start3A_1124 = arith.constant 0 : i32
      %dma_start3A_1125 = tpu.memref_slice %arg14[%dma_start3A_1123, %dma_start3A_1124] : memref<1792x16xf32, #tpu.memory_space<vmem>> -> memref<128x16xf32, #tpu.memory_space<vmem>>
      %dma_start3A_1126 = arith.constant 1664 : i32
      %dma_start3A_1127 = tpu.memref_slice %arg8[%dma_start3A_1126] : memref<1792xi32, #tpu.memory_space<vmem>> -> memref<128xi32, #tpu.memory_space<vmem>>
      %dma_start3A_1128 = arith.constant 0 : i32
      %dma_start3A_1129 = arith.constant 0 : i32
      %dma_start3A_1130 = tpu.memref_slice %arg2[%dma_start3A_1128, %dma_start3A_1129] : memref<100000x16xf32, #tpu.memory_space<hbm>> -> memref<100000x16xf32, #tpu.memory_space<hbm>>
      tpu.enqueue_indirect_dma source(%dma_start3A_1130 : memref<100000x16xf32, #tpu.memory_space<hbm>>) target(%dma_start3A_1125 : memref<128x16xf32, #tpu.memory_space<vmem>>) offsets(%dma_start3A_1127 : memref<128xi32, #tpu.memory_space<vmem>>) semaphore(%arg25 : memref<!tpu.dma_semaphore, #tpu.memory_space<semaphore_mem>>)
      %dma_start3A_1131 = arith.constant 1664 : i32
      %dma_start3A_1132 = arith.constant 0 : i32
      %dma_start3A_1133 = tpu.memref_slice %arg16[%dma_start3A_1131, %dma_start3A_1132] : memref<1792x16xf32, #tpu.memory_space<vmem>> -> memref<128x16xf32, #tpu.memory_space<vmem>>
      %dma_start3A_1134 = arith.constant 1664 : i32
      %dma_start3A_1135 = tpu.memref_slice %arg10[%dma_start3A_1134] : memref<1792xi32, #tpu.memory_space<vmem>> -> memref<128xi32, #tpu.memory_space<vmem>>
      %dma_start3A_1136 = arith.constant 0 : i32
      %dma_start3A_1137 = arith.constant 0 : i32
      %dma_start3A_1138 = tpu.memref_slice %arg2[%dma_start3A_1136, %dma_start3A_1137] : memref<100000x16xf32, #tpu.memory_space<hbm>> -> memref<100000x16xf32, #tpu.memory_space<hbm>>
      tpu.enqueue_indirect_dma source(%dma_start3A_1138 : memref<100000x16xf32, #tpu.memory_space<hbm>>) target(%dma_start3A_1133 : memref<128x16xf32, #tpu.memory_space<vmem>>) offsets(%dma_start3A_1135 : memref<128xi32, #tpu.memory_space<vmem>>) semaphore(%arg25 : memref<!tpu.dma_semaphore, #tpu.memory_space<semaphore_mem>>)
      %dma_wait3A_1139 = arith.constant 0 : i32
      %dma_wait3A_1140 = arith.constant 0 : i32
      %dma_wait3A_1141 = tpu.memref_slice %arg13[%dma_wait3A_1139, %dma_wait3A_1140] : memref<1792x16xf32, #tpu.memory_space<vmem>> -> memref<128x16xf32, #tpu.memory_space<vmem>>
      %dma_wait3A_1142 = arith.constant 0 : i32
      %dma_wait3A_1143 = tpu.memref_slice %arg7[%dma_wait3A_1142] : memref<1792xi32, #tpu.memory_space<vmem>> -> memref<128xi32, #tpu.memory_space<vmem>>
      %dma_wait3A_1144 = arith.constant 0 : i32
      %dma_wait3A_1145 = arith.constant 0 : i32
      %dma_wait3A_1146 = tpu.memref_slice %arg2[%dma_wait3A_1144, %dma_wait3A_1145] : memref<100000x16xf32, #tpu.memory_space<hbm>> -> memref<100000x16xf32, #tpu.memory_space<hbm>>
      tpu.wait_indirect_dma semaphore(%arg24 : memref<!tpu.dma_semaphore, #tpu.memory_space<semaphore_mem>>) src(%dma_wait3A_1146 : memref<100000x16xf32, #tpu.memory_space<hbm>>) dst(%dma_wait3A_1141 : memref<128x16xf32, #tpu.memory_space<vmem>>)
      %dma_wait3A_1147 = arith.constant 0 : i32
      %dma_wait3A_1148 = arith.constant 0 : i32
      %dma_wait3A_1149 = tpu.memref_slice %arg15[%dma_wait3A_1147, %dma_wait3A_1148] : memref<1792x16xf32, #tpu.memory_space<vmem>> -> memref<128x16xf32, #tpu.memory_space<vmem>>
      %dma_wait3A_1150 = arith.constant 0 : i32
      %dma_wait3A_1151 = tpu.memref_slice %arg9[%dma_wait3A_1150] : memref<1792xi32, #tpu.memory_space<vmem>> -> memref<128xi32, #tpu.memory_space<vmem>>
      %dma_wait3A_1152 = arith.constant 0 : i32
      %dma_wait3A_1153 = arith.constant 0 : i32
      %dma_wait3A_1154 = tpu.memref_slice %arg2[%dma_wait3A_1152, %dma_wait3A_1153] : memref<100000x16xf32, #tpu.memory_space<hbm>> -> memref<100000x16xf32, #tpu.memory_space<hbm>>
      tpu.wait_indirect_dma semaphore(%arg24 : memref<!tpu.dma_semaphore, #tpu.memory_space<semaphore_mem>>) src(%dma_wait3A_1154 : memref<100000x16xf32, #tpu.memory_space<hbm>>) dst(%dma_wait3A_1149 : memref<128x16xf32, #tpu.memory_space<vmem>>)
      %dma_wait3A_1155 = arith.constant 128 : i32
      %dma_wait3A_1156 = arith.constant 0 : i32
      %dma_wait3A_1157 = tpu.memref_slice %arg13[%dma_wait3A_1155, %dma_wait3A_1156] : memref<1792x16xf32, #tpu.memory_space<vmem>> -> memref<128x16xf32, #tpu.memory_space<vmem>>
      %dma_wait3A_1158 = arith.constant 128 : i32
      %dma_wait3A_1159 = tpu.memref_slice %arg7[%dma_wait3A_1158] : memref<1792xi32, #tpu.memory_space<vmem>> -> memref<128xi32, #tpu.memory_space<vmem>>
      %dma_wait3A_1160 = arith.constant 0 : i32
      %dma_wait3A_1161 = arith.constant 0 : i32
      %dma_wait3A_1162 = tpu.memref_slice %arg2[%dma_wait3A_1160, %dma_wait3A_1161] : memref<100000x16xf32, #tpu.memory_space<hbm>> -> memref<100000x16xf32, #tpu.memory_space<hbm>>
      tpu.wait_indirect_dma semaphore(%arg24 : memref<!tpu.dma_semaphore, #tpu.memory_space<semaphore_mem>>) src(%dma_wait3A_1162 : memref<100000x16xf32, #tpu.memory_space<hbm>>) dst(%dma_wait3A_1157 : memref<128x16xf32, #tpu.memory_space<vmem>>)
      %dma_wait3A_1163 = arith.constant 128 : i32
      %dma_wait3A_1164 = arith.constant 0 : i32
      %dma_wait3A_1165 = tpu.memref_slice %arg15[%dma_wait3A_1163, %dma_wait3A_1164] : memref<1792x16xf32, #tpu.memory_space<vmem>> -> memref<128x16xf32, #tpu.memory_space<vmem>>
      %dma_wait3A_1166 = arith.constant 128 : i32
      %dma_wait3A_1167 = tpu.memref_slice %arg9[%dma_wait3A_1166] : memref<1792xi32, #tpu.memory_space<vmem>> -> memref<128xi32, #tpu.memory_space<vmem>>
      %dma_wait3A_1168 = arith.constant 0 : i32
      %dma_wait3A_1169 = arith.constant 0 : i32
      %dma_wait3A_1170 = tpu.memref_slice %arg2[%dma_wait3A_1168, %dma_wait3A_1169] : memref<100000x16xf32, #tpu.memory_space<hbm>> -> memref<100000x16xf32, #tpu.memory_space<hbm>>
      tpu.wait_indirect_dma semaphore(%arg24 : memref<!tpu.dma_semaphore, #tpu.memory_space<semaphore_mem>>) src(%dma_wait3A_1170 : memref<100000x16xf32, #tpu.memory_space<hbm>>) dst(%dma_wait3A_1165 : memref<128x16xf32, #tpu.memory_space<vmem>>)
      %dma_wait3A_1171 = arith.constant 256 : i32
      %dma_wait3A_1172 = arith.constant 0 : i32
      %dma_wait3A_1173 = tpu.memref_slice %arg13[%dma_wait3A_1171, %dma_wait3A_1172] : memref<1792x16xf32, #tpu.memory_space<vmem>> -> memref<128x16xf32, #tpu.memory_space<vmem>>
      %dma_wait3A_1174 = arith.constant 256 : i32
      %dma_wait3A_1175 = tpu.memref_slice %arg7[%dma_wait3A_1174] : memref<1792xi32, #tpu.memory_space<vmem>> -> memref<128xi32, #tpu.memory_space<vmem>>
      %dma_wait3A_1176 = arith.constant 0 : i32
      %dma_wait3A_1177 = arith.constant 0 : i32
      %dma_wait3A_1178 = tpu.memref_slice %arg2[%dma_wait3A_1176, %dma_wait3A_1177] : memref<100000x16xf32, #tpu.memory_space<hbm>> -> memref<100000x16xf32, #tpu.memory_space<hbm>>
      tpu.wait_indirect_dma semaphore(%arg24 : memref<!tpu.dma_semaphore, #tpu.memory_space<semaphore_mem>>) src(%dma_wait3A_1178 : memref<100000x16xf32, #tpu.memory_space<hbm>>) dst(%dma_wait3A_1173 : memref<128x16xf32, #tpu.memory_space<vmem>>)
      %dma_wait3A_1179 = arith.constant 256 : i32
      %dma_wait3A_1180 = arith.constant 0 : i32
      %dma_wait3A_1181 = tpu.memref_slice %arg15[%dma_wait3A_1179, %dma_wait3A_1180] : memref<1792x16xf32, #tpu.memory_space<vmem>> -> memref<128x16xf32, #tpu.memory_space<vmem>>
      %dma_wait3A_1182 = arith.constant 256 : i32
      %dma_wait3A_1183 = tpu.memref_slice %arg9[%dma_wait3A_1182] : memref<1792xi32, #tpu.memory_space<vmem>> -> memref<128xi32, #tpu.memory_space<vmem>>
      %dma_wait3A_1184 = arith.constant 0 : i32
      %dma_wait3A_1185 = arith.constant 0 : i32
      %dma_wait3A_1186 = tpu.memref_slice %arg2[%dma_wait3A_1184, %dma_wait3A_1185] : memref<100000x16xf32, #tpu.memory_space<hbm>> -> memref<100000x16xf32, #tpu.memory_space<hbm>>
      tpu.wait_indirect_dma semaphore(%arg24 : memref<!tpu.dma_semaphore, #tpu.memory_space<semaphore_mem>>) src(%dma_wait3A_1186 : memref<100000x16xf32, #tpu.memory_space<hbm>>) dst(%dma_wait3A_1181 : memref<128x16xf32, #tpu.memory_space<vmem>>)
      %dma_wait3A_1187 = arith.constant 384 : i32
      %dma_wait3A_1188 = arith.constant 0 : i32
      %dma_wait3A_1189 = tpu.memref_slice %arg13[%dma_wait3A_1187, %dma_wait3A_1188] : memref<1792x16xf32, #tpu.memory_space<vmem>> -> memref<128x16xf32, #tpu.memory_space<vmem>>
      %dma_wait3A_1190 = arith.constant 384 : i32
      %dma_wait3A_1191 = tpu.memref_slice %arg7[%dma_wait3A_1190] : memref<1792xi32, #tpu.memory_space<vmem>> -> memref<128xi32, #tpu.memory_space<vmem>>
      %dma_wait3A_1192 = arith.constant 0 : i32
      %dma_wait3A_1193 = arith.constant 0 : i32
      %dma_wait3A_1194 = tpu.memref_slice %arg2[%dma_wait3A_1192, %dma_wait3A_1193] : memref<100000x16xf32, #tpu.memory_space<hbm>> -> memref<100000x16xf32, #tpu.memory_space<hbm>>
      tpu.wait_indirect_dma semaphore(%arg24 : memref<!tpu.dma_semaphore, #tpu.memory_space<semaphore_mem>>) src(%dma_wait3A_1194 : memref<100000x16xf32, #tpu.memory_space<hbm>>) dst(%dma_wait3A_1189 : memref<128x16xf32, #tpu.memory_space<vmem>>)
      %dma_wait3A_1195 = arith.constant 384 : i32
      %dma_wait3A_1196 = arith.constant 0 : i32
      %dma_wait3A_1197 = tpu.memref_slice %arg15[%dma_wait3A_1195, %dma_wait3A_1196] : memref<1792x16xf32, #tpu.memory_space<vmem>> -> memref<128x16xf32, #tpu.memory_space<vmem>>
      %dma_wait3A_1198 = arith.constant 384 : i32
      %dma_wait3A_1199 = tpu.memref_slice %arg9[%dma_wait3A_1198] : memref<1792xi32, #tpu.memory_space<vmem>> -> memref<128xi32, #tpu.memory_space<vmem>>
      %dma_wait3A_1200 = arith.constant 0 : i32
      %dma_wait3A_1201 = arith.constant 0 : i32
      %dma_wait3A_1202 = tpu.memref_slice %arg2[%dma_wait3A_1200, %dma_wait3A_1201] : memref<100000x16xf32, #tpu.memory_space<hbm>> -> memref<100000x16xf32, #tpu.memory_space<hbm>>
      tpu.wait_indirect_dma semaphore(%arg24 : memref<!tpu.dma_semaphore, #tpu.memory_space<semaphore_mem>>) src(%dma_wait3A_1202 : memref<100000x16xf32, #tpu.memory_space<hbm>>) dst(%dma_wait3A_1197 : memref<128x16xf32, #tpu.memory_space<vmem>>)
      %dma_wait3A_1203 = arith.constant 512 : i32
      %dma_wait3A_1204 = arith.constant 0 : i32
      %dma_wait3A_1205 = tpu.memref_slice %arg13[%dma_wait3A_1203, %dma_wait3A_1204] : memref<1792x16xf32, #tpu.memory_space<vmem>> -> memref<128x16xf32, #tpu.memory_space<vmem>>
      %dma_wait3A_1206 = arith.constant 512 : i32
      %dma_wait3A_1207 = tpu.memref_slice %arg7[%dma_wait3A_1206] : memref<1792xi32, #tpu.memory_space<vmem>> -> memref<128xi32, #tpu.memory_space<vmem>>
      %dma_wait3A_1208 = arith.constant 0 : i32
      %dma_wait3A_1209 = arith.constant 0 : i32
      %dma_wait3A_1210 = tpu.memref_slice %arg2[%dma_wait3A_1208, %dma_wait3A_1209] : memref<100000x16xf32, #tpu.memory_space<hbm>> -> memref<100000x16xf32, #tpu.memory_space<hbm>>
      tpu.wait_indirect_dma semaphore(%arg24 : memref<!tpu.dma_semaphore, #tpu.memory_space<semaphore_mem>>) src(%dma_wait3A_1210 : memref<100000x16xf32, #tpu.memory_space<hbm>>) dst(%dma_wait3A_1205 : memref<128x16xf32, #tpu.memory_space<vmem>>)
      %dma_wait3A_1211 = arith.constant 512 : i32
      %dma_wait3A_1212 = arith.constant 0 : i32
      %dma_wait3A_1213 = tpu.memref_slice %arg15[%dma_wait3A_1211, %dma_wait3A_1212] : memref<1792x16xf32, #tpu.memory_space<vmem>> -> memref<128x16xf32, #tpu.memory_space<vmem>>
      %dma_wait3A_1214 = arith.constant 512 : i32
      %dma_wait3A_1215 = tpu.memref_slice %arg9[%dma_wait3A_1214] : memref<1792xi32, #tpu.memory_space<vmem>> -> memref<128xi32, #tpu.memory_space<vmem>>
      %dma_wait3A_1216 = arith.constant 0 : i32
      %dma_wait3A_1217 = arith.constant 0 : i32
      %dma_wait3A_1218 = tpu.memref_slice %arg2[%dma_wait3A_1216, %dma_wait3A_1217] : memref<100000x16xf32, #tpu.memory_space<hbm>> -> memref<100000x16xf32, #tpu.memory_space<hbm>>
      tpu.wait_indirect_dma semaphore(%arg24 : memref<!tpu.dma_semaphore, #tpu.memory_space<semaphore_mem>>) src(%dma_wait3A_1218 : memref<100000x16xf32, #tpu.memory_space<hbm>>) dst(%dma_wait3A_1213 : memref<128x16xf32, #tpu.memory_space<vmem>>)
      %dma_wait3A_1219 = arith.constant 640 : i32
      %dma_wait3A_1220 = arith.constant 0 : i32
      %dma_wait3A_1221 = tpu.memref_slice %arg13[%dma_wait3A_1219, %dma_wait3A_1220] : memref<1792x16xf32, #tpu.memory_space<vmem>> -> memref<128x16xf32, #tpu.memory_space<vmem>>
      %dma_wait3A_1222 = arith.constant 640 : i32
      %dma_wait3A_1223 = tpu.memref_slice %arg7[%dma_wait3A_1222] : memref<1792xi32, #tpu.memory_space<vmem>> -> memref<128xi32, #tpu.memory_space<vmem>>
      %dma_wait3A_1224 = arith.constant 0 : i32
      %dma_wait3A_1225 = arith.constant 0 : i32
      %dma_wait3A_1226 = tpu.memref_slice %arg2[%dma_wait3A_1224, %dma_wait3A_1225] : memref<100000x16xf32, #tpu.memory_space<hbm>> -> memref<100000x16xf32, #tpu.memory_space<hbm>>
      tpu.wait_indirect_dma semaphore(%arg24 : memref<!tpu.dma_semaphore, #tpu.memory_space<semaphore_mem>>) src(%dma_wait3A_1226 : memref<100000x16xf32, #tpu.memory_space<hbm>>) dst(%dma_wait3A_1221 : memref<128x16xf32, #tpu.memory_space<vmem>>)
      %dma_wait3A_1227 = arith.constant 640 : i32
      %dma_wait3A_1228 = arith.constant 0 : i32
      %dma_wait3A_1229 = tpu.memref_slice %arg15[%dma_wait3A_1227, %dma_wait3A_1228] : memref<1792x16xf32, #tpu.memory_space<vmem>> -> memref<128x16xf32, #tpu.memory_space<vmem>>
      %dma_wait3A_1230 = arith.constant 640 : i32
      %dma_wait3A_1231 = tpu.memref_slice %arg9[%dma_wait3A_1230] : memref<1792xi32, #tpu.memory_space<vmem>> -> memref<128xi32, #tpu.memory_space<vmem>>
      %dma_wait3A_1232 = arith.constant 0 : i32
      %dma_wait3A_1233 = arith.constant 0 : i32
      %dma_wait3A_1234 = tpu.memref_slice %arg2[%dma_wait3A_1232, %dma_wait3A_1233] : memref<100000x16xf32, #tpu.memory_space<hbm>> -> memref<100000x16xf32, #tpu.memory_space<hbm>>
      tpu.wait_indirect_dma semaphore(%arg24 : memref<!tpu.dma_semaphore, #tpu.memory_space<semaphore_mem>>) src(%dma_wait3A_1234 : memref<100000x16xf32, #tpu.memory_space<hbm>>) dst(%dma_wait3A_1229 : memref<128x16xf32, #tpu.memory_space<vmem>>)
      %dma_wait3A_1235 = arith.constant 768 : i32
      %dma_wait3A_1236 = arith.constant 0 : i32
      %dma_wait3A_1237 = tpu.memref_slice %arg13[%dma_wait3A_1235, %dma_wait3A_1236] : memref<1792x16xf32, #tpu.memory_space<vmem>> -> memref<128x16xf32, #tpu.memory_space<vmem>>
      %dma_wait3A_1238 = arith.constant 768 : i32
      %dma_wait3A_1239 = tpu.memref_slice %arg7[%dma_wait3A_1238] : memref<1792xi32, #tpu.memory_space<vmem>> -> memref<128xi32, #tpu.memory_space<vmem>>
      %dma_wait3A_1240 = arith.constant 0 : i32
      %dma_wait3A_1241 = arith.constant 0 : i32
      %dma_wait3A_1242 = tpu.memref_slice %arg2[%dma_wait3A_1240, %dma_wait3A_1241] : memref<100000x16xf32, #tpu.memory_space<hbm>> -> memref<100000x16xf32, #tpu.memory_space<hbm>>
      tpu.wait_indirect_dma semaphore(%arg24 : memref<!tpu.dma_semaphore, #tpu.memory_space<semaphore_mem>>) src(%dma_wait3A_1242 : memref<100000x16xf32, #tpu.memory_space<hbm>>) dst(%dma_wait3A_1237 : memref<128x16xf32, #tpu.memory_space<vmem>>)
      %dma_wait3A_1243 = arith.constant 768 : i32
      %dma_wait3A_1244 = arith.constant 0 : i32
      %dma_wait3A_1245 = tpu.memref_slice %arg15[%dma_wait3A_1243, %dma_wait3A_1244] : memref<1792x16xf32, #tpu.memory_space<vmem>> -> memref<128x16xf32, #tpu.memory_space<vmem>>
      %dma_wait3A_1246 = arith.constant 768 : i32
      %dma_wait3A_1247 = tpu.memref_slice %arg9[%dma_wait3A_1246] : memref<1792xi32, #tpu.memory_space<vmem>> -> memref<128xi32, #tpu.memory_space<vmem>>
      %dma_wait3A_1248 = arith.constant 0 : i32
      %dma_wait3A_1249 = arith.constant 0 : i32
      %dma_wait3A_1250 = tpu.memref_slice %arg2[%dma_wait3A_1248, %dma_wait3A_1249] : memref<100000x16xf32, #tpu.memory_space<hbm>> -> memref<100000x16xf32, #tpu.memory_space<hbm>>
      tpu.wait_indirect_dma semaphore(%arg24 : memref<!tpu.dma_semaphore, #tpu.memory_space<semaphore_mem>>) src(%dma_wait3A_1250 : memref<100000x16xf32, #tpu.memory_space<hbm>>) dst(%dma_wait3A_1245 : memref<128x16xf32, #tpu.memory_space<vmem>>)
      %dma_wait3A_1251 = arith.constant 896 : i32
      %dma_wait3A_1252 = arith.constant 0 : i32
      %dma_wait3A_1253 = tpu.memref_slice %arg13[%dma_wait3A_1251, %dma_wait3A_1252] : memref<1792x16xf32, #tpu.memory_space<vmem>> -> memref<128x16xf32, #tpu.memory_space<vmem>>
      %dma_wait3A_1254 = arith.constant 896 : i32
      %dma_wait3A_1255 = tpu.memref_slice %arg7[%dma_wait3A_1254] : memref<1792xi32, #tpu.memory_space<vmem>> -> memref<128xi32, #tpu.memory_space<vmem>>
      %dma_wait3A_1256 = arith.constant 0 : i32
      %dma_wait3A_1257 = arith.constant 0 : i32
      %dma_wait3A_1258 = tpu.memref_slice %arg2[%dma_wait3A_1256, %dma_wait3A_1257] : memref<100000x16xf32, #tpu.memory_space<hbm>> -> memref<100000x16xf32, #tpu.memory_space<hbm>>
      tpu.wait_indirect_dma semaphore(%arg24 : memref<!tpu.dma_semaphore, #tpu.memory_space<semaphore_mem>>) src(%dma_wait3A_1258 : memref<100000x16xf32, #tpu.memory_space<hbm>>) dst(%dma_wait3A_1253 : memref<128x16xf32, #tpu.memory_space<vmem>>)
      %dma_wait3A_1259 = arith.constant 896 : i32
      %dma_wait3A_1260 = arith.constant 0 : i32
      %dma_wait3A_1261 = tpu.memref_slice %arg15[%dma_wait3A_1259, %dma_wait3A_1260] : memref<1792x16xf32, #tpu.memory_space<vmem>> -> memref<128x16xf32, #tpu.memory_space<vmem>>
      %dma_wait3A_1262 = arith.constant 896 : i32
      %dma_wait3A_1263 = tpu.memref_slice %arg9[%dma_wait3A_1262] : memref<1792xi32, #tpu.memory_space<vmem>> -> memref<128xi32, #tpu.memory_space<vmem>>
      %dma_wait3A_1264 = arith.constant 0 : i32
      %dma_wait3A_1265 = arith.constant 0 : i32
      %dma_wait3A_1266 = tpu.memref_slice %arg2[%dma_wait3A_1264, %dma_wait3A_1265] : memref<100000x16xf32, #tpu.memory_space<hbm>> -> memref<100000x16xf32, #tpu.memory_space<hbm>>
      tpu.wait_indirect_dma semaphore(%arg24 : memref<!tpu.dma_semaphore, #tpu.memory_space<semaphore_mem>>) src(%dma_wait3A_1266 : memref<100000x16xf32, #tpu.memory_space<hbm>>) dst(%dma_wait3A_1261 : memref<128x16xf32, #tpu.memory_space<vmem>>)
      %dma_wait3A_1267 = arith.constant 1024 : i32
      %dma_wait3A_1268 = arith.constant 0 : i32
      %dma_wait3A_1269 = tpu.memref_slice %arg13[%dma_wait3A_1267, %dma_wait3A_1268] : memref<1792x16xf32, #tpu.memory_space<vmem>> -> memref<128x16xf32, #tpu.memory_space<vmem>>
      %dma_wait3A_1270 = arith.constant 1024 : i32
      %dma_wait3A_1271 = tpu.memref_slice %arg7[%dma_wait3A_1270] : memref<1792xi32, #tpu.memory_space<vmem>> -> memref<128xi32, #tpu.memory_space<vmem>>
      %dma_wait3A_1272 = arith.constant 0 : i32
      %dma_wait3A_1273 = arith.constant 0 : i32
      %dma_wait3A_1274 = tpu.memref_slice %arg2[%dma_wait3A_1272, %dma_wait3A_1273] : memref<100000x16xf32, #tpu.memory_space<hbm>> -> memref<100000x16xf32, #tpu.memory_space<hbm>>
      tpu.wait_indirect_dma semaphore(%arg24 : memref<!tpu.dma_semaphore, #tpu.memory_space<semaphore_mem>>) src(%dma_wait3A_1274 : memref<100000x16xf32, #tpu.memory_space<hbm>>) dst(%dma_wait3A_1269 : memref<128x16xf32, #tpu.memory_space<vmem>>)
      %dma_wait3A_1275 = arith.constant 1024 : i32
      %dma_wait3A_1276 = arith.constant 0 : i32
      %dma_wait3A_1277 = tpu.memref_slice %arg15[%dma_wait3A_1275, %dma_wait3A_1276] : memref<1792x16xf32, #tpu.memory_space<vmem>> -> memref<128x16xf32, #tpu.memory_space<vmem>>
      %dma_wait3A_1278 = arith.constant 1024 : i32
      %dma_wait3A_1279 = tpu.memref_slice %arg9[%dma_wait3A_1278] : memref<1792xi32, #tpu.memory_space<vmem>> -> memref<128xi32, #tpu.memory_space<vmem>>
      %dma_wait3A_1280 = arith.constant 0 : i32
      %dma_wait3A_1281 = arith.constant 0 : i32
      %dma_wait3A_1282 = tpu.memref_slice %arg2[%dma_wait3A_1280, %dma_wait3A_1281] : memref<100000x16xf32, #tpu.memory_space<hbm>> -> memref<100000x16xf32, #tpu.memory_space<hbm>>
      tpu.wait_indirect_dma semaphore(%arg24 : memref<!tpu.dma_semaphore, #tpu.memory_space<semaphore_mem>>) src(%dma_wait3A_1282 : memref<100000x16xf32, #tpu.memory_space<hbm>>) dst(%dma_wait3A_1277 : memref<128x16xf32, #tpu.memory_space<vmem>>)
      %dma_wait3A_1283 = arith.constant 1152 : i32
      %dma_wait3A_1284 = arith.constant 0 : i32
      %dma_wait3A_1285 = tpu.memref_slice %arg13[%dma_wait3A_1283, %dma_wait3A_1284] : memref<1792x16xf32, #tpu.memory_space<vmem>> -> memref<128x16xf32, #tpu.memory_space<vmem>>
      %dma_wait3A_1286 = arith.constant 1152 : i32
      %dma_wait3A_1287 = tpu.memref_slice %arg7[%dma_wait3A_1286] : memref<1792xi32, #tpu.memory_space<vmem>> -> memref<128xi32, #tpu.memory_space<vmem>>
      %dma_wait3A_1288 = arith.constant 0 : i32
      %dma_wait3A_1289 = arith.constant 0 : i32
      %dma_wait3A_1290 = tpu.memref_slice %arg2[%dma_wait3A_1288, %dma_wait3A_1289] : memref<100000x16xf32, #tpu.memory_space<hbm>> -> memref<100000x16xf32, #tpu.memory_space<hbm>>
      tpu.wait_indirect_dma semaphore(%arg24 : memref<!tpu.dma_semaphore, #tpu.memory_space<semaphore_mem>>) src(%dma_wait3A_1290 : memref<100000x16xf32, #tpu.memory_space<hbm>>) dst(%dma_wait3A_1285 : memref<128x16xf32, #tpu.memory_space<vmem>>)
      %dma_wait3A_1291 = arith.constant 1152 : i32
      %dma_wait3A_1292 = arith.constant 0 : i32
      %dma_wait3A_1293 = tpu.memref_slice %arg15[%dma_wait3A_1291, %dma_wait3A_1292] : memref<1792x16xf32, #tpu.memory_space<vmem>> -> memref<128x16xf32, #tpu.memory_space<vmem>>
      %dma_wait3A_1294 = arith.constant 1152 : i32
      %dma_wait3A_1295 = tpu.memref_slice %arg9[%dma_wait3A_1294] : memref<1792xi32, #tpu.memory_space<vmem>> -> memref<128xi32, #tpu.memory_space<vmem>>
      %dma_wait3A_1296 = arith.constant 0 : i32
      %dma_wait3A_1297 = arith.constant 0 : i32
      %dma_wait3A_1298 = tpu.memref_slice %arg2[%dma_wait3A_1296, %dma_wait3A_1297] : memref<100000x16xf32, #tpu.memory_space<hbm>> -> memref<100000x16xf32, #tpu.memory_space<hbm>>
      tpu.wait_indirect_dma semaphore(%arg24 : memref<!tpu.dma_semaphore, #tpu.memory_space<semaphore_mem>>) src(%dma_wait3A_1298 : memref<100000x16xf32, #tpu.memory_space<hbm>>) dst(%dma_wait3A_1293 : memref<128x16xf32, #tpu.memory_space<vmem>>)
      %dma_wait3A_1299 = arith.constant 1280 : i32
      %dma_wait3A_1300 = arith.constant 0 : i32
      %dma_wait3A_1301 = tpu.memref_slice %arg13[%dma_wait3A_1299, %dma_wait3A_1300] : memref<1792x16xf32, #tpu.memory_space<vmem>> -> memref<128x16xf32, #tpu.memory_space<vmem>>
      %dma_wait3A_1302 = arith.constant 1280 : i32
      %dma_wait3A_1303 = tpu.memref_slice %arg7[%dma_wait3A_1302] : memref<1792xi32, #tpu.memory_space<vmem>> -> memref<128xi32, #tpu.memory_space<vmem>>
      %dma_wait3A_1304 = arith.constant 0 : i32
      %dma_wait3A_1305 = arith.constant 0 : i32
      %dma_wait3A_1306 = tpu.memref_slice %arg2[%dma_wait3A_1304, %dma_wait3A_1305] : memref<100000x16xf32, #tpu.memory_space<hbm>> -> memref<100000x16xf32, #tpu.memory_space<hbm>>
      tpu.wait_indirect_dma semaphore(%arg24 : memref<!tpu.dma_semaphore, #tpu.memory_space<semaphore_mem>>) src(%dma_wait3A_1306 : memref<100000x16xf32, #tpu.memory_space<hbm>>) dst(%dma_wait3A_1301 : memref<128x16xf32, #tpu.memory_space<vmem>>)
      %dma_wait3A_1307 = arith.constant 1280 : i32
      %dma_wait3A_1308 = arith.constant 0 : i32
      %dma_wait3A_1309 = tpu.memref_slice %arg15[%dma_wait3A_1307, %dma_wait3A_1308] : memref<1792x16xf32, #tpu.memory_space<vmem>> -> memref<128x16xf32, #tpu.memory_space<vmem>>
      %dma_wait3A_1310 = arith.constant 1280 : i32
      %dma_wait3A_1311 = tpu.memref_slice %arg9[%dma_wait3A_1310] : memref<1792xi32, #tpu.memory_space<vmem>> -> memref<128xi32, #tpu.memory_space<vmem>>
      %dma_wait3A_1312 = arith.constant 0 : i32
      %dma_wait3A_1313 = arith.constant 0 : i32
      %dma_wait3A_1314 = tpu.memref_slice %arg2[%dma_wait3A_1312, %dma_wait3A_1313] : memref<100000x16xf32, #tpu.memory_space<hbm>> -> memref<100000x16xf32, #tpu.memory_space<hbm>>
      tpu.wait_indirect_dma semaphore(%arg24 : memref<!tpu.dma_semaphore, #tpu.memory_space<semaphore_mem>>) src(%dma_wait3A_1314 : memref<100000x16xf32, #tpu.memory_space<hbm>>) dst(%dma_wait3A_1309 : memref<128x16xf32, #tpu.memory_space<vmem>>)
      %dma_wait3A_1315 = arith.constant 1408 : i32
      %dma_wait3A_1316 = arith.constant 0 : i32
      %dma_wait3A_1317 = tpu.memref_slice %arg13[%dma_wait3A_1315, %dma_wait3A_1316] : memref<1792x16xf32, #tpu.memory_space<vmem>> -> memref<128x16xf32, #tpu.memory_space<vmem>>
      %dma_wait3A_1318 = arith.constant 1408 : i32
      %dma_wait3A_1319 = tpu.memref_slice %arg7[%dma_wait3A_1318] : memref<1792xi32, #tpu.memory_space<vmem>> -> memref<128xi32, #tpu.memory_space<vmem>>
      %dma_wait3A_1320 = arith.constant 0 : i32
      %dma_wait3A_1321 = arith.constant 0 : i32
      %dma_wait3A_1322 = tpu.memref_slice %arg2[%dma_wait3A_1320, %dma_wait3A_1321] : memref<100000x16xf32, #tpu.memory_space<hbm>> -> memref<100000x16xf32, #tpu.memory_space<hbm>>
      tpu.wait_indirect_dma semaphore(%arg24 : memref<!tpu.dma_semaphore, #tpu.memory_space<semaphore_mem>>) src(%dma_wait3A_1322 : memref<100000x16xf32, #tpu.memory_space<hbm>>) dst(%dma_wait3A_1317 : memref<128x16xf32, #tpu.memory_space<vmem>>)
      %dma_wait3A_1323 = arith.constant 1408 : i32
      %dma_wait3A_1324 = arith.constant 0 : i32
      %dma_wait3A_1325 = tpu.memref_slice %arg15[%dma_wait3A_1323, %dma_wait3A_1324] : memref<1792x16xf32, #tpu.memory_space<vmem>> -> memref<128x16xf32, #tpu.memory_space<vmem>>
      %dma_wait3A_1326 = arith.constant 1408 : i32
      %dma_wait3A_1327 = tpu.memref_slice %arg9[%dma_wait3A_1326] : memref<1792xi32, #tpu.memory_space<vmem>> -> memref<128xi32, #tpu.memory_space<vmem>>
      %dma_wait3A_1328 = arith.constant 0 : i32
      %dma_wait3A_1329 = arith.constant 0 : i32
      %dma_wait3A_1330 = tpu.memref_slice %arg2[%dma_wait3A_1328, %dma_wait3A_1329] : memref<100000x16xf32, #tpu.memory_space<hbm>> -> memref<100000x16xf32, #tpu.memory_space<hbm>>
      tpu.wait_indirect_dma semaphore(%arg24 : memref<!tpu.dma_semaphore, #tpu.memory_space<semaphore_mem>>) src(%dma_wait3A_1330 : memref<100000x16xf32, #tpu.memory_space<hbm>>) dst(%dma_wait3A_1325 : memref<128x16xf32, #tpu.memory_space<vmem>>)
      %dma_wait3A_1331 = arith.constant 1536 : i32
      %dma_wait3A_1332 = arith.constant 0 : i32
      %dma_wait3A_1333 = tpu.memref_slice %arg13[%dma_wait3A_1331, %dma_wait3A_1332] : memref<1792x16xf32, #tpu.memory_space<vmem>> -> memref<128x16xf32, #tpu.memory_space<vmem>>
      %dma_wait3A_1334 = arith.constant 1536 : i32
      %dma_wait3A_1335 = tpu.memref_slice %arg7[%dma_wait3A_1334] : memref<1792xi32, #tpu.memory_space<vmem>> -> memref<128xi32, #tpu.memory_space<vmem>>
      %dma_wait3A_1336 = arith.constant 0 : i32
      %dma_wait3A_1337 = arith.constant 0 : i32
      %dma_wait3A_1338 = tpu.memref_slice %arg2[%dma_wait3A_1336, %dma_wait3A_1337] : memref<100000x16xf32, #tpu.memory_space<hbm>> -> memref<100000x16xf32, #tpu.memory_space<hbm>>
      tpu.wait_indirect_dma semaphore(%arg24 : memref<!tpu.dma_semaphore, #tpu.memory_space<semaphore_mem>>) src(%dma_wait3A_1338 : memref<100000x16xf32, #tpu.memory_space<hbm>>) dst(%dma_wait3A_1333 : memref<128x16xf32, #tpu.memory_space<vmem>>)
      %dma_wait3A_1339 = arith.constant 1536 : i32
      %dma_wait3A_1340 = arith.constant 0 : i32
      %dma_wait3A_1341 = tpu.memref_slice %arg15[%dma_wait3A_1339, %dma_wait3A_1340] : memref<1792x16xf32, #tpu.memory_space<vmem>> -> memref<128x16xf32, #tpu.memory_space<vmem>>
      %dma_wait3A_1342 = arith.constant 1536 : i32
      %dma_wait3A_1343 = tpu.memref_slice %arg9[%dma_wait3A_1342] : memref<1792xi32, #tpu.memory_space<vmem>> -> memref<128xi32, #tpu.memory_space<vmem>>
      %dma_wait3A_1344 = arith.constant 0 : i32
      %dma_wait3A_1345 = arith.constant 0 : i32
      %dma_wait3A_1346 = tpu.memref_slice %arg2[%dma_wait3A_1344, %dma_wait3A_1345] : memref<100000x16xf32, #tpu.memory_space<hbm>> -> memref<100000x16xf32, #tpu.memory_space<hbm>>
      tpu.wait_indirect_dma semaphore(%arg24 : memref<!tpu.dma_semaphore, #tpu.memory_space<semaphore_mem>>) src(%dma_wait3A_1346 : memref<100000x16xf32, #tpu.memory_space<hbm>>) dst(%dma_wait3A_1341 : memref<128x16xf32, #tpu.memory_space<vmem>>)
      %dma_wait3A_1347 = arith.constant 1664 : i32
      %dma_wait3A_1348 = arith.constant 0 : i32
      %dma_wait3A_1349 = tpu.memref_slice %arg13[%dma_wait3A_1347, %dma_wait3A_1348] : memref<1792x16xf32, #tpu.memory_space<vmem>> -> memref<128x16xf32, #tpu.memory_space<vmem>>
      %dma_wait3A_1350 = arith.constant 1664 : i32
      %dma_wait3A_1351 = tpu.memref_slice %arg7[%dma_wait3A_1350] : memref<1792xi32, #tpu.memory_space<vmem>> -> memref<128xi32, #tpu.memory_space<vmem>>
      %dma_wait3A_1352 = arith.constant 0 : i32
      %dma_wait3A_1353 = arith.constant 0 : i32
      %dma_wait3A_1354 = tpu.memref_slice %arg2[%dma_wait3A_1352, %dma_wait3A_1353] : memref<100000x16xf32, #tpu.memory_space<hbm>> -> memref<100000x16xf32, #tpu.memory_space<hbm>>
      tpu.wait_indirect_dma semaphore(%arg24 : memref<!tpu.dma_semaphore, #tpu.memory_space<semaphore_mem>>) src(%dma_wait3A_1354 : memref<100000x16xf32, #tpu.memory_space<hbm>>) dst(%dma_wait3A_1349 : memref<128x16xf32, #tpu.memory_space<vmem>>)
      %dma_wait3A_1355 = arith.constant 1664 : i32
      %dma_wait3A_1356 = arith.constant 0 : i32
      %dma_wait3A_1357 = tpu.memref_slice %arg15[%dma_wait3A_1355, %dma_wait3A_1356] : memref<1792x16xf32, #tpu.memory_space<vmem>> -> memref<128x16xf32, #tpu.memory_space<vmem>>
      %dma_wait3A_1358 = arith.constant 1664 : i32
      %dma_wait3A_1359 = tpu.memref_slice %arg9[%dma_wait3A_1358] : memref<1792xi32, #tpu.memory_space<vmem>> -> memref<128xi32, #tpu.memory_space<vmem>>
      %dma_wait3A_1360 = arith.constant 0 : i32
      %dma_wait3A_1361 = arith.constant 0 : i32
      %dma_wait3A_1362 = tpu.memref_slice %arg2[%dma_wait3A_1360, %dma_wait3A_1361] : memref<100000x16xf32, #tpu.memory_space<hbm>> -> memref<100000x16xf32, #tpu.memory_space<hbm>>
      tpu.wait_indirect_dma semaphore(%arg24 : memref<!tpu.dma_semaphore, #tpu.memory_space<semaphore_mem>>) src(%dma_wait3A_1362 : memref<100000x16xf32, #tpu.memory_space<hbm>>) dst(%dma_wait3A_1357 : memref<128x16xf32, #tpu.memory_space<vmem>>)
      %add3A_1363 = arith.constant 2 : i32
      %add3A_1364 = arith.addi %mul3A_905, %add3A_1363 : i32
      %mul3A_1365 = arith.constant 1792 : i32
      %mul3A_1366 = arith.muli %add3A_1364, %mul3A_1365 : i32
      %add3A_1367 = arith.addi %mul3A_3, %mul3A_1366 : i32
      %dma_start3A_1368 = tpu.memref_slice %arg4[%add3A_1367] : memref<3200000xi32, #tpu.memory_space<hbm>> -> memref<1792xi32, #tpu.memory_space<hbm>>
      %dma_start3A_1369 = tpu.memref_slice %arg4[%add3A_1367] : memref<3200000xi32, #tpu.memory_space<hbm>> -> memref<1792xi32, #tpu.memory_space<hbm>>
      tpu.enqueue_dma source(%dma_start3A_1369 : memref<1792xi32, #tpu.memory_space<hbm>>) target(%arg7 : memref<1792xi32, #tpu.memory_space<vmem>>) target_semaphore(%arg20 : memref<!tpu.dma_semaphore, #tpu.memory_space<semaphore_mem>>)
      %dma_start3A_1370 = tpu.memref_slice %arg5[%add3A_1367] : memref<3200000xi32, #tpu.memory_space<hbm>> -> memref<1792xi32, #tpu.memory_space<hbm>>
      %dma_start3A_1371 = tpu.memref_slice %arg5[%add3A_1367] : memref<3200000xi32, #tpu.memory_space<hbm>> -> memref<1792xi32, #tpu.memory_space<hbm>>
      tpu.enqueue_dma source(%dma_start3A_1371 : memref<1792xi32, #tpu.memory_space<hbm>>) target(%arg9 : memref<1792xi32, #tpu.memory_space<vmem>>) target_semaphore(%arg20 : memref<!tpu.dma_semaphore, #tpu.memory_space<semaphore_mem>>)
      %mul3A_1372 = arith.constant 1792 : i32
      %mul3A_1373 = arith.muli %mul3A_905, %mul3A_1372 : i32
      %add3A_1374 = arith.addi %mul3A_3, %mul3A_1373 : i32
      %dma_wait3A_1375 = tpu.memref_slice %arg3[%add3A_1374] : memref<3200000xf32, #tpu.memory_space<hbm>> -> memref<1792xf32, #tpu.memory_space<hbm>>
      %dma_wait3A_1376 = tpu.memref_slice %arg3[%add3A_1374] : memref<3200000xf32, #tpu.memory_space<hbm>> -> memref<1792xf32, #tpu.memory_space<hbm>>
      tpu.wait_dma2 semaphore(%arg22 : memref<!tpu.dma_semaphore, #tpu.memory_space<semaphore_mem>>) src(%dma_wait3A_1376 : memref<1792xf32, #tpu.memory_space<hbm>>) dst(%arg11 : memref<1792xf32, #tpu.memory_space<vmem>>)
      %scan3A_1377 = arith.constant 0 : i32
      %scan3A_1378 = arith.constant 112 : i32
      %scan3A_1379 = arith.addi %scan3A_1377, %scan3A_1378 : i32
      %scan3A_1380 = arith.constant 1 : i32
      %scan3A_1381:8 = scf.for %scan3A_1866 = %scan3A_1377 to %scan3A_1379 step %scan3A_1380 iter_args(%scan3A_1867 = %scan3A_896, %scan3A_1868 = %scan3A_897, %scan3A_1869 = %scan3A_898, %scan3A_1870 = %scan3A_899, %scan3A_1871 = %scan3A_900, %scan3A_1872 = %scan3A_901, %scan3A_1873 = %scan3A_902, %scan3A_1874 = %scan3A_903) -> (vector<16xf32>, vector<16xf32>, vector<16xf32>, vector<16xf32>, vector<16xf32>, vector<16xf32>, vector<16xf32>, vector<16xf32>)  : i32 {
        %mul3A_1875 = arith.constant 16 : i32
        %mul3A_1876 = arith.muli %scan3A_1866, %mul3A_1875 : i32
        %get3A = arith.index_cast %mul3A_1876 : i32 to index
        %get3A_1877 = tpu.vector_load %arg11[%get3A] {strides = array<i32>} : memref<1792xf32, #tpu.memory_space<vmem>>, vector<16xf32>,
        %get3A_1878 = vector.shape_cast %get3A_1877 : vector<16xf32> to vector<16xf32>
        %add3A_1879 = arith.constant 0 : i32
        %add3A_1880 = arith.addi %mul3A_1876, %add3A_1879 : i32
        %get3A_1881 = arith.index_cast %add3A_1880 : i32 to index
        %get3A_1882 = arith.constant 0 : index
        %get3A_1883 = tpu.vector_load %arg13[%get3A_1881, %get3A_1882] {strides = array<i32>} : memref<1792x16xf32, #tpu.memory_space<vmem>>, vector<1x16xf32>,
        %get3A_1884 = vector.shape_cast %get3A_1883 : vector<1x16xf32> to vector<16xf32>
        %get3A_1885 = arith.index_cast %add3A_1880 : i32 to index
        %get3A_1886 = arith.constant 0 : index
        %get3A_1887 = tpu.vector_load %arg15[%get3A_1885, %get3A_1886] {strides = array<i32>} : memref<1792x16xf32, #tpu.memory_space<vmem>>, vector<1x16xf32>,
        %get3A_1888 = vector.shape_cast %get3A_1887 : vector<1x16xf32> to vector<16xf32>
        %mul3A_1889 = arith.mulf %get3A_1884, %get3A_1888 : vector<16xf32>
        %slice3A = vector.extract_strided_slice %get3A_1878 {offsets = [0], sizes = [1], strides = [1]} : vector<16xf32> to vector<1xf32>
        %squeeze3A = vector.extract %slice3A[0] : f32 from vector<1xf32>
        %mul3A_1890 = vector.broadcast %squeeze3A : f32 to vector<16xf32>
        %mul3A_1891 = arith.mulf %mul3A_1889, %mul3A_1890 : vector<16xf32>
        %add3A_1892 = arith.addf %scan3A_1867, %mul3A_1891 : vector<16xf32>
        %add3A_1893 = arith.constant 1 : i32
        %add3A_1894 = arith.addi %mul3A_1876, %add3A_1893 : i32
        %get3A_1895 = arith.index_cast %add3A_1894 : i32 to index
        %get3A_1896 = arith.constant 0 : index
        %get3A_1897 = tpu.vector_load %arg13[%get3A_1895, %get3A_1896] {strides = array<i32>} : memref<1792x16xf32, #tpu.memory_space<vmem>>, vector<1x16xf32>,
        %get3A_1898 = vector.shape_cast %get3A_1897 : vector<1x16xf32> to vector<16xf32>
        %get3A_1899 = arith.index_cast %add3A_1894 : i32 to index
        %get3A_1900 = arith.constant 0 : index
        %get3A_1901 = tpu.vector_load %arg15[%get3A_1899, %get3A_1900] {strides = array<i32>} : memref<1792x16xf32, #tpu.memory_space<vmem>>, vector<1x16xf32>,
        %get3A_1902 = vector.shape_cast %get3A_1901 : vector<1x16xf32> to vector<16xf32>
        %mul3A_1903 = arith.mulf %get3A_1898, %get3A_1902 : vector<16xf32>
        %slice3A_1904 = vector.extract_strided_slice %get3A_1878 {offsets = [1], sizes = [1], strides = [1]} : vector<16xf32> to vector<1xf32>
        %squeeze3A_1905 = vector.extract %slice3A_1904[0] : f32 from vector<1xf32>
        %mul3A_1906 = vector.broadcast %squeeze3A_1905 : f32 to vector<16xf32>
        %mul3A_1907 = arith.mulf %mul3A_1903, %mul3A_1906 : vector<16xf32>
        %add3A_1908 = arith.addf %scan3A_1868, %mul3A_1907 : vector<16xf32>
        %add3A_1909 = arith.constant 2 : i32
        %add3A_1910 = arith.addi %mul3A_1876, %add3A_1909 : i32
        %get3A_1911 = arith.index_cast %add3A_1910 : i32 to index
        %get3A_1912 = arith.constant 0 : index
        %get3A_1913 = tpu.vector_load %arg13[%get3A_1911, %get3A_1912] {strides = array<i32>} : memref<1792x16xf32, #tpu.memory_space<vmem>>, vector<1x16xf32>,
        %get3A_1914 = vector.shape_cast %get3A_1913 : vector<1x16xf32> to vector<16xf32>
        %get3A_1915 = arith.index_cast %add3A_1910 : i32 to index
        %get3A_1916 = arith.constant 0 : index
        %get3A_1917 = tpu.vector_load %arg15[%get3A_1915, %get3A_1916] {strides = array<i32>} : memref<1792x16xf32, #tpu.memory_space<vmem>>, vector<1x16xf32>,
        %get3A_1918 = vector.shape_cast %get3A_1917 : vector<1x16xf32> to vector<16xf32>
        %mul3A_1919 = arith.mulf %get3A_1914, %get3A_1918 : vector<16xf32>
        %slice3A_1920 = vector.extract_strided_slice %get3A_1878 {offsets = [2], sizes = [1], strides = [1]} : vector<16xf32> to vector<1xf32>
        %squeeze3A_1921 = vector.extract %slice3A_1920[0] : f32 from vector<1xf32>
        %mul3A_1922 = vector.broadcast %squeeze3A_1921 : f32 to vector<16xf32>
        %mul3A_1923 = arith.mulf %mul3A_1919, %mul3A_1922 : vector<16xf32>
        %add3A_1924 = arith.addf %scan3A_1869, %mul3A_1923 : vector<16xf32>
        %add3A_1925 = arith.constant 3 : i32
        %add3A_1926 = arith.addi %mul3A_1876, %add3A_1925 : i32
        %get3A_1927 = arith.index_cast %add3A_1926 : i32 to index
        %get3A_1928 = arith.constant 0 : index
        %get3A_1929 = tpu.vector_load %arg13[%get3A_1927, %get3A_1928] {strides = array<i32>} : memref<1792x16xf32, #tpu.memory_space<vmem>>, vector<1x16xf32>,
        %get3A_1930 = vector.shape_cast %get3A_1929 : vector<1x16xf32> to vector<16xf32>
        %get3A_1931 = arith.index_cast %add3A_1926 : i32 to index
        %get3A_1932 = arith.constant 0 : index
        %get3A_1933 = tpu.vector_load %arg15[%get3A_1931, %get3A_1932] {strides = array<i32>} : memref<1792x16xf32, #tpu.memory_space<vmem>>, vector<1x16xf32>,
        %get3A_1934 = vector.shape_cast %get3A_1933 : vector<1x16xf32> to vector<16xf32>
        %mul3A_1935 = arith.mulf %get3A_1930, %get3A_1934 : vector<16xf32>
        %slice3A_1936 = vector.extract_strided_slice %get3A_1878 {offsets = [3], sizes = [1], strides = [1]} : vector<16xf32> to vector<1xf32>
        %squeeze3A_1937 = vector.extract %slice3A_1936[0] : f32 from vector<1xf32>
        %mul3A_1938 = vector.broadcast %squeeze3A_1937 : f32 to vector<16xf32>
        %mul3A_1939 = arith.mulf %mul3A_1935, %mul3A_1938 : vector<16xf32>
        %add3A_1940 = arith.addf %scan3A_1870, %mul3A_1939 : vector<16xf32>
        %add3A_1941 = arith.constant 4 : i32
        %add3A_1942 = arith.addi %mul3A_1876, %add3A_1941 : i32
        %get3A_1943 = arith.index_cast %add3A_1942 : i32 to index
        %get3A_1944 = arith.constant 0 : index
        %get3A_1945 = tpu.vector_load %arg13[%get3A_1943, %get3A_1944] {strides = array<i32>} : memref<1792x16xf32, #tpu.memory_space<vmem>>, vector<1x16xf32>,
        %get3A_1946 = vector.shape_cast %get3A_1945 : vector<1x16xf32> to vector<16xf32>
        %get3A_1947 = arith.index_cast %add3A_1942 : i32 to index
        %get3A_1948 = arith.constant 0 : index
        %get3A_1949 = tpu.vector_load %arg15[%get3A_1947, %get3A_1948] {strides = array<i32>} : memref<1792x16xf32, #tpu.memory_space<vmem>>, vector<1x16xf32>,
        %get3A_1950 = vector.shape_cast %get3A_1949 : vector<1x16xf32> to vector<16xf32>
        %mul3A_1951 = arith.mulf %get3A_1946, %get3A_1950 : vector<16xf32>
        %slice3A_1952 = vector.extract_strided_slice %get3A_1878 {offsets = [4], sizes = [1], strides = [1]} : vector<16xf32> to vector<1xf32>
        %squeeze3A_1953 = vector.extract %slice3A_1952[0] : f32 from vector<1xf32>
        %mul3A_1954 = vector.broadcast %squeeze3A_1953 : f32 to vector<16xf32>
        %mul3A_1955 = arith.mulf %mul3A_1951, %mul3A_1954 : vector<16xf32>
        %add3A_1956 = arith.addf %scan3A_1871, %mul3A_1955 : vector<16xf32>
        %add3A_1957 = arith.constant 5 : i32
        %add3A_1958 = arith.addi %mul3A_1876, %add3A_1957 : i32
        %get3A_1959 = arith.index_cast %add3A_1958 : i32 to index
        %get3A_1960 = arith.constant 0 : index
        %get3A_1961 = tpu.vector_load %arg13[%get3A_1959, %get3A_1960] {strides = array<i32>} : memref<1792x16xf32, #tpu.memory_space<vmem>>, vector<1x16xf32>,
        %get3A_1962 = vector.shape_cast %get3A_1961 : vector<1x16xf32> to vector<16xf32>
        %get3A_1963 = arith.index_cast %add3A_1958 : i32 to index
        %get3A_1964 = arith.constant 0 : index
        %get3A_1965 = tpu.vector_load %arg15[%get3A_1963, %get3A_1964] {strides = array<i32>} : memref<1792x16xf32, #tpu.memory_space<vmem>>, vector<1x16xf32>,
        %get3A_1966 = vector.shape_cast %get3A_1965 : vector<1x16xf32> to vector<16xf32>
        %mul3A_1967 = arith.mulf %get3A_1962, %get3A_1966 : vector<16xf32>
        %slice3A_1968 = vector.extract_strided_slice %get3A_1878 {offsets = [5], sizes = [1], strides = [1]} : vector<16xf32> to vector<1xf32>
        %squeeze3A_1969 = vector.extract %slice3A_1968[0] : f32 from vector<1xf32>
        %mul3A_1970 = vector.broadcast %squeeze3A_1969 : f32 to vector<16xf32>
        %mul3A_1971 = arith.mulf %mul3A_1967, %mul3A_1970 : vector<16xf32>
        %add3A_1972 = arith.addf %scan3A_1872, %mul3A_1971 : vector<16xf32>
        %add3A_1973 = arith.constant 6 : i32
        %add3A_1974 = arith.addi %mul3A_1876, %add3A_1973 : i32
        %get3A_1975 = arith.index_cast %add3A_1974 : i32 to index
        %get3A_1976 = arith.constant 0 : index
        %get3A_1977 = tpu.vector_load %arg13[%get3A_1975, %get3A_1976] {strides = array<i32>} : memref<1792x16xf32, #tpu.memory_space<vmem>>, vector<1x16xf32>,
        %get3A_1978 = vector.shape_cast %get3A_1977 : vector<1x16xf32> to vector<16xf32>
        %get3A_1979 = arith.index_cast %add3A_1974 : i32 to index
        %get3A_1980 = arith.constant 0 : index
        %get3A_1981 = tpu.vector_load %arg15[%get3A_1979, %get3A_1980] {strides = array<i32>} : memref<1792x16xf32, #tpu.memory_space<vmem>>, vector<1x16xf32>,
        %get3A_1982 = vector.shape_cast %get3A_1981 : vector<1x16xf32> to vector<16xf32>
        %mul3A_1983 = arith.mulf %get3A_1978, %get3A_1982 : vector<16xf32>
        %slice3A_1984 = vector.extract_strided_slice %get3A_1878 {offsets = [6], sizes = [1], strides = [1]} : vector<16xf32> to vector<1xf32>
        %squeeze3A_1985 = vector.extract %slice3A_1984[0] : f32 from vector<1xf32>
        %mul3A_1986 = vector.broadcast %squeeze3A_1985 : f32 to vector<16xf32>
        %mul3A_1987 = arith.mulf %mul3A_1983, %mul3A_1986 : vector<16xf32>
        %add3A_1988 = arith.addf %scan3A_1873, %mul3A_1987 : vector<16xf32>
        %add3A_1989 = arith.constant 7 : i32
        %add3A_1990 = arith.addi %mul3A_1876, %add3A_1989 : i32
        %get3A_1991 = arith.index_cast %add3A_1990 : i32 to index
        %get3A_1992 = arith.constant 0 : index
        %get3A_1993 = tpu.vector_load %arg13[%get3A_1991, %get3A_1992] {strides = array<i32>} : memref<1792x16xf32, #tpu.memory_space<vmem>>, vector<1x16xf32>,
        %get3A_1994 = vector.shape_cast %get3A_1993 : vector<1x16xf32> to vector<16xf32>
        %get3A_1995 = arith.index_cast %add3A_1990 : i32 to index
        %get3A_1996 = arith.constant 0 : index
        %get3A_1997 = tpu.vector_load %arg15[%get3A_1995, %get3A_1996] {strides = array<i32>} : memref<1792x16xf32, #tpu.memory_space<vmem>>, vector<1x16xf32>,
        %get3A_1998 = vector.shape_cast %get3A_1997 : vector<1x16xf32> to vector<16xf32>
        %mul3A_1999 = arith.mulf %get3A_1994, %get3A_1998 : vector<16xf32>
        %slice3A_2000 = vector.extract_strided_slice %get3A_1878 {offsets = [7], sizes = [1], strides = [1]} : vector<16xf32> to vector<1xf32>
        %squeeze3A_2001 = vector.extract %slice3A_2000[0] : f32 from vector<1xf32>
        %mul3A_2002 = vector.broadcast %squeeze3A_2001 : f32 to vector<16xf32>
        %mul3A_2003 = arith.mulf %mul3A_1999, %mul3A_2002 : vector<16xf32>
        %add3A_2004 = arith.addf %scan3A_1874, %mul3A_2003 : vector<16xf32>
        %add3A_2005 = arith.constant 8 : i32
        %add3A_2006 = arith.addi %mul3A_1876, %add3A_2005 : i32
        %get3A_2007 = arith.index_cast %add3A_2006 : i32 to index
        %get3A_2008 = arith.constant 0 : index
        %get3A_2009 = tpu.vector_load %arg13[%get3A_2007, %get3A_2008] {strides = array<i32>} : memref<1792x16xf32, #tpu.memory_space<vmem>>, vector<1x16xf32>,
        %get3A_2010 = vector.shape_cast %get3A_2009 : vector<1x16xf32> to vector<16xf32>
        %get3A_2011 = arith.index_cast %add3A_2006 : i32 to index
        %get3A_2012 = arith.constant 0 : index
        %get3A_2013 = tpu.vector_load %arg15[%get3A_2011, %get3A_2012] {strides = array<i32>} : memref<1792x16xf32, #tpu.memory_space<vmem>>, vector<1x16xf32>,
        %get3A_2014 = vector.shape_cast %get3A_2013 : vector<1x16xf32> to vector<16xf32>
        %mul3A_2015 = arith.mulf %get3A_2010, %get3A_2014 : vector<16xf32>
        %slice3A_2016 = vector.extract_strided_slice %get3A_1878 {offsets = [8], sizes = [1], strides = [1]} : vector<16xf32> to vector<1xf32>
        %squeeze3A_2017 = vector.extract %slice3A_2016[0] : f32 from vector<1xf32>
        %mul3A_2018 = vector.broadcast %squeeze3A_2017 : f32 to vector<16xf32>
        %mul3A_2019 = arith.mulf %mul3A_2015, %mul3A_2018 : vector<16xf32>
        %add3A_2020 = arith.addf %add3A_1892, %mul3A_2019 : vector<16xf32>
        %add3A_2021 = arith.constant 9 : i32
        %add3A_2022 = arith.addi %mul3A_1876, %add3A_2021 : i32
        %get3A_2023 = arith.index_cast %add3A_2022 : i32 to index
        %get3A_2024 = arith.constant 0 : index
        %get3A_2025 = tpu.vector_load %arg13[%get3A_2023, %get3A_2024] {strides = array<i32>} : memref<1792x16xf32, #tpu.memory_space<vmem>>, vector<1x16xf32>,
        %get3A_2026 = vector.shape_cast %get3A_2025 : vector<1x16xf32> to vector<16xf32>
        %get3A_2027 = arith.index_cast %add3A_2022 : i32 to index
        %get3A_2028 = arith.constant 0 : index
        %get3A_2029 = tpu.vector_load %arg15[%get3A_2027, %get3A_2028] {strides = array<i32>} : memref<1792x16xf32, #tpu.memory_space<vmem>>, vector<1x16xf32>,
        %get3A_2030 = vector.shape_cast %get3A_2029 : vector<1x16xf32> to vector<16xf32>
        %mul3A_2031 = arith.mulf %get3A_2026, %get3A_2030 : vector<16xf32>
        %slice3A_2032 = vector.extract_strided_slice %get3A_1878 {offsets = [9], sizes = [1], strides = [1]} : vector<16xf32> to vector<1xf32>
        %squeeze3A_2033 = vector.extract %slice3A_2032[0] : f32 from vector<1xf32>
        %mul3A_2034 = vector.broadcast %squeeze3A_2033 : f32 to vector<16xf32>
        %mul3A_2035 = arith.mulf %mul3A_2031, %mul3A_2034 : vector<16xf32>
        %add3A_2036 = arith.addf %add3A_1908, %mul3A_2035 : vector<16xf32>
        %add3A_2037 = arith.constant 10 : i32
        %add3A_2038 = arith.addi %mul3A_1876, %add3A_2037 : i32
        %get3A_2039 = arith.index_cast %add3A_2038 : i32 to index
        %get3A_2040 = arith.constant 0 : index
        %get3A_2041 = tpu.vector_load %arg13[%get3A_2039, %get3A_2040] {strides = array<i32>} : memref<1792x16xf32, #tpu.memory_space<vmem>>, vector<1x16xf32>,
        %get3A_2042 = vector.shape_cast %get3A_2041 : vector<1x16xf32> to vector<16xf32>
        %get3A_2043 = arith.index_cast %add3A_2038 : i32 to index
        %get3A_2044 = arith.constant 0 : index
        %get3A_2045 = tpu.vector_load %arg15[%get3A_2043, %get3A_2044] {strides = array<i32>} : memref<1792x16xf32, #tpu.memory_space<vmem>>, vector<1x16xf32>,
        %get3A_2046 = vector.shape_cast %get3A_2045 : vector<1x16xf32> to vector<16xf32>
        %mul3A_2047 = arith.mulf %get3A_2042, %get3A_2046 : vector<16xf32>
        %slice3A_2048 = vector.extract_strided_slice %get3A_1878 {offsets = [10], sizes = [1], strides = [1]} : vector<16xf32> to vector<1xf32>
        %squeeze3A_2049 = vector.extract %slice3A_2048[0] : f32 from vector<1xf32>
        %mul3A_2050 = vector.broadcast %squeeze3A_2049 : f32 to vector<16xf32>
        %mul3A_2051 = arith.mulf %mul3A_2047, %mul3A_2050 : vector<16xf32>
        %add3A_2052 = arith.addf %add3A_1924, %mul3A_2051 : vector<16xf32>
        %add3A_2053 = arith.constant 11 : i32
        %add3A_2054 = arith.addi %mul3A_1876, %add3A_2053 : i32
        %get3A_2055 = arith.index_cast %add3A_2054 : i32 to index
        %get3A_2056 = arith.constant 0 : index
        %get3A_2057 = tpu.vector_load %arg13[%get3A_2055, %get3A_2056] {strides = array<i32>} : memref<1792x16xf32, #tpu.memory_space<vmem>>, vector<1x16xf32>,
        %get3A_2058 = vector.shape_cast %get3A_2057 : vector<1x16xf32> to vector<16xf32>
        %get3A_2059 = arith.index_cast %add3A_2054 : i32 to index
        %get3A_2060 = arith.constant 0 : index
        %get3A_2061 = tpu.vector_load %arg15[%get3A_2059, %get3A_2060] {strides = array<i32>} : memref<1792x16xf32, #tpu.memory_space<vmem>>, vector<1x16xf32>,
        %get3A_2062 = vector.shape_cast %get3A_2061 : vector<1x16xf32> to vector<16xf32>
        %mul3A_2063 = arith.mulf %get3A_2058, %get3A_2062 : vector<16xf32>
        %slice3A_2064 = vector.extract_strided_slice %get3A_1878 {offsets = [11], sizes = [1], strides = [1]} : vector<16xf32> to vector<1xf32>
        %squeeze3A_2065 = vector.extract %slice3A_2064[0] : f32 from vector<1xf32>
        %mul3A_2066 = vector.broadcast %squeeze3A_2065 : f32 to vector<16xf32>
        %mul3A_2067 = arith.mulf %mul3A_2063, %mul3A_2066 : vector<16xf32>
        %add3A_2068 = arith.addf %add3A_1940, %mul3A_2067 : vector<16xf32>
        %add3A_2069 = arith.constant 12 : i32
        %add3A_2070 = arith.addi %mul3A_1876, %add3A_2069 : i32
        %get3A_2071 = arith.index_cast %add3A_2070 : i32 to index
        %get3A_2072 = arith.constant 0 : index
        %get3A_2073 = tpu.vector_load %arg13[%get3A_2071, %get3A_2072] {strides = array<i32>} : memref<1792x16xf32, #tpu.memory_space<vmem>>, vector<1x16xf32>,
        %get3A_2074 = vector.shape_cast %get3A_2073 : vector<1x16xf32> to vector<16xf32>
        %get3A_2075 = arith.index_cast %add3A_2070 : i32 to index
        %get3A_2076 = arith.constant 0 : index
        %get3A_2077 = tpu.vector_load %arg15[%get3A_2075, %get3A_2076] {strides = array<i32>} : memref<1792x16xf32, #tpu.memory_space<vmem>>, vector<1x16xf32>,
        %get3A_2078 = vector.shape_cast %get3A_2077 : vector<1x16xf32> to vector<16xf32>
        %mul3A_2079 = arith.mulf %get3A_2074, %get3A_2078 : vector<16xf32>
        %slice3A_2080 = vector.extract_strided_slice %get3A_1878 {offsets = [12], sizes = [1], strides = [1]} : vector<16xf32> to vector<1xf32>
        %squeeze3A_2081 = vector.extract %slice3A_2080[0] : f32 from vector<1xf32>
        %mul3A_2082 = vector.broadcast %squeeze3A_2081 : f32 to vector<16xf32>
        %mul3A_2083 = arith.mulf %mul3A_2079, %mul3A_2082 : vector<16xf32>
        %add3A_2084 = arith.addf %add3A_1956, %mul3A_2083 : vector<16xf32>
        %add3A_2085 = arith.constant 13 : i32
        %add3A_2086 = arith.addi %mul3A_1876, %add3A_2085 : i32
        %get3A_2087 = arith.index_cast %add3A_2086 : i32 to index
        %get3A_2088 = arith.constant 0 : index
        %get3A_2089 = tpu.vector_load %arg13[%get3A_2087, %get3A_2088] {strides = array<i32>} : memref<1792x16xf32, #tpu.memory_space<vmem>>, vector<1x16xf32>,
        %get3A_2090 = vector.shape_cast %get3A_2089 : vector<1x16xf32> to vector<16xf32>
        %get3A_2091 = arith.index_cast %add3A_2086 : i32 to index
        %get3A_2092 = arith.constant 0 : index
        %get3A_2093 = tpu.vector_load %arg15[%get3A_2091, %get3A_2092] {strides = array<i32>} : memref<1792x16xf32, #tpu.memory_space<vmem>>, vector<1x16xf32>,
        %get3A_2094 = vector.shape_cast %get3A_2093 : vector<1x16xf32> to vector<16xf32>
        %mul3A_2095 = arith.mulf %get3A_2090, %get3A_2094 : vector<16xf32>
        %slice3A_2096 = vector.extract_strided_slice %get3A_1878 {offsets = [13], sizes = [1], strides = [1]} : vector<16xf32> to vector<1xf32>
        %squeeze3A_2097 = vector.extract %slice3A_2096[0] : f32 from vector<1xf32>
        %mul3A_2098 = vector.broadcast %squeeze3A_2097 : f32 to vector<16xf32>
        %mul3A_2099 = arith.mulf %mul3A_2095, %mul3A_2098 : vector<16xf32>
        %add3A_2100 = arith.addf %add3A_1972, %mul3A_2099 : vector<16xf32>
        %add3A_2101 = arith.constant 14 : i32
        %add3A_2102 = arith.addi %mul3A_1876, %add3A_2101 : i32
        %get3A_2103 = arith.index_cast %add3A_2102 : i32 to index
        %get3A_2104 = arith.constant 0 : index
        %get3A_2105 = tpu.vector_load %arg13[%get3A_2103, %get3A_2104] {strides = array<i32>} : memref<1792x16xf32, #tpu.memory_space<vmem>>, vector<1x16xf32>,
        %get3A_2106 = vector.shape_cast %get3A_2105 : vector<1x16xf32> to vector<16xf32>
        %get3A_2107 = arith.index_cast %add3A_2102 : i32 to index
        %get3A_2108 = arith.constant 0 : index
        %get3A_2109 = tpu.vector_load %arg15[%get3A_2107, %get3A_2108] {strides = array<i32>} : memref<1792x16xf32, #tpu.memory_space<vmem>>, vector<1x16xf32>,
        %get3A_2110 = vector.shape_cast %get3A_2109 : vector<1x16xf32> to vector<16xf32>
        %mul3A_2111 = arith.mulf %get3A_2106, %get3A_2110 : vector<16xf32>
        %slice3A_2112 = vector.extract_strided_slice %get3A_1878 {offsets = [14], sizes = [1], strides = [1]} : vector<16xf32> to vector<1xf32>
        %squeeze3A_2113 = vector.extract %slice3A_2112[0] : f32 from vector<1xf32>
        %mul3A_2114 = vector.broadcast %squeeze3A_2113 : f32 to vector<16xf32>
        %mul3A_2115 = arith.mulf %mul3A_2111, %mul3A_2114 : vector<16xf32>
        %add3A_2116 = arith.addf %add3A_1988, %mul3A_2115 : vector<16xf32>
        %add3A_2117 = arith.constant 15 : i32
        %add3A_2118 = arith.addi %mul3A_1876, %add3A_2117 : i32
        %get3A_2119 = arith.index_cast %add3A_2118 : i32 to index
        %get3A_2120 = arith.constant 0 : index
        %get3A_2121 = tpu.vector_load %arg13[%get3A_2119, %get3A_2120] {strides = array<i32>} : memref<1792x16xf32, #tpu.memory_space<vmem>>, vector<1x16xf32>,
        %get3A_2122 = vector.shape_cast %get3A_2121 : vector<1x16xf32> to vector<16xf32>
        %get3A_2123 = arith.index_cast %add3A_2118 : i32 to index
        %get3A_2124 = arith.constant 0 : index
        %get3A_2125 = tpu.vector_load %arg15[%get3A_2123, %get3A_2124] {strides = array<i32>} : memref<1792x16xf32, #tpu.memory_space<vmem>>, vector<1x16xf32>,
        %get3A_2126 = vector.shape_cast %get3A_2125 : vector<1x16xf32> to vector<16xf32>
        %mul3A_2127 = arith.mulf %get3A_2122, %get3A_2126 : vector<16xf32>
        %slice3A_2128 = vector.extract_strided_slice %get3A_1878 {offsets = [15], sizes = [1], strides = [1]} : vector<16xf32> to vector<1xf32>
        %squeeze3A_2129 = vector.extract %slice3A_2128[0] : f32 from vector<1xf32>
        %mul3A_2130 = vector.broadcast %squeeze3A_2129 : f32 to vector<16xf32>
        %mul3A_2131 = arith.mulf %mul3A_2127, %mul3A_2130 : vector<16xf32>
        %add3A_2132 = arith.addf %add3A_2004, %mul3A_2131 : vector<16xf32>
        scf.yield %add3A_2020, %add3A_2036, %add3A_2052, %add3A_2068, %add3A_2084, %add3A_2100, %add3A_2116, %add3A_2132 : vector<16xf32>, vector<16xf32>, vector<16xf32>, vector<16xf32>, vector<16xf32>, vector<16xf32>, vector<16xf32>, vector<16xf32>
      }
      %scan3A_1382 = arith.constant 112 : i32
      %add3A_1383 = arith.constant 2 : i32
      %add3A_1384 = arith.addi %mul3A_905, %add3A_1383 : i32
      %mul3A_1385 = arith.constant 1792 : i32
      %mul3A_1386 = arith.muli %add3A_1384, %mul3A_1385 : i32
      %add3A_1387 = arith.addi %mul3A_3, %mul3A_1386 : i32
      %dma_start3A_1388 = tpu.memref_slice %arg3[%add3A_1387] : memref<3200000xf32, #tpu.memory_space<hbm>> -> memref<1792xf32, #tpu.memory_space<hbm>>
      %dma_start3A_1389 = tpu.memref_slice %arg3[%add3A_1387] : memref<3200000xf32, #tpu.memory_space<hbm>> -> memref<1792xf32, #tpu.memory_space<hbm>>
      tpu.enqueue_dma source(%dma_start3A_1389 : memref<1792xf32, #tpu.memory_space<hbm>>) target(%arg11 : memref<1792xf32, #tpu.memory_space<vmem>>) target_semaphore(%arg22 : memref<!tpu.dma_semaphore, #tpu.memory_space<semaphore_mem>>)
      %add3A_1390 = arith.constant 2 : i32
      %add3A_1391 = arith.addi %mul3A_905, %add3A_1390 : i32
      %mul3A_1392 = arith.constant 1792 : i32
      %mul3A_1393 = arith.muli %add3A_1391, %mul3A_1392 : i32
      %add3A_1394 = arith.addi %mul3A_3, %mul3A_1393 : i32
      %dma_wait3A_1395 = tpu.memref_slice %arg4[%add3A_1394] : memref<3200000xi32, #tpu.memory_space<hbm>> -> memref<1792xi32, #tpu.memory_space<hbm>>
      %dma_wait3A_1396 = tpu.memref_slice %arg4[%add3A_1394] : memref<3200000xi32, #tpu.memory_space<hbm>> -> memref<1792xi32, #tpu.memory_space<hbm>>
      tpu.wait_dma2 semaphore(%arg20 : memref<!tpu.dma_semaphore, #tpu.memory_space<semaphore_mem>>) src(%dma_wait3A_1396 : memref<1792xi32, #tpu.memory_space<hbm>>) dst(%arg7 : memref<1792xi32, #tpu.memory_space<vmem>>)
      %dma_wait3A_1397 = tpu.memref_slice %arg5[%add3A_1394] : memref<3200000xi32, #tpu.memory_space<hbm>> -> memref<1792xi32, #tpu.memory_space<hbm>>
      %dma_wait3A_1398 = tpu.memref_slice %arg5[%add3A_1394] : memref<3200000xi32, #tpu.memory_space<hbm>> -> memref<1792xi32, #tpu.memory_space<hbm>>
      tpu.wait_dma2 semaphore(%arg20 : memref<!tpu.dma_semaphore, #tpu.memory_space<semaphore_mem>>) src(%dma_wait3A_1398 : memref<1792xi32, #tpu.memory_space<hbm>>) dst(%arg9 : memref<1792xi32, #tpu.memory_space<vmem>>)
      %dma_start3A_1399 = arith.constant 0 : i32
      %dma_start3A_1400 = arith.constant 0 : i32
      %dma_start3A_1401 = tpu.memref_slice %arg13[%dma_start3A_1399, %dma_start3A_1400] : memref<1792x16xf32, #tpu.memory_space<vmem>> -> memref<128x16xf32, #tpu.memory_space<vmem>>
      %dma_start3A_1402 = arith.constant 0 : i32
      %dma_start3A_1403 = tpu.memref_slice %arg7[%dma_start3A_1402] : memref<1792xi32, #tpu.memory_space<vmem>> -> memref<128xi32, #tpu.memory_space<vmem>>
      %dma_start3A_1404 = arith.constant 0 : i32
      %dma_start3A_1405 = arith.constant 0 : i32
      %dma_start3A_1406 = tpu.memref_slice %arg2[%dma_start3A_1404, %dma_start3A_1405] : memref<100000x16xf32, #tpu.memory_space<hbm>> -> memref<100000x16xf32, #tpu.memory_space<hbm>>
      tpu.enqueue_indirect_dma source(%dma_start3A_1406 : memref<100000x16xf32, #tpu.memory_space<hbm>>) target(%dma_start3A_1401 : memref<128x16xf32, #tpu.memory_space<vmem>>) offsets(%dma_start3A_1403 : memref<128xi32, #tpu.memory_space<vmem>>) semaphore(%arg24 : memref<!tpu.dma_semaphore, #tpu.memory_space<semaphore_mem>>)
      %dma_start3A_1407 = arith.constant 0 : i32
      %dma_start3A_1408 = arith.constant 0 : i32
      %dma_start3A_1409 = tpu.memref_slice %arg15[%dma_start3A_1407, %dma_start3A_1408] : memref<1792x16xf32, #tpu.memory_space<vmem>> -> memref<128x16xf32, #tpu.memory_space<vmem>>
      %dma_start3A_1410 = arith.constant 0 : i32
      %dma_start3A_1411 = tpu.memref_slice %arg9[%dma_start3A_1410] : memref<1792xi32, #tpu.memory_space<vmem>> -> memref<128xi32, #tpu.memory_space<vmem>>
      %dma_start3A_1412 = arith.constant 0 : i32
      %dma_start3A_1413 = arith.constant 0 : i32
      %dma_start3A_1414 = tpu.memref_slice %arg2[%dma_start3A_1412, %dma_start3A_1413] : memref<100000x16xf32, #tpu.memory_space<hbm>> -> memref<100000x16xf32, #tpu.memory_space<hbm>>
      tpu.enqueue_indirect_dma source(%dma_start3A_1414 : memref<100000x16xf32, #tpu.memory_space<hbm>>) target(%dma_start3A_1409 : memref<128x16xf32, #tpu.memory_space<vmem>>) offsets(%dma_start3A_1411 : memref<128xi32, #tpu.memory_space<vmem>>) semaphore(%arg24 : memref<!tpu.dma_semaphore, #tpu.memory_space<semaphore_mem>>)
      %dma_start3A_1415 = arith.constant 128 : i32
      %dma_start3A_1416 = arith.constant 0 : i32
      %dma_start3A_1417 = tpu.memref_slice %arg13[%dma_start3A_1415, %dma_start3A_1416] : memref<1792x16xf32, #tpu.memory_space<vmem>> -> memref<128x16xf32, #tpu.memory_space<vmem>>
      %dma_start3A_1418 = arith.constant 128 : i32
      %dma_start3A_1419 = tpu.memref_slice %arg7[%dma_start3A_1418] : memref<1792xi32, #tpu.memory_space<vmem>> -> memref<128xi32, #tpu.memory_space<vmem>>
      %dma_start3A_1420 = arith.constant 0 : i32
      %dma_start3A_1421 = arith.constant 0 : i32
      %dma_start3A_1422 = tpu.memref_slice %arg2[%dma_start3A_1420, %dma_start3A_1421] : memref<100000x16xf32, #tpu.memory_space<hbm>> -> memref<100000x16xf32, #tpu.memory_space<hbm>>
      tpu.enqueue_indirect_dma source(%dma_start3A_1422 : memref<100000x16xf32, #tpu.memory_space<hbm>>) target(%dma_start3A_1417 : memref<128x16xf32, #tpu.memory_space<vmem>>) offsets(%dma_start3A_1419 : memref<128xi32, #tpu.memory_space<vmem>>) semaphore(%arg24 : memref<!tpu.dma_semaphore, #tpu.memory_space<semaphore_mem>>)
      %dma_start3A_1423 = arith.constant 128 : i32
      %dma_start3A_1424 = arith.constant 0 : i32
      %dma_start3A_1425 = tpu.memref_slice %arg15[%dma_start3A_1423, %dma_start3A_1424] : memref<1792x16xf32, #tpu.memory_space<vmem>> -> memref<128x16xf32, #tpu.memory_space<vmem>>
      %dma_start3A_1426 = arith.constant 128 : i32
      %dma_start3A_1427 = tpu.memref_slice %arg9[%dma_start3A_1426] : memref<1792xi32, #tpu.memory_space<vmem>> -> memref<128xi32, #tpu.memory_space<vmem>>
      %dma_start3A_1428 = arith.constant 0 : i32
      %dma_start3A_1429 = arith.constant 0 : i32
      %dma_start3A_1430 = tpu.memref_slice %arg2[%dma_start3A_1428, %dma_start3A_1429] : memref<100000x16xf32, #tpu.memory_space<hbm>> -> memref<100000x16xf32, #tpu.memory_space<hbm>>
      tpu.enqueue_indirect_dma source(%dma_start3A_1430 : memref<100000x16xf32, #tpu.memory_space<hbm>>) target(%dma_start3A_1425 : memref<128x16xf32, #tpu.memory_space<vmem>>) offsets(%dma_start3A_1427 : memref<128xi32, #tpu.memory_space<vmem>>) semaphore(%arg24 : memref<!tpu.dma_semaphore, #tpu.memory_space<semaphore_mem>>)
      %dma_start3A_1431 = arith.constant 256 : i32
      %dma_start3A_1432 = arith.constant 0 : i32
      %dma_start3A_1433 = tpu.memref_slice %arg13[%dma_start3A_1431, %dma_start3A_1432] : memref<1792x16xf32, #tpu.memory_space<vmem>> -> memref<128x16xf32, #tpu.memory_space<vmem>>
      %dma_start3A_1434 = arith.constant 256 : i32
      %dma_start3A_1435 = tpu.memref_slice %arg7[%dma_start3A_1434] : memref<1792xi32, #tpu.memory_space<vmem>> -> memref<128xi32, #tpu.memory_space<vmem>>
      %dma_start3A_1436 = arith.constant 0 : i32
      %dma_start3A_1437 = arith.constant 0 : i32
      %dma_start3A_1438 = tpu.memref_slice %arg2[%dma_start3A_1436, %dma_start3A_1437] : memref<100000x16xf32, #tpu.memory_space<hbm>> -> memref<100000x16xf32, #tpu.memory_space<hbm>>
      tpu.enqueue_indirect_dma source(%dma_start3A_1438 : memref<100000x16xf32, #tpu.memory_space<hbm>>) target(%dma_start3A_1433 : memref<128x16xf32, #tpu.memory_space<vmem>>) offsets(%dma_start3A_1435 : memref<128xi32, #tpu.memory_space<vmem>>) semaphore(%arg24 : memref<!tpu.dma_semaphore, #tpu.memory_space<semaphore_mem>>)
      %dma_start3A_1439 = arith.constant 256 : i32
      %dma_start3A_1440 = arith.constant 0 : i32
      %dma_start3A_1441 = tpu.memref_slice %arg15[%dma_start3A_1439, %dma_start3A_1440] : memref<1792x16xf32, #tpu.memory_space<vmem>> -> memref<128x16xf32, #tpu.memory_space<vmem>>
      %dma_start3A_1442 = arith.constant 256 : i32
      %dma_start3A_1443 = tpu.memref_slice %arg9[%dma_start3A_1442] : memref<1792xi32, #tpu.memory_space<vmem>> -> memref<128xi32, #tpu.memory_space<vmem>>
      %dma_start3A_1444 = arith.constant 0 : i32
      %dma_start3A_1445 = arith.constant 0 : i32
      %dma_start3A_1446 = tpu.memref_slice %arg2[%dma_start3A_1444, %dma_start3A_1445] : memref<100000x16xf32, #tpu.memory_space<hbm>> -> memref<100000x16xf32, #tpu.memory_space<hbm>>
      tpu.enqueue_indirect_dma source(%dma_start3A_1446 : memref<100000x16xf32, #tpu.memory_space<hbm>>) target(%dma_start3A_1441 : memref<128x16xf32, #tpu.memory_space<vmem>>) offsets(%dma_start3A_1443 : memref<128xi32, #tpu.memory_space<vmem>>) semaphore(%arg24 : memref<!tpu.dma_semaphore, #tpu.memory_space<semaphore_mem>>)
      %dma_start3A_1447 = arith.constant 384 : i32
      %dma_start3A_1448 = arith.constant 0 : i32
      %dma_start3A_1449 = tpu.memref_slice %arg13[%dma_start3A_1447, %dma_start3A_1448] : memref<1792x16xf32, #tpu.memory_space<vmem>> -> memref<128x16xf32, #tpu.memory_space<vmem>>
      %dma_start3A_1450 = arith.constant 384 : i32
      %dma_start3A_1451 = tpu.memref_slice %arg7[%dma_start3A_1450] : memref<1792xi32, #tpu.memory_space<vmem>> -> memref<128xi32, #tpu.memory_space<vmem>>
      %dma_start3A_1452 = arith.constant 0 : i32
      %dma_start3A_1453 = arith.constant 0 : i32
      %dma_start3A_1454 = tpu.memref_slice %arg2[%dma_start3A_1452, %dma_start3A_1453] : memref<100000x16xf32, #tpu.memory_space<hbm>> -> memref<100000x16xf32, #tpu.memory_space<hbm>>
      tpu.enqueue_indirect_dma source(%dma_start3A_1454 : memref<100000x16xf32, #tpu.memory_space<hbm>>) target(%dma_start3A_1449 : memref<128x16xf32, #tpu.memory_space<vmem>>) offsets(%dma_start3A_1451 : memref<128xi32, #tpu.memory_space<vmem>>) semaphore(%arg24 : memref<!tpu.dma_semaphore, #tpu.memory_space<semaphore_mem>>)
      %dma_start3A_1455 = arith.constant 384 : i32
      %dma_start3A_1456 = arith.constant 0 : i32
      %dma_start3A_1457 = tpu.memref_slice %arg15[%dma_start3A_1455, %dma_start3A_1456] : memref<1792x16xf32, #tpu.memory_space<vmem>> -> memref<128x16xf32, #tpu.memory_space<vmem>>
      %dma_start3A_1458 = arith.constant 384 : i32
      %dma_start3A_1459 = tpu.memref_slice %arg9[%dma_start3A_1458] : memref<1792xi32, #tpu.memory_space<vmem>> -> memref<128xi32, #tpu.memory_space<vmem>>
      %dma_start3A_1460 = arith.constant 0 : i32
      %dma_start3A_1461 = arith.constant 0 : i32
      %dma_start3A_1462 = tpu.memref_slice %arg2[%dma_start3A_1460, %dma_start3A_1461] : memref<100000x16xf32, #tpu.memory_space<hbm>> -> memref<100000x16xf32, #tpu.memory_space<hbm>>
      tpu.enqueue_indirect_dma source(%dma_start3A_1462 : memref<100000x16xf32, #tpu.memory_space<hbm>>) target(%dma_start3A_1457 : memref<128x16xf32, #tpu.memory_space<vmem>>) offsets(%dma_start3A_1459 : memref<128xi32, #tpu.memory_space<vmem>>) semaphore(%arg24 : memref<!tpu.dma_semaphore, #tpu.memory_space<semaphore_mem>>)
      %dma_start3A_1463 = arith.constant 512 : i32
      %dma_start3A_1464 = arith.constant 0 : i32
      %dma_start3A_1465 = tpu.memref_slice %arg13[%dma_start3A_1463, %dma_start3A_1464] : memref<1792x16xf32, #tpu.memory_space<vmem>> -> memref<128x16xf32, #tpu.memory_space<vmem>>
      %dma_start3A_1466 = arith.constant 512 : i32
      %dma_start3A_1467 = tpu.memref_slice %arg7[%dma_start3A_1466] : memref<1792xi32, #tpu.memory_space<vmem>> -> memref<128xi32, #tpu.memory_space<vmem>>
      %dma_start3A_1468 = arith.constant 0 : i32
      %dma_start3A_1469 = arith.constant 0 : i32
      %dma_start3A_1470 = tpu.memref_slice %arg2[%dma_start3A_1468, %dma_start3A_1469] : memref<100000x16xf32, #tpu.memory_space<hbm>> -> memref<100000x16xf32, #tpu.memory_space<hbm>>
      tpu.enqueue_indirect_dma source(%dma_start3A_1470 : memref<100000x16xf32, #tpu.memory_space<hbm>>) target(%dma_start3A_1465 : memref<128x16xf32, #tpu.memory_space<vmem>>) offsets(%dma_start3A_1467 : memref<128xi32, #tpu.memory_space<vmem>>) semaphore(%arg24 : memref<!tpu.dma_semaphore, #tpu.memory_space<semaphore_mem>>)
      %dma_start3A_1471 = arith.constant 512 : i32
      %dma_start3A_1472 = arith.constant 0 : i32
      %dma_start3A_1473 = tpu.memref_slice %arg15[%dma_start3A_1471, %dma_start3A_1472] : memref<1792x16xf32, #tpu.memory_space<vmem>> -> memref<128x16xf32, #tpu.memory_space<vmem>>
      %dma_start3A_1474 = arith.constant 512 : i32
      %dma_start3A_1475 = tpu.memref_slice %arg9[%dma_start3A_1474] : memref<1792xi32, #tpu.memory_space<vmem>> -> memref<128xi32, #tpu.memory_space<vmem>>
      %dma_start3A_1476 = arith.constant 0 : i32
      %dma_start3A_1477 = arith.constant 0 : i32
      %dma_start3A_1478 = tpu.memref_slice %arg2[%dma_start3A_1476, %dma_start3A_1477] : memref<100000x16xf32, #tpu.memory_space<hbm>> -> memref<100000x16xf32, #tpu.memory_space<hbm>>
      tpu.enqueue_indirect_dma source(%dma_start3A_1478 : memref<100000x16xf32, #tpu.memory_space<hbm>>) target(%dma_start3A_1473 : memref<128x16xf32, #tpu.memory_space<vmem>>) offsets(%dma_start3A_1475 : memref<128xi32, #tpu.memory_space<vmem>>) semaphore(%arg24 : memref<!tpu.dma_semaphore, #tpu.memory_space<semaphore_mem>>)
      %dma_start3A_1479 = arith.constant 640 : i32
      %dma_start3A_1480 = arith.constant 0 : i32
      %dma_start3A_1481 = tpu.memref_slice %arg13[%dma_start3A_1479, %dma_start3A_1480] : memref<1792x16xf32, #tpu.memory_space<vmem>> -> memref<128x16xf32, #tpu.memory_space<vmem>>
      %dma_start3A_1482 = arith.constant 640 : i32
      %dma_start3A_1483 = tpu.memref_slice %arg7[%dma_start3A_1482] : memref<1792xi32, #tpu.memory_space<vmem>> -> memref<128xi32, #tpu.memory_space<vmem>>
      %dma_start3A_1484 = arith.constant 0 : i32
      %dma_start3A_1485 = arith.constant 0 : i32
      %dma_start3A_1486 = tpu.memref_slice %arg2[%dma_start3A_1484, %dma_start3A_1485] : memref<100000x16xf32, #tpu.memory_space<hbm>> -> memref<100000x16xf32, #tpu.memory_space<hbm>>
      tpu.enqueue_indirect_dma source(%dma_start3A_1486 : memref<100000x16xf32, #tpu.memory_space<hbm>>) target(%dma_start3A_1481 : memref<128x16xf32, #tpu.memory_space<vmem>>) offsets(%dma_start3A_1483 : memref<128xi32, #tpu.memory_space<vmem>>) semaphore(%arg24 : memref<!tpu.dma_semaphore, #tpu.memory_space<semaphore_mem>>)
      %dma_start3A_1487 = arith.constant 640 : i32
      %dma_start3A_1488 = arith.constant 0 : i32
      %dma_start3A_1489 = tpu.memref_slice %arg15[%dma_start3A_1487, %dma_start3A_1488] : memref<1792x16xf32, #tpu.memory_space<vmem>> -> memref<128x16xf32, #tpu.memory_space<vmem>>
      %dma_start3A_1490 = arith.constant 640 : i32
      %dma_start3A_1491 = tpu.memref_slice %arg9[%dma_start3A_1490] : memref<1792xi32, #tpu.memory_space<vmem>> -> memref<128xi32, #tpu.memory_space<vmem>>
      %dma_start3A_1492 = arith.constant 0 : i32
      %dma_start3A_1493 = arith.constant 0 : i32
      %dma_start3A_1494 = tpu.memref_slice %arg2[%dma_start3A_1492, %dma_start3A_1493] : memref<100000x16xf32, #tpu.memory_space<hbm>> -> memref<100000x16xf32, #tpu.memory_space<hbm>>
      tpu.enqueue_indirect_dma source(%dma_start3A_1494 : memref<100000x16xf32, #tpu.memory_space<hbm>>) target(%dma_start3A_1489 : memref<128x16xf32, #tpu.memory_space<vmem>>) offsets(%dma_start3A_1491 : memref<128xi32, #tpu.memory_space<vmem>>) semaphore(%arg24 : memref<!tpu.dma_semaphore, #tpu.memory_space<semaphore_mem>>)
      %dma_start3A_1495 = arith.constant 768 : i32
      %dma_start3A_1496 = arith.constant 0 : i32
      %dma_start3A_1497 = tpu.memref_slice %arg13[%dma_start3A_1495, %dma_start3A_1496] : memref<1792x16xf32, #tpu.memory_space<vmem>> -> memref<128x16xf32, #tpu.memory_space<vmem>>
      %dma_start3A_1498 = arith.constant 768 : i32
      %dma_start3A_1499 = tpu.memref_slice %arg7[%dma_start3A_1498] : memref<1792xi32, #tpu.memory_space<vmem>> -> memref<128xi32, #tpu.memory_space<vmem>>
      %dma_start3A_1500 = arith.constant 0 : i32
      %dma_start3A_1501 = arith.constant 0 : i32
      %dma_start3A_1502 = tpu.memref_slice %arg2[%dma_start3A_1500, %dma_start3A_1501] : memref<100000x16xf32, #tpu.memory_space<hbm>> -> memref<100000x16xf32, #tpu.memory_space<hbm>>
      tpu.enqueue_indirect_dma source(%dma_start3A_1502 : memref<100000x16xf32, #tpu.memory_space<hbm>>) target(%dma_start3A_1497 : memref<128x16xf32, #tpu.memory_space<vmem>>) offsets(%dma_start3A_1499 : memref<128xi32, #tpu.memory_space<vmem>>) semaphore(%arg24 : memref<!tpu.dma_semaphore, #tpu.memory_space<semaphore_mem>>)
      %dma_start3A_1503 = arith.constant 768 : i32
      %dma_start3A_1504 = arith.constant 0 : i32
      %dma_start3A_1505 = tpu.memref_slice %arg15[%dma_start3A_1503, %dma_start3A_1504] : memref<1792x16xf32, #tpu.memory_space<vmem>> -> memref<128x16xf32, #tpu.memory_space<vmem>>
      %dma_start3A_1506 = arith.constant 768 : i32
      %dma_start3A_1507 = tpu.memref_slice %arg9[%dma_start3A_1506] : memref<1792xi32, #tpu.memory_space<vmem>> -> memref<128xi32, #tpu.memory_space<vmem>>
      %dma_start3A_1508 = arith.constant 0 : i32
      %dma_start3A_1509 = arith.constant 0 : i32
      %dma_start3A_1510 = tpu.memref_slice %arg2[%dma_start3A_1508, %dma_start3A_1509] : memref<100000x16xf32, #tpu.memory_space<hbm>> -> memref<100000x16xf32, #tpu.memory_space<hbm>>
      tpu.enqueue_indirect_dma source(%dma_start3A_1510 : memref<100000x16xf32, #tpu.memory_space<hbm>>) target(%dma_start3A_1505 : memref<128x16xf32, #tpu.memory_space<vmem>>) offsets(%dma_start3A_1507 : memref<128xi32, #tpu.memory_space<vmem>>) semaphore(%arg24 : memref<!tpu.dma_semaphore, #tpu.memory_space<semaphore_mem>>)
      %dma_start3A_1511 = arith.constant 896 : i32
      %dma_start3A_1512 = arith.constant 0 : i32
      %dma_start3A_1513 = tpu.memref_slice %arg13[%dma_start3A_1511, %dma_start3A_1512] : memref<1792x16xf32, #tpu.memory_space<vmem>> -> memref<128x16xf32, #tpu.memory_space<vmem>>
      %dma_start3A_1514 = arith.constant 896 : i32
      %dma_start3A_1515 = tpu.memref_slice %arg7[%dma_start3A_1514] : memref<1792xi32, #tpu.memory_space<vmem>> -> memref<128xi32, #tpu.memory_space<vmem>>
      %dma_start3A_1516 = arith.constant 0 : i32
      %dma_start3A_1517 = arith.constant 0 : i32
      %dma_start3A_1518 = tpu.memref_slice %arg2[%dma_start3A_1516, %dma_start3A_1517] : memref<100000x16xf32, #tpu.memory_space<hbm>> -> memref<100000x16xf32, #tpu.memory_space<hbm>>
      tpu.enqueue_indirect_dma source(%dma_start3A_1518 : memref<100000x16xf32, #tpu.memory_space<hbm>>) target(%dma_start3A_1513 : memref<128x16xf32, #tpu.memory_space<vmem>>) offsets(%dma_start3A_1515 : memref<128xi32, #tpu.memory_space<vmem>>) semaphore(%arg24 : memref<!tpu.dma_semaphore, #tpu.memory_space<semaphore_mem>>)
      %dma_start3A_1519 = arith.constant 896 : i32
      %dma_start3A_1520 = arith.constant 0 : i32
      %dma_start3A_1521 = tpu.memref_slice %arg15[%dma_start3A_1519, %dma_start3A_1520] : memref<1792x16xf32, #tpu.memory_space<vmem>> -> memref<128x16xf32, #tpu.memory_space<vmem>>
      %dma_start3A_1522 = arith.constant 896 : i32
      %dma_start3A_1523 = tpu.memref_slice %arg9[%dma_start3A_1522] : memref<1792xi32, #tpu.memory_space<vmem>> -> memref<128xi32, #tpu.memory_space<vmem>>
      %dma_start3A_1524 = arith.constant 0 : i32
      %dma_start3A_1525 = arith.constant 0 : i32
      %dma_start3A_1526 = tpu.memref_slice %arg2[%dma_start3A_1524, %dma_start3A_1525] : memref<100000x16xf32, #tpu.memory_space<hbm>> -> memref<100000x16xf32, #tpu.memory_space<hbm>>
      tpu.enqueue_indirect_dma source(%dma_start3A_1526 : memref<100000x16xf32, #tpu.memory_space<hbm>>) target(%dma_start3A_1521 : memref<128x16xf32, #tpu.memory_space<vmem>>) offsets(%dma_start3A_1523 : memref<128xi32, #tpu.memory_space<vmem>>) semaphore(%arg24 : memref<!tpu.dma_semaphore, #tpu.memory_space<semaphore_mem>>)
      %dma_start3A_1527 = arith.constant 1024 : i32
      %dma_start3A_1528 = arith.constant 0 : i32
      %dma_start3A_1529 = tpu.memref_slice %arg13[%dma_start3A_1527, %dma_start3A_1528] : memref<1792x16xf32, #tpu.memory_space<vmem>> -> memref<128x16xf32, #tpu.memory_space<vmem>>
      %dma_start3A_1530 = arith.constant 1024 : i32
      %dma_start3A_1531 = tpu.memref_slice %arg7[%dma_start3A_1530] : memref<1792xi32, #tpu.memory_space<vmem>> -> memref<128xi32, #tpu.memory_space<vmem>>
      %dma_start3A_1532 = arith.constant 0 : i32
      %dma_start3A_1533 = arith.constant 0 : i32
      %dma_start3A_1534 = tpu.memref_slice %arg2[%dma_start3A_1532, %dma_start3A_1533] : memref<100000x16xf32, #tpu.memory_space<hbm>> -> memref<100000x16xf32, #tpu.memory_space<hbm>>
      tpu.enqueue_indirect_dma source(%dma_start3A_1534 : memref<100000x16xf32, #tpu.memory_space<hbm>>) target(%dma_start3A_1529 : memref<128x16xf32, #tpu.memory_space<vmem>>) offsets(%dma_start3A_1531 : memref<128xi32, #tpu.memory_space<vmem>>) semaphore(%arg24 : memref<!tpu.dma_semaphore, #tpu.memory_space<semaphore_mem>>)
      %dma_start3A_1535 = arith.constant 1024 : i32
      %dma_start3A_1536 = arith.constant 0 : i32
      %dma_start3A_1537 = tpu.memref_slice %arg15[%dma_start3A_1535, %dma_start3A_1536] : memref<1792x16xf32, #tpu.memory_space<vmem>> -> memref<128x16xf32, #tpu.memory_space<vmem>>
      %dma_start3A_1538 = arith.constant 1024 : i32
      %dma_start3A_1539 = tpu.memref_slice %arg9[%dma_start3A_1538] : memref<1792xi32, #tpu.memory_space<vmem>> -> memref<128xi32, #tpu.memory_space<vmem>>
      %dma_start3A_1540 = arith.constant 0 : i32
      %dma_start3A_1541 = arith.constant 0 : i32
      %dma_start3A_1542 = tpu.memref_slice %arg2[%dma_start3A_1540, %dma_start3A_1541] : memref<100000x16xf32, #tpu.memory_space<hbm>> -> memref<100000x16xf32, #tpu.memory_space<hbm>>
      tpu.enqueue_indirect_dma source(%dma_start3A_1542 : memref<100000x16xf32, #tpu.memory_space<hbm>>) target(%dma_start3A_1537 : memref<128x16xf32, #tpu.memory_space<vmem>>) offsets(%dma_start3A_1539 : memref<128xi32, #tpu.memory_space<vmem>>) semaphore(%arg24 : memref<!tpu.dma_semaphore, #tpu.memory_space<semaphore_mem>>)
      %dma_start3A_1543 = arith.constant 1152 : i32
      %dma_start3A_1544 = arith.constant 0 : i32
      %dma_start3A_1545 = tpu.memref_slice %arg13[%dma_start3A_1543, %dma_start3A_1544] : memref<1792x16xf32, #tpu.memory_space<vmem>> -> memref<128x16xf32, #tpu.memory_space<vmem>>
      %dma_start3A_1546 = arith.constant 1152 : i32
      %dma_start3A_1547 = tpu.memref_slice %arg7[%dma_start3A_1546] : memref<1792xi32, #tpu.memory_space<vmem>> -> memref<128xi32, #tpu.memory_space<vmem>>
      %dma_start3A_1548 = arith.constant 0 : i32
      %dma_start3A_1549 = arith.constant 0 : i32
      %dma_start3A_1550 = tpu.memref_slice %arg2[%dma_start3A_1548, %dma_start3A_1549] : memref<100000x16xf32, #tpu.memory_space<hbm>> -> memref<100000x16xf32, #tpu.memory_space<hbm>>
      tpu.enqueue_indirect_dma source(%dma_start3A_1550 : memref<100000x16xf32, #tpu.memory_space<hbm>>) target(%dma_start3A_1545 : memref<128x16xf32, #tpu.memory_space<vmem>>) offsets(%dma_start3A_1547 : memref<128xi32, #tpu.memory_space<vmem>>) semaphore(%arg24 : memref<!tpu.dma_semaphore, #tpu.memory_space<semaphore_mem>>)
      %dma_start3A_1551 = arith.constant 1152 : i32
      %dma_start3A_1552 = arith.constant 0 : i32
      %dma_start3A_1553 = tpu.memref_slice %arg15[%dma_start3A_1551, %dma_start3A_1552] : memref<1792x16xf32, #tpu.memory_space<vmem>> -> memref<128x16xf32, #tpu.memory_space<vmem>>
      %dma_start3A_1554 = arith.constant 1152 : i32
      %dma_start3A_1555 = tpu.memref_slice %arg9[%dma_start3A_1554] : memref<1792xi32, #tpu.memory_space<vmem>> -> memref<128xi32, #tpu.memory_space<vmem>>
      %dma_start3A_1556 = arith.constant 0 : i32
      %dma_start3A_1557 = arith.constant 0 : i32
      %dma_start3A_1558 = tpu.memref_slice %arg2[%dma_start3A_1556, %dma_start3A_1557] : memref<100000x16xf32, #tpu.memory_space<hbm>> -> memref<100000x16xf32, #tpu.memory_space<hbm>>
      tpu.enqueue_indirect_dma source(%dma_start3A_1558 : memref<100000x16xf32, #tpu.memory_space<hbm>>) target(%dma_start3A_1553 : memref<128x16xf32, #tpu.memory_space<vmem>>) offsets(%dma_start3A_1555 : memref<128xi32, #tpu.memory_space<vmem>>) semaphore(%arg24 : memref<!tpu.dma_semaphore, #tpu.memory_space<semaphore_mem>>)
      %dma_start3A_1559 = arith.constant 1280 : i32
      %dma_start3A_1560 = arith.constant 0 : i32
      %dma_start3A_1561 = tpu.memref_slice %arg13[%dma_start3A_1559, %dma_start3A_1560] : memref<1792x16xf32, #tpu.memory_space<vmem>> -> memref<128x16xf32, #tpu.memory_space<vmem>>
      %dma_start3A_1562 = arith.constant 1280 : i32
      %dma_start3A_1563 = tpu.memref_slice %arg7[%dma_start3A_1562] : memref<1792xi32, #tpu.memory_space<vmem>> -> memref<128xi32, #tpu.memory_space<vmem>>
      %dma_start3A_1564 = arith.constant 0 : i32
      %dma_start3A_1565 = arith.constant 0 : i32
      %dma_start3A_1566 = tpu.memref_slice %arg2[%dma_start3A_1564, %dma_start3A_1565] : memref<100000x16xf32, #tpu.memory_space<hbm>> -> memref<100000x16xf32, #tpu.memory_space<hbm>>
      tpu.enqueue_indirect_dma source(%dma_start3A_1566 : memref<100000x16xf32, #tpu.memory_space<hbm>>) target(%dma_start3A_1561 : memref<128x16xf32, #tpu.memory_space<vmem>>) offsets(%dma_start3A_1563 : memref<128xi32, #tpu.memory_space<vmem>>) semaphore(%arg24 : memref<!tpu.dma_semaphore, #tpu.memory_space<semaphore_mem>>)
      %dma_start3A_1567 = arith.constant 1280 : i32
      %dma_start3A_1568 = arith.constant 0 : i32
      %dma_start3A_1569 = tpu.memref_slice %arg15[%dma_start3A_1567, %dma_start3A_1568] : memref<1792x16xf32, #tpu.memory_space<vmem>> -> memref<128x16xf32, #tpu.memory_space<vmem>>
      %dma_start3A_1570 = arith.constant 1280 : i32
      %dma_start3A_1571 = tpu.memref_slice %arg9[%dma_start3A_1570] : memref<1792xi32, #tpu.memory_space<vmem>> -> memref<128xi32, #tpu.memory_space<vmem>>
      %dma_start3A_1572 = arith.constant 0 : i32
      %dma_start3A_1573 = arith.constant 0 : i32
      %dma_start3A_1574 = tpu.memref_slice %arg2[%dma_start3A_1572, %dma_start3A_1573] : memref<100000x16xf32, #tpu.memory_space<hbm>> -> memref<100000x16xf32, #tpu.memory_space<hbm>>
      tpu.enqueue_indirect_dma source(%dma_start3A_1574 : memref<100000x16xf32, #tpu.memory_space<hbm>>) target(%dma_start3A_1569 : memref<128x16xf32, #tpu.memory_space<vmem>>) offsets(%dma_start3A_1571 : memref<128xi32, #tpu.memory_space<vmem>>) semaphore(%arg24 : memref<!tpu.dma_semaphore, #tpu.memory_space<semaphore_mem>>)
      %dma_start3A_1575 = arith.constant 1408 : i32
      %dma_start3A_1576 = arith.constant 0 : i32
      %dma_start3A_1577 = tpu.memref_slice %arg13[%dma_start3A_1575, %dma_start3A_1576] : memref<1792x16xf32, #tpu.memory_space<vmem>> -> memref<128x16xf32, #tpu.memory_space<vmem>>
      %dma_start3A_1578 = arith.constant 1408 : i32
      %dma_start3A_1579 = tpu.memref_slice %arg7[%dma_start3A_1578] : memref<1792xi32, #tpu.memory_space<vmem>> -> memref<128xi32, #tpu.memory_space<vmem>>
      %dma_start3A_1580 = arith.constant 0 : i32
      %dma_start3A_1581 = arith.constant 0 : i32
      %dma_start3A_1582 = tpu.memref_slice %arg2[%dma_start3A_1580, %dma_start3A_1581] : memref<100000x16xf32, #tpu.memory_space<hbm>> -> memref<100000x16xf32, #tpu.memory_space<hbm>>
      tpu.enqueue_indirect_dma source(%dma_start3A_1582 : memref<100000x16xf32, #tpu.memory_space<hbm>>) target(%dma_start3A_1577 : memref<128x16xf32, #tpu.memory_space<vmem>>) offsets(%dma_start3A_1579 : memref<128xi32, #tpu.memory_space<vmem>>) semaphore(%arg24 : memref<!tpu.dma_semaphore, #tpu.memory_space<semaphore_mem>>)
      %dma_start3A_1583 = arith.constant 1408 : i32
      %dma_start3A_1584 = arith.constant 0 : i32
      %dma_start3A_1585 = tpu.memref_slice %arg15[%dma_start3A_1583, %dma_start3A_1584] : memref<1792x16xf32, #tpu.memory_space<vmem>> -> memref<128x16xf32, #tpu.memory_space<vmem>>
      %dma_start3A_1586 = arith.constant 1408 : i32
      %dma_start3A_1587 = tpu.memref_slice %arg9[%dma_start3A_1586] : memref<1792xi32, #tpu.memory_space<vmem>> -> memref<128xi32, #tpu.memory_space<vmem>>
      %dma_start3A_1588 = arith.constant 0 : i32
      %dma_start3A_1589 = arith.constant 0 : i32
      %dma_start3A_1590 = tpu.memref_slice %arg2[%dma_start3A_1588, %dma_start3A_1589] : memref<100000x16xf32, #tpu.memory_space<hbm>> -> memref<100000x16xf32, #tpu.memory_space<hbm>>
      tpu.enqueue_indirect_dma source(%dma_start3A_1590 : memref<100000x16xf32, #tpu.memory_space<hbm>>) target(%dma_start3A_1585 : memref<128x16xf32, #tpu.memory_space<vmem>>) offsets(%dma_start3A_1587 : memref<128xi32, #tpu.memory_space<vmem>>) semaphore(%arg24 : memref<!tpu.dma_semaphore, #tpu.memory_space<semaphore_mem>>)
      %dma_start3A_1591 = arith.constant 1536 : i32
      %dma_start3A_1592 = arith.constant 0 : i32
      %dma_start3A_1593 = tpu.memref_slice %arg13[%dma_start3A_1591, %dma_start3A_1592] : memref<1792x16xf32, #tpu.memory_space<vmem>> -> memref<128x16xf32, #tpu.memory_space<vmem>>
      %dma_start3A_1594 = arith.constant 1536 : i32
      %dma_start3A_1595 = tpu.memref_slice %arg7[%dma_start3A_1594] : memref<1792xi32, #tpu.memory_space<vmem>> -> memref<128xi32, #tpu.memory_space<vmem>>
      %dma_start3A_1596 = arith.constant 0 : i32
      %dma_start3A_1597 = arith.constant 0 : i32
      %dma_start3A_1598 = tpu.memref_slice %arg2[%dma_start3A_1596, %dma_start3A_1597] : memref<100000x16xf32, #tpu.memory_space<hbm>> -> memref<100000x16xf32, #tpu.memory_space<hbm>>
      tpu.enqueue_indirect_dma source(%dma_start3A_1598 : memref<100000x16xf32, #tpu.memory_space<hbm>>) target(%dma_start3A_1593 : memref<128x16xf32, #tpu.memory_space<vmem>>) offsets(%dma_start3A_1595 : memref<128xi32, #tpu.memory_space<vmem>>) semaphore(%arg24 : memref<!tpu.dma_semaphore, #tpu.memory_space<semaphore_mem>>)
      %dma_start3A_1599 = arith.constant 1536 : i32
      %dma_start3A_1600 = arith.constant 0 : i32
      %dma_start3A_1601 = tpu.memref_slice %arg15[%dma_start3A_1599, %dma_start3A_1600] : memref<1792x16xf32, #tpu.memory_space<vmem>> -> memref<128x16xf32, #tpu.memory_space<vmem>>
      %dma_start3A_1602 = arith.constant 1536 : i32
      %dma_start3A_1603 = tpu.memref_slice %arg9[%dma_start3A_1602] : memref<1792xi32, #tpu.memory_space<vmem>> -> memref<128xi32, #tpu.memory_space<vmem>>
      %dma_start3A_1604 = arith.constant 0 : i32
      %dma_start3A_1605 = arith.constant 0 : i32
      %dma_start3A_1606 = tpu.memref_slice %arg2[%dma_start3A_1604, %dma_start3A_1605] : memref<100000x16xf32, #tpu.memory_space<hbm>> -> memref<100000x16xf32, #tpu.memory_space<hbm>>
      tpu.enqueue_indirect_dma source(%dma_start3A_1606 : memref<100000x16xf32, #tpu.memory_space<hbm>>) target(%dma_start3A_1601 : memref<128x16xf32, #tpu.memory_space<vmem>>) offsets(%dma_start3A_1603 : memref<128xi32, #tpu.memory_space<vmem>>) semaphore(%arg24 : memref<!tpu.dma_semaphore, #tpu.memory_space<semaphore_mem>>)
      %dma_start3A_1607 = arith.constant 1664 : i32
      %dma_start3A_1608 = arith.constant 0 : i32
      %dma_start3A_1609 = tpu.memref_slice %arg13[%dma_start3A_1607, %dma_start3A_1608] : memref<1792x16xf32, #tpu.memory_space<vmem>> -> memref<128x16xf32, #tpu.memory_space<vmem>>
      %dma_start3A_1610 = arith.constant 1664 : i32
      %dma_start3A_1611 = tpu.memref_slice %arg7[%dma_start3A_1610] : memref<1792xi32, #tpu.memory_space<vmem>> -> memref<128xi32, #tpu.memory_space<vmem>>
      %dma_start3A_1612 = arith.constant 0 : i32
      %dma_start3A_1613 = arith.constant 0 : i32
      %dma_start3A_1614 = tpu.memref_slice %arg2[%dma_start3A_1612, %dma_start3A_1613] : memref<100000x16xf32, #tpu.memory_space<hbm>> -> memref<100000x16xf32, #tpu.memory_space<hbm>>
      tpu.enqueue_indirect_dma source(%dma_start3A_1614 : memref<100000x16xf32, #tpu.memory_space<hbm>>) target(%dma_start3A_1609 : memref<128x16xf32, #tpu.memory_space<vmem>>) offsets(%dma_start3A_1611 : memref<128xi32, #tpu.memory_space<vmem>>) semaphore(%arg24 : memref<!tpu.dma_semaphore, #tpu.memory_space<semaphore_mem>>)
      %dma_start3A_1615 = arith.constant 1664 : i32
      %dma_start3A_1616 = arith.constant 0 : i32
      %dma_start3A_1617 = tpu.memref_slice %arg15[%dma_start3A_1615, %dma_start3A_1616] : memref<1792x16xf32, #tpu.memory_space<vmem>> -> memref<128x16xf32, #tpu.memory_space<vmem>>
      %dma_start3A_1618 = arith.constant 1664 : i32
      %dma_start3A_1619 = tpu.memref_slice %arg9[%dma_start3A_1618] : memref<1792xi32, #tpu.memory_space<vmem>> -> memref<128xi32, #tpu.memory_space<vmem>>
      %dma_start3A_1620 = arith.constant 0 : i32
      %dma_start3A_1621 = arith.constant 0 : i32
      %dma_start3A_1622 = tpu.memref_slice %arg2[%dma_start3A_1620, %dma_start3A_1621] : memref<100000x16xf32, #tpu.memory_space<hbm>> -> memref<100000x16xf32, #tpu.memory_space<hbm>>
      tpu.enqueue_indirect_dma source(%dma_start3A_1622 : memref<100000x16xf32, #tpu.memory_space<hbm>>) target(%dma_start3A_1617 : memref<128x16xf32, #tpu.memory_space<vmem>>) offsets(%dma_start3A_1619 : memref<128xi32, #tpu.memory_space<vmem>>) semaphore(%arg24 : memref<!tpu.dma_semaphore, #tpu.memory_space<semaphore_mem>>)
      %dma_wait3A_1623 = arith.constant 0 : i32
      %dma_wait3A_1624 = arith.constant 0 : i32
      %dma_wait3A_1625 = tpu.memref_slice %arg14[%dma_wait3A_1623, %dma_wait3A_1624] : memref<1792x16xf32, #tpu.memory_space<vmem>> -> memref<128x16xf32, #tpu.memory_space<vmem>>
      %dma_wait3A_1626 = arith.constant 0 : i32
      %dma_wait3A_1627 = tpu.memref_slice %arg8[%dma_wait3A_1626] : memref<1792xi32, #tpu.memory_space<vmem>> -> memref<128xi32, #tpu.memory_space<vmem>>
      %dma_wait3A_1628 = arith.constant 0 : i32
      %dma_wait3A_1629 = arith.constant 0 : i32
      %dma_wait3A_1630 = tpu.memref_slice %arg2[%dma_wait3A_1628, %dma_wait3A_1629] : memref<100000x16xf32, #tpu.memory_space<hbm>> -> memref<100000x16xf32, #tpu.memory_space<hbm>>
      tpu.wait_indirect_dma semaphore(%arg25 : memref<!tpu.dma_semaphore, #tpu.memory_space<semaphore_mem>>) src(%dma_wait3A_1630 : memref<100000x16xf32, #tpu.memory_space<hbm>>) dst(%dma_wait3A_1625 : memref<128x16xf32, #tpu.memory_space<vmem>>)
      %dma_wait3A_1631 = arith.constant 0 : i32
      %dma_wait3A_1632 = arith.constant 0 : i32
      %dma_wait3A_1633 = tpu.memref_slice %arg16[%dma_wait3A_1631, %dma_wait3A_1632] : memref<1792x16xf32, #tpu.memory_space<vmem>> -> memref<128x16xf32, #tpu.memory_space<vmem>>
      %dma_wait3A_1634 = arith.constant 0 : i32
      %dma_wait3A_1635 = tpu.memref_slice %arg10[%dma_wait3A_1634] : memref<1792xi32, #tpu.memory_space<vmem>> -> memref<128xi32, #tpu.memory_space<vmem>>
      %dma_wait3A_1636 = arith.constant 0 : i32
      %dma_wait3A_1637 = arith.constant 0 : i32
      %dma_wait3A_1638 = tpu.memref_slice %arg2[%dma_wait3A_1636, %dma_wait3A_1637] : memref<100000x16xf32, #tpu.memory_space<hbm>> -> memref<100000x16xf32, #tpu.memory_space<hbm>>
      tpu.wait_indirect_dma semaphore(%arg25 : memref<!tpu.dma_semaphore, #tpu.memory_space<semaphore_mem>>) src(%dma_wait3A_1638 : memref<100000x16xf32, #tpu.memory_space<hbm>>) dst(%dma_wait3A_1633 : memref<128x16xf32, #tpu.memory_space<vmem>>)
      %dma_wait3A_1639 = arith.constant 128 : i32
      %dma_wait3A_1640 = arith.constant 0 : i32
      %dma_wait3A_1641 = tpu.memref_slice %arg14[%dma_wait3A_1639, %dma_wait3A_1640] : memref<1792x16xf32, #tpu.memory_space<vmem>> -> memref<128x16xf32, #tpu.memory_space<vmem>>
      %dma_wait3A_1642 = arith.constant 128 : i32
      %dma_wait3A_1643 = tpu.memref_slice %arg8[%dma_wait3A_1642] : memref<1792xi32, #tpu.memory_space<vmem>> -> memref<128xi32, #tpu.memory_space<vmem>>
      %dma_wait3A_1644 = arith.constant 0 : i32
      %dma_wait3A_1645 = arith.constant 0 : i32
      %dma_wait3A_1646 = tpu.memref_slice %arg2[%dma_wait3A_1644, %dma_wait3A_1645] : memref<100000x16xf32, #tpu.memory_space<hbm>> -> memref<100000x16xf32, #tpu.memory_space<hbm>>
      tpu.wait_indirect_dma semaphore(%arg25 : memref<!tpu.dma_semaphore, #tpu.memory_space<semaphore_mem>>) src(%dma_wait3A_1646 : memref<100000x16xf32, #tpu.memory_space<hbm>>) dst(%dma_wait3A_1641 : memref<128x16xf32, #tpu.memory_space<vmem>>)
      %dma_wait3A_1647 = arith.constant 128 : i32
      %dma_wait3A_1648 = arith.constant 0 : i32
      %dma_wait3A_1649 = tpu.memref_slice %arg16[%dma_wait3A_1647, %dma_wait3A_1648] : memref<1792x16xf32, #tpu.memory_space<vmem>> -> memref<128x16xf32, #tpu.memory_space<vmem>>
      %dma_wait3A_1650 = arith.constant 128 : i32
      %dma_wait3A_1651 = tpu.memref_slice %arg10[%dma_wait3A_1650] : memref<1792xi32, #tpu.memory_space<vmem>> -> memref<128xi32, #tpu.memory_space<vmem>>
      %dma_wait3A_1652 = arith.constant 0 : i32
      %dma_wait3A_1653 = arith.constant 0 : i32
      %dma_wait3A_1654 = tpu.memref_slice %arg2[%dma_wait3A_1652, %dma_wait3A_1653] : memref<100000x16xf32, #tpu.memory_space<hbm>> -> memref<100000x16xf32, #tpu.memory_space<hbm>>
      tpu.wait_indirect_dma semaphore(%arg25 : memref<!tpu.dma_semaphore, #tpu.memory_space<semaphore_mem>>) src(%dma_wait3A_1654 : memref<100000x16xf32, #tpu.memory_space<hbm>>) dst(%dma_wait3A_1649 : memref<128x16xf32, #tpu.memory_space<vmem>>)
      %dma_wait3A_1655 = arith.constant 256 : i32
      %dma_wait3A_1656 = arith.constant 0 : i32
      %dma_wait3A_1657 = tpu.memref_slice %arg14[%dma_wait3A_1655, %dma_wait3A_1656] : memref<1792x16xf32, #tpu.memory_space<vmem>> -> memref<128x16xf32, #tpu.memory_space<vmem>>
      %dma_wait3A_1658 = arith.constant 256 : i32
      %dma_wait3A_1659 = tpu.memref_slice %arg8[%dma_wait3A_1658] : memref<1792xi32, #tpu.memory_space<vmem>> -> memref<128xi32, #tpu.memory_space<vmem>>
      %dma_wait3A_1660 = arith.constant 0 : i32
      %dma_wait3A_1661 = arith.constant 0 : i32
      %dma_wait3A_1662 = tpu.memref_slice %arg2[%dma_wait3A_1660, %dma_wait3A_1661] : memref<100000x16xf32, #tpu.memory_space<hbm>> -> memref<100000x16xf32, #tpu.memory_space<hbm>>
      tpu.wait_indirect_dma semaphore(%arg25 : memref<!tpu.dma_semaphore, #tpu.memory_space<semaphore_mem>>) src(%dma_wait3A_1662 : memref<100000x16xf32, #tpu.memory_space<hbm>>) dst(%dma_wait3A_1657 : memref<128x16xf32, #tpu.memory_space<vmem>>)
      %dma_wait3A_1663 = arith.constant 256 : i32
      %dma_wait3A_1664 = arith.constant 0 : i32
      %dma_wait3A_1665 = tpu.memref_slice %arg16[%dma_wait3A_1663, %dma_wait3A_1664] : memref<1792x16xf32, #tpu.memory_space<vmem>> -> memref<128x16xf32, #tpu.memory_space<vmem>>
      %dma_wait3A_1666 = arith.constant 256 : i32
      %dma_wait3A_1667 = tpu.memref_slice %arg10[%dma_wait3A_1666] : memref<1792xi32, #tpu.memory_space<vmem>> -> memref<128xi32, #tpu.memory_space<vmem>>
      %dma_wait3A_1668 = arith.constant 0 : i32
      %dma_wait3A_1669 = arith.constant 0 : i32
      %dma_wait3A_1670 = tpu.memref_slice %arg2[%dma_wait3A_1668, %dma_wait3A_1669] : memref<100000x16xf32, #tpu.memory_space<hbm>> -> memref<100000x16xf32, #tpu.memory_space<hbm>>
      tpu.wait_indirect_dma semaphore(%arg25 : memref<!tpu.dma_semaphore, #tpu.memory_space<semaphore_mem>>) src(%dma_wait3A_1670 : memref<100000x16xf32, #tpu.memory_space<hbm>>) dst(%dma_wait3A_1665 : memref<128x16xf32, #tpu.memory_space<vmem>>)
      %dma_wait3A_1671 = arith.constant 384 : i32
      %dma_wait3A_1672 = arith.constant 0 : i32
      %dma_wait3A_1673 = tpu.memref_slice %arg14[%dma_wait3A_1671, %dma_wait3A_1672] : memref<1792x16xf32, #tpu.memory_space<vmem>> -> memref<128x16xf32, #tpu.memory_space<vmem>>
      %dma_wait3A_1674 = arith.constant 384 : i32
      %dma_wait3A_1675 = tpu.memref_slice %arg8[%dma_wait3A_1674] : memref<1792xi32, #tpu.memory_space<vmem>> -> memref<128xi32, #tpu.memory_space<vmem>>
      %dma_wait3A_1676 = arith.constant 0 : i32
      %dma_wait3A_1677 = arith.constant 0 : i32
      %dma_wait3A_1678 = tpu.memref_slice %arg2[%dma_wait3A_1676, %dma_wait3A_1677] : memref<100000x16xf32, #tpu.memory_space<hbm>> -> memref<100000x16xf32, #tpu.memory_space<hbm>>
      tpu.wait_indirect_dma semaphore(%arg25 : memref<!tpu.dma_semaphore, #tpu.memory_space<semaphore_mem>>) src(%dma_wait3A_1678 : memref<100000x16xf32, #tpu.memory_space<hbm>>) dst(%dma_wait3A_1673 : memref<128x16xf32, #tpu.memory_space<vmem>>)
      %dma_wait3A_1679 = arith.constant 384 : i32
      %dma_wait3A_1680 = arith.constant 0 : i32
      %dma_wait3A_1681 = tpu.memref_slice %arg16[%dma_wait3A_1679, %dma_wait3A_1680] : memref<1792x16xf32, #tpu.memory_space<vmem>> -> memref<128x16xf32, #tpu.memory_space<vmem>>
      %dma_wait3A_1682 = arith.constant 384 : i32
      %dma_wait3A_1683 = tpu.memref_slice %arg10[%dma_wait3A_1682] : memref<1792xi32, #tpu.memory_space<vmem>> -> memref<128xi32, #tpu.memory_space<vmem>>
      %dma_wait3A_1684 = arith.constant 0 : i32
      %dma_wait3A_1685 = arith.constant 0 : i32
      %dma_wait3A_1686 = tpu.memref_slice %arg2[%dma_wait3A_1684, %dma_wait3A_1685] : memref<100000x16xf32, #tpu.memory_space<hbm>> -> memref<100000x16xf32, #tpu.memory_space<hbm>>
      tpu.wait_indirect_dma semaphore(%arg25 : memref<!tpu.dma_semaphore, #tpu.memory_space<semaphore_mem>>) src(%dma_wait3A_1686 : memref<100000x16xf32, #tpu.memory_space<hbm>>) dst(%dma_wait3A_1681 : memref<128x16xf32, #tpu.memory_space<vmem>>)
      %dma_wait3A_1687 = arith.constant 512 : i32
      %dma_wait3A_1688 = arith.constant 0 : i32
      %dma_wait3A_1689 = tpu.memref_slice %arg14[%dma_wait3A_1687, %dma_wait3A_1688] : memref<1792x16xf32, #tpu.memory_space<vmem>> -> memref<128x16xf32, #tpu.memory_space<vmem>>
      %dma_wait3A_1690 = arith.constant 512 : i32
      %dma_wait3A_1691 = tpu.memref_slice %arg8[%dma_wait3A_1690] : memref<1792xi32, #tpu.memory_space<vmem>> -> memref<128xi32, #tpu.memory_space<vmem>>
      %dma_wait3A_1692 = arith.constant 0 : i32
      %dma_wait3A_1693 = arith.constant 0 : i32
      %dma_wait3A_1694 = tpu.memref_slice %arg2[%dma_wait3A_1692, %dma_wait3A_1693] : memref<100000x16xf32, #tpu.memory_space<hbm>> -> memref<100000x16xf32, #tpu.memory_space<hbm>>
      tpu.wait_indirect_dma semaphore(%arg25 : memref<!tpu.dma_semaphore, #tpu.memory_space<semaphore_mem>>) src(%dma_wait3A_1694 : memref<100000x16xf32, #tpu.memory_space<hbm>>) dst(%dma_wait3A_1689 : memref<128x16xf32, #tpu.memory_space<vmem>>)
      %dma_wait3A_1695 = arith.constant 512 : i32
      %dma_wait3A_1696 = arith.constant 0 : i32
      %dma_wait3A_1697 = tpu.memref_slice %arg16[%dma_wait3A_1695, %dma_wait3A_1696] : memref<1792x16xf32, #tpu.memory_space<vmem>> -> memref<128x16xf32, #tpu.memory_space<vmem>>
      %dma_wait3A_1698 = arith.constant 512 : i32
      %dma_wait3A_1699 = tpu.memref_slice %arg10[%dma_wait3A_1698] : memref<1792xi32, #tpu.memory_space<vmem>> -> memref<128xi32, #tpu.memory_space<vmem>>
      %dma_wait3A_1700 = arith.constant 0 : i32
      %dma_wait3A_1701 = arith.constant 0 : i32
      %dma_wait3A_1702 = tpu.memref_slice %arg2[%dma_wait3A_1700, %dma_wait3A_1701] : memref<100000x16xf32, #tpu.memory_space<hbm>> -> memref<100000x16xf32, #tpu.memory_space<hbm>>
      tpu.wait_indirect_dma semaphore(%arg25 : memref<!tpu.dma_semaphore, #tpu.memory_space<semaphore_mem>>) src(%dma_wait3A_1702 : memref<100000x16xf32, #tpu.memory_space<hbm>>) dst(%dma_wait3A_1697 : memref<128x16xf32, #tpu.memory_space<vmem>>)
      %dma_wait3A_1703 = arith.constant 640 : i32
      %dma_wait3A_1704 = arith.constant 0 : i32
      %dma_wait3A_1705 = tpu.memref_slice %arg14[%dma_wait3A_1703, %dma_wait3A_1704] : memref<1792x16xf32, #tpu.memory_space<vmem>> -> memref<128x16xf32, #tpu.memory_space<vmem>>
      %dma_wait3A_1706 = arith.constant 640 : i32
      %dma_wait3A_1707 = tpu.memref_slice %arg8[%dma_wait3A_1706] : memref<1792xi32, #tpu.memory_space<vmem>> -> memref<128xi32, #tpu.memory_space<vmem>>
      %dma_wait3A_1708 = arith.constant 0 : i32
      %dma_wait3A_1709 = arith.constant 0 : i32
      %dma_wait3A_1710 = tpu.memref_slice %arg2[%dma_wait3A_1708, %dma_wait3A_1709] : memref<100000x16xf32, #tpu.memory_space<hbm>> -> memref<100000x16xf32, #tpu.memory_space<hbm>>
      tpu.wait_indirect_dma semaphore(%arg25 : memref<!tpu.dma_semaphore, #tpu.memory_space<semaphore_mem>>) src(%dma_wait3A_1710 : memref<100000x16xf32, #tpu.memory_space<hbm>>) dst(%dma_wait3A_1705 : memref<128x16xf32, #tpu.memory_space<vmem>>)
      %dma_wait3A_1711 = arith.constant 640 : i32
      %dma_wait3A_1712 = arith.constant 0 : i32
      %dma_wait3A_1713 = tpu.memref_slice %arg16[%dma_wait3A_1711, %dma_wait3A_1712] : memref<1792x16xf32, #tpu.memory_space<vmem>> -> memref<128x16xf32, #tpu.memory_space<vmem>>
      %dma_wait3A_1714 = arith.constant 640 : i32
      %dma_wait3A_1715 = tpu.memref_slice %arg10[%dma_wait3A_1714] : memref<1792xi32, #tpu.memory_space<vmem>> -> memref<128xi32, #tpu.memory_space<vmem>>
      %dma_wait3A_1716 = arith.constant 0 : i32
      %dma_wait3A_1717 = arith.constant 0 : i32
      %dma_wait3A_1718 = tpu.memref_slice %arg2[%dma_wait3A_1716, %dma_wait3A_1717] : memref<100000x16xf32, #tpu.memory_space<hbm>> -> memref<100000x16xf32, #tpu.memory_space<hbm>>
      tpu.wait_indirect_dma semaphore(%arg25 : memref<!tpu.dma_semaphore, #tpu.memory_space<semaphore_mem>>) src(%dma_wait3A_1718 : memref<100000x16xf32, #tpu.memory_space<hbm>>) dst(%dma_wait3A_1713 : memref<128x16xf32, #tpu.memory_space<vmem>>)
      %dma_wait3A_1719 = arith.constant 768 : i32
      %dma_wait3A_1720 = arith.constant 0 : i32
      %dma_wait3A_1721 = tpu.memref_slice %arg14[%dma_wait3A_1719, %dma_wait3A_1720] : memref<1792x16xf32, #tpu.memory_space<vmem>> -> memref<128x16xf32, #tpu.memory_space<vmem>>
      %dma_wait3A_1722 = arith.constant 768 : i32
      %dma_wait3A_1723 = tpu.memref_slice %arg8[%dma_wait3A_1722] : memref<1792xi32, #tpu.memory_space<vmem>> -> memref<128xi32, #tpu.memory_space<vmem>>
      %dma_wait3A_1724 = arith.constant 0 : i32
      %dma_wait3A_1725 = arith.constant 0 : i32
      %dma_wait3A_1726 = tpu.memref_slice %arg2[%dma_wait3A_1724, %dma_wait3A_1725] : memref<100000x16xf32, #tpu.memory_space<hbm>> -> memref<100000x16xf32, #tpu.memory_space<hbm>>
      tpu.wait_indirect_dma semaphore(%arg25 : memref<!tpu.dma_semaphore, #tpu.memory_space<semaphore_mem>>) src(%dma_wait3A_1726 : memref<100000x16xf32, #tpu.memory_space<hbm>>) dst(%dma_wait3A_1721 : memref<128x16xf32, #tpu.memory_space<vmem>>)
      %dma_wait3A_1727 = arith.constant 768 : i32
      %dma_wait3A_1728 = arith.constant 0 : i32
      %dma_wait3A_1729 = tpu.memref_slice %arg16[%dma_wait3A_1727, %dma_wait3A_1728] : memref<1792x16xf32, #tpu.memory_space<vmem>> -> memref<128x16xf32, #tpu.memory_space<vmem>>
      %dma_wait3A_1730 = arith.constant 768 : i32
      %dma_wait3A_1731 = tpu.memref_slice %arg10[%dma_wait3A_1730] : memref<1792xi32, #tpu.memory_space<vmem>> -> memref<128xi32, #tpu.memory_space<vmem>>
      %dma_wait3A_1732 = arith.constant 0 : i32
      %dma_wait3A_1733 = arith.constant 0 : i32
      %dma_wait3A_1734 = tpu.memref_slice %arg2[%dma_wait3A_1732, %dma_wait3A_1733] : memref<100000x16xf32, #tpu.memory_space<hbm>> -> memref<100000x16xf32, #tpu.memory_space<hbm>>
      tpu.wait_indirect_dma semaphore(%arg25 : memref<!tpu.dma_semaphore, #tpu.memory_space<semaphore_mem>>) src(%dma_wait3A_1734 : memref<100000x16xf32, #tpu.memory_space<hbm>>) dst(%dma_wait3A_1729 : memref<128x16xf32, #tpu.memory_space<vmem>>)
      %dma_wait3A_1735 = arith.constant 896 : i32
      %dma_wait3A_1736 = arith.constant 0 : i32
      %dma_wait3A_1737 = tpu.memref_slice %arg14[%dma_wait3A_1735, %dma_wait3A_1736] : memref<1792x16xf32, #tpu.memory_space<vmem>> -> memref<128x16xf32, #tpu.memory_space<vmem>>
      %dma_wait3A_1738 = arith.constant 896 : i32
      %dma_wait3A_1739 = tpu.memref_slice %arg8[%dma_wait3A_1738] : memref<1792xi32, #tpu.memory_space<vmem>> -> memref<128xi32, #tpu.memory_space<vmem>>
      %dma_wait3A_1740 = arith.constant 0 : i32
      %dma_wait3A_1741 = arith.constant 0 : i32
      %dma_wait3A_1742 = tpu.memref_slice %arg2[%dma_wait3A_1740, %dma_wait3A_1741] : memref<100000x16xf32, #tpu.memory_space<hbm>> -> memref<100000x16xf32, #tpu.memory_space<hbm>>
      tpu.wait_indirect_dma semaphore(%arg25 : memref<!tpu.dma_semaphore, #tpu.memory_space<semaphore_mem>>) src(%dma_wait3A_1742 : memref<100000x16xf32, #tpu.memory_space<hbm>>) dst(%dma_wait3A_1737 : memref<128x16xf32, #tpu.memory_space<vmem>>)
      %dma_wait3A_1743 = arith.constant 896 : i32
      %dma_wait3A_1744 = arith.constant 0 : i32
      %dma_wait3A_1745 = tpu.memref_slice %arg16[%dma_wait3A_1743, %dma_wait3A_1744] : memref<1792x16xf32, #tpu.memory_space<vmem>> -> memref<128x16xf32, #tpu.memory_space<vmem>>
      %dma_wait3A_1746 = arith.constant 896 : i32
      %dma_wait3A_1747 = tpu.memref_slice %arg10[%dma_wait3A_1746] : memref<1792xi32, #tpu.memory_space<vmem>> -> memref<128xi32, #tpu.memory_space<vmem>>
      %dma_wait3A_1748 = arith.constant 0 : i32
      %dma_wait3A_1749 = arith.constant 0 : i32
      %dma_wait3A_1750 = tpu.memref_slice %arg2[%dma_wait3A_1748, %dma_wait3A_1749] : memref<100000x16xf32, #tpu.memory_space<hbm>> -> memref<100000x16xf32, #tpu.memory_space<hbm>>
      tpu.wait_indirect_dma semaphore(%arg25 : memref<!tpu.dma_semaphore, #tpu.memory_space<semaphore_mem>>) src(%dma_wait3A_1750 : memref<100000x16xf32, #tpu.memory_space<hbm>>) dst(%dma_wait3A_1745 : memref<128x16xf32, #tpu.memory_space<vmem>>)
      %dma_wait3A_1751 = arith.constant 1024 : i32
      %dma_wait3A_1752 = arith.constant 0 : i32
      %dma_wait3A_1753 = tpu.memref_slice %arg14[%dma_wait3A_1751, %dma_wait3A_1752] : memref<1792x16xf32, #tpu.memory_space<vmem>> -> memref<128x16xf32, #tpu.memory_space<vmem>>
      %dma_wait3A_1754 = arith.constant 1024 : i32
      %dma_wait3A_1755 = tpu.memref_slice %arg8[%dma_wait3A_1754] : memref<1792xi32, #tpu.memory_space<vmem>> -> memref<128xi32, #tpu.memory_space<vmem>>
      %dma_wait3A_1756 = arith.constant 0 : i32
      %dma_wait3A_1757 = arith.constant 0 : i32
      %dma_wait3A_1758 = tpu.memref_slice %arg2[%dma_wait3A_1756, %dma_wait3A_1757] : memref<100000x16xf32, #tpu.memory_space<hbm>> -> memref<100000x16xf32, #tpu.memory_space<hbm>>
      tpu.wait_indirect_dma semaphore(%arg25 : memref<!tpu.dma_semaphore, #tpu.memory_space<semaphore_mem>>) src(%dma_wait3A_1758 : memref<100000x16xf32, #tpu.memory_space<hbm>>) dst(%dma_wait3A_1753 : memref<128x16xf32, #tpu.memory_space<vmem>>)
      %dma_wait3A_1759 = arith.constant 1024 : i32
      %dma_wait3A_1760 = arith.constant 0 : i32
      %dma_wait3A_1761 = tpu.memref_slice %arg16[%dma_wait3A_1759, %dma_wait3A_1760] : memref<1792x16xf32, #tpu.memory_space<vmem>> -> memref<128x16xf32, #tpu.memory_space<vmem>>
      %dma_wait3A_1762 = arith.constant 1024 : i32
      %dma_wait3A_1763 = tpu.memref_slice %arg10[%dma_wait3A_1762] : memref<1792xi32, #tpu.memory_space<vmem>> -> memref<128xi32, #tpu.memory_space<vmem>>
      %dma_wait3A_1764 = arith.constant 0 : i32
      %dma_wait3A_1765 = arith.constant 0 : i32
      %dma_wait3A_1766 = tpu.memref_slice %arg2[%dma_wait3A_1764, %dma_wait3A_1765] : memref<100000x16xf32, #tpu.memory_space<hbm>> -> memref<100000x16xf32, #tpu.memory_space<hbm>>
      tpu.wait_indirect_dma semaphore(%arg25 : memref<!tpu.dma_semaphore, #tpu.memory_space<semaphore_mem>>) src(%dma_wait3A_1766 : memref<100000x16xf32, #tpu.memory_space<hbm>>) dst(%dma_wait3A_1761 : memref<128x16xf32, #tpu.memory_space<vmem>>)
      %dma_wait3A_1767 = arith.constant 1152 : i32
      %dma_wait3A_1768 = arith.constant 0 : i32
      %dma_wait3A_1769 = tpu.memref_slice %arg14[%dma_wait3A_1767, %dma_wait3A_1768] : memref<1792x16xf32, #tpu.memory_space<vmem>> -> memref<128x16xf32, #tpu.memory_space<vmem>>
      %dma_wait3A_1770 = arith.constant 1152 : i32
      %dma_wait3A_1771 = tpu.memref_slice %arg8[%dma_wait3A_1770] : memref<1792xi32, #tpu.memory_space<vmem>> -> memref<128xi32, #tpu.memory_space<vmem>>
      %dma_wait3A_1772 = arith.constant 0 : i32
      %dma_wait3A_1773 = arith.constant 0 : i32
      %dma_wait3A_1774 = tpu.memref_slice %arg2[%dma_wait3A_1772, %dma_wait3A_1773] : memref<100000x16xf32, #tpu.memory_space<hbm>> -> memref<100000x16xf32, #tpu.memory_space<hbm>>
      tpu.wait_indirect_dma semaphore(%arg25 : memref<!tpu.dma_semaphore, #tpu.memory_space<semaphore_mem>>) src(%dma_wait3A_1774 : memref<100000x16xf32, #tpu.memory_space<hbm>>) dst(%dma_wait3A_1769 : memref<128x16xf32, #tpu.memory_space<vmem>>)
      %dma_wait3A_1775 = arith.constant 1152 : i32
      %dma_wait3A_1776 = arith.constant 0 : i32
      %dma_wait3A_1777 = tpu.memref_slice %arg16[%dma_wait3A_1775, %dma_wait3A_1776] : memref<1792x16xf32, #tpu.memory_space<vmem>> -> memref<128x16xf32, #tpu.memory_space<vmem>>
      %dma_wait3A_1778 = arith.constant 1152 : i32
      %dma_wait3A_1779 = tpu.memref_slice %arg10[%dma_wait3A_1778] : memref<1792xi32, #tpu.memory_space<vmem>> -> memref<128xi32, #tpu.memory_space<vmem>>
      %dma_wait3A_1780 = arith.constant 0 : i32
      %dma_wait3A_1781 = arith.constant 0 : i32
      %dma_wait3A_1782 = tpu.memref_slice %arg2[%dma_wait3A_1780, %dma_wait3A_1781] : memref<100000x16xf32, #tpu.memory_space<hbm>> -> memref<100000x16xf32, #tpu.memory_space<hbm>>
      tpu.wait_indirect_dma semaphore(%arg25 : memref<!tpu.dma_semaphore, #tpu.memory_space<semaphore_mem>>) src(%dma_wait3A_1782 : memref<100000x16xf32, #tpu.memory_space<hbm>>) dst(%dma_wait3A_1777 : memref<128x16xf32, #tpu.memory_space<vmem>>)
      %dma_wait3A_1783 = arith.constant 1280 : i32
      %dma_wait3A_1784 = arith.constant 0 : i32
      %dma_wait3A_1785 = tpu.memref_slice %arg14[%dma_wait3A_1783, %dma_wait3A_1784] : memref<1792x16xf32, #tpu.memory_space<vmem>> -> memref<128x16xf32, #tpu.memory_space<vmem>>
      %dma_wait3A_1786 = arith.constant 1280 : i32
      %dma_wait3A_1787 = tpu.memref_slice %arg8[%dma_wait3A_1786] : memref<1792xi32, #tpu.memory_space<vmem>> -> memref<128xi32, #tpu.memory_space<vmem>>
      %dma_wait3A_1788 = arith.constant 0 : i32
      %dma_wait3A_1789 = arith.constant 0 : i32
      %dma_wait3A_1790 = tpu.memref_slice %arg2[%dma_wait3A_1788, %dma_wait3A_1789] : memref<100000x16xf32, #tpu.memory_space<hbm>> -> memref<100000x16xf32, #tpu.memory_space<hbm>>
      tpu.wait_indirect_dma semaphore(%arg25 : memref<!tpu.dma_semaphore, #tpu.memory_space<semaphore_mem>>) src(%dma_wait3A_1790 : memref<100000x16xf32, #tpu.memory_space<hbm>>) dst(%dma_wait3A_1785 : memref<128x16xf32, #tpu.memory_space<vmem>>)
      %dma_wait3A_1791 = arith.constant 1280 : i32
      %dma_wait3A_1792 = arith.constant 0 : i32
      %dma_wait3A_1793 = tpu.memref_slice %arg16[%dma_wait3A_1791, %dma_wait3A_1792] : memref<1792x16xf32, #tpu.memory_space<vmem>> -> memref<128x16xf32, #tpu.memory_space<vmem>>
      %dma_wait3A_1794 = arith.constant 1280 : i32
      %dma_wait3A_1795 = tpu.memref_slice %arg10[%dma_wait3A_1794] : memref<1792xi32, #tpu.memory_space<vmem>> -> memref<128xi32, #tpu.memory_space<vmem>>
      %dma_wait3A_1796 = arith.constant 0 : i32
      %dma_wait3A_1797 = arith.constant 0 : i32
      %dma_wait3A_1798 = tpu.memref_slice %arg2[%dma_wait3A_1796, %dma_wait3A_1797] : memref<100000x16xf32, #tpu.memory_space<hbm>> -> memref<100000x16xf32, #tpu.memory_space<hbm>>
      tpu.wait_indirect_dma semaphore(%arg25 : memref<!tpu.dma_semaphore, #tpu.memory_space<semaphore_mem>>) src(%dma_wait3A_1798 : memref<100000x16xf32, #tpu.memory_space<hbm>>) dst(%dma_wait3A_1793 : memref<128x16xf32, #tpu.memory_space<vmem>>)
      %dma_wait3A_1799 = arith.constant 1408 : i32
      %dma_wait3A_1800 = arith.constant 0 : i32
      %dma_wait3A_1801 = tpu.memref_slice %arg14[%dma_wait3A_1799, %dma_wait3A_1800] : memref<1792x16xf32, #tpu.memory_space<vmem>> -> memref<128x16xf32, #tpu.memory_space<vmem>>
      %dma_wait3A_1802 = arith.constant 1408 : i32
      %dma_wait3A_1803 = tpu.memref_slice %arg8[%dma_wait3A_1802] : memref<1792xi32, #tpu.memory_space<vmem>> -> memref<128xi32, #tpu.memory_space<vmem>>
      %dma_wait3A_1804 = arith.constant 0 : i32
      %dma_wait3A_1805 = arith.constant 0 : i32
      %dma_wait3A_1806 = tpu.memref_slice %arg2[%dma_wait3A_1804, %dma_wait3A_1805] : memref<100000x16xf32, #tpu.memory_space<hbm>> -> memref<100000x16xf32, #tpu.memory_space<hbm>>
      tpu.wait_indirect_dma semaphore(%arg25 : memref<!tpu.dma_semaphore, #tpu.memory_space<semaphore_mem>>) src(%dma_wait3A_1806 : memref<100000x16xf32, #tpu.memory_space<hbm>>) dst(%dma_wait3A_1801 : memref<128x16xf32, #tpu.memory_space<vmem>>)
      %dma_wait3A_1807 = arith.constant 1408 : i32
      %dma_wait3A_1808 = arith.constant 0 : i32
      %dma_wait3A_1809 = tpu.memref_slice %arg16[%dma_wait3A_1807, %dma_wait3A_1808] : memref<1792x16xf32, #tpu.memory_space<vmem>> -> memref<128x16xf32, #tpu.memory_space<vmem>>
      %dma_wait3A_1810 = arith.constant 1408 : i32
      %dma_wait3A_1811 = tpu.memref_slice %arg10[%dma_wait3A_1810] : memref<1792xi32, #tpu.memory_space<vmem>> -> memref<128xi32, #tpu.memory_space<vmem>>
      %dma_wait3A_1812 = arith.constant 0 : i32
      %dma_wait3A_1813 = arith.constant 0 : i32
      %dma_wait3A_1814 = tpu.memref_slice %arg2[%dma_wait3A_1812, %dma_wait3A_1813] : memref<100000x16xf32, #tpu.memory_space<hbm>> -> memref<100000x16xf32, #tpu.memory_space<hbm>>
      tpu.wait_indirect_dma semaphore(%arg25 : memref<!tpu.dma_semaphore, #tpu.memory_space<semaphore_mem>>) src(%dma_wait3A_1814 : memref<100000x16xf32, #tpu.memory_space<hbm>>) dst(%dma_wait3A_1809 : memref<128x16xf32, #tpu.memory_space<vmem>>)
      %dma_wait3A_1815 = arith.constant 1536 : i32
      %dma_wait3A_1816 = arith.constant 0 : i32
      %dma_wait3A_1817 = tpu.memref_slice %arg14[%dma_wait3A_1815, %dma_wait3A_1816] : memref<1792x16xf32, #tpu.memory_space<vmem>> -> memref<128x16xf32, #tpu.memory_space<vmem>>
      %dma_wait3A_1818 = arith.constant 1536 : i32
      %dma_wait3A_1819 = tpu.memref_slice %arg8[%dma_wait3A_1818] : memref<1792xi32, #tpu.memory_space<vmem>> -> memref<128xi32, #tpu.memory_space<vmem>>
      %dma_wait3A_1820 = arith.constant 0 : i32
      %dma_wait3A_1821 = arith.constant 0 : i32
      %dma_wait3A_1822 = tpu.memref_slice %arg2[%dma_wait3A_1820, %dma_wait3A_1821] : memref<100000x16xf32, #tpu.memory_space<hbm>> -> memref<100000x16xf32, #tpu.memory_space<hbm>>
      tpu.wait_indirect_dma semaphore(%arg25 : memref<!tpu.dma_semaphore, #tpu.memory_space<semaphore_mem>>) src(%dma_wait3A_1822 : memref<100000x16xf32, #tpu.memory_space<hbm>>) dst(%dma_wait3A_1817 : memref<128x16xf32, #tpu.memory_space<vmem>>)
      %dma_wait3A_1823 = arith.constant 1536 : i32
      %dma_wait3A_1824 = arith.constant 0 : i32
      %dma_wait3A_1825 = tpu.memref_slice %arg16[%dma_wait3A_1823, %dma_wait3A_1824] : memref<1792x16xf32, #tpu.memory_space<vmem>> -> memref<128x16xf32, #tpu.memory_space<vmem>>
      %dma_wait3A_1826 = arith.constant 1536 : i32
      %dma_wait3A_1827 = tpu.memref_slice %arg10[%dma_wait3A_1826] : memref<1792xi32, #tpu.memory_space<vmem>> -> memref<128xi32, #tpu.memory_space<vmem>>
      %dma_wait3A_1828 = arith.constant 0 : i32
      %dma_wait3A_1829 = arith.constant 0 : i32
      %dma_wait3A_1830 = tpu.memref_slice %arg2[%dma_wait3A_1828, %dma_wait3A_1829] : memref<100000x16xf32, #tpu.memory_space<hbm>> -> memref<100000x16xf32, #tpu.memory_space<hbm>>
      tpu.wait_indirect_dma semaphore(%arg25 : memref<!tpu.dma_semaphore, #tpu.memory_space<semaphore_mem>>) src(%dma_wait3A_1830 : memref<100000x16xf32, #tpu.memory_space<hbm>>) dst(%dma_wait3A_1825 : memref<128x16xf32, #tpu.memory_space<vmem>>)
      %dma_wait3A_1831 = arith.constant 1664 : i32
      %dma_wait3A_1832 = arith.constant 0 : i32
      %dma_wait3A_1833 = tpu.memref_slice %arg14[%dma_wait3A_1831, %dma_wait3A_1832] : memref<1792x16xf32, #tpu.memory_space<vmem>> -> memref<128x16xf32, #tpu.memory_space<vmem>>
      %dma_wait3A_1834 = arith.constant 1664 : i32
      %dma_wait3A_1835 = tpu.memref_slice %arg8[%dma_wait3A_1834] : memref<1792xi32, #tpu.memory_space<vmem>> -> memref<128xi32, #tpu.memory_space<vmem>>
      %dma_wait3A_1836 = arith.constant 0 : i32
      %dma_wait3A_1837 = arith.constant 0 : i32
      %dma_wait3A_1838 = tpu.memref_slice %arg2[%dma_wait3A_1836, %dma_wait3A_1837] : memref<100000x16xf32, #tpu.memory_space<hbm>> -> memref<100000x16xf32, #tpu.memory_space<hbm>>
      tpu.wait_indirect_dma semaphore(%arg25 : memref<!tpu.dma_semaphore, #tpu.memory_space<semaphore_mem>>) src(%dma_wait3A_1838 : memref<100000x16xf32, #tpu.memory_space<hbm>>) dst(%dma_wait3A_1833 : memref<128x16xf32, #tpu.memory_space<vmem>>)
      %dma_wait3A_1839 = arith.constant 1664 : i32
      %dma_wait3A_1840 = arith.constant 0 : i32
      %dma_wait3A_1841 = tpu.memref_slice %arg16[%dma_wait3A_1839, %dma_wait3A_1840] : memref<1792x16xf32, #tpu.memory_space<vmem>> -> memref<128x16xf32, #tpu.memory_space<vmem>>
      %dma_wait3A_1842 = arith.constant 1664 : i32
      %dma_wait3A_1843 = tpu.memref_slice %arg10[%dma_wait3A_1842] : memref<1792xi32, #tpu.memory_space<vmem>> -> memref<128xi32, #tpu.memory_space<vmem>>
      %dma_wait3A_1844 = arith.constant 0 : i32
      %dma_wait3A_1845 = arith.constant 0 : i32
      %dma_wait3A_1846 = tpu.memref_slice %arg2[%dma_wait3A_1844, %dma_wait3A_1845] : memref<100000x16xf32, #tpu.memory_space<hbm>> -> memref<100000x16xf32, #tpu.memory_space<hbm>>
      tpu.wait_indirect_dma semaphore(%arg25 : memref<!tpu.dma_semaphore, #tpu.memory_space<semaphore_mem>>) src(%dma_wait3A_1846 : memref<100000x16xf32, #tpu.memory_space<hbm>>) dst(%dma_wait3A_1841 : memref<128x16xf32, #tpu.memory_space<vmem>>)
      %add3A_1847 = arith.constant 1 : i32
      %add3A_1848 = arith.addi %mul3A_905, %add3A_1847 : i32
      %mul3A_1849 = arith.constant 1792 : i32
      %mul3A_1850 = arith.muli %add3A_1848, %mul3A_1849 : i32
      %add3A_1851 = arith.addi %mul3A_3, %mul3A_1850 : i32
      %dma_wait3A_1852 = tpu.memref_slice %arg3[%add3A_1851] : memref<3200000xf32, #tpu.memory_space<hbm>> -> memref<1792xf32, #tpu.memory_space<hbm>>
      %dma_wait3A_1853 = tpu.memref_slice %arg3[%add3A_1851] : memref<3200000xf32, #tpu.memory_space<hbm>> -> memref<1792xf32, #tpu.memory_space<hbm>>
      tpu.wait_dma2 semaphore(%arg23 : memref<!tpu.dma_semaphore, #tpu.memory_space<semaphore_mem>>) src(%dma_wait3A_1853 : memref<1792xf32, #tpu.memory_space<hbm>>) dst(%arg12 : memref<1792xf32, #tpu.memory_space<vmem>>)
      %scan3A_1854 = arith.constant 0 : i32
      %scan3A_1855 = arith.constant 112 : i32
      %scan3A_1856 = arith.addi %scan3A_1854, %scan3A_1855 : i32
      %scan3A_1857 = arith.constant 1 : i32
      %scan3A_1858:8 = scf.for %scan3A_1866 = %scan3A_1854 to %scan3A_1856 step %scan3A_1857 iter_args(%scan3A_1867 = %scan3A_1381#0, %scan3A_1868 = %scan3A_1381#1, %scan3A_1869 = %scan3A_1381#2, %scan3A_1870 = %scan3A_1381#3, %scan3A_1871 = %scan3A_1381#4, %scan3A_1872 = %scan3A_1381#5, %scan3A_1873 = %scan3A_1381#6, %scan3A_1874 = %scan3A_1381#7) -> (vector<16xf32>, vector<16xf32>, vector<16xf32>, vector<16xf32>, vector<16xf32>, vector<16xf32>, vector<16xf32>, vector<16xf32>)  : i32 {
        %mul3A_1875 = arith.constant 16 : i32
        %mul3A_1876 = arith.muli %scan3A_1866, %mul3A_1875 : i32
        %get3A = arith.index_cast %mul3A_1876 : i32 to index
        %get3A_1877 = tpu.vector_load %arg12[%get3A] {strides = array<i32>} : memref<1792xf32, #tpu.memory_space<vmem>>, vector<16xf32>,
        %get3A_1878 = vector.shape_cast %get3A_1877 : vector<16xf32> to vector<16xf32>
        %add3A_1879 = arith.constant 0 : i32
        %add3A_1880 = arith.addi %mul3A_1876, %add3A_1879 : i32
        %get3A_1881 = arith.index_cast %add3A_1880 : i32 to index
        %get3A_1882 = arith.constant 0 : index
        %get3A_1883 = tpu.vector_load %arg14[%get3A_1881, %get3A_1882] {strides = array<i32>} : memref<1792x16xf32, #tpu.memory_space<vmem>>, vector<1x16xf32>,
        %get3A_1884 = vector.shape_cast %get3A_1883 : vector<1x16xf32> to vector<16xf32>
        %get3A_1885 = arith.index_cast %add3A_1880 : i32 to index
        %get3A_1886 = arith.constant 0 : index
        %get3A_1887 = tpu.vector_load %arg16[%get3A_1885, %get3A_1886] {strides = array<i32>} : memref<1792x16xf32, #tpu.memory_space<vmem>>, vector<1x16xf32>,
        %get3A_1888 = vector.shape_cast %get3A_1887 : vector<1x16xf32> to vector<16xf32>
        %mul3A_1889 = arith.mulf %get3A_1884, %get3A_1888 : vector<16xf32>
        %slice3A = vector.extract_strided_slice %get3A_1878 {offsets = [0], sizes = [1], strides = [1]} : vector<16xf32> to vector<1xf32>
        %squeeze3A = vector.extract %slice3A[0] : f32 from vector<1xf32>
        %mul3A_1890 = vector.broadcast %squeeze3A : f32 to vector<16xf32>
        %mul3A_1891 = arith.mulf %mul3A_1889, %mul3A_1890 : vector<16xf32>
        %add3A_1892 = arith.addf %scan3A_1867, %mul3A_1891 : vector<16xf32>
        %add3A_1893 = arith.constant 1 : i32
        %add3A_1894 = arith.addi %mul3A_1876, %add3A_1893 : i32
        %get3A_1895 = arith.index_cast %add3A_1894 : i32 to index
        %get3A_1896 = arith.constant 0 : index
        %get3A_1897 = tpu.vector_load %arg14[%get3A_1895, %get3A_1896] {strides = array<i32>} : memref<1792x16xf32, #tpu.memory_space<vmem>>, vector<1x16xf32>,
        %get3A_1898 = vector.shape_cast %get3A_1897 : vector<1x16xf32> to vector<16xf32>
        %get3A_1899 = arith.index_cast %add3A_1894 : i32 to index
        %get3A_1900 = arith.constant 0 : index
        %get3A_1901 = tpu.vector_load %arg16[%get3A_1899, %get3A_1900] {strides = array<i32>} : memref<1792x16xf32, #tpu.memory_space<vmem>>, vector<1x16xf32>,
        %get3A_1902 = vector.shape_cast %get3A_1901 : vector<1x16xf32> to vector<16xf32>
        %mul3A_1903 = arith.mulf %get3A_1898, %get3A_1902 : vector<16xf32>
        %slice3A_1904 = vector.extract_strided_slice %get3A_1878 {offsets = [1], sizes = [1], strides = [1]} : vector<16xf32> to vector<1xf32>
        %squeeze3A_1905 = vector.extract %slice3A_1904[0] : f32 from vector<1xf32>
        %mul3A_1906 = vector.broadcast %squeeze3A_1905 : f32 to vector<16xf32>
        %mul3A_1907 = arith.mulf %mul3A_1903, %mul3A_1906 : vector<16xf32>
        %add3A_1908 = arith.addf %scan3A_1868, %mul3A_1907 : vector<16xf32>
        %add3A_1909 = arith.constant 2 : i32
        %add3A_1910 = arith.addi %mul3A_1876, %add3A_1909 : i32
        %get3A_1911 = arith.index_cast %add3A_1910 : i32 to index
        %get3A_1912 = arith.constant 0 : index
        %get3A_1913 = tpu.vector_load %arg14[%get3A_1911, %get3A_1912] {strides = array<i32>} : memref<1792x16xf32, #tpu.memory_space<vmem>>, vector<1x16xf32>,
        %get3A_1914 = vector.shape_cast %get3A_1913 : vector<1x16xf32> to vector<16xf32>
        %get3A_1915 = arith.index_cast %add3A_1910 : i32 to index
        %get3A_1916 = arith.constant 0 : index
        %get3A_1917 = tpu.vector_load %arg16[%get3A_1915, %get3A_1916] {strides = array<i32>} : memref<1792x16xf32, #tpu.memory_space<vmem>>, vector<1x16xf32>,
        %get3A_1918 = vector.shape_cast %get3A_1917 : vector<1x16xf32> to vector<16xf32>
        %mul3A_1919 = arith.mulf %get3A_1914, %get3A_1918 : vector<16xf32>
        %slice3A_1920 = vector.extract_strided_slice %get3A_1878 {offsets = [2], sizes = [1], strides = [1]} : vector<16xf32> to vector<1xf32>
        %squeeze3A_1921 = vector.extract %slice3A_1920[0] : f32 from vector<1xf32>
        %mul3A_1922 = vector.broadcast %squeeze3A_1921 : f32 to vector<16xf32>
        %mul3A_1923 = arith.mulf %mul3A_1919, %mul3A_1922 : vector<16xf32>
        %add3A_1924 = arith.addf %scan3A_1869, %mul3A_1923 : vector<16xf32>
        %add3A_1925 = arith.constant 3 : i32
        %add3A_1926 = arith.addi %mul3A_1876, %add3A_1925 : i32
        %get3A_1927 = arith.index_cast %add3A_1926 : i32 to index
        %get3A_1928 = arith.constant 0 : index
        %get3A_1929 = tpu.vector_load %arg14[%get3A_1927, %get3A_1928] {strides = array<i32>} : memref<1792x16xf32, #tpu.memory_space<vmem>>, vector<1x16xf32>,
        %get3A_1930 = vector.shape_cast %get3A_1929 : vector<1x16xf32> to vector<16xf32>
        %get3A_1931 = arith.index_cast %add3A_1926 : i32 to index
        %get3A_1932 = arith.constant 0 : index
        %get3A_1933 = tpu.vector_load %arg16[%get3A_1931, %get3A_1932] {strides = array<i32>} : memref<1792x16xf32, #tpu.memory_space<vmem>>, vector<1x16xf32>,
        %get3A_1934 = vector.shape_cast %get3A_1933 : vector<1x16xf32> to vector<16xf32>
        %mul3A_1935 = arith.mulf %get3A_1930, %get3A_1934 : vector<16xf32>
        %slice3A_1936 = vector.extract_strided_slice %get3A_1878 {offsets = [3], sizes = [1], strides = [1]} : vector<16xf32> to vector<1xf32>
        %squeeze3A_1937 = vector.extract %slice3A_1936[0] : f32 from vector<1xf32>
        %mul3A_1938 = vector.broadcast %squeeze3A_1937 : f32 to vector<16xf32>
        %mul3A_1939 = arith.mulf %mul3A_1935, %mul3A_1938 : vector<16xf32>
        %add3A_1940 = arith.addf %scan3A_1870, %mul3A_1939 : vector<16xf32>
        %add3A_1941 = arith.constant 4 : i32
        %add3A_1942 = arith.addi %mul3A_1876, %add3A_1941 : i32
        %get3A_1943 = arith.index_cast %add3A_1942 : i32 to index
        %get3A_1944 = arith.constant 0 : index
        %get3A_1945 = tpu.vector_load %arg14[%get3A_1943, %get3A_1944] {strides = array<i32>} : memref<1792x16xf32, #tpu.memory_space<vmem>>, vector<1x16xf32>,
        %get3A_1946 = vector.shape_cast %get3A_1945 : vector<1x16xf32> to vector<16xf32>
        %get3A_1947 = arith.index_cast %add3A_1942 : i32 to index
        %get3A_1948 = arith.constant 0 : index
        %get3A_1949 = tpu.vector_load %arg16[%get3A_1947, %get3A_1948] {strides = array<i32>} : memref<1792x16xf32, #tpu.memory_space<vmem>>, vector<1x16xf32>,
        %get3A_1950 = vector.shape_cast %get3A_1949 : vector<1x16xf32> to vector<16xf32>
        %mul3A_1951 = arith.mulf %get3A_1946, %get3A_1950 : vector<16xf32>
        %slice3A_1952 = vector.extract_strided_slice %get3A_1878 {offsets = [4], sizes = [1], strides = [1]} : vector<16xf32> to vector<1xf32>
        %squeeze3A_1953 = vector.extract %slice3A_1952[0] : f32 from vector<1xf32>
        %mul3A_1954 = vector.broadcast %squeeze3A_1953 : f32 to vector<16xf32>
        %mul3A_1955 = arith.mulf %mul3A_1951, %mul3A_1954 : vector<16xf32>
        %add3A_1956 = arith.addf %scan3A_1871, %mul3A_1955 : vector<16xf32>
        %add3A_1957 = arith.constant 5 : i32
        %add3A_1958 = arith.addi %mul3A_1876, %add3A_1957 : i32
        %get3A_1959 = arith.index_cast %add3A_1958 : i32 to index
        %get3A_1960 = arith.constant 0 : index
        %get3A_1961 = tpu.vector_load %arg14[%get3A_1959, %get3A_1960] {strides = array<i32>} : memref<1792x16xf32, #tpu.memory_space<vmem>>, vector<1x16xf32>,
        %get3A_1962 = vector.shape_cast %get3A_1961 : vector<1x16xf32> to vector<16xf32>
        %get3A_1963 = arith.index_cast %add3A_1958 : i32 to index
        %get3A_1964 = arith.constant 0 : index
        %get3A_1965 = tpu.vector_load %arg16[%get3A_1963, %get3A_1964] {strides = array<i32>} : memref<1792x16xf32, #tpu.memory_space<vmem>>, vector<1x16xf32>,
        %get3A_1966 = vector.shape_cast %get3A_1965 : vector<1x16xf32> to vector<16xf32>
        %mul3A_1967 = arith.mulf %get3A_1962, %get3A_1966 : vector<16xf32>
        %slice3A_1968 = vector.extract_strided_slice %get3A_1878 {offsets = [5], sizes = [1], strides = [1]} : vector<16xf32> to vector<1xf32>
        %squeeze3A_1969 = vector.extract %slice3A_1968[0] : f32 from vector<1xf32>
        %mul3A_1970 = vector.broadcast %squeeze3A_1969 : f32 to vector<16xf32>
        %mul3A_1971 = arith.mulf %mul3A_1967, %mul3A_1970 : vector<16xf32>
        %add3A_1972 = arith.addf %scan3A_1872, %mul3A_1971 : vector<16xf32>
        %add3A_1973 = arith.constant 6 : i32
        %add3A_1974 = arith.addi %mul3A_1876, %add3A_1973 : i32
        %get3A_1975 = arith.index_cast %add3A_1974 : i32 to index
        %get3A_1976 = arith.constant 0 : index
        %get3A_1977 = tpu.vector_load %arg14[%get3A_1975, %get3A_1976] {strides = array<i32>} : memref<1792x16xf32, #tpu.memory_space<vmem>>, vector<1x16xf32>,
        %get3A_1978 = vector.shape_cast %get3A_1977 : vector<1x16xf32> to vector<16xf32>
        %get3A_1979 = arith.index_cast %add3A_1974 : i32 to index
        %get3A_1980 = arith.constant 0 : index
        %get3A_1981 = tpu.vector_load %arg16[%get3A_1979, %get3A_1980] {strides = array<i32>} : memref<1792x16xf32, #tpu.memory_space<vmem>>, vector<1x16xf32>,
        %get3A_1982 = vector.shape_cast %get3A_1981 : vector<1x16xf32> to vector<16xf32>
        %mul3A_1983 = arith.mulf %get3A_1978, %get3A_1982 : vector<16xf32>
        %slice3A_1984 = vector.extract_strided_slice %get3A_1878 {offsets = [6], sizes = [1], strides = [1]} : vector<16xf32> to vector<1xf32>
        %squeeze3A_1985 = vector.extract %slice3A_1984[0] : f32 from vector<1xf32>
        %mul3A_1986 = vector.broadcast %squeeze3A_1985 : f32 to vector<16xf32>
        %mul3A_1987 = arith.mulf %mul3A_1983, %mul3A_1986 : vector<16xf32>
        %add3A_1988 = arith.addf %scan3A_1873, %mul3A_1987 : vector<16xf32>
        %add3A_1989 = arith.constant 7 : i32
        %add3A_1990 = arith.addi %mul3A_1876, %add3A_1989 : i32
        %get3A_1991 = arith.index_cast %add3A_1990 : i32 to index
        %get3A_1992 = arith.constant 0 : index
        %get3A_1993 = tpu.vector_load %arg14[%get3A_1991, %get3A_1992] {strides = array<i32>} : memref<1792x16xf32, #tpu.memory_space<vmem>>, vector<1x16xf32>,
        %get3A_1994 = vector.shape_cast %get3A_1993 : vector<1x16xf32> to vector<16xf32>
        %get3A_1995 = arith.index_cast %add3A_1990 : i32 to index
        %get3A_1996 = arith.constant 0 : index
        %get3A_1997 = tpu.vector_load %arg16[%get3A_1995, %get3A_1996] {strides = array<i32>} : memref<1792x16xf32, #tpu.memory_space<vmem>>, vector<1x16xf32>,
        %get3A_1998 = vector.shape_cast %get3A_1997 : vector<1x16xf32> to vector<16xf32>
        %mul3A_1999 = arith.mulf %get3A_1994, %get3A_1998 : vector<16xf32>
        %slice3A_2000 = vector.extract_strided_slice %get3A_1878 {offsets = [7], sizes = [1], strides = [1]} : vector<16xf32> to vector<1xf32>
        %squeeze3A_2001 = vector.extract %slice3A_2000[0] : f32 from vector<1xf32>
        %mul3A_2002 = vector.broadcast %squeeze3A_2001 : f32 to vector<16xf32>
        %mul3A_2003 = arith.mulf %mul3A_1999, %mul3A_2002 : vector<16xf32>
        %add3A_2004 = arith.addf %scan3A_1874, %mul3A_2003 : vector<16xf32>
        %add3A_2005 = arith.constant 8 : i32
        %add3A_2006 = arith.addi %mul3A_1876, %add3A_2005 : i32
        %get3A_2007 = arith.index_cast %add3A_2006 : i32 to index
        %get3A_2008 = arith.constant 0 : index
        %get3A_2009 = tpu.vector_load %arg14[%get3A_2007, %get3A_2008] {strides = array<i32>} : memref<1792x16xf32, #tpu.memory_space<vmem>>, vector<1x16xf32>,
        %get3A_2010 = vector.shape_cast %get3A_2009 : vector<1x16xf32> to vector<16xf32>
        %get3A_2011 = arith.index_cast %add3A_2006 : i32 to index
        %get3A_2012 = arith.constant 0 : index
        %get3A_2013 = tpu.vector_load %arg16[%get3A_2011, %get3A_2012] {strides = array<i32>} : memref<1792x16xf32, #tpu.memory_space<vmem>>, vector<1x16xf32>,
        %get3A_2014 = vector.shape_cast %get3A_2013 : vector<1x16xf32> to vector<16xf32>
        %mul3A_2015 = arith.mulf %get3A_2010, %get3A_2014 : vector<16xf32>
        %slice3A_2016 = vector.extract_strided_slice %get3A_1878 {offsets = [8], sizes = [1], strides = [1]} : vector<16xf32> to vector<1xf32>
        %squeeze3A_2017 = vector.extract %slice3A_2016[0] : f32 from vector<1xf32>
        %mul3A_2018 = vector.broadcast %squeeze3A_2017 : f32 to vector<16xf32>
        %mul3A_2019 = arith.mulf %mul3A_2015, %mul3A_2018 : vector<16xf32>
        %add3A_2020 = arith.addf %add3A_1892, %mul3A_2019 : vector<16xf32>
        %add3A_2021 = arith.constant 9 : i32
        %add3A_2022 = arith.addi %mul3A_1876, %add3A_2021 : i32
        %get3A_2023 = arith.index_cast %add3A_2022 : i32 to index
        %get3A_2024 = arith.constant 0 : index
        %get3A_2025 = tpu.vector_load %arg14[%get3A_2023, %get3A_2024] {strides = array<i32>} : memref<1792x16xf32, #tpu.memory_space<vmem>>, vector<1x16xf32>,
        %get3A_2026 = vector.shape_cast %get3A_2025 : vector<1x16xf32> to vector<16xf32>
        %get3A_2027 = arith.index_cast %add3A_2022 : i32 to index
        %get3A_2028 = arith.constant 0 : index
        %get3A_2029 = tpu.vector_load %arg16[%get3A_2027, %get3A_2028] {strides = array<i32>} : memref<1792x16xf32, #tpu.memory_space<vmem>>, vector<1x16xf32>,
        %get3A_2030 = vector.shape_cast %get3A_2029 : vector<1x16xf32> to vector<16xf32>
        %mul3A_2031 = arith.mulf %get3A_2026, %get3A_2030 : vector<16xf32>
        %slice3A_2032 = vector.extract_strided_slice %get3A_1878 {offsets = [9], sizes = [1], strides = [1]} : vector<16xf32> to vector<1xf32>
        %squeeze3A_2033 = vector.extract %slice3A_2032[0] : f32 from vector<1xf32>
        %mul3A_2034 = vector.broadcast %squeeze3A_2033 : f32 to vector<16xf32>
        %mul3A_2035 = arith.mulf %mul3A_2031, %mul3A_2034 : vector<16xf32>
        %add3A_2036 = arith.addf %add3A_1908, %mul3A_2035 : vector<16xf32>
        %add3A_2037 = arith.constant 10 : i32
        %add3A_2038 = arith.addi %mul3A_1876, %add3A_2037 : i32
        %get3A_2039 = arith.index_cast %add3A_2038 : i32 to index
        %get3A_2040 = arith.constant 0 : index
        %get3A_2041 = tpu.vector_load %arg14[%get3A_2039, %get3A_2040] {strides = array<i32>} : memref<1792x16xf32, #tpu.memory_space<vmem>>, vector<1x16xf32>,
        %get3A_2042 = vector.shape_cast %get3A_2041 : vector<1x16xf32> to vector<16xf32>
        %get3A_2043 = arith.index_cast %add3A_2038 : i32 to index
        %get3A_2044 = arith.constant 0 : index
        %get3A_2045 = tpu.vector_load %arg16[%get3A_2043, %get3A_2044] {strides = array<i32>} : memref<1792x16xf32, #tpu.memory_space<vmem>>, vector<1x16xf32>,
        %get3A_2046 = vector.shape_cast %get3A_2045 : vector<1x16xf32> to vector<16xf32>
        %mul3A_2047 = arith.mulf %get3A_2042, %get3A_2046 : vector<16xf32>
        %slice3A_2048 = vector.extract_strided_slice %get3A_1878 {offsets = [10], sizes = [1], strides = [1]} : vector<16xf32> to vector<1xf32>
        %squeeze3A_2049 = vector.extract %slice3A_2048[0] : f32 from vector<1xf32>
        %mul3A_2050 = vector.broadcast %squeeze3A_2049 : f32 to vector<16xf32>
        %mul3A_2051 = arith.mulf %mul3A_2047, %mul3A_2050 : vector<16xf32>
        %add3A_2052 = arith.addf %add3A_1924, %mul3A_2051 : vector<16xf32>
        %add3A_2053 = arith.constant 11 : i32
        %add3A_2054 = arith.addi %mul3A_1876, %add3A_2053 : i32
        %get3A_2055 = arith.index_cast %add3A_2054 : i32 to index
        %get3A_2056 = arith.constant 0 : index
        %get3A_2057 = tpu.vector_load %arg14[%get3A_2055, %get3A_2056] {strides = array<i32>} : memref<1792x16xf32, #tpu.memory_space<vmem>>, vector<1x16xf32>,
        %get3A_2058 = vector.shape_cast %get3A_2057 : vector<1x16xf32> to vector<16xf32>
        %get3A_2059 = arith.index_cast %add3A_2054 : i32 to index
        %get3A_2060 = arith.constant 0 : index
        %get3A_2061 = tpu.vector_load %arg16[%get3A_2059, %get3A_2060] {strides = array<i32>} : memref<1792x16xf32, #tpu.memory_space<vmem>>, vector<1x16xf32>,
        %get3A_2062 = vector.shape_cast %get3A_2061 : vector<1x16xf32> to vector<16xf32>
        %mul3A_2063 = arith.mulf %get3A_2058, %get3A_2062 : vector<16xf32>
        %slice3A_2064 = vector.extract_strided_slice %get3A_1878 {offsets = [11], sizes = [1], strides = [1]} : vector<16xf32> to vector<1xf32>
        %squeeze3A_2065 = vector.extract %slice3A_2064[0] : f32 from vector<1xf32>
        %mul3A_2066 = vector.broadcast %squeeze3A_2065 : f32 to vector<16xf32>
        %mul3A_2067 = arith.mulf %mul3A_2063, %mul3A_2066 : vector<16xf32>
        %add3A_2068 = arith.addf %add3A_1940, %mul3A_2067 : vector<16xf32>
        %add3A_2069 = arith.constant 12 : i32
        %add3A_2070 = arith.addi %mul3A_1876, %add3A_2069 : i32
        %get3A_2071 = arith.index_cast %add3A_2070 : i32 to index
        %get3A_2072 = arith.constant 0 : index
        %get3A_2073 = tpu.vector_load %arg14[%get3A_2071, %get3A_2072] {strides = array<i32>} : memref<1792x16xf32, #tpu.memory_space<vmem>>, vector<1x16xf32>,
        %get3A_2074 = vector.shape_cast %get3A_2073 : vector<1x16xf32> to vector<16xf32>
        %get3A_2075 = arith.index_cast %add3A_2070 : i32 to index
        %get3A_2076 = arith.constant 0 : index
        %get3A_2077 = tpu.vector_load %arg16[%get3A_2075, %get3A_2076] {strides = array<i32>} : memref<1792x16xf32, #tpu.memory_space<vmem>>, vector<1x16xf32>,
        %get3A_2078 = vector.shape_cast %get3A_2077 : vector<1x16xf32> to vector<16xf32>
        %mul3A_2079 = arith.mulf %get3A_2074, %get3A_2078 : vector<16xf32>
        %slice3A_2080 = vector.extract_strided_slice %get3A_1878 {offsets = [12], sizes = [1], strides = [1]} : vector<16xf32> to vector<1xf32>
        %squeeze3A_2081 = vector.extract %slice3A_2080[0] : f32 from vector<1xf32>
        %mul3A_2082 = vector.broadcast %squeeze3A_2081 : f32 to vector<16xf32>
        %mul3A_2083 = arith.mulf %mul3A_2079, %mul3A_2082 : vector<16xf32>
        %add3A_2084 = arith.addf %add3A_1956, %mul3A_2083 : vector<16xf32>
        %add3A_2085 = arith.constant 13 : i32
        %add3A_2086 = arith.addi %mul3A_1876, %add3A_2085 : i32
        %get3A_2087 = arith.index_cast %add3A_2086 : i32 to index
        %get3A_2088 = arith.constant 0 : index
        %get3A_2089 = tpu.vector_load %arg14[%get3A_2087, %get3A_2088] {strides = array<i32>} : memref<1792x16xf32, #tpu.memory_space<vmem>>, vector<1x16xf32>,
        %get3A_2090 = vector.shape_cast %get3A_2089 : vector<1x16xf32> to vector<16xf32>
        %get3A_2091 = arith.index_cast %add3A_2086 : i32 to index
        %get3A_2092 = arith.constant 0 : index
        %get3A_2093 = tpu.vector_load %arg16[%get3A_2091, %get3A_2092] {strides = array<i32>} : memref<1792x16xf32, #tpu.memory_space<vmem>>, vector<1x16xf32>,
        %get3A_2094 = vector.shape_cast %get3A_2093 : vector<1x16xf32> to vector<16xf32>
        %mul3A_2095 = arith.mulf %get3A_2090, %get3A_2094 : vector<16xf32>
        %slice3A_2096 = vector.extract_strided_slice %get3A_1878 {offsets = [13], sizes = [1], strides = [1]} : vector<16xf32> to vector<1xf32>
        %squeeze3A_2097 = vector.extract %slice3A_2096[0] : f32 from vector<1xf32>
        %mul3A_2098 = vector.broadcast %squeeze3A_2097 : f32 to vector<16xf32>
        %mul3A_2099 = arith.mulf %mul3A_2095, %mul3A_2098 : vector<16xf32>
        %add3A_2100 = arith.addf %add3A_1972, %mul3A_2099 : vector<16xf32>
        %add3A_2101 = arith.constant 14 : i32
        %add3A_2102 = arith.addi %mul3A_1876, %add3A_2101 : i32
        %get3A_2103 = arith.index_cast %add3A_2102 : i32 to index
        %get3A_2104 = arith.constant 0 : index
        %get3A_2105 = tpu.vector_load %arg14[%get3A_2103, %get3A_2104] {strides = array<i32>} : memref<1792x16xf32, #tpu.memory_space<vmem>>, vector<1x16xf32>,
        %get3A_2106 = vector.shape_cast %get3A_2105 : vector<1x16xf32> to vector<16xf32>
        %get3A_2107 = arith.index_cast %add3A_2102 : i32 to index
        %get3A_2108 = arith.constant 0 : index
        %get3A_2109 = tpu.vector_load %arg16[%get3A_2107, %get3A_2108] {strides = array<i32>} : memref<1792x16xf32, #tpu.memory_space<vmem>>, vector<1x16xf32>,
        %get3A_2110 = vector.shape_cast %get3A_2109 : vector<1x16xf32> to vector<16xf32>
        %mul3A_2111 = arith.mulf %get3A_2106, %get3A_2110 : vector<16xf32>
        %slice3A_2112 = vector.extract_strided_slice %get3A_1878 {offsets = [14], sizes = [1], strides = [1]} : vector<16xf32> to vector<1xf32>
        %squeeze3A_2113 = vector.extract %slice3A_2112[0] : f32 from vector<1xf32>
        %mul3A_2114 = vector.broadcast %squeeze3A_2113 : f32 to vector<16xf32>
        %mul3A_2115 = arith.mulf %mul3A_2111, %mul3A_2114 : vector<16xf32>
        %add3A_2116 = arith.addf %add3A_1988, %mul3A_2115 : vector<16xf32>
        %add3A_2117 = arith.constant 15 : i32
        %add3A_2118 = arith.addi %mul3A_1876, %add3A_2117 : i32
        %get3A_2119 = arith.index_cast %add3A_2118 : i32 to index
        %get3A_2120 = arith.constant 0 : index
        %get3A_2121 = tpu.vector_load %arg14[%get3A_2119, %get3A_2120] {strides = array<i32>} : memref<1792x16xf32, #tpu.memory_space<vmem>>, vector<1x16xf32>,
        %get3A_2122 = vector.shape_cast %get3A_2121 : vector<1x16xf32> to vector<16xf32>
        %get3A_2123 = arith.index_cast %add3A_2118 : i32 to index
        %get3A_2124 = arith.constant 0 : index
        %get3A_2125 = tpu.vector_load %arg16[%get3A_2123, %get3A_2124] {strides = array<i32>} : memref<1792x16xf32, #tpu.memory_space<vmem>>, vector<1x16xf32>,
        %get3A_2126 = vector.shape_cast %get3A_2125 : vector<1x16xf32> to vector<16xf32>
        %mul3A_2127 = arith.mulf %get3A_2122, %get3A_2126 : vector<16xf32>
        %slice3A_2128 = vector.extract_strided_slice %get3A_1878 {offsets = [15], sizes = [1], strides = [1]} : vector<16xf32> to vector<1xf32>
        %squeeze3A_2129 = vector.extract %slice3A_2128[0] : f32 from vector<1xf32>
        %mul3A_2130 = vector.broadcast %squeeze3A_2129 : f32 to vector<16xf32>
        %mul3A_2131 = arith.mulf %mul3A_2127, %mul3A_2130 : vector<16xf32>
        %add3A_2132 = arith.addf %add3A_2004, %mul3A_2131 : vector<16xf32>
        scf.yield %add3A_2020, %add3A_2036, %add3A_2052, %add3A_2068, %add3A_2084, %add3A_2100, %add3A_2116, %add3A_2132 : vector<16xf32>, vector<16xf32>, vector<16xf32>, vector<16xf32>, vector<16xf32>, vector<16xf32>, vector<16xf32>, vector<16xf32>
      }
      %scan3A_1859 = arith.constant 112 : i32
      %add3A_1860 = arith.constant 3 : i32
      %add3A_1861 = arith.addi %mul3A_905, %add3A_1860 : i32
      %lt3A = arith.constant 55 : i32
      %lt3A_1862 = arith.cmpi slt, %add3A_1861, %lt3A : i32
      %convert_element_type3A_1863 = arith.extui %lt3A_1862 : i1 to i32
      %cond3A_1864 = arith.constant 0 : i32
      %cond3A_1865 = arith.cmpi ne, %convert_element_type3A_1863, %cond3A_1864 : i32
      scf.if %cond3A_1865 {
        %add3A_1866 = arith.constant 3 : i32
        %add3A_1867 = arith.addi %mul3A_905, %add3A_1866 : i32
        %mul3A_1868 = arith.constant 1792 : i32
        %mul3A_1869 = arith.muli %add3A_1867, %mul3A_1868 : i32
        %add3A_1870 = arith.addi %mul3A_3, %mul3A_1869 : i32
        %dma_start3A_1871 = tpu.memref_slice %arg4[%add3A_1870] : memref<3200000xi32, #tpu.memory_space<hbm>> -> memref<1792xi32, #tpu.memory_space<hbm>>
        %dma_start3A_1872 = tpu.memref_slice %arg4[%add3A_1870] : memref<3200000xi32, #tpu.memory_space<hbm>> -> memref<1792xi32, #tpu.memory_space<hbm>>
        tpu.enqueue_dma source(%dma_start3A_1872 : memref<1792xi32, #tpu.memory_space<hbm>>) target(%arg8 : memref<1792xi32, #tpu.memory_space<vmem>>) target_semaphore(%arg21 : memref<!tpu.dma_semaphore, #tpu.memory_space<semaphore_mem>>)
        %dma_start3A_1873 = tpu.memref_slice %arg5[%add3A_1870] : memref<3200000xi32, #tpu.memory_space<hbm>> -> memref<1792xi32, #tpu.memory_space<hbm>>
        %dma_start3A_1874 = tpu.memref_slice %arg5[%add3A_1870] : memref<3200000xi32, #tpu.memory_space<hbm>> -> memref<1792xi32, #tpu.memory_space<hbm>>
        tpu.enqueue_dma source(%dma_start3A_1874 : memref<1792xi32, #tpu.memory_space<hbm>>) target(%arg10 : memref<1792xi32, #tpu.memory_space<vmem>>) target_semaphore(%arg21 : memref<!tpu.dma_semaphore, #tpu.memory_space<semaphore_mem>>)
        %add3A_1875 = arith.constant 3 : i32
        %add3A_1876 = arith.addi %mul3A_905, %add3A_1875 : i32
        %mul3A_1877 = arith.constant 1792 : i32
        %mul3A_1878 = arith.muli %add3A_1876, %mul3A_1877 : i32
        %add3A_1879 = arith.addi %mul3A_3, %mul3A_1878 : i32
        %dma_start3A_1880 = tpu.memref_slice %arg3[%add3A_1879] : memref<3200000xf32, #tpu.memory_space<hbm>> -> memref<1792xf32, #tpu.memory_space<hbm>>
        %dma_start3A_1881 = tpu.memref_slice %arg3[%add3A_1879] : memref<3200000xf32, #tpu.memory_space<hbm>> -> memref<1792xf32, #tpu.memory_space<hbm>>
        tpu.enqueue_dma source(%dma_start3A_1881 : memref<1792xf32, #tpu.memory_space<hbm>>) target(%arg12 : memref<1792xf32, #tpu.memory_space<vmem>>) target_semaphore(%arg23 : memref<!tpu.dma_semaphore, #tpu.memory_space<semaphore_mem>>)
      } else {
      }
      scf.yield %scan3A_1858#0, %scan3A_1858#1, %scan3A_1858#2, %scan3A_1858#3, %scan3A_1858#4, %scan3A_1858#5, %scan3A_1858#6, %scan3A_1858#7 : vector<16xf32>, vector<16xf32>, vector<16xf32>, vector<16xf32>, vector<16xf32>, vector<16xf32>, vector<16xf32>, vector<16xf32>
    }
    %scan3A_256 = arith.constant 27 : i32
    %dma_wait3A_257 = arith.constant 0 : i32
    %dma_wait3A_258 = arith.constant 0 : i32
    %dma_wait3A_259 = tpu.memref_slice %arg13[%dma_wait3A_257, %dma_wait3A_258] : memref<1792x16xf32, #tpu.memory_space<vmem>> -> memref<128x16xf32, #tpu.memory_space<vmem>>
    %dma_wait3A_260 = arith.constant 0 : i32
    %dma_wait3A_261 = tpu.memref_slice %arg7[%dma_wait3A_260] : memref<1792xi32, #tpu.memory_space<vmem>> -> memref<128xi32, #tpu.memory_space<vmem>>
    %dma_wait3A_262 = arith.constant 0 : i32
    %dma_wait3A_263 = arith.constant 0 : i32
    %dma_wait3A_264 = tpu.memref_slice %arg2[%dma_wait3A_262, %dma_wait3A_263] : memref<100000x16xf32, #tpu.memory_space<hbm>> -> memref<100000x16xf32, #tpu.memory_space<hbm>>
    tpu.wait_indirect_dma semaphore(%arg24 : memref<!tpu.dma_semaphore, #tpu.memory_space<semaphore_mem>>) src(%dma_wait3A_264 : memref<100000x16xf32, #tpu.memory_space<hbm>>) dst(%dma_wait3A_259 : memref<128x16xf32, #tpu.memory_space<vmem>>)
    %dma_wait3A_265 = arith.constant 0 : i32
    %dma_wait3A_266 = arith.constant 0 : i32
    %dma_wait3A_267 = tpu.memref_slice %arg15[%dma_wait3A_265, %dma_wait3A_266] : memref<1792x16xf32, #tpu.memory_space<vmem>> -> memref<128x16xf32, #tpu.memory_space<vmem>>
    %dma_wait3A_268 = arith.constant 0 : i32
    %dma_wait3A_269 = tpu.memref_slice %arg9[%dma_wait3A_268] : memref<1792xi32, #tpu.memory_space<vmem>> -> memref<128xi32, #tpu.memory_space<vmem>>
    %dma_wait3A_270 = arith.constant 0 : i32
    %dma_wait3A_271 = arith.constant 0 : i32
    %dma_wait3A_272 = tpu.memref_slice %arg2[%dma_wait3A_270, %dma_wait3A_271] : memref<100000x16xf32, #tpu.memory_space<hbm>> -> memref<100000x16xf32, #tpu.memory_space<hbm>>
    tpu.wait_indirect_dma semaphore(%arg24 : memref<!tpu.dma_semaphore, #tpu.memory_space<semaphore_mem>>) src(%dma_wait3A_272 : memref<100000x16xf32, #tpu.memory_space<hbm>>) dst(%dma_wait3A_267 : memref<128x16xf32, #tpu.memory_space<vmem>>)
    %dma_wait3A_273 = arith.constant 128 : i32
    %dma_wait3A_274 = arith.constant 0 : i32
    %dma_wait3A_275 = tpu.memref_slice %arg13[%dma_wait3A_273, %dma_wait3A_274] : memref<1792x16xf32, #tpu.memory_space<vmem>> -> memref<128x16xf32, #tpu.memory_space<vmem>>
    %dma_wait3A_276 = arith.constant 128 : i32
    %dma_wait3A_277 = tpu.memref_slice %arg7[%dma_wait3A_276] : memref<1792xi32, #tpu.memory_space<vmem>> -> memref<128xi32, #tpu.memory_space<vmem>>
    %dma_wait3A_278 = arith.constant 0 : i32
    %dma_wait3A_279 = arith.constant 0 : i32
    %dma_wait3A_280 = tpu.memref_slice %arg2[%dma_wait3A_278, %dma_wait3A_279] : memref<100000x16xf32, #tpu.memory_space<hbm>> -> memref<100000x16xf32, #tpu.memory_space<hbm>>
    tpu.wait_indirect_dma semaphore(%arg24 : memref<!tpu.dma_semaphore, #tpu.memory_space<semaphore_mem>>) src(%dma_wait3A_280 : memref<100000x16xf32, #tpu.memory_space<hbm>>) dst(%dma_wait3A_275 : memref<128x16xf32, #tpu.memory_space<vmem>>)
    %dma_wait3A_281 = arith.constant 128 : i32
    %dma_wait3A_282 = arith.constant 0 : i32
    %dma_wait3A_283 = tpu.memref_slice %arg15[%dma_wait3A_281, %dma_wait3A_282] : memref<1792x16xf32, #tpu.memory_space<vmem>> -> memref<128x16xf32, #tpu.memory_space<vmem>>
    %dma_wait3A_284 = arith.constant 128 : i32
    %dma_wait3A_285 = tpu.memref_slice %arg9[%dma_wait3A_284] : memref<1792xi32, #tpu.memory_space<vmem>> -> memref<128xi32, #tpu.memory_space<vmem>>
    %dma_wait3A_286 = arith.constant 0 : i32
    %dma_wait3A_287 = arith.constant 0 : i32
    %dma_wait3A_288 = tpu.memref_slice %arg2[%dma_wait3A_286, %dma_wait3A_287] : memref<100000x16xf32, #tpu.memory_space<hbm>> -> memref<100000x16xf32, #tpu.memory_space<hbm>>
    tpu.wait_indirect_dma semaphore(%arg24 : memref<!tpu.dma_semaphore, #tpu.memory_space<semaphore_mem>>) src(%dma_wait3A_288 : memref<100000x16xf32, #tpu.memory_space<hbm>>) dst(%dma_wait3A_283 : memref<128x16xf32, #tpu.memory_space<vmem>>)
    %dma_wait3A_289 = arith.constant 256 : i32
    %dma_wait3A_290 = arith.constant 0 : i32
    %dma_wait3A_291 = tpu.memref_slice %arg13[%dma_wait3A_289, %dma_wait3A_290] : memref<1792x16xf32, #tpu.memory_space<vmem>> -> memref<128x16xf32, #tpu.memory_space<vmem>>
    %dma_wait3A_292 = arith.constant 256 : i32
    %dma_wait3A_293 = tpu.memref_slice %arg7[%dma_wait3A_292] : memref<1792xi32, #tpu.memory_space<vmem>> -> memref<128xi32, #tpu.memory_space<vmem>>
    %dma_wait3A_294 = arith.constant 0 : i32
    %dma_wait3A_295 = arith.constant 0 : i32
    %dma_wait3A_296 = tpu.memref_slice %arg2[%dma_wait3A_294, %dma_wait3A_295] : memref<100000x16xf32, #tpu.memory_space<hbm>> -> memref<100000x16xf32, #tpu.memory_space<hbm>>
    tpu.wait_indirect_dma semaphore(%arg24 : memref<!tpu.dma_semaphore, #tpu.memory_space<semaphore_mem>>) src(%dma_wait3A_296 : memref<100000x16xf32, #tpu.memory_space<hbm>>) dst(%dma_wait3A_291 : memref<128x16xf32, #tpu.memory_space<vmem>>)
    %dma_wait3A_297 = arith.constant 256 : i32
    %dma_wait3A_298 = arith.constant 0 : i32
    %dma_wait3A_299 = tpu.memref_slice %arg15[%dma_wait3A_297, %dma_wait3A_298] : memref<1792x16xf32, #tpu.memory_space<vmem>> -> memref<128x16xf32, #tpu.memory_space<vmem>>
    %dma_wait3A_300 = arith.constant 256 : i32
    %dma_wait3A_301 = tpu.memref_slice %arg9[%dma_wait3A_300] : memref<1792xi32, #tpu.memory_space<vmem>> -> memref<128xi32, #tpu.memory_space<vmem>>
    %dma_wait3A_302 = arith.constant 0 : i32
    %dma_wait3A_303 = arith.constant 0 : i32
    %dma_wait3A_304 = tpu.memref_slice %arg2[%dma_wait3A_302, %dma_wait3A_303] : memref<100000x16xf32, #tpu.memory_space<hbm>> -> memref<100000x16xf32, #tpu.memory_space<hbm>>
    tpu.wait_indirect_dma semaphore(%arg24 : memref<!tpu.dma_semaphore, #tpu.memory_space<semaphore_mem>>) src(%dma_wait3A_304 : memref<100000x16xf32, #tpu.memory_space<hbm>>) dst(%dma_wait3A_299 : memref<128x16xf32, #tpu.memory_space<vmem>>)
    %dma_wait3A_305 = arith.constant 384 : i32
    %dma_wait3A_306 = arith.constant 0 : i32
    %dma_wait3A_307 = tpu.memref_slice %arg13[%dma_wait3A_305, %dma_wait3A_306] : memref<1792x16xf32, #tpu.memory_space<vmem>> -> memref<128x16xf32, #tpu.memory_space<vmem>>
    %dma_wait3A_308 = arith.constant 384 : i32
    %dma_wait3A_309 = tpu.memref_slice %arg7[%dma_wait3A_308] : memref<1792xi32, #tpu.memory_space<vmem>> -> memref<128xi32, #tpu.memory_space<vmem>>
    %dma_wait3A_310 = arith.constant 0 : i32
    %dma_wait3A_311 = arith.constant 0 : i32
    %dma_wait3A_312 = tpu.memref_slice %arg2[%dma_wait3A_310, %dma_wait3A_311] : memref<100000x16xf32, #tpu.memory_space<hbm>> -> memref<100000x16xf32, #tpu.memory_space<hbm>>
    tpu.wait_indirect_dma semaphore(%arg24 : memref<!tpu.dma_semaphore, #tpu.memory_space<semaphore_mem>>) src(%dma_wait3A_312 : memref<100000x16xf32, #tpu.memory_space<hbm>>) dst(%dma_wait3A_307 : memref<128x16xf32, #tpu.memory_space<vmem>>)
    %dma_wait3A_313 = arith.constant 384 : i32
    %dma_wait3A_314 = arith.constant 0 : i32
    %dma_wait3A_315 = tpu.memref_slice %arg15[%dma_wait3A_313, %dma_wait3A_314] : memref<1792x16xf32, #tpu.memory_space<vmem>> -> memref<128x16xf32, #tpu.memory_space<vmem>>
    %dma_wait3A_316 = arith.constant 384 : i32
    %dma_wait3A_317 = tpu.memref_slice %arg9[%dma_wait3A_316] : memref<1792xi32, #tpu.memory_space<vmem>> -> memref<128xi32, #tpu.memory_space<vmem>>
    %dma_wait3A_318 = arith.constant 0 : i32
    %dma_wait3A_319 = arith.constant 0 : i32
    %dma_wait3A_320 = tpu.memref_slice %arg2[%dma_wait3A_318, %dma_wait3A_319] : memref<100000x16xf32, #tpu.memory_space<hbm>> -> memref<100000x16xf32, #tpu.memory_space<hbm>>
    tpu.wait_indirect_dma semaphore(%arg24 : memref<!tpu.dma_semaphore, #tpu.memory_space<semaphore_mem>>) src(%dma_wait3A_320 : memref<100000x16xf32, #tpu.memory_space<hbm>>) dst(%dma_wait3A_315 : memref<128x16xf32, #tpu.memory_space<vmem>>)
    %dma_wait3A_321 = arith.constant 512 : i32
    %dma_wait3A_322 = arith.constant 0 : i32
    %dma_wait3A_323 = tpu.memref_slice %arg13[%dma_wait3A_321, %dma_wait3A_322] : memref<1792x16xf32, #tpu.memory_space<vmem>> -> memref<128x16xf32, #tpu.memory_space<vmem>>
    %dma_wait3A_324 = arith.constant 512 : i32
    %dma_wait3A_325 = tpu.memref_slice %arg7[%dma_wait3A_324] : memref<1792xi32, #tpu.memory_space<vmem>> -> memref<128xi32, #tpu.memory_space<vmem>>
    %dma_wait3A_326 = arith.constant 0 : i32
    %dma_wait3A_327 = arith.constant 0 : i32
    %dma_wait3A_328 = tpu.memref_slice %arg2[%dma_wait3A_326, %dma_wait3A_327] : memref<100000x16xf32, #tpu.memory_space<hbm>> -> memref<100000x16xf32, #tpu.memory_space<hbm>>
    tpu.wait_indirect_dma semaphore(%arg24 : memref<!tpu.dma_semaphore, #tpu.memory_space<semaphore_mem>>) src(%dma_wait3A_328 : memref<100000x16xf32, #tpu.memory_space<hbm>>) dst(%dma_wait3A_323 : memref<128x16xf32, #tpu.memory_space<vmem>>)
    %dma_wait3A_329 = arith.constant 512 : i32
    %dma_wait3A_330 = arith.constant 0 : i32
    %dma_wait3A_331 = tpu.memref_slice %arg15[%dma_wait3A_329, %dma_wait3A_330] : memref<1792x16xf32, #tpu.memory_space<vmem>> -> memref<128x16xf32, #tpu.memory_space<vmem>>
    %dma_wait3A_332 = arith.constant 512 : i32
    %dma_wait3A_333 = tpu.memref_slice %arg9[%dma_wait3A_332] : memref<1792xi32, #tpu.memory_space<vmem>> -> memref<128xi32, #tpu.memory_space<vmem>>
    %dma_wait3A_334 = arith.constant 0 : i32
    %dma_wait3A_335 = arith.constant 0 : i32
    %dma_wait3A_336 = tpu.memref_slice %arg2[%dma_wait3A_334, %dma_wait3A_335] : memref<100000x16xf32, #tpu.memory_space<hbm>> -> memref<100000x16xf32, #tpu.memory_space<hbm>>
    tpu.wait_indirect_dma semaphore(%arg24 : memref<!tpu.dma_semaphore, #tpu.memory_space<semaphore_mem>>) src(%dma_wait3A_336 : memref<100000x16xf32, #tpu.memory_space<hbm>>) dst(%dma_wait3A_331 : memref<128x16xf32, #tpu.memory_space<vmem>>)
    %dma_wait3A_337 = arith.constant 640 : i32
    %dma_wait3A_338 = arith.constant 0 : i32
    %dma_wait3A_339 = tpu.memref_slice %arg13[%dma_wait3A_337, %dma_wait3A_338] : memref<1792x16xf32, #tpu.memory_space<vmem>> -> memref<128x16xf32, #tpu.memory_space<vmem>>
    %dma_wait3A_340 = arith.constant 640 : i32
    %dma_wait3A_341 = tpu.memref_slice %arg7[%dma_wait3A_340] : memref<1792xi32, #tpu.memory_space<vmem>> -> memref<128xi32, #tpu.memory_space<vmem>>
    %dma_wait3A_342 = arith.constant 0 : i32
    %dma_wait3A_343 = arith.constant 0 : i32
    %dma_wait3A_344 = tpu.memref_slice %arg2[%dma_wait3A_342, %dma_wait3A_343] : memref<100000x16xf32, #tpu.memory_space<hbm>> -> memref<100000x16xf32, #tpu.memory_space<hbm>>
    tpu.wait_indirect_dma semaphore(%arg24 : memref<!tpu.dma_semaphore, #tpu.memory_space<semaphore_mem>>) src(%dma_wait3A_344 : memref<100000x16xf32, #tpu.memory_space<hbm>>) dst(%dma_wait3A_339 : memref<128x16xf32, #tpu.memory_space<vmem>>)
    %dma_wait3A_345 = arith.constant 640 : i32
    %dma_wait3A_346 = arith.constant 0 : i32
    %dma_wait3A_347 = tpu.memref_slice %arg15[%dma_wait3A_345, %dma_wait3A_346] : memref<1792x16xf32, #tpu.memory_space<vmem>> -> memref<128x16xf32, #tpu.memory_space<vmem>>
    %dma_wait3A_348 = arith.constant 640 : i32
    %dma_wait3A_349 = tpu.memref_slice %arg9[%dma_wait3A_348] : memref<1792xi32, #tpu.memory_space<vmem>> -> memref<128xi32, #tpu.memory_space<vmem>>
    %dma_wait3A_350 = arith.constant 0 : i32
    %dma_wait3A_351 = arith.constant 0 : i32
    %dma_wait3A_352 = tpu.memref_slice %arg2[%dma_wait3A_350, %dma_wait3A_351] : memref<100000x16xf32, #tpu.memory_space<hbm>> -> memref<100000x16xf32, #tpu.memory_space<hbm>>
    tpu.wait_indirect_dma semaphore(%arg24 : memref<!tpu.dma_semaphore, #tpu.memory_space<semaphore_mem>>) src(%dma_wait3A_352 : memref<100000x16xf32, #tpu.memory_space<hbm>>) dst(%dma_wait3A_347 : memref<128x16xf32, #tpu.memory_space<vmem>>)
    %dma_wait3A_353 = arith.constant 768 : i32
    %dma_wait3A_354 = arith.constant 0 : i32
    %dma_wait3A_355 = tpu.memref_slice %arg13[%dma_wait3A_353, %dma_wait3A_354] : memref<1792x16xf32, #tpu.memory_space<vmem>> -> memref<128x16xf32, #tpu.memory_space<vmem>>
    %dma_wait3A_356 = arith.constant 768 : i32
    %dma_wait3A_357 = tpu.memref_slice %arg7[%dma_wait3A_356] : memref<1792xi32, #tpu.memory_space<vmem>> -> memref<128xi32, #tpu.memory_space<vmem>>
    %dma_wait3A_358 = arith.constant 0 : i32
    %dma_wait3A_359 = arith.constant 0 : i32
    %dma_wait3A_360 = tpu.memref_slice %arg2[%dma_wait3A_358, %dma_wait3A_359] : memref<100000x16xf32, #tpu.memory_space<hbm>> -> memref<100000x16xf32, #tpu.memory_space<hbm>>
    tpu.wait_indirect_dma semaphore(%arg24 : memref<!tpu.dma_semaphore, #tpu.memory_space<semaphore_mem>>) src(%dma_wait3A_360 : memref<100000x16xf32, #tpu.memory_space<hbm>>) dst(%dma_wait3A_355 : memref<128x16xf32, #tpu.memory_space<vmem>>)
    %dma_wait3A_361 = arith.constant 768 : i32
    %dma_wait3A_362 = arith.constant 0 : i32
    %dma_wait3A_363 = tpu.memref_slice %arg15[%dma_wait3A_361, %dma_wait3A_362] : memref<1792x16xf32, #tpu.memory_space<vmem>> -> memref<128x16xf32, #tpu.memory_space<vmem>>
    %dma_wait3A_364 = arith.constant 768 : i32
    %dma_wait3A_365 = tpu.memref_slice %arg9[%dma_wait3A_364] : memref<1792xi32, #tpu.memory_space<vmem>> -> memref<128xi32, #tpu.memory_space<vmem>>
    %dma_wait3A_366 = arith.constant 0 : i32
    %dma_wait3A_367 = arith.constant 0 : i32
    %dma_wait3A_368 = tpu.memref_slice %arg2[%dma_wait3A_366, %dma_wait3A_367] : memref<100000x16xf32, #tpu.memory_space<hbm>> -> memref<100000x16xf32, #tpu.memory_space<hbm>>
    tpu.wait_indirect_dma semaphore(%arg24 : memref<!tpu.dma_semaphore, #tpu.memory_space<semaphore_mem>>) src(%dma_wait3A_368 : memref<100000x16xf32, #tpu.memory_space<hbm>>) dst(%dma_wait3A_363 : memref<128x16xf32, #tpu.memory_space<vmem>>)
    %dma_wait3A_369 = arith.constant 896 : i32
    %dma_wait3A_370 = arith.constant 0 : i32
    %dma_wait3A_371 = tpu.memref_slice %arg13[%dma_wait3A_369, %dma_wait3A_370] : memref<1792x16xf32, #tpu.memory_space<vmem>> -> memref<128x16xf32, #tpu.memory_space<vmem>>
    %dma_wait3A_372 = arith.constant 896 : i32
    %dma_wait3A_373 = tpu.memref_slice %arg7[%dma_wait3A_372] : memref<1792xi32, #tpu.memory_space<vmem>> -> memref<128xi32, #tpu.memory_space<vmem>>
    %dma_wait3A_374 = arith.constant 0 : i32
    %dma_wait3A_375 = arith.constant 0 : i32
    %dma_wait3A_376 = tpu.memref_slice %arg2[%dma_wait3A_374, %dma_wait3A_375] : memref<100000x16xf32, #tpu.memory_space<hbm>> -> memref<100000x16xf32, #tpu.memory_space<hbm>>
    tpu.wait_indirect_dma semaphore(%arg24 : memref<!tpu.dma_semaphore, #tpu.memory_space<semaphore_mem>>) src(%dma_wait3A_376 : memref<100000x16xf32, #tpu.memory_space<hbm>>) dst(%dma_wait3A_371 : memref<128x16xf32, #tpu.memory_space<vmem>>)
    %dma_wait3A_377 = arith.constant 896 : i32
    %dma_wait3A_378 = arith.constant 0 : i32
    %dma_wait3A_379 = tpu.memref_slice %arg15[%dma_wait3A_377, %dma_wait3A_378] : memref<1792x16xf32, #tpu.memory_space<vmem>> -> memref<128x16xf32, #tpu.memory_space<vmem>>
    %dma_wait3A_380 = arith.constant 896 : i32
    %dma_wait3A_381 = tpu.memref_slice %arg9[%dma_wait3A_380] : memref<1792xi32, #tpu.memory_space<vmem>> -> memref<128xi32, #tpu.memory_space<vmem>>
    %dma_wait3A_382 = arith.constant 0 : i32
    %dma_wait3A_383 = arith.constant 0 : i32
    %dma_wait3A_384 = tpu.memref_slice %arg2[%dma_wait3A_382, %dma_wait3A_383] : memref<100000x16xf32, #tpu.memory_space<hbm>> -> memref<100000x16xf32, #tpu.memory_space<hbm>>
    tpu.wait_indirect_dma semaphore(%arg24 : memref<!tpu.dma_semaphore, #tpu.memory_space<semaphore_mem>>) src(%dma_wait3A_384 : memref<100000x16xf32, #tpu.memory_space<hbm>>) dst(%dma_wait3A_379 : memref<128x16xf32, #tpu.memory_space<vmem>>)
    %dma_wait3A_385 = arith.constant 1024 : i32
    %dma_wait3A_386 = arith.constant 0 : i32
    %dma_wait3A_387 = tpu.memref_slice %arg13[%dma_wait3A_385, %dma_wait3A_386] : memref<1792x16xf32, #tpu.memory_space<vmem>> -> memref<128x16xf32, #tpu.memory_space<vmem>>
    %dma_wait3A_388 = arith.constant 1024 : i32
    %dma_wait3A_389 = tpu.memref_slice %arg7[%dma_wait3A_388] : memref<1792xi32, #tpu.memory_space<vmem>> -> memref<128xi32, #tpu.memory_space<vmem>>
    %dma_wait3A_390 = arith.constant 0 : i32
    %dma_wait3A_391 = arith.constant 0 : i32
    %dma_wait3A_392 = tpu.memref_slice %arg2[%dma_wait3A_390, %dma_wait3A_391] : memref<100000x16xf32, #tpu.memory_space<hbm>> -> memref<100000x16xf32, #tpu.memory_space<hbm>>
    tpu.wait_indirect_dma semaphore(%arg24 : memref<!tpu.dma_semaphore, #tpu.memory_space<semaphore_mem>>) src(%dma_wait3A_392 : memref<100000x16xf32, #tpu.memory_space<hbm>>) dst(%dma_wait3A_387 : memref<128x16xf32, #tpu.memory_space<vmem>>)
    %dma_wait3A_393 = arith.constant 1024 : i32
    %dma_wait3A_394 = arith.constant 0 : i32
    %dma_wait3A_395 = tpu.memref_slice %arg15[%dma_wait3A_393, %dma_wait3A_394] : memref<1792x16xf32, #tpu.memory_space<vmem>> -> memref<128x16xf32, #tpu.memory_space<vmem>>
    %dma_wait3A_396 = arith.constant 1024 : i32
    %dma_wait3A_397 = tpu.memref_slice %arg9[%dma_wait3A_396] : memref<1792xi32, #tpu.memory_space<vmem>> -> memref<128xi32, #tpu.memory_space<vmem>>
    %dma_wait3A_398 = arith.constant 0 : i32
    %dma_wait3A_399 = arith.constant 0 : i32
    %dma_wait3A_400 = tpu.memref_slice %arg2[%dma_wait3A_398, %dma_wait3A_399] : memref<100000x16xf32, #tpu.memory_space<hbm>> -> memref<100000x16xf32, #tpu.memory_space<hbm>>
    tpu.wait_indirect_dma semaphore(%arg24 : memref<!tpu.dma_semaphore, #tpu.memory_space<semaphore_mem>>) src(%dma_wait3A_400 : memref<100000x16xf32, #tpu.memory_space<hbm>>) dst(%dma_wait3A_395 : memref<128x16xf32, #tpu.memory_space<vmem>>)
    %dma_wait3A_401 = arith.constant 1152 : i32
    %dma_wait3A_402 = arith.constant 0 : i32
    %dma_wait3A_403 = tpu.memref_slice %arg13[%dma_wait3A_401, %dma_wait3A_402] : memref<1792x16xf32, #tpu.memory_space<vmem>> -> memref<128x16xf32, #tpu.memory_space<vmem>>
    %dma_wait3A_404 = arith.constant 1152 : i32
    %dma_wait3A_405 = tpu.memref_slice %arg7[%dma_wait3A_404] : memref<1792xi32, #tpu.memory_space<vmem>> -> memref<128xi32, #tpu.memory_space<vmem>>
    %dma_wait3A_406 = arith.constant 0 : i32
    %dma_wait3A_407 = arith.constant 0 : i32
    %dma_wait3A_408 = tpu.memref_slice %arg2[%dma_wait3A_406, %dma_wait3A_407] : memref<100000x16xf32, #tpu.memory_space<hbm>> -> memref<100000x16xf32, #tpu.memory_space<hbm>>
    tpu.wait_indirect_dma semaphore(%arg24 : memref<!tpu.dma_semaphore, #tpu.memory_space<semaphore_mem>>) src(%dma_wait3A_408 : memref<100000x16xf32, #tpu.memory_space<hbm>>) dst(%dma_wait3A_403 : memref<128x16xf32, #tpu.memory_space<vmem>>)
    %dma_wait3A_409 = arith.constant 1152 : i32
    %dma_wait3A_410 = arith.constant 0 : i32
    %dma_wait3A_411 = tpu.memref_slice %arg15[%dma_wait3A_409, %dma_wait3A_410] : memref<1792x16xf32, #tpu.memory_space<vmem>> -> memref<128x16xf32, #tpu.memory_space<vmem>>
    %dma_wait3A_412 = arith.constant 1152 : i32
    %dma_wait3A_413 = tpu.memref_slice %arg9[%dma_wait3A_412] : memref<1792xi32, #tpu.memory_space<vmem>> -> memref<128xi32, #tpu.memory_space<vmem>>
    %dma_wait3A_414 = arith.constant 0 : i32
    %dma_wait3A_415 = arith.constant 0 : i32
    %dma_wait3A_416 = tpu.memref_slice %arg2[%dma_wait3A_414, %dma_wait3A_415] : memref<100000x16xf32, #tpu.memory_space<hbm>> -> memref<100000x16xf32, #tpu.memory_space<hbm>>
    tpu.wait_indirect_dma semaphore(%arg24 : memref<!tpu.dma_semaphore, #tpu.memory_space<semaphore_mem>>) src(%dma_wait3A_416 : memref<100000x16xf32, #tpu.memory_space<hbm>>) dst(%dma_wait3A_411 : memref<128x16xf32, #tpu.memory_space<vmem>>)
    %dma_wait3A_417 = arith.constant 1280 : i32
    %dma_wait3A_418 = arith.constant 0 : i32
    %dma_wait3A_419 = tpu.memref_slice %arg13[%dma_wait3A_417, %dma_wait3A_418] : memref<1792x16xf32, #tpu.memory_space<vmem>> -> memref<128x16xf32, #tpu.memory_space<vmem>>
    %dma_wait3A_420 = arith.constant 1280 : i32
    %dma_wait3A_421 = tpu.memref_slice %arg7[%dma_wait3A_420] : memref<1792xi32, #tpu.memory_space<vmem>> -> memref<128xi32, #tpu.memory_space<vmem>>
    %dma_wait3A_422 = arith.constant 0 : i32
    %dma_wait3A_423 = arith.constant 0 : i32
    %dma_wait3A_424 = tpu.memref_slice %arg2[%dma_wait3A_422, %dma_wait3A_423] : memref<100000x16xf32, #tpu.memory_space<hbm>> -> memref<100000x16xf32, #tpu.memory_space<hbm>>
    tpu.wait_indirect_dma semaphore(%arg24 : memref<!tpu.dma_semaphore, #tpu.memory_space<semaphore_mem>>) src(%dma_wait3A_424 : memref<100000x16xf32, #tpu.memory_space<hbm>>) dst(%dma_wait3A_419 : memref<128x16xf32, #tpu.memory_space<vmem>>)
    %dma_wait3A_425 = arith.constant 1280 : i32
    %dma_wait3A_426 = arith.constant 0 : i32
    %dma_wait3A_427 = tpu.memref_slice %arg15[%dma_wait3A_425, %dma_wait3A_426] : memref<1792x16xf32, #tpu.memory_space<vmem>> -> memref<128x16xf32, #tpu.memory_space<vmem>>
    %dma_wait3A_428 = arith.constant 1280 : i32
    %dma_wait3A_429 = tpu.memref_slice %arg9[%dma_wait3A_428] : memref<1792xi32, #tpu.memory_space<vmem>> -> memref<128xi32, #tpu.memory_space<vmem>>
    %dma_wait3A_430 = arith.constant 0 : i32
    %dma_wait3A_431 = arith.constant 0 : i32
    %dma_wait3A_432 = tpu.memref_slice %arg2[%dma_wait3A_430, %dma_wait3A_431] : memref<100000x16xf32, #tpu.memory_space<hbm>> -> memref<100000x16xf32, #tpu.memory_space<hbm>>
    tpu.wait_indirect_dma semaphore(%arg24 : memref<!tpu.dma_semaphore, #tpu.memory_space<semaphore_mem>>) src(%dma_wait3A_432 : memref<100000x16xf32, #tpu.memory_space<hbm>>) dst(%dma_wait3A_427 : memref<128x16xf32, #tpu.memory_space<vmem>>)
    %dma_wait3A_433 = arith.constant 1408 : i32
    %dma_wait3A_434 = arith.constant 0 : i32
    %dma_wait3A_435 = tpu.memref_slice %arg13[%dma_wait3A_433, %dma_wait3A_434] : memref<1792x16xf32, #tpu.memory_space<vmem>> -> memref<128x16xf32, #tpu.memory_space<vmem>>
    %dma_wait3A_436 = arith.constant 1408 : i32
    %dma_wait3A_437 = tpu.memref_slice %arg7[%dma_wait3A_436] : memref<1792xi32, #tpu.memory_space<vmem>> -> memref<128xi32, #tpu.memory_space<vmem>>
    %dma_wait3A_438 = arith.constant 0 : i32
    %dma_wait3A_439 = arith.constant 0 : i32
    %dma_wait3A_440 = tpu.memref_slice %arg2[%dma_wait3A_438, %dma_wait3A_439] : memref<100000x16xf32, #tpu.memory_space<hbm>> -> memref<100000x16xf32, #tpu.memory_space<hbm>>
    tpu.wait_indirect_dma semaphore(%arg24 : memref<!tpu.dma_semaphore, #tpu.memory_space<semaphore_mem>>) src(%dma_wait3A_440 : memref<100000x16xf32, #tpu.memory_space<hbm>>) dst(%dma_wait3A_435 : memref<128x16xf32, #tpu.memory_space<vmem>>)
    %dma_wait3A_441 = arith.constant 1408 : i32
    %dma_wait3A_442 = arith.constant 0 : i32
    %dma_wait3A_443 = tpu.memref_slice %arg15[%dma_wait3A_441, %dma_wait3A_442] : memref<1792x16xf32, #tpu.memory_space<vmem>> -> memref<128x16xf32, #tpu.memory_space<vmem>>
    %dma_wait3A_444 = arith.constant 1408 : i32
    %dma_wait3A_445 = tpu.memref_slice %arg9[%dma_wait3A_444] : memref<1792xi32, #tpu.memory_space<vmem>> -> memref<128xi32, #tpu.memory_space<vmem>>
    %dma_wait3A_446 = arith.constant 0 : i32
    %dma_wait3A_447 = arith.constant 0 : i32
    %dma_wait3A_448 = tpu.memref_slice %arg2[%dma_wait3A_446, %dma_wait3A_447] : memref<100000x16xf32, #tpu.memory_space<hbm>> -> memref<100000x16xf32, #tpu.memory_space<hbm>>
    tpu.wait_indirect_dma semaphore(%arg24 : memref<!tpu.dma_semaphore, #tpu.memory_space<semaphore_mem>>) src(%dma_wait3A_448 : memref<100000x16xf32, #tpu.memory_space<hbm>>) dst(%dma_wait3A_443 : memref<128x16xf32, #tpu.memory_space<vmem>>)
    %dma_wait3A_449 = arith.constant 1536 : i32
    %dma_wait3A_450 = arith.constant 0 : i32
    %dma_wait3A_451 = tpu.memref_slice %arg13[%dma_wait3A_449, %dma_wait3A_450] : memref<1792x16xf32, #tpu.memory_space<vmem>> -> memref<128x16xf32, #tpu.memory_space<vmem>>
    %dma_wait3A_452 = arith.constant 1536 : i32
    %dma_wait3A_453 = tpu.memref_slice %arg7[%dma_wait3A_452] : memref<1792xi32, #tpu.memory_space<vmem>> -> memref<128xi32, #tpu.memory_space<vmem>>
    %dma_wait3A_454 = arith.constant 0 : i32
    %dma_wait3A_455 = arith.constant 0 : i32
    %dma_wait3A_456 = tpu.memref_slice %arg2[%dma_wait3A_454, %dma_wait3A_455] : memref<100000x16xf32, #tpu.memory_space<hbm>> -> memref<100000x16xf32, #tpu.memory_space<hbm>>
    tpu.wait_indirect_dma semaphore(%arg24 : memref<!tpu.dma_semaphore, #tpu.memory_space<semaphore_mem>>) src(%dma_wait3A_456 : memref<100000x16xf32, #tpu.memory_space<hbm>>) dst(%dma_wait3A_451 : memref<128x16xf32, #tpu.memory_space<vmem>>)
    %dma_wait3A_457 = arith.constant 1536 : i32
    %dma_wait3A_458 = arith.constant 0 : i32
    %dma_wait3A_459 = tpu.memref_slice %arg15[%dma_wait3A_457, %dma_wait3A_458] : memref<1792x16xf32, #tpu.memory_space<vmem>> -> memref<128x16xf32, #tpu.memory_space<vmem>>
    %dma_wait3A_460 = arith.constant 1536 : i32
    %dma_wait3A_461 = tpu.memref_slice %arg9[%dma_wait3A_460] : memref<1792xi32, #tpu.memory_space<vmem>> -> memref<128xi32, #tpu.memory_space<vmem>>
    %dma_wait3A_462 = arith.constant 0 : i32
    %dma_wait3A_463 = arith.constant 0 : i32
    %dma_wait3A_464 = tpu.memref_slice %arg2[%dma_wait3A_462, %dma_wait3A_463] : memref<100000x16xf32, #tpu.memory_space<hbm>> -> memref<100000x16xf32, #tpu.memory_space<hbm>>
    tpu.wait_indirect_dma semaphore(%arg24 : memref<!tpu.dma_semaphore, #tpu.memory_space<semaphore_mem>>) src(%dma_wait3A_464 : memref<100000x16xf32, #tpu.memory_space<hbm>>) dst(%dma_wait3A_459 : memref<128x16xf32, #tpu.memory_space<vmem>>)
    %dma_wait3A_465 = arith.constant 1664 : i32
    %dma_wait3A_466 = arith.constant 0 : i32
    %dma_wait3A_467 = tpu.memref_slice %arg13[%dma_wait3A_465, %dma_wait3A_466] : memref<1792x16xf32, #tpu.memory_space<vmem>> -> memref<128x16xf32, #tpu.memory_space<vmem>>
    %dma_wait3A_468 = arith.constant 1664 : i32
    %dma_wait3A_469 = tpu.memref_slice %arg7[%dma_wait3A_468] : memref<1792xi32, #tpu.memory_space<vmem>> -> memref<128xi32, #tpu.memory_space<vmem>>
    %dma_wait3A_470 = arith.constant 0 : i32
    %dma_wait3A_471 = arith.constant 0 : i32
    %dma_wait3A_472 = tpu.memref_slice %arg2[%dma_wait3A_470, %dma_wait3A_471] : memref<100000x16xf32, #tpu.memory_space<hbm>> -> memref<100000x16xf32, #tpu.memory_space<hbm>>
    tpu.wait_indirect_dma semaphore(%arg24 : memref<!tpu.dma_semaphore, #tpu.memory_space<semaphore_mem>>) src(%dma_wait3A_472 : memref<100000x16xf32, #tpu.memory_space<hbm>>) dst(%dma_wait3A_467 : memref<128x16xf32, #tpu.memory_space<vmem>>)
    %dma_wait3A_473 = arith.constant 1664 : i32
    %dma_wait3A_474 = arith.constant 0 : i32
    %dma_wait3A_475 = tpu.memref_slice %arg15[%dma_wait3A_473, %dma_wait3A_474] : memref<1792x16xf32, #tpu.memory_space<vmem>> -> memref<128x16xf32, #tpu.memory_space<vmem>>
    %dma_wait3A_476 = arith.constant 1664 : i32
    %dma_wait3A_477 = tpu.memref_slice %arg9[%dma_wait3A_476] : memref<1792xi32, #tpu.memory_space<vmem>> -> memref<128xi32, #tpu.memory_space<vmem>>
    %dma_wait3A_478 = arith.constant 0 : i32
    %dma_wait3A_479 = arith.constant 0 : i32
    %dma_wait3A_480 = tpu.memref_slice %arg2[%dma_wait3A_478, %dma_wait3A_479] : memref<100000x16xf32, #tpu.memory_space<hbm>> -> memref<100000x16xf32, #tpu.memory_space<hbm>>
    tpu.wait_indirect_dma semaphore(%arg24 : memref<!tpu.dma_semaphore, #tpu.memory_space<semaphore_mem>>) src(%dma_wait3A_480 : memref<100000x16xf32, #tpu.memory_space<hbm>>) dst(%dma_wait3A_475 : memref<128x16xf32, #tpu.memory_space<vmem>>)
    %add3A_481 = arith.constant 96768 : i32
    %add3A_482 = arith.addi %mul3A_3, %add3A_481 : i32
    %dma_wait3A_483 = tpu.memref_slice %arg3[%add3A_482] : memref<3200000xf32, #tpu.memory_space<hbm>> -> memref<1792xf32, #tpu.memory_space<hbm>>
    %dma_wait3A_484 = tpu.memref_slice %arg3[%add3A_482] : memref<3200000xf32, #tpu.memory_space<hbm>> -> memref<1792xf32, #tpu.memory_space<hbm>>
    tpu.wait_dma2 semaphore(%arg22 : memref<!tpu.dma_semaphore, #tpu.memory_space<semaphore_mem>>) src(%dma_wait3A_484 : memref<1792xf32, #tpu.memory_space<hbm>>) dst(%arg11 : memref<1792xf32, #tpu.memory_space<vmem>>)
    %scan3A_485 = arith.constant 0 : i32
    %scan3A_486 = arith.constant 112 : i32
    %scan3A_487 = arith.addi %scan3A_485, %scan3A_486 : i32
    %scan3A_488 = arith.constant 1 : i32
    %scan3A_489:8 = scf.for %scan3A_895 = %scan3A_485 to %scan3A_487 step %scan3A_488 iter_args(%scan3A_896 = %scan3A_255#0, %scan3A_897 = %scan3A_255#1, %scan3A_898 = %scan3A_255#2, %scan3A_899 = %scan3A_255#3, %scan3A_900 = %scan3A_255#4, %scan3A_901 = %scan3A_255#5, %scan3A_902 = %scan3A_255#6, %scan3A_903 = %scan3A_255#7) -> (vector<16xf32>, vector<16xf32>, vector<16xf32>, vector<16xf32>, vector<16xf32>, vector<16xf32>, vector<16xf32>, vector<16xf32>)  : i32 {
      %mul3A_904 = arith.constant 16 : i32
      %mul3A_905 = arith.muli %scan3A_895, %mul3A_904 : i32
      %get3A = arith.index_cast %mul3A_905 : i32 to index
      %get3A_906 = tpu.vector_load %arg11[%get3A] {strides = array<i32>} : memref<1792xf32, #tpu.memory_space<vmem>>, vector<16xf32>,
      %get3A_907 = vector.shape_cast %get3A_906 : vector<16xf32> to vector<16xf32>
      %add3A_908 = arith.constant 0 : i32
      %add3A_909 = arith.addi %mul3A_905, %add3A_908 : i32
      %get3A_910 = arith.index_cast %add3A_909 : i32 to index
      %get3A_911 = arith.constant 0 : index
      %get3A_912 = tpu.vector_load %arg13[%get3A_910, %get3A_911] {strides = array<i32>} : memref<1792x16xf32, #tpu.memory_space<vmem>>, vector<1x16xf32>,
      %get3A_913 = vector.shape_cast %get3A_912 : vector<1x16xf32> to vector<16xf32>
      %get3A_914 = arith.index_cast %add3A_909 : i32 to index
      %get3A_915 = arith.constant 0 : index
      %get3A_916 = tpu.vector_load %arg15[%get3A_914, %get3A_915] {strides = array<i32>} : memref<1792x16xf32, #tpu.memory_space<vmem>>, vector<1x16xf32>,
      %get3A_917 = vector.shape_cast %get3A_916 : vector<1x16xf32> to vector<16xf32>
      %mul3A_918 = arith.mulf %get3A_913, %get3A_917 : vector<16xf32>
      %slice3A = vector.extract_strided_slice %get3A_907 {offsets = [0], sizes = [1], strides = [1]} : vector<16xf32> to vector<1xf32>
      %squeeze3A = vector.extract %slice3A[0] : f32 from vector<1xf32>
      %mul3A_919 = vector.broadcast %squeeze3A : f32 to vector<16xf32>
      %mul3A_920 = arith.mulf %mul3A_918, %mul3A_919 : vector<16xf32>
      %add3A_921 = arith.addf %scan3A_896, %mul3A_920 : vector<16xf32>
      %add3A_922 = arith.constant 1 : i32
      %add3A_923 = arith.addi %mul3A_905, %add3A_922 : i32
      %get3A_924 = arith.index_cast %add3A_923 : i32 to index
      %get3A_925 = arith.constant 0 : index
      %get3A_926 = tpu.vector_load %arg13[%get3A_924, %get3A_925] {strides = array<i32>} : memref<1792x16xf32, #tpu.memory_space<vmem>>, vector<1x16xf32>,
      %get3A_927 = vector.shape_cast %get3A_926 : vector<1x16xf32> to vector<16xf32>
      %get3A_928 = arith.index_cast %add3A_923 : i32 to index
      %get3A_929 = arith.constant 0 : index
      %get3A_930 = tpu.vector_load %arg15[%get3A_928, %get3A_929] {strides = array<i32>} : memref<1792x16xf32, #tpu.memory_space<vmem>>, vector<1x16xf32>,
      %get3A_931 = vector.shape_cast %get3A_930 : vector<1x16xf32> to vector<16xf32>
      %mul3A_932 = arith.mulf %get3A_927, %get3A_931 : vector<16xf32>
      %slice3A_933 = vector.extract_strided_slice %get3A_907 {offsets = [1], sizes = [1], strides = [1]} : vector<16xf32> to vector<1xf32>
      %squeeze3A_934 = vector.extract %slice3A_933[0] : f32 from vector<1xf32>
      %mul3A_935 = vector.broadcast %squeeze3A_934 : f32 to vector<16xf32>
      %mul3A_936 = arith.mulf %mul3A_932, %mul3A_935 : vector<16xf32>
      %add3A_937 = arith.addf %scan3A_897, %mul3A_936 : vector<16xf32>
      %add3A_938 = arith.constant 2 : i32
      %add3A_939 = arith.addi %mul3A_905, %add3A_938 : i32
      %get3A_940 = arith.index_cast %add3A_939 : i32 to index
      %get3A_941 = arith.constant 0 : index
      %get3A_942 = tpu.vector_load %arg13[%get3A_940, %get3A_941] {strides = array<i32>} : memref<1792x16xf32, #tpu.memory_space<vmem>>, vector<1x16xf32>,
      %get3A_943 = vector.shape_cast %get3A_942 : vector<1x16xf32> to vector<16xf32>
      %get3A_944 = arith.index_cast %add3A_939 : i32 to index
      %get3A_945 = arith.constant 0 : index
      %get3A_946 = tpu.vector_load %arg15[%get3A_944, %get3A_945] {strides = array<i32>} : memref<1792x16xf32, #tpu.memory_space<vmem>>, vector<1x16xf32>,
      %get3A_947 = vector.shape_cast %get3A_946 : vector<1x16xf32> to vector<16xf32>
      %mul3A_948 = arith.mulf %get3A_943, %get3A_947 : vector<16xf32>
      %slice3A_949 = vector.extract_strided_slice %get3A_907 {offsets = [2], sizes = [1], strides = [1]} : vector<16xf32> to vector<1xf32>
      %squeeze3A_950 = vector.extract %slice3A_949[0] : f32 from vector<1xf32>
      %mul3A_951 = vector.broadcast %squeeze3A_950 : f32 to vector<16xf32>
      %mul3A_952 = arith.mulf %mul3A_948, %mul3A_951 : vector<16xf32>
      %add3A_953 = arith.addf %scan3A_898, %mul3A_952 : vector<16xf32>
      %add3A_954 = arith.constant 3 : i32
      %add3A_955 = arith.addi %mul3A_905, %add3A_954 : i32
      %get3A_956 = arith.index_cast %add3A_955 : i32 to index
      %get3A_957 = arith.constant 0 : index
      %get3A_958 = tpu.vector_load %arg13[%get3A_956, %get3A_957] {strides = array<i32>} : memref<1792x16xf32, #tpu.memory_space<vmem>>, vector<1x16xf32>,
      %get3A_959 = vector.shape_cast %get3A_958 : vector<1x16xf32> to vector<16xf32>
      %get3A_960 = arith.index_cast %add3A_955 : i32 to index
      %get3A_961 = arith.constant 0 : index
      %get3A_962 = tpu.vector_load %arg15[%get3A_960, %get3A_961] {strides = array<i32>} : memref<1792x16xf32, #tpu.memory_space<vmem>>, vector<1x16xf32>,
      %get3A_963 = vector.shape_cast %get3A_962 : vector<1x16xf32> to vector<16xf32>
      %mul3A_964 = arith.mulf %get3A_959, %get3A_963 : vector<16xf32>
      %slice3A_965 = vector.extract_strided_slice %get3A_907 {offsets = [3], sizes = [1], strides = [1]} : vector<16xf32> to vector<1xf32>
      %squeeze3A_966 = vector.extract %slice3A_965[0] : f32 from vector<1xf32>
      %mul3A_967 = vector.broadcast %squeeze3A_966 : f32 to vector<16xf32>
      %mul3A_968 = arith.mulf %mul3A_964, %mul3A_967 : vector<16xf32>
      %add3A_969 = arith.addf %scan3A_899, %mul3A_968 : vector<16xf32>
      %add3A_970 = arith.constant 4 : i32
      %add3A_971 = arith.addi %mul3A_905, %add3A_970 : i32
      %get3A_972 = arith.index_cast %add3A_971 : i32 to index
      %get3A_973 = arith.constant 0 : index
      %get3A_974 = tpu.vector_load %arg13[%get3A_972, %get3A_973] {strides = array<i32>} : memref<1792x16xf32, #tpu.memory_space<vmem>>, vector<1x16xf32>,
      %get3A_975 = vector.shape_cast %get3A_974 : vector<1x16xf32> to vector<16xf32>
      %get3A_976 = arith.index_cast %add3A_971 : i32 to index
      %get3A_977 = arith.constant 0 : index
      %get3A_978 = tpu.vector_load %arg15[%get3A_976, %get3A_977] {strides = array<i32>} : memref<1792x16xf32, #tpu.memory_space<vmem>>, vector<1x16xf32>,
      %get3A_979 = vector.shape_cast %get3A_978 : vector<1x16xf32> to vector<16xf32>
      %mul3A_980 = arith.mulf %get3A_975, %get3A_979 : vector<16xf32>
      %slice3A_981 = vector.extract_strided_slice %get3A_907 {offsets = [4], sizes = [1], strides = [1]} : vector<16xf32> to vector<1xf32>
      %squeeze3A_982 = vector.extract %slice3A_981[0] : f32 from vector<1xf32>
      %mul3A_983 = vector.broadcast %squeeze3A_982 : f32 to vector<16xf32>
      %mul3A_984 = arith.mulf %mul3A_980, %mul3A_983 : vector<16xf32>
      %add3A_985 = arith.addf %scan3A_900, %mul3A_984 : vector<16xf32>
      %add3A_986 = arith.constant 5 : i32
      %add3A_987 = arith.addi %mul3A_905, %add3A_986 : i32
      %get3A_988 = arith.index_cast %add3A_987 : i32 to index
      %get3A_989 = arith.constant 0 : index
      %get3A_990 = tpu.vector_load %arg13[%get3A_988, %get3A_989] {strides = array<i32>} : memref<1792x16xf32, #tpu.memory_space<vmem>>, vector<1x16xf32>,
      %get3A_991 = vector.shape_cast %get3A_990 : vector<1x16xf32> to vector<16xf32>
      %get3A_992 = arith.index_cast %add3A_987 : i32 to index
      %get3A_993 = arith.constant 0 : index
      %get3A_994 = tpu.vector_load %arg15[%get3A_992, %get3A_993] {strides = array<i32>} : memref<1792x16xf32, #tpu.memory_space<vmem>>, vector<1x16xf32>,
      %get3A_995 = vector.shape_cast %get3A_994 : vector<1x16xf32> to vector<16xf32>
      %mul3A_996 = arith.mulf %get3A_991, %get3A_995 : vector<16xf32>
      %slice3A_997 = vector.extract_strided_slice %get3A_907 {offsets = [5], sizes = [1], strides = [1]} : vector<16xf32> to vector<1xf32>
      %squeeze3A_998 = vector.extract %slice3A_997[0] : f32 from vector<1xf32>
      %mul3A_999 = vector.broadcast %squeeze3A_998 : f32 to vector<16xf32>
      %mul3A_1000 = arith.mulf %mul3A_996, %mul3A_999 : vector<16xf32>
      %add3A_1001 = arith.addf %scan3A_901, %mul3A_1000 : vector<16xf32>
      %add3A_1002 = arith.constant 6 : i32
      %add3A_1003 = arith.addi %mul3A_905, %add3A_1002 : i32
      %get3A_1004 = arith.index_cast %add3A_1003 : i32 to index
      %get3A_1005 = arith.constant 0 : index
      %get3A_1006 = tpu.vector_load %arg13[%get3A_1004, %get3A_1005] {strides = array<i32>} : memref<1792x16xf32, #tpu.memory_space<vmem>>, vector<1x16xf32>,
      %get3A_1007 = vector.shape_cast %get3A_1006 : vector<1x16xf32> to vector<16xf32>
      %get3A_1008 = arith.index_cast %add3A_1003 : i32 to index
      %get3A_1009 = arith.constant 0 : index
      %get3A_1010 = tpu.vector_load %arg15[%get3A_1008, %get3A_1009] {strides = array<i32>} : memref<1792x16xf32, #tpu.memory_space<vmem>>, vector<1x16xf32>,
      %get3A_1011 = vector.shape_cast %get3A_1010 : vector<1x16xf32> to vector<16xf32>
      %mul3A_1012 = arith.mulf %get3A_1007, %get3A_1011 : vector<16xf32>
      %slice3A_1013 = vector.extract_strided_slice %get3A_907 {offsets = [6], sizes = [1], strides = [1]} : vector<16xf32> to vector<1xf32>
      %squeeze3A_1014 = vector.extract %slice3A_1013[0] : f32 from vector<1xf32>
      %mul3A_1015 = vector.broadcast %squeeze3A_1014 : f32 to vector<16xf32>
      %mul3A_1016 = arith.mulf %mul3A_1012, %mul3A_1015 : vector<16xf32>
      %add3A_1017 = arith.addf %scan3A_902, %mul3A_1016 : vector<16xf32>
      %add3A_1018 = arith.constant 7 : i32
      %add3A_1019 = arith.addi %mul3A_905, %add3A_1018 : i32
      %get3A_1020 = arith.index_cast %add3A_1019 : i32 to index
      %get3A_1021 = arith.constant 0 : index
      %get3A_1022 = tpu.vector_load %arg13[%get3A_1020, %get3A_1021] {strides = array<i32>} : memref<1792x16xf32, #tpu.memory_space<vmem>>, vector<1x16xf32>,
      %get3A_1023 = vector.shape_cast %get3A_1022 : vector<1x16xf32> to vector<16xf32>
      %get3A_1024 = arith.index_cast %add3A_1019 : i32 to index
      %get3A_1025 = arith.constant 0 : index
      %get3A_1026 = tpu.vector_load %arg15[%get3A_1024, %get3A_1025] {strides = array<i32>} : memref<1792x16xf32, #tpu.memory_space<vmem>>, vector<1x16xf32>,
      %get3A_1027 = vector.shape_cast %get3A_1026 : vector<1x16xf32> to vector<16xf32>
      %mul3A_1028 = arith.mulf %get3A_1023, %get3A_1027 : vector<16xf32>
      %slice3A_1029 = vector.extract_strided_slice %get3A_907 {offsets = [7], sizes = [1], strides = [1]} : vector<16xf32> to vector<1xf32>
      %squeeze3A_1030 = vector.extract %slice3A_1029[0] : f32 from vector<1xf32>
      %mul3A_1031 = vector.broadcast %squeeze3A_1030 : f32 to vector<16xf32>
      %mul3A_1032 = arith.mulf %mul3A_1028, %mul3A_1031 : vector<16xf32>
      %add3A_1033 = arith.addf %scan3A_903, %mul3A_1032 : vector<16xf32>
      %add3A_1034 = arith.constant 8 : i32
      %add3A_1035 = arith.addi %mul3A_905, %add3A_1034 : i32
      %get3A_1036 = arith.index_cast %add3A_1035 : i32 to index
      %get3A_1037 = arith.constant 0 : index
      %get3A_1038 = tpu.vector_load %arg13[%get3A_1036, %get3A_1037] {strides = array<i32>} : memref<1792x16xf32, #tpu.memory_space<vmem>>, vector<1x16xf32>,
      %get3A_1039 = vector.shape_cast %get3A_1038 : vector<1x16xf32> to vector<16xf32>
      %get3A_1040 = arith.index_cast %add3A_1035 : i32 to index
      %get3A_1041 = arith.constant 0 : index
      %get3A_1042 = tpu.vector_load %arg15[%get3A_1040, %get3A_1041] {strides = array<i32>} : memref<1792x16xf32, #tpu.memory_space<vmem>>, vector<1x16xf32>,
      %get3A_1043 = vector.shape_cast %get3A_1042 : vector<1x16xf32> to vector<16xf32>
      %mul3A_1044 = arith.mulf %get3A_1039, %get3A_1043 : vector<16xf32>
      %slice3A_1045 = vector.extract_strided_slice %get3A_907 {offsets = [8], sizes = [1], strides = [1]} : vector<16xf32> to vector<1xf32>
      %squeeze3A_1046 = vector.extract %slice3A_1045[0] : f32 from vector<1xf32>
      %mul3A_1047 = vector.broadcast %squeeze3A_1046 : f32 to vector<16xf32>
      %mul3A_1048 = arith.mulf %mul3A_1044, %mul3A_1047 : vector<16xf32>
      %add3A_1049 = arith.addf %add3A_921, %mul3A_1048 : vector<16xf32>
      %add3A_1050 = arith.constant 9 : i32
      %add3A_1051 = arith.addi %mul3A_905, %add3A_1050 : i32
      %get3A_1052 = arith.index_cast %add3A_1051 : i32 to index
      %get3A_1053 = arith.constant 0 : index
      %get3A_1054 = tpu.vector_load %arg13[%get3A_1052, %get3A_1053] {strides = array<i32>} : memref<1792x16xf32, #tpu.memory_space<vmem>>, vector<1x16xf32>,
      %get3A_1055 = vector.shape_cast %get3A_1054 : vector<1x16xf32> to vector<16xf32>
      %get3A_1056 = arith.index_cast %add3A_1051 : i32 to index
      %get3A_1057 = arith.constant 0 : index
      %get3A_1058 = tpu.vector_load %arg15[%get3A_1056, %get3A_1057] {strides = array<i32>} : memref<1792x16xf32, #tpu.memory_space<vmem>>, vector<1x16xf32>,
      %get3A_1059 = vector.shape_cast %get3A_1058 : vector<1x16xf32> to vector<16xf32>
      %mul3A_1060 = arith.mulf %get3A_1055, %get3A_1059 : vector<16xf32>
      %slice3A_1061 = vector.extract_strided_slice %get3A_907 {offsets = [9], sizes = [1], strides = [1]} : vector<16xf32> to vector<1xf32>
      %squeeze3A_1062 = vector.extract %slice3A_1061[0] : f32 from vector<1xf32>
      %mul3A_1063 = vector.broadcast %squeeze3A_1062 : f32 to vector<16xf32>
      %mul3A_1064 = arith.mulf %mul3A_1060, %mul3A_1063 : vector<16xf32>
      %add3A_1065 = arith.addf %add3A_937, %mul3A_1064 : vector<16xf32>
      %add3A_1066 = arith.constant 10 : i32
      %add3A_1067 = arith.addi %mul3A_905, %add3A_1066 : i32
      %get3A_1068 = arith.index_cast %add3A_1067 : i32 to index
      %get3A_1069 = arith.constant 0 : index
      %get3A_1070 = tpu.vector_load %arg13[%get3A_1068, %get3A_1069] {strides = array<i32>} : memref<1792x16xf32, #tpu.memory_space<vmem>>, vector<1x16xf32>,
      %get3A_1071 = vector.shape_cast %get3A_1070 : vector<1x16xf32> to vector<16xf32>
      %get3A_1072 = arith.index_cast %add3A_1067 : i32 to index
      %get3A_1073 = arith.constant 0 : index
      %get3A_1074 = tpu.vector_load %arg15[%get3A_1072, %get3A_1073] {strides = array<i32>} : memref<1792x16xf32, #tpu.memory_space<vmem>>, vector<1x16xf32>,
      %get3A_1075 = vector.shape_cast %get3A_1074 : vector<1x16xf32> to vector<16xf32>
      %mul3A_1076 = arith.mulf %get3A_1071, %get3A_1075 : vector<16xf32>
      %slice3A_1077 = vector.extract_strided_slice %get3A_907 {offsets = [10], sizes = [1], strides = [1]} : vector<16xf32> to vector<1xf32>
      %squeeze3A_1078 = vector.extract %slice3A_1077[0] : f32 from vector<1xf32>
      %mul3A_1079 = vector.broadcast %squeeze3A_1078 : f32 to vector<16xf32>
      %mul3A_1080 = arith.mulf %mul3A_1076, %mul3A_1079 : vector<16xf32>
      %add3A_1081 = arith.addf %add3A_953, %mul3A_1080 : vector<16xf32>
      %add3A_1082 = arith.constant 11 : i32
      %add3A_1083 = arith.addi %mul3A_905, %add3A_1082 : i32
      %get3A_1084 = arith.index_cast %add3A_1083 : i32 to index
      %get3A_1085 = arith.constant 0 : index
      %get3A_1086 = tpu.vector_load %arg13[%get3A_1084, %get3A_1085] {strides = array<i32>} : memref<1792x16xf32, #tpu.memory_space<vmem>>, vector<1x16xf32>,
      %get3A_1087 = vector.shape_cast %get3A_1086 : vector<1x16xf32> to vector<16xf32>
      %get3A_1088 = arith.index_cast %add3A_1083 : i32 to index
      %get3A_1089 = arith.constant 0 : index
      %get3A_1090 = tpu.vector_load %arg15[%get3A_1088, %get3A_1089] {strides = array<i32>} : memref<1792x16xf32, #tpu.memory_space<vmem>>, vector<1x16xf32>,
      %get3A_1091 = vector.shape_cast %get3A_1090 : vector<1x16xf32> to vector<16xf32>
      %mul3A_1092 = arith.mulf %get3A_1087, %get3A_1091 : vector<16xf32>
      %slice3A_1093 = vector.extract_strided_slice %get3A_907 {offsets = [11], sizes = [1], strides = [1]} : vector<16xf32> to vector<1xf32>
      %squeeze3A_1094 = vector.extract %slice3A_1093[0] : f32 from vector<1xf32>
      %mul3A_1095 = vector.broadcast %squeeze3A_1094 : f32 to vector<16xf32>
      %mul3A_1096 = arith.mulf %mul3A_1092, %mul3A_1095 : vector<16xf32>
      %add3A_1097 = arith.addf %add3A_969, %mul3A_1096 : vector<16xf32>
      %add3A_1098 = arith.constant 12 : i32
      %add3A_1099 = arith.addi %mul3A_905, %add3A_1098 : i32
      %get3A_1100 = arith.index_cast %add3A_1099 : i32 to index
      %get3A_1101 = arith.constant 0 : index
      %get3A_1102 = tpu.vector_load %arg13[%get3A_1100, %get3A_1101] {strides = array<i32>} : memref<1792x16xf32, #tpu.memory_space<vmem>>, vector<1x16xf32>,
      %get3A_1103 = vector.shape_cast %get3A_1102 : vector<1x16xf32> to vector<16xf32>
      %get3A_1104 = arith.index_cast %add3A_1099 : i32 to index
      %get3A_1105 = arith.constant 0 : index
      %get3A_1106 = tpu.vector_load %arg15[%get3A_1104, %get3A_1105] {strides = array<i32>} : memref<1792x16xf32, #tpu.memory_space<vmem>>, vector<1x16xf32>,
      %get3A_1107 = vector.shape_cast %get3A_1106 : vector<1x16xf32> to vector<16xf32>
      %mul3A_1108 = arith.mulf %get3A_1103, %get3A_1107 : vector<16xf32>
      %slice3A_1109 = vector.extract_strided_slice %get3A_907 {offsets = [12], sizes = [1], strides = [1]} : vector<16xf32> to vector<1xf32>
      %squeeze3A_1110 = vector.extract %slice3A_1109[0] : f32 from vector<1xf32>
      %mul3A_1111 = vector.broadcast %squeeze3A_1110 : f32 to vector<16xf32>
      %mul3A_1112 = arith.mulf %mul3A_1108, %mul3A_1111 : vector<16xf32>
      %add3A_1113 = arith.addf %add3A_985, %mul3A_1112 : vector<16xf32>
      %add3A_1114 = arith.constant 13 : i32
      %add3A_1115 = arith.addi %mul3A_905, %add3A_1114 : i32
      %get3A_1116 = arith.index_cast %add3A_1115 : i32 to index
      %get3A_1117 = arith.constant 0 : index
      %get3A_1118 = tpu.vector_load %arg13[%get3A_1116, %get3A_1117] {strides = array<i32>} : memref<1792x16xf32, #tpu.memory_space<vmem>>, vector<1x16xf32>,
      %get3A_1119 = vector.shape_cast %get3A_1118 : vector<1x16xf32> to vector<16xf32>
      %get3A_1120 = arith.index_cast %add3A_1115 : i32 to index
      %get3A_1121 = arith.constant 0 : index
      %get3A_1122 = tpu.vector_load %arg15[%get3A_1120, %get3A_1121] {strides = array<i32>} : memref<1792x16xf32, #tpu.memory_space<vmem>>, vector<1x16xf32>,
      %get3A_1123 = vector.shape_cast %get3A_1122 : vector<1x16xf32> to vector<16xf32>
      %mul3A_1124 = arith.mulf %get3A_1119, %get3A_1123 : vector<16xf32>
      %slice3A_1125 = vector.extract_strided_slice %get3A_907 {offsets = [13], sizes = [1], strides = [1]} : vector<16xf32> to vector<1xf32>
      %squeeze3A_1126 = vector.extract %slice3A_1125[0] : f32 from vector<1xf32>
      %mul3A_1127 = vector.broadcast %squeeze3A_1126 : f32 to vector<16xf32>
      %mul3A_1128 = arith.mulf %mul3A_1124, %mul3A_1127 : vector<16xf32>
      %add3A_1129 = arith.addf %add3A_1001, %mul3A_1128 : vector<16xf32>
      %add3A_1130 = arith.constant 14 : i32
      %add3A_1131 = arith.addi %mul3A_905, %add3A_1130 : i32
      %get3A_1132 = arith.index_cast %add3A_1131 : i32 to index
      %get3A_1133 = arith.constant 0 : index
      %get3A_1134 = tpu.vector_load %arg13[%get3A_1132, %get3A_1133] {strides = array<i32>} : memref<1792x16xf32, #tpu.memory_space<vmem>>, vector<1x16xf32>,
      %get3A_1135 = vector.shape_cast %get3A_1134 : vector<1x16xf32> to vector<16xf32>
      %get3A_1136 = arith.index_cast %add3A_1131 : i32 to index
      %get3A_1137 = arith.constant 0 : index
      %get3A_1138 = tpu.vector_load %arg15[%get3A_1136, %get3A_1137] {strides = array<i32>} : memref<1792x16xf32, #tpu.memory_space<vmem>>, vector<1x16xf32>,
      %get3A_1139 = vector.shape_cast %get3A_1138 : vector<1x16xf32> to vector<16xf32>
      %mul3A_1140 = arith.mulf %get3A_1135, %get3A_1139 : vector<16xf32>
      %slice3A_1141 = vector.extract_strided_slice %get3A_907 {offsets = [14], sizes = [1], strides = [1]} : vector<16xf32> to vector<1xf32>
      %squeeze3A_1142 = vector.extract %slice3A_1141[0] : f32 from vector<1xf32>
      %mul3A_1143 = vector.broadcast %squeeze3A_1142 : f32 to vector<16xf32>
      %mul3A_1144 = arith.mulf %mul3A_1140, %mul3A_1143 : vector<16xf32>
      %add3A_1145 = arith.addf %add3A_1017, %mul3A_1144 : vector<16xf32>
      %add3A_1146 = arith.constant 15 : i32
      %add3A_1147 = arith.addi %mul3A_905, %add3A_1146 : i32
      %get3A_1148 = arith.index_cast %add3A_1147 : i32 to index
      %get3A_1149 = arith.constant 0 : index
      %get3A_1150 = tpu.vector_load %arg13[%get3A_1148, %get3A_1149] {strides = array<i32>} : memref<1792x16xf32, #tpu.memory_space<vmem>>, vector<1x16xf32>,
      %get3A_1151 = vector.shape_cast %get3A_1150 : vector<1x16xf32> to vector<16xf32>
      %get3A_1152 = arith.index_cast %add3A_1147 : i32 to index
      %get3A_1153 = arith.constant 0 : index
      %get3A_1154 = tpu.vector_load %arg15[%get3A_1152, %get3A_1153] {strides = array<i32>} : memref<1792x16xf32, #tpu.memory_space<vmem>>, vector<1x16xf32>,
      %get3A_1155 = vector.shape_cast %get3A_1154 : vector<1x16xf32> to vector<16xf32>
      %mul3A_1156 = arith.mulf %get3A_1151, %get3A_1155 : vector<16xf32>
      %slice3A_1157 = vector.extract_strided_slice %get3A_907 {offsets = [15], sizes = [1], strides = [1]} : vector<16xf32> to vector<1xf32>
      %squeeze3A_1158 = vector.extract %slice3A_1157[0] : f32 from vector<1xf32>
      %mul3A_1159 = vector.broadcast %squeeze3A_1158 : f32 to vector<16xf32>
      %mul3A_1160 = arith.mulf %mul3A_1156, %mul3A_1159 : vector<16xf32>
      %add3A_1161 = arith.addf %add3A_1033, %mul3A_1160 : vector<16xf32>
      scf.yield %add3A_1049, %add3A_1065, %add3A_1081, %add3A_1097, %add3A_1113, %add3A_1129, %add3A_1145, %add3A_1161 : vector<16xf32>, vector<16xf32>, vector<16xf32>, vector<16xf32>, vector<16xf32>, vector<16xf32>, vector<16xf32>, vector<16xf32>
    }
    %scan3A_490 = arith.constant 112 : i32
    %add3A_491 = arith.constant 98560 : i32
    %add3A_492 = arith.addi %mul3A_3, %add3A_491 : i32
    "tpu.region"() ({
      %run_scoped3A = tpu.sem_alloc : memref<!tpu.dma_semaphore, #tpu.memory_space<semaphore_mem>>
      %dma_start3A_895 = arith.constant 0 : i32
      %dma_start3A_896 = tpu.memref_slice %arg8[%dma_start3A_895] : memref<1792xi32, #tpu.memory_space<vmem>> -> memref<1440xi32, #tpu.memory_space<vmem>>
      %dma_start3A_897 = tpu.memref_slice %arg4[%add3A_492] : memref<3200000xi32, #tpu.memory_space<hbm>> -> memref<1440xi32, #tpu.memory_space<hbm>>
      %dma_start3A_898 = arith.constant 0 : i32
      %dma_start3A_899 = tpu.memref_slice %arg8[%dma_start3A_898] : memref<1792xi32, #tpu.memory_space<vmem>> -> memref<1440xi32, #tpu.memory_space<vmem>>
      %dma_start3A_900 = tpu.memref_slice %arg4[%add3A_492] : memref<3200000xi32, #tpu.memory_space<hbm>> -> memref<1440xi32, #tpu.memory_space<hbm>>
      tpu.enqueue_dma source(%dma_start3A_900 : memref<1440xi32, #tpu.memory_space<hbm>>) target(%dma_start3A_899 : memref<1440xi32, #tpu.memory_space<vmem>>) target_semaphore(%run_scoped3A : memref<!tpu.dma_semaphore, #tpu.memory_space<semaphore_mem>>)
      %dma_wait3A_901 = arith.constant 0 : i32
      %dma_wait3A_902 = tpu.memref_slice %arg8[%dma_wait3A_901] : memref<1792xi32, #tpu.memory_space<vmem>> -> memref<1440xi32, #tpu.memory_space<vmem>>
      %dma_wait3A_903 = tpu.memref_slice %arg4[%add3A_492] : memref<3200000xi32, #tpu.memory_space<hbm>> -> memref<1440xi32, #tpu.memory_space<hbm>>
      %dma_wait3A_904 = arith.constant 0 : i32
      %dma_wait3A_905 = tpu.memref_slice %arg8[%dma_wait3A_904] : memref<1792xi32, #tpu.memory_space<vmem>> -> memref<1440xi32, #tpu.memory_space<vmem>>
      %dma_wait3A_906 = tpu.memref_slice %arg4[%add3A_492] : memref<3200000xi32, #tpu.memory_space<hbm>> -> memref<1440xi32, #tpu.memory_space<hbm>>
      tpu.wait_dma2 semaphore(%run_scoped3A : memref<!tpu.dma_semaphore, #tpu.memory_space<semaphore_mem>>) src(%dma_wait3A_906 : memref<1440xi32, #tpu.memory_space<hbm>>) dst(%dma_wait3A_905 : memref<1440xi32, #tpu.memory_space<vmem>>)
      tpu.yield
    }) : () -> ()
    "tpu.region"() ({
      %run_scoped3A = tpu.sem_alloc : memref<!tpu.dma_semaphore, #tpu.memory_space<semaphore_mem>>
      %dma_start3A_895 = arith.constant 0 : i32
      %dma_start3A_896 = tpu.memref_slice %arg10[%dma_start3A_895] : memref<1792xi32, #tpu.memory_space<vmem>> -> memref<1440xi32, #tpu.memory_space<vmem>>
      %dma_start3A_897 = tpu.memref_slice %arg5[%add3A_492] : memref<3200000xi32, #tpu.memory_space<hbm>> -> memref<1440xi32, #tpu.memory_space<hbm>>
      %dma_start3A_898 = arith.constant 0 : i32
      %dma_start3A_899 = tpu.memref_slice %arg10[%dma_start3A_898] : memref<1792xi32, #tpu.memory_space<vmem>> -> memref<1440xi32, #tpu.memory_space<vmem>>
      %dma_start3A_900 = tpu.memref_slice %arg5[%add3A_492] : memref<3200000xi32, #tpu.memory_space<hbm>> -> memref<1440xi32, #tpu.memory_space<hbm>>
      tpu.enqueue_dma source(%dma_start3A_900 : memref<1440xi32, #tpu.memory_space<hbm>>) target(%dma_start3A_899 : memref<1440xi32, #tpu.memory_space<vmem>>) target_semaphore(%run_scoped3A : memref<!tpu.dma_semaphore, #tpu.memory_space<semaphore_mem>>)
      %dma_wait3A_901 = arith.constant 0 : i32
      %dma_wait3A_902 = tpu.memref_slice %arg10[%dma_wait3A_901] : memref<1792xi32, #tpu.memory_space<vmem>> -> memref<1440xi32, #tpu.memory_space<vmem>>
      %dma_wait3A_903 = tpu.memref_slice %arg5[%add3A_492] : memref<3200000xi32, #tpu.memory_space<hbm>> -> memref<1440xi32, #tpu.memory_space<hbm>>
      %dma_wait3A_904 = arith.constant 0 : i32
      %dma_wait3A_905 = tpu.memref_slice %arg10[%dma_wait3A_904] : memref<1792xi32, #tpu.memory_space<vmem>> -> memref<1440xi32, #tpu.memory_space<vmem>>
      %dma_wait3A_906 = tpu.memref_slice %arg5[%add3A_492] : memref<3200000xi32, #tpu.memory_space<hbm>> -> memref<1440xi32, #tpu.memory_space<hbm>>
      tpu.wait_dma2 semaphore(%run_scoped3A : memref<!tpu.dma_semaphore, #tpu.memory_space<semaphore_mem>>) src(%dma_wait3A_906 : memref<1440xi32, #tpu.memory_space<hbm>>) dst(%dma_wait3A_905 : memref<1440xi32, #tpu.memory_space<vmem>>)
      tpu.yield
    }) : () -> ()
    "tpu.region"() ({
      %run_scoped3A = tpu.sem_alloc : memref<!tpu.dma_semaphore, #tpu.memory_space<semaphore_mem>>
      %dma_start3A_895 = arith.constant 0 : i32
      %dma_start3A_896 = tpu.memref_slice %arg12[%dma_start3A_895] : memref<1792xf32, #tpu.memory_space<vmem>> -> memref<1440xf32, #tpu.memory_space<vmem>>
      %dma_start3A_897 = tpu.memref_slice %arg3[%add3A_492] : memref<3200000xf32, #tpu.memory_space<hbm>> -> memref<1440xf32, #tpu.memory_space<hbm>>
      %dma_start3A_898 = arith.constant 0 : i32
      %dma_start3A_899 = tpu.memref_slice %arg12[%dma_start3A_898] : memref<1792xf32, #tpu.memory_space<vmem>> -> memref<1440xf32, #tpu.memory_space<vmem>>
      %dma_start3A_900 = tpu.memref_slice %arg3[%add3A_492] : memref<3200000xf32, #tpu.memory_space<hbm>> -> memref<1440xf32, #tpu.memory_space<hbm>>
      tpu.enqueue_dma source(%dma_start3A_900 : memref<1440xf32, #tpu.memory_space<hbm>>) target(%dma_start3A_899 : memref<1440xf32, #tpu.memory_space<vmem>>) target_semaphore(%run_scoped3A : memref<!tpu.dma_semaphore, #tpu.memory_space<semaphore_mem>>)
      %dma_wait3A_901 = arith.constant 0 : i32
      %dma_wait3A_902 = tpu.memref_slice %arg12[%dma_wait3A_901] : memref<1792xf32, #tpu.memory_space<vmem>> -> memref<1440xf32, #tpu.memory_space<vmem>>
      %dma_wait3A_903 = tpu.memref_slice %arg3[%add3A_492] : memref<3200000xf32, #tpu.memory_space<hbm>> -> memref<1440xf32, #tpu.memory_space<hbm>>
      %dma_wait3A_904 = arith.constant 0 : i32
      %dma_wait3A_905 = tpu.memref_slice %arg12[%dma_wait3A_904] : memref<1792xf32, #tpu.memory_space<vmem>> -> memref<1440xf32, #tpu.memory_space<vmem>>
      %dma_wait3A_906 = tpu.memref_slice %arg3[%add3A_492] : memref<3200000xf32, #tpu.memory_space<hbm>> -> memref<1440xf32, #tpu.memory_space<hbm>>
      tpu.wait_dma2 semaphore(%run_scoped3A : memref<!tpu.dma_semaphore, #tpu.memory_space<semaphore_mem>>) src(%dma_wait3A_906 : memref<1440xf32, #tpu.memory_space<hbm>>) dst(%dma_wait3A_905 : memref<1440xf32, #tpu.memory_space<vmem>>)
      tpu.yield
    }) : () -> ()
    %dma_start3A_493 = arith.constant 0 : i32
    %dma_start3A_494 = arith.constant 0 : i32
    %dma_start3A_495 = tpu.memref_slice %arg14[%dma_start3A_493, %dma_start3A_494] : memref<1792x16xf32, #tpu.memory_space<vmem>> -> memref<128x16xf32, #tpu.memory_space<vmem>>
    %dma_start3A_496 = arith.constant 0 : i32
    %dma_start3A_497 = tpu.memref_slice %arg8[%dma_start3A_496] : memref<1792xi32, #tpu.memory_space<vmem>> -> memref<128xi32, #tpu.memory_space<vmem>>
    %dma_start3A_498 = arith.constant 0 : i32
    %dma_start3A_499 = arith.constant 0 : i32
    %dma_start3A_500 = tpu.memref_slice %arg2[%dma_start3A_498, %dma_start3A_499] : memref<100000x16xf32, #tpu.memory_space<hbm>> -> memref<100000x16xf32, #tpu.memory_space<hbm>>
    tpu.enqueue_indirect_dma source(%dma_start3A_500 : memref<100000x16xf32, #tpu.memory_space<hbm>>) target(%dma_start3A_495 : memref<128x16xf32, #tpu.memory_space<vmem>>) offsets(%dma_start3A_497 : memref<128xi32, #tpu.memory_space<vmem>>) semaphore(%arg25 : memref<!tpu.dma_semaphore, #tpu.memory_space<semaphore_mem>>)
    %dma_start3A_501 = arith.constant 0 : i32
    %dma_start3A_502 = arith.constant 0 : i32
    %dma_start3A_503 = tpu.memref_slice %arg16[%dma_start3A_501, %dma_start3A_502] : memref<1792x16xf32, #tpu.memory_space<vmem>> -> memref<128x16xf32, #tpu.memory_space<vmem>>
    %dma_start3A_504 = arith.constant 0 : i32
    %dma_start3A_505 = tpu.memref_slice %arg10[%dma_start3A_504] : memref<1792xi32, #tpu.memory_space<vmem>> -> memref<128xi32, #tpu.memory_space<vmem>>
    %dma_start3A_506 = arith.constant 0 : i32
    %dma_start3A_507 = arith.constant 0 : i32
    %dma_start3A_508 = tpu.memref_slice %arg2[%dma_start3A_506, %dma_start3A_507] : memref<100000x16xf32, #tpu.memory_space<hbm>> -> memref<100000x16xf32, #tpu.memory_space<hbm>>
    tpu.enqueue_indirect_dma source(%dma_start3A_508 : memref<100000x16xf32, #tpu.memory_space<hbm>>) target(%dma_start3A_503 : memref<128x16xf32, #tpu.memory_space<vmem>>) offsets(%dma_start3A_505 : memref<128xi32, #tpu.memory_space<vmem>>) semaphore(%arg25 : memref<!tpu.dma_semaphore, #tpu.memory_space<semaphore_mem>>)
    %dma_start3A_509 = arith.constant 128 : i32
    %dma_start3A_510 = arith.constant 0 : i32
    %dma_start3A_511 = tpu.memref_slice %arg14[%dma_start3A_509, %dma_start3A_510] : memref<1792x16xf32, #tpu.memory_space<vmem>> -> memref<128x16xf32, #tpu.memory_space<vmem>>
    %dma_start3A_512 = arith.constant 128 : i32
    %dma_start3A_513 = tpu.memref_slice %arg8[%dma_start3A_512] : memref<1792xi32, #tpu.memory_space<vmem>> -> memref<128xi32, #tpu.memory_space<vmem>>
    %dma_start3A_514 = arith.constant 0 : i32
    %dma_start3A_515 = arith.constant 0 : i32
    %dma_start3A_516 = tpu.memref_slice %arg2[%dma_start3A_514, %dma_start3A_515] : memref<100000x16xf32, #tpu.memory_space<hbm>> -> memref<100000x16xf32, #tpu.memory_space<hbm>>
    tpu.enqueue_indirect_dma source(%dma_start3A_516 : memref<100000x16xf32, #tpu.memory_space<hbm>>) target(%dma_start3A_511 : memref<128x16xf32, #tpu.memory_space<vmem>>) offsets(%dma_start3A_513 : memref<128xi32, #tpu.memory_space<vmem>>) semaphore(%arg25 : memref<!tpu.dma_semaphore, #tpu.memory_space<semaphore_mem>>)
    %dma_start3A_517 = arith.constant 128 : i32
    %dma_start3A_518 = arith.constant 0 : i32
    %dma_start3A_519 = tpu.memref_slice %arg16[%dma_start3A_517, %dma_start3A_518] : memref<1792x16xf32, #tpu.memory_space<vmem>> -> memref<128x16xf32, #tpu.memory_space<vmem>>
    %dma_start3A_520 = arith.constant 128 : i32
    %dma_start3A_521 = tpu.memref_slice %arg10[%dma_start3A_520] : memref<1792xi32, #tpu.memory_space<vmem>> -> memref<128xi32, #tpu.memory_space<vmem>>
    %dma_start3A_522 = arith.constant 0 : i32
    %dma_start3A_523 = arith.constant 0 : i32
    %dma_start3A_524 = tpu.memref_slice %arg2[%dma_start3A_522, %dma_start3A_523] : memref<100000x16xf32, #tpu.memory_space<hbm>> -> memref<100000x16xf32, #tpu.memory_space<hbm>>
    tpu.enqueue_indirect_dma source(%dma_start3A_524 : memref<100000x16xf32, #tpu.memory_space<hbm>>) target(%dma_start3A_519 : memref<128x16xf32, #tpu.memory_space<vmem>>) offsets(%dma_start3A_521 : memref<128xi32, #tpu.memory_space<vmem>>) semaphore(%arg25 : memref<!tpu.dma_semaphore, #tpu.memory_space<semaphore_mem>>)
    %dma_start3A_525 = arith.constant 256 : i32
    %dma_start3A_526 = arith.constant 0 : i32
    %dma_start3A_527 = tpu.memref_slice %arg14[%dma_start3A_525, %dma_start3A_526] : memref<1792x16xf32, #tpu.memory_space<vmem>> -> memref<128x16xf32, #tpu.memory_space<vmem>>
    %dma_start3A_528 = arith.constant 256 : i32
    %dma_start3A_529 = tpu.memref_slice %arg8[%dma_start3A_528] : memref<1792xi32, #tpu.memory_space<vmem>> -> memref<128xi32, #tpu.memory_space<vmem>>
    %dma_start3A_530 = arith.constant 0 : i32
    %dma_start3A_531 = arith.constant 0 : i32
    %dma_start3A_532 = tpu.memref_slice %arg2[%dma_start3A_530, %dma_start3A_531] : memref<100000x16xf32, #tpu.memory_space<hbm>> -> memref<100000x16xf32, #tpu.memory_space<hbm>>
    tpu.enqueue_indirect_dma source(%dma_start3A_532 : memref<100000x16xf32, #tpu.memory_space<hbm>>) target(%dma_start3A_527 : memref<128x16xf32, #tpu.memory_space<vmem>>) offsets(%dma_start3A_529 : memref<128xi32, #tpu.memory_space<vmem>>) semaphore(%arg25 : memref<!tpu.dma_semaphore, #tpu.memory_space<semaphore_mem>>)
    %dma_start3A_533 = arith.constant 256 : i32
    %dma_start3A_534 = arith.constant 0 : i32
    %dma_start3A_535 = tpu.memref_slice %arg16[%dma_start3A_533, %dma_start3A_534] : memref<1792x16xf32, #tpu.memory_space<vmem>> -> memref<128x16xf32, #tpu.memory_space<vmem>>
    %dma_start3A_536 = arith.constant 256 : i32
    %dma_start3A_537 = tpu.memref_slice %arg10[%dma_start3A_536] : memref<1792xi32, #tpu.memory_space<vmem>> -> memref<128xi32, #tpu.memory_space<vmem>>
    %dma_start3A_538 = arith.constant 0 : i32
    %dma_start3A_539 = arith.constant 0 : i32
    %dma_start3A_540 = tpu.memref_slice %arg2[%dma_start3A_538, %dma_start3A_539] : memref<100000x16xf32, #tpu.memory_space<hbm>> -> memref<100000x16xf32, #tpu.memory_space<hbm>>
    tpu.enqueue_indirect_dma source(%dma_start3A_540 : memref<100000x16xf32, #tpu.memory_space<hbm>>) target(%dma_start3A_535 : memref<128x16xf32, #tpu.memory_space<vmem>>) offsets(%dma_start3A_537 : memref<128xi32, #tpu.memory_space<vmem>>) semaphore(%arg25 : memref<!tpu.dma_semaphore, #tpu.memory_space<semaphore_mem>>)
    %dma_start3A_541 = arith.constant 384 : i32
    %dma_start3A_542 = arith.constant 0 : i32
    %dma_start3A_543 = tpu.memref_slice %arg14[%dma_start3A_541, %dma_start3A_542] : memref<1792x16xf32, #tpu.memory_space<vmem>> -> memref<128x16xf32, #tpu.memory_space<vmem>>
    %dma_start3A_544 = arith.constant 384 : i32
    %dma_start3A_545 = tpu.memref_slice %arg8[%dma_start3A_544] : memref<1792xi32, #tpu.memory_space<vmem>> -> memref<128xi32, #tpu.memory_space<vmem>>
    %dma_start3A_546 = arith.constant 0 : i32
    %dma_start3A_547 = arith.constant 0 : i32
    %dma_start3A_548 = tpu.memref_slice %arg2[%dma_start3A_546, %dma_start3A_547] : memref<100000x16xf32, #tpu.memory_space<hbm>> -> memref<100000x16xf32, #tpu.memory_space<hbm>>
    tpu.enqueue_indirect_dma source(%dma_start3A_548 : memref<100000x16xf32, #tpu.memory_space<hbm>>) target(%dma_start3A_543 : memref<128x16xf32, #tpu.memory_space<vmem>>) offsets(%dma_start3A_545 : memref<128xi32, #tpu.memory_space<vmem>>) semaphore(%arg25 : memref<!tpu.dma_semaphore, #tpu.memory_space<semaphore_mem>>)
    %dma_start3A_549 = arith.constant 384 : i32
    %dma_start3A_550 = arith.constant 0 : i32
    %dma_start3A_551 = tpu.memref_slice %arg16[%dma_start3A_549, %dma_start3A_550] : memref<1792x16xf32, #tpu.memory_space<vmem>> -> memref<128x16xf32, #tpu.memory_space<vmem>>
    %dma_start3A_552 = arith.constant 384 : i32
    %dma_start3A_553 = tpu.memref_slice %arg10[%dma_start3A_552] : memref<1792xi32, #tpu.memory_space<vmem>> -> memref<128xi32, #tpu.memory_space<vmem>>
    %dma_start3A_554 = arith.constant 0 : i32
    %dma_start3A_555 = arith.constant 0 : i32
    %dma_start3A_556 = tpu.memref_slice %arg2[%dma_start3A_554, %dma_start3A_555] : memref<100000x16xf32, #tpu.memory_space<hbm>> -> memref<100000x16xf32, #tpu.memory_space<hbm>>
    tpu.enqueue_indirect_dma source(%dma_start3A_556 : memref<100000x16xf32, #tpu.memory_space<hbm>>) target(%dma_start3A_551 : memref<128x16xf32, #tpu.memory_space<vmem>>) offsets(%dma_start3A_553 : memref<128xi32, #tpu.memory_space<vmem>>) semaphore(%arg25 : memref<!tpu.dma_semaphore, #tpu.memory_space<semaphore_mem>>)
    %dma_start3A_557 = arith.constant 512 : i32
    %dma_start3A_558 = arith.constant 0 : i32
    %dma_start3A_559 = tpu.memref_slice %arg14[%dma_start3A_557, %dma_start3A_558] : memref<1792x16xf32, #tpu.memory_space<vmem>> -> memref<128x16xf32, #tpu.memory_space<vmem>>
    %dma_start3A_560 = arith.constant 512 : i32
    %dma_start3A_561 = tpu.memref_slice %arg8[%dma_start3A_560] : memref<1792xi32, #tpu.memory_space<vmem>> -> memref<128xi32, #tpu.memory_space<vmem>>
    %dma_start3A_562 = arith.constant 0 : i32
    %dma_start3A_563 = arith.constant 0 : i32
    %dma_start3A_564 = tpu.memref_slice %arg2[%dma_start3A_562, %dma_start3A_563] : memref<100000x16xf32, #tpu.memory_space<hbm>> -> memref<100000x16xf32, #tpu.memory_space<hbm>>
    tpu.enqueue_indirect_dma source(%dma_start3A_564 : memref<100000x16xf32, #tpu.memory_space<hbm>>) target(%dma_start3A_559 : memref<128x16xf32, #tpu.memory_space<vmem>>) offsets(%dma_start3A_561 : memref<128xi32, #tpu.memory_space<vmem>>) semaphore(%arg25 : memref<!tpu.dma_semaphore, #tpu.memory_space<semaphore_mem>>)
    %dma_start3A_565 = arith.constant 512 : i32
    %dma_start3A_566 = arith.constant 0 : i32
    %dma_start3A_567 = tpu.memref_slice %arg16[%dma_start3A_565, %dma_start3A_566] : memref<1792x16xf32, #tpu.memory_space<vmem>> -> memref<128x16xf32, #tpu.memory_space<vmem>>
    %dma_start3A_568 = arith.constant 512 : i32
    %dma_start3A_569 = tpu.memref_slice %arg10[%dma_start3A_568] : memref<1792xi32, #tpu.memory_space<vmem>> -> memref<128xi32, #tpu.memory_space<vmem>>
    %dma_start3A_570 = arith.constant 0 : i32
    %dma_start3A_571 = arith.constant 0 : i32
    %dma_start3A_572 = tpu.memref_slice %arg2[%dma_start3A_570, %dma_start3A_571] : memref<100000x16xf32, #tpu.memory_space<hbm>> -> memref<100000x16xf32, #tpu.memory_space<hbm>>
    tpu.enqueue_indirect_dma source(%dma_start3A_572 : memref<100000x16xf32, #tpu.memory_space<hbm>>) target(%dma_start3A_567 : memref<128x16xf32, #tpu.memory_space<vmem>>) offsets(%dma_start3A_569 : memref<128xi32, #tpu.memory_space<vmem>>) semaphore(%arg25 : memref<!tpu.dma_semaphore, #tpu.memory_space<semaphore_mem>>)
    %dma_start3A_573 = arith.constant 640 : i32
    %dma_start3A_574 = arith.constant 0 : i32
    %dma_start3A_575 = tpu.memref_slice %arg14[%dma_start3A_573, %dma_start3A_574] : memref<1792x16xf32, #tpu.memory_space<vmem>> -> memref<128x16xf32, #tpu.memory_space<vmem>>
    %dma_start3A_576 = arith.constant 640 : i32
    %dma_start3A_577 = tpu.memref_slice %arg8[%dma_start3A_576] : memref<1792xi32, #tpu.memory_space<vmem>> -> memref<128xi32, #tpu.memory_space<vmem>>
    %dma_start3A_578 = arith.constant 0 : i32
    %dma_start3A_579 = arith.constant 0 : i32
    %dma_start3A_580 = tpu.memref_slice %arg2[%dma_start3A_578, %dma_start3A_579] : memref<100000x16xf32, #tpu.memory_space<hbm>> -> memref<100000x16xf32, #tpu.memory_space<hbm>>
    tpu.enqueue_indirect_dma source(%dma_start3A_580 : memref<100000x16xf32, #tpu.memory_space<hbm>>) target(%dma_start3A_575 : memref<128x16xf32, #tpu.memory_space<vmem>>) offsets(%dma_start3A_577 : memref<128xi32, #tpu.memory_space<vmem>>) semaphore(%arg25 : memref<!tpu.dma_semaphore, #tpu.memory_space<semaphore_mem>>)
    %dma_start3A_581 = arith.constant 640 : i32
    %dma_start3A_582 = arith.constant 0 : i32
    %dma_start3A_583 = tpu.memref_slice %arg16[%dma_start3A_581, %dma_start3A_582] : memref<1792x16xf32, #tpu.memory_space<vmem>> -> memref<128x16xf32, #tpu.memory_space<vmem>>
    %dma_start3A_584 = arith.constant 640 : i32
    %dma_start3A_585 = tpu.memref_slice %arg10[%dma_start3A_584] : memref<1792xi32, #tpu.memory_space<vmem>> -> memref<128xi32, #tpu.memory_space<vmem>>
    %dma_start3A_586 = arith.constant 0 : i32
    %dma_start3A_587 = arith.constant 0 : i32
    %dma_start3A_588 = tpu.memref_slice %arg2[%dma_start3A_586, %dma_start3A_587] : memref<100000x16xf32, #tpu.memory_space<hbm>> -> memref<100000x16xf32, #tpu.memory_space<hbm>>
    tpu.enqueue_indirect_dma source(%dma_start3A_588 : memref<100000x16xf32, #tpu.memory_space<hbm>>) target(%dma_start3A_583 : memref<128x16xf32, #tpu.memory_space<vmem>>) offsets(%dma_start3A_585 : memref<128xi32, #tpu.memory_space<vmem>>) semaphore(%arg25 : memref<!tpu.dma_semaphore, #tpu.memory_space<semaphore_mem>>)
    %dma_start3A_589 = arith.constant 768 : i32
    %dma_start3A_590 = arith.constant 0 : i32
    %dma_start3A_591 = tpu.memref_slice %arg14[%dma_start3A_589, %dma_start3A_590] : memref<1792x16xf32, #tpu.memory_space<vmem>> -> memref<128x16xf32, #tpu.memory_space<vmem>>
    %dma_start3A_592 = arith.constant 768 : i32
    %dma_start3A_593 = tpu.memref_slice %arg8[%dma_start3A_592] : memref<1792xi32, #tpu.memory_space<vmem>> -> memref<128xi32, #tpu.memory_space<vmem>>
    %dma_start3A_594 = arith.constant 0 : i32
    %dma_start3A_595 = arith.constant 0 : i32
    %dma_start3A_596 = tpu.memref_slice %arg2[%dma_start3A_594, %dma_start3A_595] : memref<100000x16xf32, #tpu.memory_space<hbm>> -> memref<100000x16xf32, #tpu.memory_space<hbm>>
    tpu.enqueue_indirect_dma source(%dma_start3A_596 : memref<100000x16xf32, #tpu.memory_space<hbm>>) target(%dma_start3A_591 : memref<128x16xf32, #tpu.memory_space<vmem>>) offsets(%dma_start3A_593 : memref<128xi32, #tpu.memory_space<vmem>>) semaphore(%arg25 : memref<!tpu.dma_semaphore, #tpu.memory_space<semaphore_mem>>)
    %dma_start3A_597 = arith.constant 768 : i32
    %dma_start3A_598 = arith.constant 0 : i32
    %dma_start3A_599 = tpu.memref_slice %arg16[%dma_start3A_597, %dma_start3A_598] : memref<1792x16xf32, #tpu.memory_space<vmem>> -> memref<128x16xf32, #tpu.memory_space<vmem>>
    %dma_start3A_600 = arith.constant 768 : i32
    %dma_start3A_601 = tpu.memref_slice %arg10[%dma_start3A_600] : memref<1792xi32, #tpu.memory_space<vmem>> -> memref<128xi32, #tpu.memory_space<vmem>>
    %dma_start3A_602 = arith.constant 0 : i32
    %dma_start3A_603 = arith.constant 0 : i32
    %dma_start3A_604 = tpu.memref_slice %arg2[%dma_start3A_602, %dma_start3A_603] : memref<100000x16xf32, #tpu.memory_space<hbm>> -> memref<100000x16xf32, #tpu.memory_space<hbm>>
    tpu.enqueue_indirect_dma source(%dma_start3A_604 : memref<100000x16xf32, #tpu.memory_space<hbm>>) target(%dma_start3A_599 : memref<128x16xf32, #tpu.memory_space<vmem>>) offsets(%dma_start3A_601 : memref<128xi32, #tpu.memory_space<vmem>>) semaphore(%arg25 : memref<!tpu.dma_semaphore, #tpu.memory_space<semaphore_mem>>)
    %dma_start3A_605 = arith.constant 896 : i32
    %dma_start3A_606 = arith.constant 0 : i32
    %dma_start3A_607 = tpu.memref_slice %arg14[%dma_start3A_605, %dma_start3A_606] : memref<1792x16xf32, #tpu.memory_space<vmem>> -> memref<128x16xf32, #tpu.memory_space<vmem>>
    %dma_start3A_608 = arith.constant 896 : i32
    %dma_start3A_609 = tpu.memref_slice %arg8[%dma_start3A_608] : memref<1792xi32, #tpu.memory_space<vmem>> -> memref<128xi32, #tpu.memory_space<vmem>>
    %dma_start3A_610 = arith.constant 0 : i32
    %dma_start3A_611 = arith.constant 0 : i32
    %dma_start3A_612 = tpu.memref_slice %arg2[%dma_start3A_610, %dma_start3A_611] : memref<100000x16xf32, #tpu.memory_space<hbm>> -> memref<100000x16xf32, #tpu.memory_space<hbm>>
    tpu.enqueue_indirect_dma source(%dma_start3A_612 : memref<100000x16xf32, #tpu.memory_space<hbm>>) target(%dma_start3A_607 : memref<128x16xf32, #tpu.memory_space<vmem>>) offsets(%dma_start3A_609 : memref<128xi32, #tpu.memory_space<vmem>>) semaphore(%arg25 : memref<!tpu.dma_semaphore, #tpu.memory_space<semaphore_mem>>)
    %dma_start3A_613 = arith.constant 896 : i32
    %dma_start3A_614 = arith.constant 0 : i32
    %dma_start3A_615 = tpu.memref_slice %arg16[%dma_start3A_613, %dma_start3A_614] : memref<1792x16xf32, #tpu.memory_space<vmem>> -> memref<128x16xf32, #tpu.memory_space<vmem>>
    %dma_start3A_616 = arith.constant 896 : i32
    %dma_start3A_617 = tpu.memref_slice %arg10[%dma_start3A_616] : memref<1792xi32, #tpu.memory_space<vmem>> -> memref<128xi32, #tpu.memory_space<vmem>>
    %dma_start3A_618 = arith.constant 0 : i32
    %dma_start3A_619 = arith.constant 0 : i32
    %dma_start3A_620 = tpu.memref_slice %arg2[%dma_start3A_618, %dma_start3A_619] : memref<100000x16xf32, #tpu.memory_space<hbm>> -> memref<100000x16xf32, #tpu.memory_space<hbm>>
    tpu.enqueue_indirect_dma source(%dma_start3A_620 : memref<100000x16xf32, #tpu.memory_space<hbm>>) target(%dma_start3A_615 : memref<128x16xf32, #tpu.memory_space<vmem>>) offsets(%dma_start3A_617 : memref<128xi32, #tpu.memory_space<vmem>>) semaphore(%arg25 : memref<!tpu.dma_semaphore, #tpu.memory_space<semaphore_mem>>)
    %dma_start3A_621 = arith.constant 1024 : i32
    %dma_start3A_622 = arith.constant 0 : i32
    %dma_start3A_623 = tpu.memref_slice %arg14[%dma_start3A_621, %dma_start3A_622] : memref<1792x16xf32, #tpu.memory_space<vmem>> -> memref<128x16xf32, #tpu.memory_space<vmem>>
    %dma_start3A_624 = arith.constant 1024 : i32
    %dma_start3A_625 = tpu.memref_slice %arg8[%dma_start3A_624] : memref<1792xi32, #tpu.memory_space<vmem>> -> memref<128xi32, #tpu.memory_space<vmem>>
    %dma_start3A_626 = arith.constant 0 : i32
    %dma_start3A_627 = arith.constant 0 : i32
    %dma_start3A_628 = tpu.memref_slice %arg2[%dma_start3A_626, %dma_start3A_627] : memref<100000x16xf32, #tpu.memory_space<hbm>> -> memref<100000x16xf32, #tpu.memory_space<hbm>>
    tpu.enqueue_indirect_dma source(%dma_start3A_628 : memref<100000x16xf32, #tpu.memory_space<hbm>>) target(%dma_start3A_623 : memref<128x16xf32, #tpu.memory_space<vmem>>) offsets(%dma_start3A_625 : memref<128xi32, #tpu.memory_space<vmem>>) semaphore(%arg25 : memref<!tpu.dma_semaphore, #tpu.memory_space<semaphore_mem>>)
    %dma_start3A_629 = arith.constant 1024 : i32
    %dma_start3A_630 = arith.constant 0 : i32
    %dma_start3A_631 = tpu.memref_slice %arg16[%dma_start3A_629, %dma_start3A_630] : memref<1792x16xf32, #tpu.memory_space<vmem>> -> memref<128x16xf32, #tpu.memory_space<vmem>>
    %dma_start3A_632 = arith.constant 1024 : i32
    %dma_start3A_633 = tpu.memref_slice %arg10[%dma_start3A_632] : memref<1792xi32, #tpu.memory_space<vmem>> -> memref<128xi32, #tpu.memory_space<vmem>>
    %dma_start3A_634 = arith.constant 0 : i32
    %dma_start3A_635 = arith.constant 0 : i32
    %dma_start3A_636 = tpu.memref_slice %arg2[%dma_start3A_634, %dma_start3A_635] : memref<100000x16xf32, #tpu.memory_space<hbm>> -> memref<100000x16xf32, #tpu.memory_space<hbm>>
    tpu.enqueue_indirect_dma source(%dma_start3A_636 : memref<100000x16xf32, #tpu.memory_space<hbm>>) target(%dma_start3A_631 : memref<128x16xf32, #tpu.memory_space<vmem>>) offsets(%dma_start3A_633 : memref<128xi32, #tpu.memory_space<vmem>>) semaphore(%arg25 : memref<!tpu.dma_semaphore, #tpu.memory_space<semaphore_mem>>)
    %dma_start3A_637 = arith.constant 1152 : i32
    %dma_start3A_638 = arith.constant 0 : i32
    %dma_start3A_639 = tpu.memref_slice %arg14[%dma_start3A_637, %dma_start3A_638] : memref<1792x16xf32, #tpu.memory_space<vmem>> -> memref<128x16xf32, #tpu.memory_space<vmem>>
    %dma_start3A_640 = arith.constant 1152 : i32
    %dma_start3A_641 = tpu.memref_slice %arg8[%dma_start3A_640] : memref<1792xi32, #tpu.memory_space<vmem>> -> memref<128xi32, #tpu.memory_space<vmem>>
    %dma_start3A_642 = arith.constant 0 : i32
    %dma_start3A_643 = arith.constant 0 : i32
    %dma_start3A_644 = tpu.memref_slice %arg2[%dma_start3A_642, %dma_start3A_643] : memref<100000x16xf32, #tpu.memory_space<hbm>> -> memref<100000x16xf32, #tpu.memory_space<hbm>>
    tpu.enqueue_indirect_dma source(%dma_start3A_644 : memref<100000x16xf32, #tpu.memory_space<hbm>>) target(%dma_start3A_639 : memref<128x16xf32, #tpu.memory_space<vmem>>) offsets(%dma_start3A_641 : memref<128xi32, #tpu.memory_space<vmem>>) semaphore(%arg25 : memref<!tpu.dma_semaphore, #tpu.memory_space<semaphore_mem>>)
    %dma_start3A_645 = arith.constant 1152 : i32
    %dma_start3A_646 = arith.constant 0 : i32
    %dma_start3A_647 = tpu.memref_slice %arg16[%dma_start3A_645, %dma_start3A_646] : memref<1792x16xf32, #tpu.memory_space<vmem>> -> memref<128x16xf32, #tpu.memory_space<vmem>>
    %dma_start3A_648 = arith.constant 1152 : i32
    %dma_start3A_649 = tpu.memref_slice %arg10[%dma_start3A_648] : memref<1792xi32, #tpu.memory_space<vmem>> -> memref<128xi32, #tpu.memory_space<vmem>>
    %dma_start3A_650 = arith.constant 0 : i32
    %dma_start3A_651 = arith.constant 0 : i32
    %dma_start3A_652 = tpu.memref_slice %arg2[%dma_start3A_650, %dma_start3A_651] : memref<100000x16xf32, #tpu.memory_space<hbm>> -> memref<100000x16xf32, #tpu.memory_space<hbm>>
    tpu.enqueue_indirect_dma source(%dma_start3A_652 : memref<100000x16xf32, #tpu.memory_space<hbm>>) target(%dma_start3A_647 : memref<128x16xf32, #tpu.memory_space<vmem>>) offsets(%dma_start3A_649 : memref<128xi32, #tpu.memory_space<vmem>>) semaphore(%arg25 : memref<!tpu.dma_semaphore, #tpu.memory_space<semaphore_mem>>)
    %dma_start3A_653 = arith.constant 1280 : i32
    %dma_start3A_654 = arith.constant 0 : i32
    %dma_start3A_655 = tpu.memref_slice %arg14[%dma_start3A_653, %dma_start3A_654] : memref<1792x16xf32, #tpu.memory_space<vmem>> -> memref<128x16xf32, #tpu.memory_space<vmem>>
    %dma_start3A_656 = arith.constant 1280 : i32
    %dma_start3A_657 = tpu.memref_slice %arg8[%dma_start3A_656] : memref<1792xi32, #tpu.memory_space<vmem>> -> memref<128xi32, #tpu.memory_space<vmem>>
    %dma_start3A_658 = arith.constant 0 : i32
    %dma_start3A_659 = arith.constant 0 : i32
    %dma_start3A_660 = tpu.memref_slice %arg2[%dma_start3A_658, %dma_start3A_659] : memref<100000x16xf32, #tpu.memory_space<hbm>> -> memref<100000x16xf32, #tpu.memory_space<hbm>>
    tpu.enqueue_indirect_dma source(%dma_start3A_660 : memref<100000x16xf32, #tpu.memory_space<hbm>>) target(%dma_start3A_655 : memref<128x16xf32, #tpu.memory_space<vmem>>) offsets(%dma_start3A_657 : memref<128xi32, #tpu.memory_space<vmem>>) semaphore(%arg25 : memref<!tpu.dma_semaphore, #tpu.memory_space<semaphore_mem>>)
    %dma_start3A_661 = arith.constant 1280 : i32
    %dma_start3A_662 = arith.constant 0 : i32
    %dma_start3A_663 = tpu.memref_slice %arg16[%dma_start3A_661, %dma_start3A_662] : memref<1792x16xf32, #tpu.memory_space<vmem>> -> memref<128x16xf32, #tpu.memory_space<vmem>>
    %dma_start3A_664 = arith.constant 1280 : i32
    %dma_start3A_665 = tpu.memref_slice %arg10[%dma_start3A_664] : memref<1792xi32, #tpu.memory_space<vmem>> -> memref<128xi32, #tpu.memory_space<vmem>>
    %dma_start3A_666 = arith.constant 0 : i32
    %dma_start3A_667 = arith.constant 0 : i32
    %dma_start3A_668 = tpu.memref_slice %arg2[%dma_start3A_666, %dma_start3A_667] : memref<100000x16xf32, #tpu.memory_space<hbm>> -> memref<100000x16xf32, #tpu.memory_space<hbm>>
    tpu.enqueue_indirect_dma source(%dma_start3A_668 : memref<100000x16xf32, #tpu.memory_space<hbm>>) target(%dma_start3A_663 : memref<128x16xf32, #tpu.memory_space<vmem>>) offsets(%dma_start3A_665 : memref<128xi32, #tpu.memory_space<vmem>>) semaphore(%arg25 : memref<!tpu.dma_semaphore, #tpu.memory_space<semaphore_mem>>)
    %dma_start3A_669 = arith.constant 1408 : i32
    %dma_start3A_670 = arith.constant 0 : i32
    %dma_start3A_671 = tpu.memref_slice %arg14[%dma_start3A_669, %dma_start3A_670] : memref<1792x16xf32, #tpu.memory_space<vmem>> -> memref<32x16xf32, #tpu.memory_space<vmem>>
    %dma_start3A_672 = arith.constant 1408 : i32
    %dma_start3A_673 = tpu.memref_slice %arg8[%dma_start3A_672] : memref<1792xi32, #tpu.memory_space<vmem>> -> memref<32xi32, #tpu.memory_space<vmem>>
    %dma_start3A_674 = arith.constant 0 : i32
    %dma_start3A_675 = arith.constant 0 : i32
    %dma_start3A_676 = tpu.memref_slice %arg2[%dma_start3A_674, %dma_start3A_675] : memref<100000x16xf32, #tpu.memory_space<hbm>> -> memref<100000x16xf32, #tpu.memory_space<hbm>>
    tpu.enqueue_indirect_dma source(%dma_start3A_676 : memref<100000x16xf32, #tpu.memory_space<hbm>>) target(%dma_start3A_671 : memref<32x16xf32, #tpu.memory_space<vmem>>) offsets(%dma_start3A_673 : memref<32xi32, #tpu.memory_space<vmem>>) semaphore(%arg25 : memref<!tpu.dma_semaphore, #tpu.memory_space<semaphore_mem>>)
    %dma_start3A_677 = arith.constant 1408 : i32
    %dma_start3A_678 = arith.constant 0 : i32
    %dma_start3A_679 = tpu.memref_slice %arg16[%dma_start3A_677, %dma_start3A_678] : memref<1792x16xf32, #tpu.memory_space<vmem>> -> memref<32x16xf32, #tpu.memory_space<vmem>>
    %dma_start3A_680 = arith.constant 1408 : i32
    %dma_start3A_681 = tpu.memref_slice %arg10[%dma_start3A_680] : memref<1792xi32, #tpu.memory_space<vmem>> -> memref<32xi32, #tpu.memory_space<vmem>>
    %dma_start3A_682 = arith.constant 0 : i32
    %dma_start3A_683 = arith.constant 0 : i32
    %dma_start3A_684 = tpu.memref_slice %arg2[%dma_start3A_682, %dma_start3A_683] : memref<100000x16xf32, #tpu.memory_space<hbm>> -> memref<100000x16xf32, #tpu.memory_space<hbm>>
    tpu.enqueue_indirect_dma source(%dma_start3A_684 : memref<100000x16xf32, #tpu.memory_space<hbm>>) target(%dma_start3A_679 : memref<32x16xf32, #tpu.memory_space<vmem>>) offsets(%dma_start3A_681 : memref<32xi32, #tpu.memory_space<vmem>>) semaphore(%arg25 : memref<!tpu.dma_semaphore, #tpu.memory_space<semaphore_mem>>)
    %dma_wait3A_685 = arith.constant 0 : i32
    %dma_wait3A_686 = arith.constant 0 : i32
    %dma_wait3A_687 = tpu.memref_slice %arg14[%dma_wait3A_685, %dma_wait3A_686] : memref<1792x16xf32, #tpu.memory_space<vmem>> -> memref<128x16xf32, #tpu.memory_space<vmem>>
    %dma_wait3A_688 = arith.constant 0 : i32
    %dma_wait3A_689 = tpu.memref_slice %arg8[%dma_wait3A_688] : memref<1792xi32, #tpu.memory_space<vmem>> -> memref<128xi32, #tpu.memory_space<vmem>>
    %dma_wait3A_690 = arith.constant 0 : i32
    %dma_wait3A_691 = arith.constant 0 : i32
    %dma_wait3A_692 = tpu.memref_slice %arg2[%dma_wait3A_690, %dma_wait3A_691] : memref<100000x16xf32, #tpu.memory_space<hbm>> -> memref<100000x16xf32, #tpu.memory_space<hbm>>
    tpu.wait_indirect_dma semaphore(%arg25 : memref<!tpu.dma_semaphore, #tpu.memory_space<semaphore_mem>>) src(%dma_wait3A_692 : memref<100000x16xf32, #tpu.memory_space<hbm>>) dst(%dma_wait3A_687 : memref<128x16xf32, #tpu.memory_space<vmem>>)
    %dma_wait3A_693 = arith.constant 0 : i32
    %dma_wait3A_694 = arith.constant 0 : i32
    %dma_wait3A_695 = tpu.memref_slice %arg16[%dma_wait3A_693, %dma_wait3A_694] : memref<1792x16xf32, #tpu.memory_space<vmem>> -> memref<128x16xf32, #tpu.memory_space<vmem>>
    %dma_wait3A_696 = arith.constant 0 : i32
    %dma_wait3A_697 = tpu.memref_slice %arg10[%dma_wait3A_696] : memref<1792xi32, #tpu.memory_space<vmem>> -> memref<128xi32, #tpu.memory_space<vmem>>
    %dma_wait3A_698 = arith.constant 0 : i32
    %dma_wait3A_699 = arith.constant 0 : i32
    %dma_wait3A_700 = tpu.memref_slice %arg2[%dma_wait3A_698, %dma_wait3A_699] : memref<100000x16xf32, #tpu.memory_space<hbm>> -> memref<100000x16xf32, #tpu.memory_space<hbm>>
    tpu.wait_indirect_dma semaphore(%arg25 : memref<!tpu.dma_semaphore, #tpu.memory_space<semaphore_mem>>) src(%dma_wait3A_700 : memref<100000x16xf32, #tpu.memory_space<hbm>>) dst(%dma_wait3A_695 : memref<128x16xf32, #tpu.memory_space<vmem>>)
    %dma_wait3A_701 = arith.constant 128 : i32
    %dma_wait3A_702 = arith.constant 0 : i32
    %dma_wait3A_703 = tpu.memref_slice %arg14[%dma_wait3A_701, %dma_wait3A_702] : memref<1792x16xf32, #tpu.memory_space<vmem>> -> memref<128x16xf32, #tpu.memory_space<vmem>>
    %dma_wait3A_704 = arith.constant 128 : i32
    %dma_wait3A_705 = tpu.memref_slice %arg8[%dma_wait3A_704] : memref<1792xi32, #tpu.memory_space<vmem>> -> memref<128xi32, #tpu.memory_space<vmem>>
    %dma_wait3A_706 = arith.constant 0 : i32
    %dma_wait3A_707 = arith.constant 0 : i32
    %dma_wait3A_708 = tpu.memref_slice %arg2[%dma_wait3A_706, %dma_wait3A_707] : memref<100000x16xf32, #tpu.memory_space<hbm>> -> memref<100000x16xf32, #tpu.memory_space<hbm>>
    tpu.wait_indirect_dma semaphore(%arg25 : memref<!tpu.dma_semaphore, #tpu.memory_space<semaphore_mem>>) src(%dma_wait3A_708 : memref<100000x16xf32, #tpu.memory_space<hbm>>) dst(%dma_wait3A_703 : memref<128x16xf32, #tpu.memory_space<vmem>>)
    %dma_wait3A_709 = arith.constant 128 : i32
    %dma_wait3A_710 = arith.constant 0 : i32
    %dma_wait3A_711 = tpu.memref_slice %arg16[%dma_wait3A_709, %dma_wait3A_710] : memref<1792x16xf32, #tpu.memory_space<vmem>> -> memref<128x16xf32, #tpu.memory_space<vmem>>
    %dma_wait3A_712 = arith.constant 128 : i32
    %dma_wait3A_713 = tpu.memref_slice %arg10[%dma_wait3A_712] : memref<1792xi32, #tpu.memory_space<vmem>> -> memref<128xi32, #tpu.memory_space<vmem>>
    %dma_wait3A_714 = arith.constant 0 : i32
    %dma_wait3A_715 = arith.constant 0 : i32
    %dma_wait3A_716 = tpu.memref_slice %arg2[%dma_wait3A_714, %dma_wait3A_715] : memref<100000x16xf32, #tpu.memory_space<hbm>> -> memref<100000x16xf32, #tpu.memory_space<hbm>>
    tpu.wait_indirect_dma semaphore(%arg25 : memref<!tpu.dma_semaphore, #tpu.memory_space<semaphore_mem>>) src(%dma_wait3A_716 : memref<100000x16xf32, #tpu.memory_space<hbm>>) dst(%dma_wait3A_711 : memref<128x16xf32, #tpu.memory_space<vmem>>)
    %dma_wait3A_717 = arith.constant 256 : i32
    %dma_wait3A_718 = arith.constant 0 : i32
    %dma_wait3A_719 = tpu.memref_slice %arg14[%dma_wait3A_717, %dma_wait3A_718] : memref<1792x16xf32, #tpu.memory_space<vmem>> -> memref<128x16xf32, #tpu.memory_space<vmem>>
    %dma_wait3A_720 = arith.constant 256 : i32
    %dma_wait3A_721 = tpu.memref_slice %arg8[%dma_wait3A_720] : memref<1792xi32, #tpu.memory_space<vmem>> -> memref<128xi32, #tpu.memory_space<vmem>>
    %dma_wait3A_722 = arith.constant 0 : i32
    %dma_wait3A_723 = arith.constant 0 : i32
    %dma_wait3A_724 = tpu.memref_slice %arg2[%dma_wait3A_722, %dma_wait3A_723] : memref<100000x16xf32, #tpu.memory_space<hbm>> -> memref<100000x16xf32, #tpu.memory_space<hbm>>
    tpu.wait_indirect_dma semaphore(%arg25 : memref<!tpu.dma_semaphore, #tpu.memory_space<semaphore_mem>>) src(%dma_wait3A_724 : memref<100000x16xf32, #tpu.memory_space<hbm>>) dst(%dma_wait3A_719 : memref<128x16xf32, #tpu.memory_space<vmem>>)
    %dma_wait3A_725 = arith.constant 256 : i32
    %dma_wait3A_726 = arith.constant 0 : i32
    %dma_wait3A_727 = tpu.memref_slice %arg16[%dma_wait3A_725, %dma_wait3A_726] : memref<1792x16xf32, #tpu.memory_space<vmem>> -> memref<128x16xf32, #tpu.memory_space<vmem>>
    %dma_wait3A_728 = arith.constant 256 : i32
    %dma_wait3A_729 = tpu.memref_slice %arg10[%dma_wait3A_728] : memref<1792xi32, #tpu.memory_space<vmem>> -> memref<128xi32, #tpu.memory_space<vmem>>
    %dma_wait3A_730 = arith.constant 0 : i32
    %dma_wait3A_731 = arith.constant 0 : i32
    %dma_wait3A_732 = tpu.memref_slice %arg2[%dma_wait3A_730, %dma_wait3A_731] : memref<100000x16xf32, #tpu.memory_space<hbm>> -> memref<100000x16xf32, #tpu.memory_space<hbm>>
    tpu.wait_indirect_dma semaphore(%arg25 : memref<!tpu.dma_semaphore, #tpu.memory_space<semaphore_mem>>) src(%dma_wait3A_732 : memref<100000x16xf32, #tpu.memory_space<hbm>>) dst(%dma_wait3A_727 : memref<128x16xf32, #tpu.memory_space<vmem>>)
    %dma_wait3A_733 = arith.constant 384 : i32
    %dma_wait3A_734 = arith.constant 0 : i32
    %dma_wait3A_735 = tpu.memref_slice %arg14[%dma_wait3A_733, %dma_wait3A_734] : memref<1792x16xf32, #tpu.memory_space<vmem>> -> memref<128x16xf32, #tpu.memory_space<vmem>>
    %dma_wait3A_736 = arith.constant 384 : i32
    %dma_wait3A_737 = tpu.memref_slice %arg8[%dma_wait3A_736] : memref<1792xi32, #tpu.memory_space<vmem>> -> memref<128xi32, #tpu.memory_space<vmem>>
    %dma_wait3A_738 = arith.constant 0 : i32
    %dma_wait3A_739 = arith.constant 0 : i32
    %dma_wait3A_740 = tpu.memref_slice %arg2[%dma_wait3A_738, %dma_wait3A_739] : memref<100000x16xf32, #tpu.memory_space<hbm>> -> memref<100000x16xf32, #tpu.memory_space<hbm>>
    tpu.wait_indirect_dma semaphore(%arg25 : memref<!tpu.dma_semaphore, #tpu.memory_space<semaphore_mem>>) src(%dma_wait3A_740 : memref<100000x16xf32, #tpu.memory_space<hbm>>) dst(%dma_wait3A_735 : memref<128x16xf32, #tpu.memory_space<vmem>>)
    %dma_wait3A_741 = arith.constant 384 : i32
    %dma_wait3A_742 = arith.constant 0 : i32
    %dma_wait3A_743 = tpu.memref_slice %arg16[%dma_wait3A_741, %dma_wait3A_742] : memref<1792x16xf32, #tpu.memory_space<vmem>> -> memref<128x16xf32, #tpu.memory_space<vmem>>
    %dma_wait3A_744 = arith.constant 384 : i32
    %dma_wait3A_745 = tpu.memref_slice %arg10[%dma_wait3A_744] : memref<1792xi32, #tpu.memory_space<vmem>> -> memref<128xi32, #tpu.memory_space<vmem>>
    %dma_wait3A_746 = arith.constant 0 : i32
    %dma_wait3A_747 = arith.constant 0 : i32
    %dma_wait3A_748 = tpu.memref_slice %arg2[%dma_wait3A_746, %dma_wait3A_747] : memref<100000x16xf32, #tpu.memory_space<hbm>> -> memref<100000x16xf32, #tpu.memory_space<hbm>>
    tpu.wait_indirect_dma semaphore(%arg25 : memref<!tpu.dma_semaphore, #tpu.memory_space<semaphore_mem>>) src(%dma_wait3A_748 : memref<100000x16xf32, #tpu.memory_space<hbm>>) dst(%dma_wait3A_743 : memref<128x16xf32, #tpu.memory_space<vmem>>)
    %dma_wait3A_749 = arith.constant 512 : i32
    %dma_wait3A_750 = arith.constant 0 : i32
    %dma_wait3A_751 = tpu.memref_slice %arg14[%dma_wait3A_749, %dma_wait3A_750] : memref<1792x16xf32, #tpu.memory_space<vmem>> -> memref<128x16xf32, #tpu.memory_space<vmem>>
    %dma_wait3A_752 = arith.constant 512 : i32
    %dma_wait3A_753 = tpu.memref_slice %arg8[%dma_wait3A_752] : memref<1792xi32, #tpu.memory_space<vmem>> -> memref<128xi32, #tpu.memory_space<vmem>>
    %dma_wait3A_754 = arith.constant 0 : i32
    %dma_wait3A_755 = arith.constant 0 : i32
    %dma_wait3A_756 = tpu.memref_slice %arg2[%dma_wait3A_754, %dma_wait3A_755] : memref<100000x16xf32, #tpu.memory_space<hbm>> -> memref<100000x16xf32, #tpu.memory_space<hbm>>
    tpu.wait_indirect_dma semaphore(%arg25 : memref<!tpu.dma_semaphore, #tpu.memory_space<semaphore_mem>>) src(%dma_wait3A_756 : memref<100000x16xf32, #tpu.memory_space<hbm>>) dst(%dma_wait3A_751 : memref<128x16xf32, #tpu.memory_space<vmem>>)
    %dma_wait3A_757 = arith.constant 512 : i32
    %dma_wait3A_758 = arith.constant 0 : i32
    %dma_wait3A_759 = tpu.memref_slice %arg16[%dma_wait3A_757, %dma_wait3A_758] : memref<1792x16xf32, #tpu.memory_space<vmem>> -> memref<128x16xf32, #tpu.memory_space<vmem>>
    %dma_wait3A_760 = arith.constant 512 : i32
    %dma_wait3A_761 = tpu.memref_slice %arg10[%dma_wait3A_760] : memref<1792xi32, #tpu.memory_space<vmem>> -> memref<128xi32, #tpu.memory_space<vmem>>
    %dma_wait3A_762 = arith.constant 0 : i32
    %dma_wait3A_763 = arith.constant 0 : i32
    %dma_wait3A_764 = tpu.memref_slice %arg2[%dma_wait3A_762, %dma_wait3A_763] : memref<100000x16xf32, #tpu.memory_space<hbm>> -> memref<100000x16xf32, #tpu.memory_space<hbm>>
    tpu.wait_indirect_dma semaphore(%arg25 : memref<!tpu.dma_semaphore, #tpu.memory_space<semaphore_mem>>) src(%dma_wait3A_764 : memref<100000x16xf32, #tpu.memory_space<hbm>>) dst(%dma_wait3A_759 : memref<128x16xf32, #tpu.memory_space<vmem>>)
    %dma_wait3A_765 = arith.constant 640 : i32
    %dma_wait3A_766 = arith.constant 0 : i32
    %dma_wait3A_767 = tpu.memref_slice %arg14[%dma_wait3A_765, %dma_wait3A_766] : memref<1792x16xf32, #tpu.memory_space<vmem>> -> memref<128x16xf32, #tpu.memory_space<vmem>>
    %dma_wait3A_768 = arith.constant 640 : i32
    %dma_wait3A_769 = tpu.memref_slice %arg8[%dma_wait3A_768] : memref<1792xi32, #tpu.memory_space<vmem>> -> memref<128xi32, #tpu.memory_space<vmem>>
    %dma_wait3A_770 = arith.constant 0 : i32
    %dma_wait3A_771 = arith.constant 0 : i32
    %dma_wait3A_772 = tpu.memref_slice %arg2[%dma_wait3A_770, %dma_wait3A_771] : memref<100000x16xf32, #tpu.memory_space<hbm>> -> memref<100000x16xf32, #tpu.memory_space<hbm>>
    tpu.wait_indirect_dma semaphore(%arg25 : memref<!tpu.dma_semaphore, #tpu.memory_space<semaphore_mem>>) src(%dma_wait3A_772 : memref<100000x16xf32, #tpu.memory_space<hbm>>) dst(%dma_wait3A_767 : memref<128x16xf32, #tpu.memory_space<vmem>>)
    %dma_wait3A_773 = arith.constant 640 : i32
    %dma_wait3A_774 = arith.constant 0 : i32
    %dma_wait3A_775 = tpu.memref_slice %arg16[%dma_wait3A_773, %dma_wait3A_774] : memref<1792x16xf32, #tpu.memory_space<vmem>> -> memref<128x16xf32, #tpu.memory_space<vmem>>
    %dma_wait3A_776 = arith.constant 640 : i32
    %dma_wait3A_777 = tpu.memref_slice %arg10[%dma_wait3A_776] : memref<1792xi32, #tpu.memory_space<vmem>> -> memref<128xi32, #tpu.memory_space<vmem>>
    %dma_wait3A_778 = arith.constant 0 : i32
    %dma_wait3A_779 = arith.constant 0 : i32
    %dma_wait3A_780 = tpu.memref_slice %arg2[%dma_wait3A_778, %dma_wait3A_779] : memref<100000x16xf32, #tpu.memory_space<hbm>> -> memref<100000x16xf32, #tpu.memory_space<hbm>>
    tpu.wait_indirect_dma semaphore(%arg25 : memref<!tpu.dma_semaphore, #tpu.memory_space<semaphore_mem>>) src(%dma_wait3A_780 : memref<100000x16xf32, #tpu.memory_space<hbm>>) dst(%dma_wait3A_775 : memref<128x16xf32, #tpu.memory_space<vmem>>)
    %dma_wait3A_781 = arith.constant 768 : i32
    %dma_wait3A_782 = arith.constant 0 : i32
    %dma_wait3A_783 = tpu.memref_slice %arg14[%dma_wait3A_781, %dma_wait3A_782] : memref<1792x16xf32, #tpu.memory_space<vmem>> -> memref<128x16xf32, #tpu.memory_space<vmem>>
    %dma_wait3A_784 = arith.constant 768 : i32
    %dma_wait3A_785 = tpu.memref_slice %arg8[%dma_wait3A_784] : memref<1792xi32, #tpu.memory_space<vmem>> -> memref<128xi32, #tpu.memory_space<vmem>>
    %dma_wait3A_786 = arith.constant 0 : i32
    %dma_wait3A_787 = arith.constant 0 : i32
    %dma_wait3A_788 = tpu.memref_slice %arg2[%dma_wait3A_786, %dma_wait3A_787] : memref<100000x16xf32, #tpu.memory_space<hbm>> -> memref<100000x16xf32, #tpu.memory_space<hbm>>
    tpu.wait_indirect_dma semaphore(%arg25 : memref<!tpu.dma_semaphore, #tpu.memory_space<semaphore_mem>>) src(%dma_wait3A_788 : memref<100000x16xf32, #tpu.memory_space<hbm>>) dst(%dma_wait3A_783 : memref<128x16xf32, #tpu.memory_space<vmem>>)
    %dma_wait3A_789 = arith.constant 768 : i32
    %dma_wait3A_790 = arith.constant 0 : i32
    %dma_wait3A_791 = tpu.memref_slice %arg16[%dma_wait3A_789, %dma_wait3A_790] : memref<1792x16xf32, #tpu.memory_space<vmem>> -> memref<128x16xf32, #tpu.memory_space<vmem>>
    %dma_wait3A_792 = arith.constant 768 : i32
    %dma_wait3A_793 = tpu.memref_slice %arg10[%dma_wait3A_792] : memref<1792xi32, #tpu.memory_space<vmem>> -> memref<128xi32, #tpu.memory_space<vmem>>
    %dma_wait3A_794 = arith.constant 0 : i32
    %dma_wait3A_795 = arith.constant 0 : i32
    %dma_wait3A_796 = tpu.memref_slice %arg2[%dma_wait3A_794, %dma_wait3A_795] : memref<100000x16xf32, #tpu.memory_space<hbm>> -> memref<100000x16xf32, #tpu.memory_space<hbm>>
    tpu.wait_indirect_dma semaphore(%arg25 : memref<!tpu.dma_semaphore, #tpu.memory_space<semaphore_mem>>) src(%dma_wait3A_796 : memref<100000x16xf32, #tpu.memory_space<hbm>>) dst(%dma_wait3A_791 : memref<128x16xf32, #tpu.memory_space<vmem>>)
    %dma_wait3A_797 = arith.constant 896 : i32
    %dma_wait3A_798 = arith.constant 0 : i32
    %dma_wait3A_799 = tpu.memref_slice %arg14[%dma_wait3A_797, %dma_wait3A_798] : memref<1792x16xf32, #tpu.memory_space<vmem>> -> memref<128x16xf32, #tpu.memory_space<vmem>>
    %dma_wait3A_800 = arith.constant 896 : i32
    %dma_wait3A_801 = tpu.memref_slice %arg8[%dma_wait3A_800] : memref<1792xi32, #tpu.memory_space<vmem>> -> memref<128xi32, #tpu.memory_space<vmem>>
    %dma_wait3A_802 = arith.constant 0 : i32
    %dma_wait3A_803 = arith.constant 0 : i32
    %dma_wait3A_804 = tpu.memref_slice %arg2[%dma_wait3A_802, %dma_wait3A_803] : memref<100000x16xf32, #tpu.memory_space<hbm>> -> memref<100000x16xf32, #tpu.memory_space<hbm>>
    tpu.wait_indirect_dma semaphore(%arg25 : memref<!tpu.dma_semaphore, #tpu.memory_space<semaphore_mem>>) src(%dma_wait3A_804 : memref<100000x16xf32, #tpu.memory_space<hbm>>) dst(%dma_wait3A_799 : memref<128x16xf32, #tpu.memory_space<vmem>>)
    %dma_wait3A_805 = arith.constant 896 : i32
    %dma_wait3A_806 = arith.constant 0 : i32
    %dma_wait3A_807 = tpu.memref_slice %arg16[%dma_wait3A_805, %dma_wait3A_806] : memref<1792x16xf32, #tpu.memory_space<vmem>> -> memref<128x16xf32, #tpu.memory_space<vmem>>
    %dma_wait3A_808 = arith.constant 896 : i32
    %dma_wait3A_809 = tpu.memref_slice %arg10[%dma_wait3A_808] : memref<1792xi32, #tpu.memory_space<vmem>> -> memref<128xi32, #tpu.memory_space<vmem>>
    %dma_wait3A_810 = arith.constant 0 : i32
    %dma_wait3A_811 = arith.constant 0 : i32
    %dma_wait3A_812 = tpu.memref_slice %arg2[%dma_wait3A_810, %dma_wait3A_811] : memref<100000x16xf32, #tpu.memory_space<hbm>> -> memref<100000x16xf32, #tpu.memory_space<hbm>>
    tpu.wait_indirect_dma semaphore(%arg25 : memref<!tpu.dma_semaphore, #tpu.memory_space<semaphore_mem>>) src(%dma_wait3A_812 : memref<100000x16xf32, #tpu.memory_space<hbm>>) dst(%dma_wait3A_807 : memref<128x16xf32, #tpu.memory_space<vmem>>)
    %dma_wait3A_813 = arith.constant 1024 : i32
    %dma_wait3A_814 = arith.constant 0 : i32
    %dma_wait3A_815 = tpu.memref_slice %arg14[%dma_wait3A_813, %dma_wait3A_814] : memref<1792x16xf32, #tpu.memory_space<vmem>> -> memref<128x16xf32, #tpu.memory_space<vmem>>
    %dma_wait3A_816 = arith.constant 1024 : i32
    %dma_wait3A_817 = tpu.memref_slice %arg8[%dma_wait3A_816] : memref<1792xi32, #tpu.memory_space<vmem>> -> memref<128xi32, #tpu.memory_space<vmem>>
    %dma_wait3A_818 = arith.constant 0 : i32
    %dma_wait3A_819 = arith.constant 0 : i32
    %dma_wait3A_820 = tpu.memref_slice %arg2[%dma_wait3A_818, %dma_wait3A_819] : memref<100000x16xf32, #tpu.memory_space<hbm>> -> memref<100000x16xf32, #tpu.memory_space<hbm>>
    tpu.wait_indirect_dma semaphore(%arg25 : memref<!tpu.dma_semaphore, #tpu.memory_space<semaphore_mem>>) src(%dma_wait3A_820 : memref<100000x16xf32, #tpu.memory_space<hbm>>) dst(%dma_wait3A_815 : memref<128x16xf32, #tpu.memory_space<vmem>>)
    %dma_wait3A_821 = arith.constant 1024 : i32
    %dma_wait3A_822 = arith.constant 0 : i32
    %dma_wait3A_823 = tpu.memref_slice %arg16[%dma_wait3A_821, %dma_wait3A_822] : memref<1792x16xf32, #tpu.memory_space<vmem>> -> memref<128x16xf32, #tpu.memory_space<vmem>>
    %dma_wait3A_824 = arith.constant 1024 : i32
    %dma_wait3A_825 = tpu.memref_slice %arg10[%dma_wait3A_824] : memref<1792xi32, #tpu.memory_space<vmem>> -> memref<128xi32, #tpu.memory_space<vmem>>
    %dma_wait3A_826 = arith.constant 0 : i32
    %dma_wait3A_827 = arith.constant 0 : i32
    %dma_wait3A_828 = tpu.memref_slice %arg2[%dma_wait3A_826, %dma_wait3A_827] : memref<100000x16xf32, #tpu.memory_space<hbm>> -> memref<100000x16xf32, #tpu.memory_space<hbm>>
    tpu.wait_indirect_dma semaphore(%arg25 : memref<!tpu.dma_semaphore, #tpu.memory_space<semaphore_mem>>) src(%dma_wait3A_828 : memref<100000x16xf32, #tpu.memory_space<hbm>>) dst(%dma_wait3A_823 : memref<128x16xf32, #tpu.memory_space<vmem>>)
    %dma_wait3A_829 = arith.constant 1152 : i32
    %dma_wait3A_830 = arith.constant 0 : i32
    %dma_wait3A_831 = tpu.memref_slice %arg14[%dma_wait3A_829, %dma_wait3A_830] : memref<1792x16xf32, #tpu.memory_space<vmem>> -> memref<128x16xf32, #tpu.memory_space<vmem>>
    %dma_wait3A_832 = arith.constant 1152 : i32
    %dma_wait3A_833 = tpu.memref_slice %arg8[%dma_wait3A_832] : memref<1792xi32, #tpu.memory_space<vmem>> -> memref<128xi32, #tpu.memory_space<vmem>>
    %dma_wait3A_834 = arith.constant 0 : i32
    %dma_wait3A_835 = arith.constant 0 : i32
    %dma_wait3A_836 = tpu.memref_slice %arg2[%dma_wait3A_834, %dma_wait3A_835] : memref<100000x16xf32, #tpu.memory_space<hbm>> -> memref<100000x16xf32, #tpu.memory_space<hbm>>
    tpu.wait_indirect_dma semaphore(%arg25 : memref<!tpu.dma_semaphore, #tpu.memory_space<semaphore_mem>>) src(%dma_wait3A_836 : memref<100000x16xf32, #tpu.memory_space<hbm>>) dst(%dma_wait3A_831 : memref<128x16xf32, #tpu.memory_space<vmem>>)
    %dma_wait3A_837 = arith.constant 1152 : i32
    %dma_wait3A_838 = arith.constant 0 : i32
    %dma_wait3A_839 = tpu.memref_slice %arg16[%dma_wait3A_837, %dma_wait3A_838] : memref<1792x16xf32, #tpu.memory_space<vmem>> -> memref<128x16xf32, #tpu.memory_space<vmem>>
    %dma_wait3A_840 = arith.constant 1152 : i32
    %dma_wait3A_841 = tpu.memref_slice %arg10[%dma_wait3A_840] : memref<1792xi32, #tpu.memory_space<vmem>> -> memref<128xi32, #tpu.memory_space<vmem>>
    %dma_wait3A_842 = arith.constant 0 : i32
    %dma_wait3A_843 = arith.constant 0 : i32
    %dma_wait3A_844 = tpu.memref_slice %arg2[%dma_wait3A_842, %dma_wait3A_843] : memref<100000x16xf32, #tpu.memory_space<hbm>> -> memref<100000x16xf32, #tpu.memory_space<hbm>>
    tpu.wait_indirect_dma semaphore(%arg25 : memref<!tpu.dma_semaphore, #tpu.memory_space<semaphore_mem>>) src(%dma_wait3A_844 : memref<100000x16xf32, #tpu.memory_space<hbm>>) dst(%dma_wait3A_839 : memref<128x16xf32, #tpu.memory_space<vmem>>)
    %dma_wait3A_845 = arith.constant 1280 : i32
    %dma_wait3A_846 = arith.constant 0 : i32
    %dma_wait3A_847 = tpu.memref_slice %arg14[%dma_wait3A_845, %dma_wait3A_846] : memref<1792x16xf32, #tpu.memory_space<vmem>> -> memref<128x16xf32, #tpu.memory_space<vmem>>
    %dma_wait3A_848 = arith.constant 1280 : i32
    %dma_wait3A_849 = tpu.memref_slice %arg8[%dma_wait3A_848] : memref<1792xi32, #tpu.memory_space<vmem>> -> memref<128xi32, #tpu.memory_space<vmem>>
    %dma_wait3A_850 = arith.constant 0 : i32
    %dma_wait3A_851 = arith.constant 0 : i32
    %dma_wait3A_852 = tpu.memref_slice %arg2[%dma_wait3A_850, %dma_wait3A_851] : memref<100000x16xf32, #tpu.memory_space<hbm>> -> memref<100000x16xf32, #tpu.memory_space<hbm>>
    tpu.wait_indirect_dma semaphore(%arg25 : memref<!tpu.dma_semaphore, #tpu.memory_space<semaphore_mem>>) src(%dma_wait3A_852 : memref<100000x16xf32, #tpu.memory_space<hbm>>) dst(%dma_wait3A_847 : memref<128x16xf32, #tpu.memory_space<vmem>>)
    %dma_wait3A_853 = arith.constant 1280 : i32
    %dma_wait3A_854 = arith.constant 0 : i32
    %dma_wait3A_855 = tpu.memref_slice %arg16[%dma_wait3A_853, %dma_wait3A_854] : memref<1792x16xf32, #tpu.memory_space<vmem>> -> memref<128x16xf32, #tpu.memory_space<vmem>>
    %dma_wait3A_856 = arith.constant 1280 : i32
    %dma_wait3A_857 = tpu.memref_slice %arg10[%dma_wait3A_856] : memref<1792xi32, #tpu.memory_space<vmem>> -> memref<128xi32, #tpu.memory_space<vmem>>
    %dma_wait3A_858 = arith.constant 0 : i32
    %dma_wait3A_859 = arith.constant 0 : i32
    %dma_wait3A_860 = tpu.memref_slice %arg2[%dma_wait3A_858, %dma_wait3A_859] : memref<100000x16xf32, #tpu.memory_space<hbm>> -> memref<100000x16xf32, #tpu.memory_space<hbm>>
    tpu.wait_indirect_dma semaphore(%arg25 : memref<!tpu.dma_semaphore, #tpu.memory_space<semaphore_mem>>) src(%dma_wait3A_860 : memref<100000x16xf32, #tpu.memory_space<hbm>>) dst(%dma_wait3A_855 : memref<128x16xf32, #tpu.memory_space<vmem>>)
    %dma_wait3A_861 = arith.constant 1408 : i32
    %dma_wait3A_862 = arith.constant 0 : i32
    %dma_wait3A_863 = tpu.memref_slice %arg14[%dma_wait3A_861, %dma_wait3A_862] : memref<1792x16xf32, #tpu.memory_space<vmem>> -> memref<32x16xf32, #tpu.memory_space<vmem>>
    %dma_wait3A_864 = arith.constant 1408 : i32
    %dma_wait3A_865 = tpu.memref_slice %arg8[%dma_wait3A_864] : memref<1792xi32, #tpu.memory_space<vmem>> -> memref<32xi32, #tpu.memory_space<vmem>>
    %dma_wait3A_866 = arith.constant 0 : i32
    %dma_wait3A_867 = arith.constant 0 : i32
    %dma_wait3A_868 = tpu.memref_slice %arg2[%dma_wait3A_866, %dma_wait3A_867] : memref<100000x16xf32, #tpu.memory_space<hbm>> -> memref<100000x16xf32, #tpu.memory_space<hbm>>
    tpu.wait_indirect_dma semaphore(%arg25 : memref<!tpu.dma_semaphore, #tpu.memory_space<semaphore_mem>>) src(%dma_wait3A_868 : memref<100000x16xf32, #tpu.memory_space<hbm>>) dst(%dma_wait3A_863 : memref<32x16xf32, #tpu.memory_space<vmem>>)
    %dma_wait3A_869 = arith.constant 1408 : i32
    %dma_wait3A_870 = arith.constant 0 : i32
    %dma_wait3A_871 = tpu.memref_slice %arg16[%dma_wait3A_869, %dma_wait3A_870] : memref<1792x16xf32, #tpu.memory_space<vmem>> -> memref<32x16xf32, #tpu.memory_space<vmem>>
    %dma_wait3A_872 = arith.constant 1408 : i32
    %dma_wait3A_873 = tpu.memref_slice %arg10[%dma_wait3A_872] : memref<1792xi32, #tpu.memory_space<vmem>> -> memref<32xi32, #tpu.memory_space<vmem>>
    %dma_wait3A_874 = arith.constant 0 : i32
    %dma_wait3A_875 = arith.constant 0 : i32
    %dma_wait3A_876 = tpu.memref_slice %arg2[%dma_wait3A_874, %dma_wait3A_875] : memref<100000x16xf32, #tpu.memory_space<hbm>> -> memref<100000x16xf32, #tpu.memory_space<hbm>>
    tpu.wait_indirect_dma semaphore(%arg25 : memref<!tpu.dma_semaphore, #tpu.memory_space<semaphore_mem>>) src(%dma_wait3A_876 : memref<100000x16xf32, #tpu.memory_space<hbm>>) dst(%dma_wait3A_871 : memref<32x16xf32, #tpu.memory_space<vmem>>)
    %scan3A_877 = arith.constant 0 : i32
    %scan3A_878 = arith.constant 90 : i32
    %scan3A_879 = arith.addi %scan3A_877, %scan3A_878 : i32
    %scan3A_880 = arith.constant 1 : i32
    %scan3A_881:8 = scf.for %scan3A_895 = %scan3A_877 to %scan3A_879 step %scan3A_880 iter_args(%scan3A_896 = %scan3A_489#0, %scan3A_897 = %scan3A_489#1, %scan3A_898 = %scan3A_489#2, %scan3A_899 = %scan3A_489#3, %scan3A_900 = %scan3A_489#4, %scan3A_901 = %scan3A_489#5, %scan3A_902 = %scan3A_489#6, %scan3A_903 = %scan3A_489#7) -> (vector<16xf32>, vector<16xf32>, vector<16xf32>, vector<16xf32>, vector<16xf32>, vector<16xf32>, vector<16xf32>, vector<16xf32>)  : i32 {
      %mul3A_904 = arith.constant 16 : i32
      %mul3A_905 = arith.muli %scan3A_895, %mul3A_904 : i32
      %get3A = arith.index_cast %mul3A_905 : i32 to index
      %get3A_906 = tpu.vector_load %arg12[%get3A] {strides = array<i32>} : memref<1792xf32, #tpu.memory_space<vmem>>, vector<16xf32>,
      %get3A_907 = vector.shape_cast %get3A_906 : vector<16xf32> to vector<16xf32>
      %add3A_908 = arith.constant 0 : i32
      %add3A_909 = arith.addi %mul3A_905, %add3A_908 : i32
      %get3A_910 = arith.index_cast %add3A_909 : i32 to index
      %get3A_911 = arith.constant 0 : index
      %get3A_912 = tpu.vector_load %arg14[%get3A_910, %get3A_911] {strides = array<i32>} : memref<1792x16xf32, #tpu.memory_space<vmem>>, vector<1x16xf32>,
      %get3A_913 = vector.shape_cast %get3A_912 : vector<1x16xf32> to vector<16xf32>
      %get3A_914 = arith.index_cast %add3A_909 : i32 to index
      %get3A_915 = arith.constant 0 : index
      %get3A_916 = tpu.vector_load %arg16[%get3A_914, %get3A_915] {strides = array<i32>} : memref<1792x16xf32, #tpu.memory_space<vmem>>, vector<1x16xf32>,
      %get3A_917 = vector.shape_cast %get3A_916 : vector<1x16xf32> to vector<16xf32>
      %mul3A_918 = arith.mulf %get3A_913, %get3A_917 : vector<16xf32>
      %slice3A = vector.extract_strided_slice %get3A_907 {offsets = [0], sizes = [1], strides = [1]} : vector<16xf32> to vector<1xf32>
      %squeeze3A = vector.extract %slice3A[0] : f32 from vector<1xf32>
      %mul3A_919 = vector.broadcast %squeeze3A : f32 to vector<16xf32>
      %mul3A_920 = arith.mulf %mul3A_918, %mul3A_919 : vector<16xf32>
      %add3A_921 = arith.addf %scan3A_896, %mul3A_920 : vector<16xf32>
      %add3A_922 = arith.constant 1 : i32
      %add3A_923 = arith.addi %mul3A_905, %add3A_922 : i32
      %get3A_924 = arith.index_cast %add3A_923 : i32 to index
      %get3A_925 = arith.constant 0 : index
      %get3A_926 = tpu.vector_load %arg14[%get3A_924, %get3A_925] {strides = array<i32>} : memref<1792x16xf32, #tpu.memory_space<vmem>>, vector<1x16xf32>,
      %get3A_927 = vector.shape_cast %get3A_926 : vector<1x16xf32> to vector<16xf32>
      %get3A_928 = arith.index_cast %add3A_923 : i32 to index
      %get3A_929 = arith.constant 0 : index
      %get3A_930 = tpu.vector_load %arg16[%get3A_928, %get3A_929] {strides = array<i32>} : memref<1792x16xf32, #tpu.memory_space<vmem>>, vector<1x16xf32>,
      %get3A_931 = vector.shape_cast %get3A_930 : vector<1x16xf32> to vector<16xf32>
      %mul3A_932 = arith.mulf %get3A_927, %get3A_931 : vector<16xf32>
      %slice3A_933 = vector.extract_strided_slice %get3A_907 {offsets = [1], sizes = [1], strides = [1]} : vector<16xf32> to vector<1xf32>
      %squeeze3A_934 = vector.extract %slice3A_933[0] : f32 from vector<1xf32>
      %mul3A_935 = vector.broadcast %squeeze3A_934 : f32 to vector<16xf32>
      %mul3A_936 = arith.mulf %mul3A_932, %mul3A_935 : vector<16xf32>
      %add3A_937 = arith.addf %scan3A_897, %mul3A_936 : vector<16xf32>
      %add3A_938 = arith.constant 2 : i32
      %add3A_939 = arith.addi %mul3A_905, %add3A_938 : i32
      %get3A_940 = arith.index_cast %add3A_939 : i32 to index
      %get3A_941 = arith.constant 0 : index
      %get3A_942 = tpu.vector_load %arg14[%get3A_940, %get3A_941] {strides = array<i32>} : memref<1792x16xf32, #tpu.memory_space<vmem>>, vector<1x16xf32>,
      %get3A_943 = vector.shape_cast %get3A_942 : vector<1x16xf32> to vector<16xf32>
      %get3A_944 = arith.index_cast %add3A_939 : i32 to index
      %get3A_945 = arith.constant 0 : index
      %get3A_946 = tpu.vector_load %arg16[%get3A_944, %get3A_945] {strides = array<i32>} : memref<1792x16xf32, #tpu.memory_space<vmem>>, vector<1x16xf32>,
      %get3A_947 = vector.shape_cast %get3A_946 : vector<1x16xf32> to vector<16xf32>
      %mul3A_948 = arith.mulf %get3A_943, %get3A_947 : vector<16xf32>
      %slice3A_949 = vector.extract_strided_slice %get3A_907 {offsets = [2], sizes = [1], strides = [1]} : vector<16xf32> to vector<1xf32>
      %squeeze3A_950 = vector.extract %slice3A_949[0] : f32 from vector<1xf32>
      %mul3A_951 = vector.broadcast %squeeze3A_950 : f32 to vector<16xf32>
      %mul3A_952 = arith.mulf %mul3A_948, %mul3A_951 : vector<16xf32>
      %add3A_953 = arith.addf %scan3A_898, %mul3A_952 : vector<16xf32>
      %add3A_954 = arith.constant 3 : i32
      %add3A_955 = arith.addi %mul3A_905, %add3A_954 : i32
      %get3A_956 = arith.index_cast %add3A_955 : i32 to index
      %get3A_957 = arith.constant 0 : index
      %get3A_958 = tpu.vector_load %arg14[%get3A_956, %get3A_957] {strides = array<i32>} : memref<1792x16xf32, #tpu.memory_space<vmem>>, vector<1x16xf32>,
      %get3A_959 = vector.shape_cast %get3A_958 : vector<1x16xf32> to vector<16xf32>
      %get3A_960 = arith.index_cast %add3A_955 : i32 to index
      %get3A_961 = arith.constant 0 : index
      %get3A_962 = tpu.vector_load %arg16[%get3A_960, %get3A_961] {strides = array<i32>} : memref<1792x16xf32, #tpu.memory_space<vmem>>, vector<1x16xf32>,
      %get3A_963 = vector.shape_cast %get3A_962 : vector<1x16xf32> to vector<16xf32>
      %mul3A_964 = arith.mulf %get3A_959, %get3A_963 : vector<16xf32>
      %slice3A_965 = vector.extract_strided_slice %get3A_907 {offsets = [3], sizes = [1], strides = [1]} : vector<16xf32> to vector<1xf32>
      %squeeze3A_966 = vector.extract %slice3A_965[0] : f32 from vector<1xf32>
      %mul3A_967 = vector.broadcast %squeeze3A_966 : f32 to vector<16xf32>
      %mul3A_968 = arith.mulf %mul3A_964, %mul3A_967 : vector<16xf32>
      %add3A_969 = arith.addf %scan3A_899, %mul3A_968 : vector<16xf32>
      %add3A_970 = arith.constant 4 : i32
      %add3A_971 = arith.addi %mul3A_905, %add3A_970 : i32
      %get3A_972 = arith.index_cast %add3A_971 : i32 to index
      %get3A_973 = arith.constant 0 : index
      %get3A_974 = tpu.vector_load %arg14[%get3A_972, %get3A_973] {strides = array<i32>} : memref<1792x16xf32, #tpu.memory_space<vmem>>, vector<1x16xf32>,
      %get3A_975 = vector.shape_cast %get3A_974 : vector<1x16xf32> to vector<16xf32>
      %get3A_976 = arith.index_cast %add3A_971 : i32 to index
      %get3A_977 = arith.constant 0 : index
      %get3A_978 = tpu.vector_load %arg16[%get3A_976, %get3A_977] {strides = array<i32>} : memref<1792x16xf32, #tpu.memory_space<vmem>>, vector<1x16xf32>,
      %get3A_979 = vector.shape_cast %get3A_978 : vector<1x16xf32> to vector<16xf32>
      %mul3A_980 = arith.mulf %get3A_975, %get3A_979 : vector<16xf32>
      %slice3A_981 = vector.extract_strided_slice %get3A_907 {offsets = [4], sizes = [1], strides = [1]} : vector<16xf32> to vector<1xf32>
      %squeeze3A_982 = vector.extract %slice3A_981[0] : f32 from vector<1xf32>
      %mul3A_983 = vector.broadcast %squeeze3A_982 : f32 to vector<16xf32>
      %mul3A_984 = arith.mulf %mul3A_980, %mul3A_983 : vector<16xf32>
      %add3A_985 = arith.addf %scan3A_900, %mul3A_984 : vector<16xf32>
      %add3A_986 = arith.constant 5 : i32
      %add3A_987 = arith.addi %mul3A_905, %add3A_986 : i32
      %get3A_988 = arith.index_cast %add3A_987 : i32 to index
      %get3A_989 = arith.constant 0 : index
      %get3A_990 = tpu.vector_load %arg14[%get3A_988, %get3A_989] {strides = array<i32>} : memref<1792x16xf32, #tpu.memory_space<vmem>>, vector<1x16xf32>,
      %get3A_991 = vector.shape_cast %get3A_990 : vector<1x16xf32> to vector<16xf32>
      %get3A_992 = arith.index_cast %add3A_987 : i32 to index
      %get3A_993 = arith.constant 0 : index
      %get3A_994 = tpu.vector_load %arg16[%get3A_992, %get3A_993] {strides = array<i32>} : memref<1792x16xf32, #tpu.memory_space<vmem>>, vector<1x16xf32>,
      %get3A_995 = vector.shape_cast %get3A_994 : vector<1x16xf32> to vector<16xf32>
      %mul3A_996 = arith.mulf %get3A_991, %get3A_995 : vector<16xf32>
      %slice3A_997 = vector.extract_strided_slice %get3A_907 {offsets = [5], sizes = [1], strides = [1]} : vector<16xf32> to vector<1xf32>
      %squeeze3A_998 = vector.extract %slice3A_997[0] : f32 from vector<1xf32>
      %mul3A_999 = vector.broadcast %squeeze3A_998 : f32 to vector<16xf32>
      %mul3A_1000 = arith.mulf %mul3A_996, %mul3A_999 : vector<16xf32>
      %add3A_1001 = arith.addf %scan3A_901, %mul3A_1000 : vector<16xf32>
      %add3A_1002 = arith.constant 6 : i32
      %add3A_1003 = arith.addi %mul3A_905, %add3A_1002 : i32
      %get3A_1004 = arith.index_cast %add3A_1003 : i32 to index
      %get3A_1005 = arith.constant 0 : index
      %get3A_1006 = tpu.vector_load %arg14[%get3A_1004, %get3A_1005] {strides = array<i32>} : memref<1792x16xf32, #tpu.memory_space<vmem>>, vector<1x16xf32>,
      %get3A_1007 = vector.shape_cast %get3A_1006 : vector<1x16xf32> to vector<16xf32>
      %get3A_1008 = arith.index_cast %add3A_1003 : i32 to index
      %get3A_1009 = arith.constant 0 : index
      %get3A_1010 = tpu.vector_load %arg16[%get3A_1008, %get3A_1009] {strides = array<i32>} : memref<1792x16xf32, #tpu.memory_space<vmem>>, vector<1x16xf32>,
      %get3A_1011 = vector.shape_cast %get3A_1010 : vector<1x16xf32> to vector<16xf32>
      %mul3A_1012 = arith.mulf %get3A_1007, %get3A_1011 : vector<16xf32>
      %slice3A_1013 = vector.extract_strided_slice %get3A_907 {offsets = [6], sizes = [1], strides = [1]} : vector<16xf32> to vector<1xf32>
      %squeeze3A_1014 = vector.extract %slice3A_1013[0] : f32 from vector<1xf32>
      %mul3A_1015 = vector.broadcast %squeeze3A_1014 : f32 to vector<16xf32>
      %mul3A_1016 = arith.mulf %mul3A_1012, %mul3A_1015 : vector<16xf32>
      %add3A_1017 = arith.addf %scan3A_902, %mul3A_1016 : vector<16xf32>
      %add3A_1018 = arith.constant 7 : i32
      %add3A_1019 = arith.addi %mul3A_905, %add3A_1018 : i32
      %get3A_1020 = arith.index_cast %add3A_1019 : i32 to index
      %get3A_1021 = arith.constant 0 : index
      %get3A_1022 = tpu.vector_load %arg14[%get3A_1020, %get3A_1021] {strides = array<i32>} : memref<1792x16xf32, #tpu.memory_space<vmem>>, vector<1x16xf32>,
      %get3A_1023 = vector.shape_cast %get3A_1022 : vector<1x16xf32> to vector<16xf32>
      %get3A_1024 = arith.index_cast %add3A_1019 : i32 to index
      %get3A_1025 = arith.constant 0 : index
      %get3A_1026 = tpu.vector_load %arg16[%get3A_1024, %get3A_1025] {strides = array<i32>} : memref<1792x16xf32, #tpu.memory_space<vmem>>, vector<1x16xf32>,
      %get3A_1027 = vector.shape_cast %get3A_1026 : vector<1x16xf32> to vector<16xf32>
      %mul3A_1028 = arith.mulf %get3A_1023, %get3A_1027 : vector<16xf32>
      %slice3A_1029 = vector.extract_strided_slice %get3A_907 {offsets = [7], sizes = [1], strides = [1]} : vector<16xf32> to vector<1xf32>
      %squeeze3A_1030 = vector.extract %slice3A_1029[0] : f32 from vector<1xf32>
      %mul3A_1031 = vector.broadcast %squeeze3A_1030 : f32 to vector<16xf32>
      %mul3A_1032 = arith.mulf %mul3A_1028, %mul3A_1031 : vector<16xf32>
      %add3A_1033 = arith.addf %scan3A_903, %mul3A_1032 : vector<16xf32>
      %add3A_1034 = arith.constant 8 : i32
      %add3A_1035 = arith.addi %mul3A_905, %add3A_1034 : i32
      %get3A_1036 = arith.index_cast %add3A_1035 : i32 to index
      %get3A_1037 = arith.constant 0 : index
      %get3A_1038 = tpu.vector_load %arg14[%get3A_1036, %get3A_1037] {strides = array<i32>} : memref<1792x16xf32, #tpu.memory_space<vmem>>, vector<1x16xf32>,
      %get3A_1039 = vector.shape_cast %get3A_1038 : vector<1x16xf32> to vector<16xf32>
      %get3A_1040 = arith.index_cast %add3A_1035 : i32 to index
      %get3A_1041 = arith.constant 0 : index
      %get3A_1042 = tpu.vector_load %arg16[%get3A_1040, %get3A_1041] {strides = array<i32>} : memref<1792x16xf32, #tpu.memory_space<vmem>>, vector<1x16xf32>,
      %get3A_1043 = vector.shape_cast %get3A_1042 : vector<1x16xf32> to vector<16xf32>
      %mul3A_1044 = arith.mulf %get3A_1039, %get3A_1043 : vector<16xf32>
      %slice3A_1045 = vector.extract_strided_slice %get3A_907 {offsets = [8], sizes = [1], strides = [1]} : vector<16xf32> to vector<1xf32>
      %squeeze3A_1046 = vector.extract %slice3A_1045[0] : f32 from vector<1xf32>
      %mul3A_1047 = vector.broadcast %squeeze3A_1046 : f32 to vector<16xf32>
      %mul3A_1048 = arith.mulf %mul3A_1044, %mul3A_1047 : vector<16xf32>
      %add3A_1049 = arith.addf %add3A_921, %mul3A_1048 : vector<16xf32>
      %add3A_1050 = arith.constant 9 : i32
      %add3A_1051 = arith.addi %mul3A_905, %add3A_1050 : i32
      %get3A_1052 = arith.index_cast %add3A_1051 : i32 to index
      %get3A_1053 = arith.constant 0 : index
      %get3A_1054 = tpu.vector_load %arg14[%get3A_1052, %get3A_1053] {strides = array<i32>} : memref<1792x16xf32, #tpu.memory_space<vmem>>, vector<1x16xf32>,
      %get3A_1055 = vector.shape_cast %get3A_1054 : vector<1x16xf32> to vector<16xf32>
      %get3A_1056 = arith.index_cast %add3A_1051 : i32 to index
      %get3A_1057 = arith.constant 0 : index
      %get3A_1058 = tpu.vector_load %arg16[%get3A_1056, %get3A_1057] {strides = array<i32>} : memref<1792x16xf32, #tpu.memory_space<vmem>>, vector<1x16xf32>,
      %get3A_1059 = vector.shape_cast %get3A_1058 : vector<1x16xf32> to vector<16xf32>
      %mul3A_1060 = arith.mulf %get3A_1055, %get3A_1059 : vector<16xf32>
      %slice3A_1061 = vector.extract_strided_slice %get3A_907 {offsets = [9], sizes = [1], strides = [1]} : vector<16xf32> to vector<1xf32>
      %squeeze3A_1062 = vector.extract %slice3A_1061[0] : f32 from vector<1xf32>
      %mul3A_1063 = vector.broadcast %squeeze3A_1062 : f32 to vector<16xf32>
      %mul3A_1064 = arith.mulf %mul3A_1060, %mul3A_1063 : vector<16xf32>
      %add3A_1065 = arith.addf %add3A_937, %mul3A_1064 : vector<16xf32>
      %add3A_1066 = arith.constant 10 : i32
      %add3A_1067 = arith.addi %mul3A_905, %add3A_1066 : i32
      %get3A_1068 = arith.index_cast %add3A_1067 : i32 to index
      %get3A_1069 = arith.constant 0 : index
      %get3A_1070 = tpu.vector_load %arg14[%get3A_1068, %get3A_1069] {strides = array<i32>} : memref<1792x16xf32, #tpu.memory_space<vmem>>, vector<1x16xf32>,
      %get3A_1071 = vector.shape_cast %get3A_1070 : vector<1x16xf32> to vector<16xf32>
      %get3A_1072 = arith.index_cast %add3A_1067 : i32 to index
      %get3A_1073 = arith.constant 0 : index
      %get3A_1074 = tpu.vector_load %arg16[%get3A_1072, %get3A_1073] {strides = array<i32>} : memref<1792x16xf32, #tpu.memory_space<vmem>>, vector<1x16xf32>,
      %get3A_1075 = vector.shape_cast %get3A_1074 : vector<1x16xf32> to vector<16xf32>
      %mul3A_1076 = arith.mulf %get3A_1071, %get3A_1075 : vector<16xf32>
      %slice3A_1077 = vector.extract_strided_slice %get3A_907 {offsets = [10], sizes = [1], strides = [1]} : vector<16xf32> to vector<1xf32>
      %squeeze3A_1078 = vector.extract %slice3A_1077[0] : f32 from vector<1xf32>
      %mul3A_1079 = vector.broadcast %squeeze3A_1078 : f32 to vector<16xf32>
      %mul3A_1080 = arith.mulf %mul3A_1076, %mul3A_1079 : vector<16xf32>
      %add3A_1081 = arith.addf %add3A_953, %mul3A_1080 : vector<16xf32>
      %add3A_1082 = arith.constant 11 : i32
      %add3A_1083 = arith.addi %mul3A_905, %add3A_1082 : i32
      %get3A_1084 = arith.index_cast %add3A_1083 : i32 to index
      %get3A_1085 = arith.constant 0 : index
      %get3A_1086 = tpu.vector_load %arg14[%get3A_1084, %get3A_1085] {strides = array<i32>} : memref<1792x16xf32, #tpu.memory_space<vmem>>, vector<1x16xf32>,
      %get3A_1087 = vector.shape_cast %get3A_1086 : vector<1x16xf32> to vector<16xf32>
      %get3A_1088 = arith.index_cast %add3A_1083 : i32 to index
      %get3A_1089 = arith.constant 0 : index
      %get3A_1090 = tpu.vector_load %arg16[%get3A_1088, %get3A_1089] {strides = array<i32>} : memref<1792x16xf32, #tpu.memory_space<vmem>>, vector<1x16xf32>,
      %get3A_1091 = vector.shape_cast %get3A_1090 : vector<1x16xf32> to vector<16xf32>
      %mul3A_1092 = arith.mulf %get3A_1087, %get3A_1091 : vector<16xf32>
      %slice3A_1093 = vector.extract_strided_slice %get3A_907 {offsets = [11], sizes = [1], strides = [1]} : vector<16xf32> to vector<1xf32>
      %squeeze3A_1094 = vector.extract %slice3A_1093[0] : f32 from vector<1xf32>
      %mul3A_1095 = vector.broadcast %squeeze3A_1094 : f32 to vector<16xf32>
      %mul3A_1096 = arith.mulf %mul3A_1092, %mul3A_1095 : vector<16xf32>
      %add3A_1097 = arith.addf %add3A_969, %mul3A_1096 : vector<16xf32>
      %add3A_1098 = arith.constant 12 : i32
      %add3A_1099 = arith.addi %mul3A_905, %add3A_1098 : i32
      %get3A_1100 = arith.index_cast %add3A_1099 : i32 to index
      %get3A_1101 = arith.constant 0 : index
      %get3A_1102 = tpu.vector_load %arg14[%get3A_1100, %get3A_1101] {strides = array<i32>} : memref<1792x16xf32, #tpu.memory_space<vmem>>, vector<1x16xf32>,
      %get3A_1103 = vector.shape_cast %get3A_1102 : vector<1x16xf32> to vector<16xf32>
      %get3A_1104 = arith.index_cast %add3A_1099 : i32 to index
      %get3A_1105 = arith.constant 0 : index
      %get3A_1106 = tpu.vector_load %arg16[%get3A_1104, %get3A_1105] {strides = array<i32>} : memref<1792x16xf32, #tpu.memory_space<vmem>>, vector<1x16xf32>,
      %get3A_1107 = vector.shape_cast %get3A_1106 : vector<1x16xf32> to vector<16xf32>
      %mul3A_1108 = arith.mulf %get3A_1103, %get3A_1107 : vector<16xf32>
      %slice3A_1109 = vector.extract_strided_slice %get3A_907 {offsets = [12], sizes = [1], strides = [1]} : vector<16xf32> to vector<1xf32>
      %squeeze3A_1110 = vector.extract %slice3A_1109[0] : f32 from vector<1xf32>
      %mul3A_1111 = vector.broadcast %squeeze3A_1110 : f32 to vector<16xf32>
      %mul3A_1112 = arith.mulf %mul3A_1108, %mul3A_1111 : vector<16xf32>
      %add3A_1113 = arith.addf %add3A_985, %mul3A_1112 : vector<16xf32>
      %add3A_1114 = arith.constant 13 : i32
      %add3A_1115 = arith.addi %mul3A_905, %add3A_1114 : i32
      %get3A_1116 = arith.index_cast %add3A_1115 : i32 to index
      %get3A_1117 = arith.constant 0 : index
      %get3A_1118 = tpu.vector_load %arg14[%get3A_1116, %get3A_1117] {strides = array<i32>} : memref<1792x16xf32, #tpu.memory_space<vmem>>, vector<1x16xf32>,
      %get3A_1119 = vector.shape_cast %get3A_1118 : vector<1x16xf32> to vector<16xf32>
      %get3A_1120 = arith.index_cast %add3A_1115 : i32 to index
      %get3A_1121 = arith.constant 0 : index
      %get3A_1122 = tpu.vector_load %arg16[%get3A_1120, %get3A_1121] {strides = array<i32>} : memref<1792x16xf32, #tpu.memory_space<vmem>>, vector<1x16xf32>,
      %get3A_1123 = vector.shape_cast %get3A_1122 : vector<1x16xf32> to vector<16xf32>
      %mul3A_1124 = arith.mulf %get3A_1119, %get3A_1123 : vector<16xf32>
      %slice3A_1125 = vector.extract_strided_slice %get3A_907 {offsets = [13], sizes = [1], strides = [1]} : vector<16xf32> to vector<1xf32>
      %squeeze3A_1126 = vector.extract %slice3A_1125[0] : f32 from vector<1xf32>
      %mul3A_1127 = vector.broadcast %squeeze3A_1126 : f32 to vector<16xf32>
      %mul3A_1128 = arith.mulf %mul3A_1124, %mul3A_1127 : vector<16xf32>
      %add3A_1129 = arith.addf %add3A_1001, %mul3A_1128 : vector<16xf32>
      %add3A_1130 = arith.constant 14 : i32
      %add3A_1131 = arith.addi %mul3A_905, %add3A_1130 : i32
      %get3A_1132 = arith.index_cast %add3A_1131 : i32 to index
      %get3A_1133 = arith.constant 0 : index
      %get3A_1134 = tpu.vector_load %arg14[%get3A_1132, %get3A_1133] {strides = array<i32>} : memref<1792x16xf32, #tpu.memory_space<vmem>>, vector<1x16xf32>,
      %get3A_1135 = vector.shape_cast %get3A_1134 : vector<1x16xf32> to vector<16xf32>
      %get3A_1136 = arith.index_cast %add3A_1131 : i32 to index
      %get3A_1137 = arith.constant 0 : index
      %get3A_1138 = tpu.vector_load %arg16[%get3A_1136, %get3A_1137] {strides = array<i32>} : memref<1792x16xf32, #tpu.memory_space<vmem>>, vector<1x16xf32>,
      %get3A_1139 = vector.shape_cast %get3A_1138 : vector<1x16xf32> to vector<16xf32>
      %mul3A_1140 = arith.mulf %get3A_1135, %get3A_1139 : vector<16xf32>
      %slice3A_1141 = vector.extract_strided_slice %get3A_907 {offsets = [14], sizes = [1], strides = [1]} : vector<16xf32> to vector<1xf32>
      %squeeze3A_1142 = vector.extract %slice3A_1141[0] : f32 from vector<1xf32>
      %mul3A_1143 = vector.broadcast %squeeze3A_1142 : f32 to vector<16xf32>
      %mul3A_1144 = arith.mulf %mul3A_1140, %mul3A_1143 : vector<16xf32>
      %add3A_1145 = arith.addf %add3A_1017, %mul3A_1144 : vector<16xf32>
      %add3A_1146 = arith.constant 15 : i32
      %add3A_1147 = arith.addi %mul3A_905, %add3A_1146 : i32
      %get3A_1148 = arith.index_cast %add3A_1147 : i32 to index
      %get3A_1149 = arith.constant 0 : index
      %get3A_1150 = tpu.vector_load %arg14[%get3A_1148, %get3A_1149] {strides = array<i32>} : memref<1792x16xf32, #tpu.memory_space<vmem>>, vector<1x16xf32>,
      %get3A_1151 = vector.shape_cast %get3A_1150 : vector<1x16xf32> to vector<16xf32>
      %get3A_1152 = arith.index_cast %add3A_1147 : i32 to index
      %get3A_1153 = arith.constant 0 : index
      %get3A_1154 = tpu.vector_load %arg16[%get3A_1152, %get3A_1153] {strides = array<i32>} : memref<1792x16xf32, #tpu.memory_space<vmem>>, vector<1x16xf32>,
      %get3A_1155 = vector.shape_cast %get3A_1154 : vector<1x16xf32> to vector<16xf32>
      %mul3A_1156 = arith.mulf %get3A_1151, %get3A_1155 : vector<16xf32>
      %slice3A_1157 = vector.extract_strided_slice %get3A_907 {offsets = [15], sizes = [1], strides = [1]} : vector<16xf32> to vector<1xf32>
      %squeeze3A_1158 = vector.extract %slice3A_1157[0] : f32 from vector<1xf32>
      %mul3A_1159 = vector.broadcast %squeeze3A_1158 : f32 to vector<16xf32>
      %mul3A_1160 = arith.mulf %mul3A_1156, %mul3A_1159 : vector<16xf32>
      %add3A_1161 = arith.addf %add3A_1033, %mul3A_1160 : vector<16xf32>
      scf.yield %add3A_1049, %add3A_1065, %add3A_1081, %add3A_1097, %add3A_1113, %add3A_1129, %add3A_1145, %add3A_1161 : vector<16xf32>, vector<16xf32>, vector<16xf32>, vector<16xf32>, vector<16xf32>, vector<16xf32>, vector<16xf32>, vector<16xf32>
    }
    %scan3A_882 = arith.constant 90 : i32
    %add3A_883 = arith.addf %scan3A_881#0, %scan3A_881#1 : vector<16xf32>
    %add3A_884 = arith.addf %add3A_883, %scan3A_881#2 : vector<16xf32>
    %add3A_885 = arith.addf %add3A_884, %scan3A_881#3 : vector<16xf32>
    %add3A_886 = arith.addf %add3A_885, %scan3A_881#4 : vector<16xf32>
    %add3A_887 = arith.addf %add3A_886, %scan3A_881#5 : vector<16xf32>
    %add3A_888 = arith.addf %add3A_887, %scan3A_881#6 : vector<16xf32>
    %add3A_889 = arith.addf %add3A_888, %scan3A_881#7 : vector<16xf32>
    %swap3A = arith.constant 0 : index
    %swap3A_890 = tpu.vector_load %arg17[%swap3A] {strides = array<i32>} : memref<16xf32, #tpu.memory_space<vmem>>, vector<16xf32>,
    %swap3A_891 = vector.shape_cast %swap3A_890 : vector<16xf32> to vector<16xf32>
    %swap3A_892 = vector.shape_cast %add3A_889 : vector<16xf32> to vector<16xf32>
    tpu.vector_store %arg17[%swap3A], %swap3A_892 {strides = array<i32>} : memref<16xf32, #tpu.memory_space<vmem>>, vector<16xf32>,
    "tpu.region"() ({
      %run_scoped3A = tpu.sem_alloc : memref<!tpu.dma_semaphore, #tpu.memory_space<semaphore_mem>>
      %dma_start3A_895 = arith.constant 0 : i32
      %dma_start3A_896 = tpu.memref_slice %arg19[%arg1, %dma_start3A_895] : memref<16x16xf32, #tpu.memory_space<vmem_shared>> -> memref<1x16xf32, #tpu.memory_space<vmem_shared>>
      %dma_start3A_897 = tpu.memref_squeeze %dma_start3A_896 : memref<1x16xf32, #tpu.memory_space<vmem_shared>> -> memref<16xf32, #tpu.memory_space<vmem_shared>>
      %dma_start3A_898 = arith.constant 0 : i32
      %dma_start3A_899 = tpu.memref_slice %arg19[%arg1, %dma_start3A_898] : memref<16x16xf32, #tpu.memory_space<vmem_shared>> -> memref<1x16xf32, #tpu.memory_space<vmem_shared>>
      %dma_start3A_900 = tpu.memref_squeeze %dma_start3A_899 : memref<1x16xf32, #tpu.memory_space<vmem_shared>> -> memref<16xf32, #tpu.memory_space<vmem_shared>>
      tpu.enqueue_dma source(%arg17 : memref<16xf32, #tpu.memory_space<vmem>>) target(%dma_start3A_900 : memref<16xf32, #tpu.memory_space<vmem_shared>>) target_semaphore(%run_scoped3A : memref<!tpu.dma_semaphore, #tpu.memory_space<semaphore_mem>>)
      %dma_wait3A_901 = arith.constant 0 : i32
      %dma_wait3A_902 = tpu.memref_slice %arg19[%arg1, %dma_wait3A_901] : memref<16x16xf32, #tpu.memory_space<vmem_shared>> -> memref<1x16xf32, #tpu.memory_space<vmem_shared>>
      %dma_wait3A_903 = tpu.memref_squeeze %dma_wait3A_902 : memref<1x16xf32, #tpu.memory_space<vmem_shared>> -> memref<16xf32, #tpu.memory_space<vmem_shared>>
      %dma_wait3A_904 = arith.constant 0 : i32
      %dma_wait3A_905 = tpu.memref_slice %arg19[%arg1, %dma_wait3A_904] : memref<16x16xf32, #tpu.memory_space<vmem_shared>> -> memref<1x16xf32, #tpu.memory_space<vmem_shared>>
      %dma_wait3A_906 = tpu.memref_squeeze %dma_wait3A_905 : memref<1x16xf32, #tpu.memory_space<vmem_shared>> -> memref<16xf32, #tpu.memory_space<vmem_shared>>
      tpu.wait_dma2 semaphore(%run_scoped3A : memref<!tpu.dma_semaphore, #tpu.memory_space<semaphore_mem>>) src(%arg17 : memref<16xf32, #tpu.memory_space<vmem>>) dst(%dma_wait3A_906 : memref<16xf32, #tpu.memory_space<vmem_shared>>)
      tpu.yield
    }) : () -> ()
    %barrier3A = arith.constant 0 : index
    tpu.barrier barrier_id(%barrier3A)
    %eq3A = arith.constant 0 : i32
    %eq3A_893 = arith.cmpi eq, %arg1, %eq3A : i32
    %convert_element_type3A = arith.extui %eq3A_893 : i1 to i32
    %cond3A = arith.constant 0 : i32
    %cond3A_894 = arith.cmpi ne, %convert_element_type3A, %cond3A : i32
    scf.if %cond3A_894 {
      "tpu.region"() ({
        %run_scoped3A = tpu.sem_alloc : memref<!tpu.dma_semaphore, #tpu.memory_space<semaphore_mem>>
        tpu.enqueue_dma source(%arg19 : memref<16x16xf32, #tpu.memory_space<vmem_shared>>) target(%arg18 : memref<16x16xf32, #tpu.memory_space<vmem>>) target_semaphore(%run_scoped3A : memref<!tpu.dma_semaphore, #tpu.memory_space<semaphore_mem>>)
        tpu.wait_dma2 semaphore(%run_scoped3A : memref<!tpu.dma_semaphore, #tpu.memory_space<semaphore_mem>>) src(%arg19 : memref<16x16xf32, #tpu.memory_space<vmem_shared>>) dst(%arg18 : memref<16x16xf32, #tpu.memory_space<vmem>>)
        tpu.yield
      }) : () -> ()
      %get3A = arith.constant 0 : i32
      %get3A_895 = arith.index_cast %get3A : i32 to index
      %get3A_896 = arith.constant 0 : index
      %get3A_897 = tpu.vector_load %arg18[%get3A_895, %get3A_896] {strides = array<i32>} : memref<16x16xf32, #tpu.memory_space<vmem>>, vector<1x16xf32>,
      %get3A_898 = vector.shape_cast %get3A_897 : vector<1x16xf32> to vector<16xf32>
      %get3A_899 = arith.constant 1 : i32
      %get3A_900 = arith.index_cast %get3A_899 : i32 to index
      %get3A_901 = arith.constant 0 : index
      %get3A_902 = tpu.vector_load %arg18[%get3A_900, %get3A_901] {strides = array<i32>} : memref<16x16xf32, #tpu.memory_space<vmem>>, vector<1x16xf32>,
      %get3A_903 = vector.shape_cast %get3A_902 : vector<1x16xf32> to vector<16xf32>
      %add3A_904 = arith.addf %get3A_898, %get3A_903 : vector<16xf32>
      %get3A_905 = arith.constant 2 : i32
      %get3A_906 = arith.index_cast %get3A_905 : i32 to index
      %get3A_907 = arith.constant 0 : index
      %get3A_908 = tpu.vector_load %arg18[%get3A_906, %get3A_907] {strides = array<i32>} : memref<16x16xf32, #tpu.memory_space<vmem>>, vector<1x16xf32>,
      %get3A_909 = vector.shape_cast %get3A_908 : vector<1x16xf32> to vector<16xf32>
      %add3A_910 = arith.addf %add3A_904, %get3A_909 : vector<16xf32>
      %get3A_911 = arith.constant 3 : i32
      %get3A_912 = arith.index_cast %get3A_911 : i32 to index
      %get3A_913 = arith.constant 0 : index
      %get3A_914 = tpu.vector_load %arg18[%get3A_912, %get3A_913] {strides = array<i32>} : memref<16x16xf32, #tpu.memory_space<vmem>>, vector<1x16xf32>,
      %get3A_915 = vector.shape_cast %get3A_914 : vector<1x16xf32> to vector<16xf32>
      %add3A_916 = arith.addf %add3A_910, %get3A_915 : vector<16xf32>
      %get3A_917 = arith.constant 4 : i32
      %get3A_918 = arith.index_cast %get3A_917 : i32 to index
      %get3A_919 = arith.constant 0 : index
      %get3A_920 = tpu.vector_load %arg18[%get3A_918, %get3A_919] {strides = array<i32>} : memref<16x16xf32, #tpu.memory_space<vmem>>, vector<1x16xf32>,
      %get3A_921 = vector.shape_cast %get3A_920 : vector<1x16xf32> to vector<16xf32>
      %add3A_922 = arith.addf %add3A_916, %get3A_921 : vector<16xf32>
      %get3A_923 = arith.constant 5 : i32
      %get3A_924 = arith.index_cast %get3A_923 : i32 to index
      %get3A_925 = arith.constant 0 : index
      %get3A_926 = tpu.vector_load %arg18[%get3A_924, %get3A_925] {strides = array<i32>} : memref<16x16xf32, #tpu.memory_space<vmem>>, vector<1x16xf32>,
      %get3A_927 = vector.shape_cast %get3A_926 : vector<1x16xf32> to vector<16xf32>
      %add3A_928 = arith.addf %add3A_922, %get3A_927 : vector<16xf32>
      %get3A_929 = arith.constant 6 : i32
      %get3A_930 = arith.index_cast %get3A_929 : i32 to index
      %get3A_931 = arith.constant 0 : index
      %get3A_932 = tpu.vector_load %arg18[%get3A_930, %get3A_931] {strides = array<i32>} : memref<16x16xf32, #tpu.memory_space<vmem>>, vector<1x16xf32>,
      %get3A_933 = vector.shape_cast %get3A_932 : vector<1x16xf32> to vector<16xf32>
      %add3A_934 = arith.addf %add3A_928, %get3A_933 : vector<16xf32>
      %get3A_935 = arith.constant 7 : i32
      %get3A_936 = arith.index_cast %get3A_935 : i32 to index
      %get3A_937 = arith.constant 0 : index
      %get3A_938 = tpu.vector_load %arg18[%get3A_936, %get3A_937] {strides = array<i32>} : memref<16x16xf32, #tpu.memory_space<vmem>>, vector<1x16xf32>,
      %get3A_939 = vector.shape_cast %get3A_938 : vector<1x16xf32> to vector<16xf32>
      %add3A_940 = arith.addf %add3A_934, %get3A_939 : vector<16xf32>
      %get3A_941 = arith.constant 8 : i32
      %get3A_942 = arith.index_cast %get3A_941 : i32 to index
      %get3A_943 = arith.constant 0 : index
      %get3A_944 = tpu.vector_load %arg18[%get3A_942, %get3A_943] {strides = array<i32>} : memref<16x16xf32, #tpu.memory_space<vmem>>, vector<1x16xf32>,
      %get3A_945 = vector.shape_cast %get3A_944 : vector<1x16xf32> to vector<16xf32>
      %add3A_946 = arith.addf %add3A_940, %get3A_945 : vector<16xf32>
      %get3A_947 = arith.constant 9 : i32
      %get3A_948 = arith.index_cast %get3A_947 : i32 to index
      %get3A_949 = arith.constant 0 : index
      %get3A_950 = tpu.vector_load %arg18[%get3A_948, %get3A_949] {strides = array<i32>} : memref<16x16xf32, #tpu.memory_space<vmem>>, vector<1x16xf32>,
      %get3A_951 = vector.shape_cast %get3A_950 : vector<1x16xf32> to vector<16xf32>
      %add3A_952 = arith.addf %add3A_946, %get3A_951 : vector<16xf32>
      %get3A_953 = arith.constant 10 : i32
      %get3A_954 = arith.index_cast %get3A_953 : i32 to index
      %get3A_955 = arith.constant 0 : index
      %get3A_956 = tpu.vector_load %arg18[%get3A_954, %get3A_955] {strides = array<i32>} : memref<16x16xf32, #tpu.memory_space<vmem>>, vector<1x16xf32>,
      %get3A_957 = vector.shape_cast %get3A_956 : vector<1x16xf32> to vector<16xf32>
      %add3A_958 = arith.addf %add3A_952, %get3A_957 : vector<16xf32>
      %get3A_959 = arith.constant 11 : i32
      %get3A_960 = arith.index_cast %get3A_959 : i32 to index
      %get3A_961 = arith.constant 0 : index
      %get3A_962 = tpu.vector_load %arg18[%get3A_960, %get3A_961] {strides = array<i32>} : memref<16x16xf32, #tpu.memory_space<vmem>>, vector<1x16xf32>,
      %get3A_963 = vector.shape_cast %get3A_962 : vector<1x16xf32> to vector<16xf32>
      %add3A_964 = arith.addf %add3A_958, %get3A_963 : vector<16xf32>
      %get3A_965 = arith.constant 12 : i32
      %get3A_966 = arith.index_cast %get3A_965 : i32 to index
      %get3A_967 = arith.constant 0 : index
      %get3A_968 = tpu.vector_load %arg18[%get3A_966, %get3A_967] {strides = array<i32>} : memref<16x16xf32, #tpu.memory_space<vmem>>, vector<1x16xf32>,
      %get3A_969 = vector.shape_cast %get3A_968 : vector<1x16xf32> to vector<16xf32>
      %add3A_970 = arith.addf %add3A_964, %get3A_969 : vector<16xf32>
      %get3A_971 = arith.constant 13 : i32
      %get3A_972 = arith.index_cast %get3A_971 : i32 to index
      %get3A_973 = arith.constant 0 : index
      %get3A_974 = tpu.vector_load %arg18[%get3A_972, %get3A_973] {strides = array<i32>} : memref<16x16xf32, #tpu.memory_space<vmem>>, vector<1x16xf32>,
      %get3A_975 = vector.shape_cast %get3A_974 : vector<1x16xf32> to vector<16xf32>
      %add3A_976 = arith.addf %add3A_970, %get3A_975 : vector<16xf32>
      %get3A_977 = arith.constant 14 : i32
      %get3A_978 = arith.index_cast %get3A_977 : i32 to index
      %get3A_979 = arith.constant 0 : index
      %get3A_980 = tpu.vector_load %arg18[%get3A_978, %get3A_979] {strides = array<i32>} : memref<16x16xf32, #tpu.memory_space<vmem>>, vector<1x16xf32>,
      %get3A_981 = vector.shape_cast %get3A_980 : vector<1x16xf32> to vector<16xf32>
      %add3A_982 = arith.addf %add3A_976, %get3A_981 : vector<16xf32>
      %get3A_983 = arith.constant 15 : i32
      %get3A_984 = arith.index_cast %get3A_983 : i32 to index
      %get3A_985 = arith.constant 0 : index
      %get3A_986 = tpu.vector_load %arg18[%get3A_984, %get3A_985] {strides = array<i32>} : memref<16x16xf32, #tpu.memory_space<vmem>>, vector<1x16xf32>,
      %get3A_987 = vector.shape_cast %get3A_986 : vector<1x16xf32> to vector<16xf32>
      %add3A_988 = arith.addf %add3A_982, %get3A_987 : vector<16xf32>
      %swap3A_989 = arith.constant 0 : index
      %swap3A_990 = tpu.vector_load %arg17[%swap3A_989] {strides = array<i32>} : memref<16xf32, #tpu.memory_space<vmem>>, vector<16xf32>,
      %swap3A_991 = vector.shape_cast %swap3A_990 : vector<16xf32> to vector<16xf32>
      %swap3A_992 = vector.shape_cast %add3A_988 : vector<16xf32> to vector<16xf32>
      tpu.vector_store %arg17[%swap3A_989], %swap3A_992 {strides = array<i32>} : memref<16xf32, #tpu.memory_space<vmem>>, vector<16xf32>,
      "tpu.region"() ({
        %run_scoped3A = tpu.sem_alloc : memref<!tpu.dma_semaphore, #tpu.memory_space<semaphore_mem>>
        %dma_start3A_993 = arith.constant 0 : i32
        %dma_start3A_994 = tpu.memref_slice %arg6[%arg0, %dma_start3A_993] : memref<2x16xf32, #tpu.memory_space<hbm>> -> memref<1x16xf32, #tpu.memory_space<hbm>>
        %dma_start3A_995 = tpu.memref_squeeze %dma_start3A_994 : memref<1x16xf32, #tpu.memory_space<hbm>> -> memref<16xf32, #tpu.memory_space<hbm>>
        %dma_start3A_996 = arith.constant 0 : i32
        %dma_start3A_997 = tpu.memref_slice %arg6[%arg0, %dma_start3A_996] : memref<2x16xf32, #tpu.memory_space<hbm>> -> memref<1x16xf32, #tpu.memory_space<hbm>>
        %dma_start3A_998 = tpu.memref_squeeze %dma_start3A_997 : memref<1x16xf32, #tpu.memory_space<hbm>> -> memref<16xf32, #tpu.memory_space<hbm>>
        tpu.enqueue_dma source(%arg17 : memref<16xf32, #tpu.memory_space<vmem>>) target(%dma_start3A_998 : memref<16xf32, #tpu.memory_space<hbm>>) target_semaphore(%run_scoped3A : memref<!tpu.dma_semaphore, #tpu.memory_space<semaphore_mem>>)
        %dma_wait3A_999 = arith.constant 0 : i32
        %dma_wait3A_1000 = tpu.memref_slice %arg6[%arg0, %dma_wait3A_999] : memref<2x16xf32, #tpu.memory_space<hbm>> -> memref<1x16xf32, #tpu.memory_space<hbm>>
        %dma_wait3A_1001 = tpu.memref_squeeze %dma_wait3A_1000 : memref<1x16xf32, #tpu.memory_space<hbm>> -> memref<16xf32, #tpu.memory_space<hbm>>
        %dma_wait3A_1002 = arith.constant 0 : i32
        %dma_wait3A_1003 = tpu.memref_slice %arg6[%arg0, %dma_wait3A_1002] : memref<2x16xf32, #tpu.memory_space<hbm>> -> memref<1x16xf32, #tpu.memory_space<hbm>>
        %dma_wait3A_1004 = tpu.memref_squeeze %dma_wait3A_1003 : memref<1x16xf32, #tpu.memory_space<hbm>> -> memref<16xf32, #tpu.memory_space<hbm>>
        tpu.wait_dma2 semaphore(%run_scoped3A : memref<!tpu.dma_semaphore, #tpu.memory_space<semaphore_mem>>) src(%arg17 : memref<16xf32, #tpu.memory_space<vmem>>) dst(%dma_wait3A_1004 : memref<16xf32, #tpu.memory_space<hbm>>)
        tpu.yield
      }) : () -> ()
    } else {
    }
    return
  }
}

module attributes {stable_mosaic.version = 14 : i64} {
  func.func @_hdot_body(%arg0: memref<16x100000xf32, #tpu.memory_space<vmem>>, %arg1: memref<100000xf32, #tpu.memory_space<vmem>>, %arg2: memref<16xf32, #tpu.memory_space<vmem>>) attributes {dimension_semantics = [], scalar_prefetch = 0 : i64, scratch_operands = 0 : i64, tpu.core_type = #tpu.core_type<tc>} {
    %get3A = arith.constant 0 : index
    %get3A_0 = arith.constant 0 : index
    %get3A_1 = vector.load %arg0[%get3A, %get3A_0] : memref<16x100000xf32, #tpu.memory_space<vmem>>, vector<16x100000xf32>
    %get3A_2 = arith.constant 0 : index
    %get3A_3 = vector.load %arg1[%get3A_2] : memref<100000xf32, #tpu.memory_space<vmem>>, vector<100000xf32>
    %broadcast_in_dim3A = vector.shape_cast %get3A_3 : vector<100000xf32> to vector<1x100000xf32>
    %mul3A = vector.broadcast %broadcast_in_dim3A : vector<1x100000xf32> to vector<16x100000xf32>
    %mul3A_4 = arith.mulf %get3A_1, %mul3A : vector<16x100000xf32>
    %reduce_sum3A = arith.constant dense<0.000000e+00> : vector<16xf32>
    %reduce_sum3A_5 = vector.multi_reduction <add>, %mul3A_4, %reduce_sum3A [1] : vector<16x100000xf32> to vector<16xf32>
    %swap3A = arith.constant 0 : index
    %swap3A_6 = vector.load %arg2[%swap3A] : memref<16xf32, #tpu.memory_space<vmem>>, vector<16xf32>
    tpu.vector_store %arg2[%swap3A], %reduce_sum3A_5 {strides = array<i32>} : memref<16xf32, #tpu.memory_space<vmem>>, vector<16xf32>,
    return
  }
}

</mosaic_0001>

<sc_bundles>
// kernel: kernel.4.cloned.1.call-start
scs
__scs_entry_jumppad:
0x0: {  	(pc) =	sbr.rel $0x88, $3  }
0x1: {  	(tag) =	ssettag $0x0;
	lr =	simm.s32 $0x1  }
0x2: {  	[smem:$0x3F9C] =	sst lr;
	_ =	strace $0xD0000000  }
0x3: {  	_ = 	snop  }
0x4: {  	_ = 	snop  }
0x5: {  	_ = 	snop  }
0x6: {  	_ = 	snop  }
0x7: {  	_ = 	snop  }
__scs_overlays_trampoline_lowered:
0x8: {  	[smem:$0x3FAB] =	sst s0  }
0x9: {  	[smem:$0x3FAC] =	sst s1  }
0xa: {  	[smem:$0x3FAD] =	sst s2  }
0xb: {  	[smem:$0x3FAE] =	sst s3  }
0xc: {  	[smem:$0x3FAF] =	sst s4  }
0xd: {  	[smem:$0x3FB0] =	sst s5  }
0xe: {  	[smem:$0x3FB1] =	sst s6  }
0xf: {  	[smem:$0x3FB2] =	sst s7  }
0x10: {  	[smem:$0x3FB3] =	sst s8  }
0x11: {  	[smem:$0x3FB4] =	sst s9;
	s0 =	simm.s32 @!p0 $0x0  }
0x12: {  	s1 =	sld [smem:$0x3F9A];
	s0 =	simm.s32 @p0 $0x1  }
0x13: {  	[smem:$0x3FB5] =	sst s0;
	s0 =	simm.s32 @!p1 $0x0  }
0x14: {  	s2 =	sld [smem:$0x3F99];
	s0 =	simm.s32 @p1 $0x1  }
0x15: {  	[smem:$0x3FB6] =	sst s0;
	s0 =	simm.s32 @!p2 $0x0  }
0x16: {  	s3 =	sld [smem:$0x3FDB];
	s0 =	simm.s32 @p2 $0x1  }
0x17: {  	s4 =	simm.s32 $0x1BF5;
	[smem:$0x3FB8] =	sst s0  }
0x18: {  	s0 =	sld [smem:$0x3F9B];
	_ =	swait.ge [sflag:s4], $0x0  }
0x19: {  	s7 =	sld [smem:$0x3F9C]  }
0x1a: {  	s8 =	sadd.s32 $0xFFFFE003, lr  }
0x1b: {  	s9 =	sadd.s32 $0xFFFFFEF7, lr;
	s5 =	simm.s32 $0xFFFFFFFF;
	p2 =	slt.u32 s8, $0xFFFFF086  }
0x1c: {  	p1 =	slt.u32 s9, $0xF7A;
	s5 =	simm.s32 @!p2 $0x0  }
0x1d: {  	s5 =	simm.s32 @p1 $0x1;
	p0 =	seq.s32 s7, s2  }
0x1e: {  	s7 =	smul.u32 @!p0 $0xF7A, s2;
	p2 =	seq.s32 @!p0 s5, $0x0  }
0x1f: {  	s9 =	smul.u32 $0xF7A, s1;
	s8 =	simm.s32 @!p0 $0x1BF5;
	p2 =	por !p2, p0  }
0x20: {  	[sflag:s8] =	ssyncset.s32 @!p0 $0xFFFFF086;
	s6 =	sadd.s32 @!p0 s3, s7;
	s7 =	simm.s32 @!p0 $0x108  }
0x21: {  	s3 =	sadd.s32 s3, s9;
	s6 =	sadd.s32 @!p0 $0x88, s6;
	s7 =	simm.s32 @p2 $0x1082  }
0x22: {  	[simem:s7], [sflag:s8] =	dma.local @!p0 [hbm:s6], $0xF7A  }
0x23: {  	s9 =	sor.u32 $0xD0000000, s2;
	s6 =	simm.s32 $0x108;
	_ =	swait.ge @!p0 [sflag:s8], $0x0  }
0x24: {  	s3 =	sadd.s32 $0x88, s3;
	s6 =	simm.s32 @!p1 $0x1082;
	[sflag:s4] =	ssyncset.s32 $0xFFFFF086  }
0x25: {  	[simem:s6], [sflag:s4] =	dma.local [hbm:s3], $0xF7A  }
0x26: {  	[smem:$0x3F9C] =	sst s1;
	(tag) =	ssettag s2;
	_ =	strace s9  }
0x27: {  	s1 =	sld [smem:$0x3FAC]  }
0x28: {  	s2 =	sld [smem:$0x3FAD]  }
0x29: {  	s4 =	sld [smem:$0x3FAF]  }
0x2a: {  	p0 =	seq.s32 s5, $0x0;
	s5 =	sld [smem:$0x3FB0]  }
0x2b: {  	s6 =	sld [smem:$0x3FB1]  }
0x2c: {  	s7 =	sld [smem:$0x3FB2]  }
0x2d: {  	s3 =	simm.s32 $0x108;
	s8 =	sld [smem:$0x3FB3]  }
0x2e: {  	s3 =	simm.s32 @!p0 $0x1082;
	s9 =	sld [smem:$0x3FB4]  }
0x2f: {  	lr =	sadd.s32 s0, s3;
	s0 =	sld [smem:$0x3FAB]  }
0x30: {  	s3 =	sld [smem:$0x3FAE]  }
0x31: {  	[smem:$0x3FB7] =	sst s10  }
0x32: {  	s10 =	sld [smem:$0x3FB5];
	_ =	sdelay $0x3  }
0x33: {  	p0 =	seq.s32 s10, $0x1;
	s10 =	sld [smem:$0x3FB7];
	_ =	sdelay $0x3  }
0x34: {  	[smem:$0x3FB7] =	sst s10  }
0x35: {  	s10 =	sld [smem:$0x3FB6];
	_ =	sdelay $0x3  }
0x36: {  	p1 =	seq.s32 s10, $0x1;
	s10 =	sld [smem:$0x3FB7];
	_ =	sdelay $0x3  }
0x37: {  	[smem:$0x3FB7] =	sst s10  }
0x38: {  	s10 =	sld [smem:$0x3FB8]  }
0x39: {  	_ = 	snop;
	(pc) =	sbr.ind lr, $3  }
0x3a: {  	_ = 	snop  }
0x3b: {  	_ = 	snop  }
0x3c: {  	p2 =	seq.s32 s10, $0x1;
	s10 =	sld [smem:$0x3FB7]  }
0x3d: {  	_ =	shalt  }
0x3e: {  	_ =	shalt  }
0x3f: {  	_ =	shalt  }
0x40: {  	_ =	shalt  }
0x41: {  	_ =	shalt  }
0x42: {  	_ =	shalt  }
0x43: {  	_ =	shalt  }
0x44: {  	_ =	shalt  }
0x45: {  	_ =	shalt  }
0x46: {  	_ =	shalt  }
0x47: {  	_ =	shalt  }
0x48: {  	_ =	shalt  }
0x49: {  	_ =	shalt  }
0x4a: {  	_ =	shalt  }
0x4b: {  	_ =	shalt  }
0x4c: {  	_ =	shalt  }
0x4d: {  	_ =	shalt  }
0x4e: {  	_ =	shalt  }
0x4f: {  	_ =	shalt  }
0x50: {  	_ =	shalt  }
0x51: {  	_ =	shalt  }
0x52: {  	_ =	shalt  }
0x53: {  	_ =	shalt  }
0x54: {  	_ =	shalt  }
0x55: {  	_ =	shalt  }
0x56: {  	_ =	shalt  }
0x57: {  	_ =	shalt  }
0x58: {  	_ =	shalt  }
0x59: {  	_ =	shalt  }
0x5a: {  	_ =	shalt  }
0x5b: {  	_ =	shalt  }
0x5c: {  	_ =	shalt  }
0x5d: {  	_ =	shalt  }
0x5e: {  	_ =	shalt  }
0x5f: {  	_ =	shalt  }
0x60: {  	_ =	shalt  }
0x61: {  	_ =	shalt  }
0x62: {  	_ =	shalt  }
0x63: {  	_ =	shalt  }
0x64: {  	_ =	shalt  }
0x65: {  	_ =	shalt  }
0x66: {  	_ =	shalt  }
0x67: {  	_ =	shalt  }
0x68: {  	_ =	shalt  }
0x69: {  	_ =	shalt  }
0x6a: {  	_ =	shalt  }
0x6b: {  	_ =	shalt  }
0x6c: {  	_ =	shalt  }
0x6d: {  	_ =	shalt  }
0x6e: {  	_ =	shalt  }
0x6f: {  	_ =	shalt  }
0x70: {  	_ =	shalt  }
0x71: {  	_ =	shalt  }
0x72: {  	_ =	shalt  }
0x73: {  	_ =	shalt  }
0x74: {  	_ =	shalt  }
0x75: {  	_ =	shalt  }
0x76: {  	_ =	shalt  }
0x77: {  	_ =	shalt  }
0x78: {  	_ =	shalt  }
0x79: {  	_ =	shalt  }
0x7a: {  	_ =	shalt  }
0x7b: {  	_ =	shalt  }
0x7c: {  	_ =	shalt  }
0x7d: {  	_ =	shalt  }
0x7e: {  	_ =	shalt  }
0x7f: {  	_ =	shalt  }
0x80: {  	_ =	shalt  }
0x81: {  	_ =	shalt  }
0x82: {  	_ =	shalt  }
0x83: {  	_ =	shalt  }
0x84: {  	_ =	shalt  }
0x85: {  	_ =	shalt  }
0x86: {  	_ =	shalt  }
0x87: {  	_ =	shalt  }
.Lfunc_end0:
.L_simem_size_0:
called_computation_lowered:
.L_overlay_start_0:
0x88: {  	s2 =	sld [smem:$0x3FD9]  }
0x89: {  	s3 =	sld [smem:$0x3FFE];
	_ =	sdelay $0x1  }
0x8a: {  	s1 =	srdreg.scid  }
0x8b: {  	s0 =	sand.u32 $0x1, s1  }
0x8c: {  	s17 =	sshll.u32 s0, $0xA;
	s2 =	sadd.s32 s3, s2  }
0x8d: {  	s2 =	sadd.s32 s2, s17  }
0x8e: {  	[smem:$0x3FC3] =	sst s2  }
0x8f: {  	_ = 	snop  }
0x90: {  	s2 =	sld [smem:$0x3FC7]  }
0x91: {  	s18 =	sld [smem:$0x3FC6]  }
0x92: {  	s4 =	sld [smem:$0x3FC5]  }
0x93: {  	s5 =	sld [smem:$0x3FD0];
	(tm) =	ssettm $0x1  }
0x94: {  	s6 =	sld [smem:$0x3FFB];
	_ =	sdelay $0x3  }
0x95: {  	_ =	strace s6  }
0x96: {  	s6 =	sld [smem:$0x3FFC];
	_ =	sdelay $0x3  }
0x97: {  	_ =	strace s6  }
0x98: {  	s6 =	sld [smem:$0x3FFD];
	_ =	sdelay $0x3  }
0x99: {  	_ =	strace s6  }
0x9a: {  	_ =	strace $0x8FFFFFFF  }
0x9b: {  	s19 =	sld [smem:$0x3FDB];
	_ =	sdelay $0x1  }
0x9c: {  	s7 =	simm.s32 $_scs_section_size  }
0x9d: {  	s8 =	simm.s32 $_size__tile_overlayer_lowered;
	s9 =	simm.s32 $_tile_overlayer_lowered  }
0x9e: {  	s22 =	simm.s32 $0x1BFF;
	s21 =	sshll.u32 s9, $0x1;
	s6 =	sadd.s32 s7, s19  }
0x9f: {  	s10 =	simm.s32 $0x0;
	s20 =	sshll.u32 s8, $0x1;
	s8 =	sadd.s32 s21, s6  }
0xa0: {  	[timem:s10], [sflag:s22] =	dma.local [hbm:s8], s20  }
0xa1: {  	_ =	swait.ge [sflag:s22], s20  }
0xa2: {  	s7 =	ssub.s32 $0x0, s20;
	[sflag:s22] =	ssyncset.done $0x0  }
0xa3: {  	[sflag:s22] =	ssyncadd.s32 s7;
	_ =	sdelay $0x1  }
0xa4: {  	s23 =	simm.s32 $0x1B8B  }
0xa5: {  	_ =	swait.ge [sflag:s23], $0x1  }
0xa6: {  	[sflag:s23] =	ssyncset.done $0x0  }
0xa7: {  	s25 =	simm.s32 $0x1B8E;
	s24 =	sld [smem:$0x3FFE];
	[sflag:s23] =	ssyncadd.s32 $0xFFFFFFFF  }
0xa8: {  	s26 =	simm.s32 $execute0_lowered;
	[smem:$0x3FD2] =	sst s25  }
0xa9: {  	s8 =	sshll.u32 s26, $0x1;
	_ =	strace $0x80000046;
	[dreg:$0x1] =	wrdreg $0xFFFFFFFF  }
0xaa: {  	s28 =	simm.s32 $_size_execute0_lowered;
	s6 =	sadd.s32 s6, s8;
	[dreg:$0x0] =	wrdreg $0x0  }
0xab: {  	s8 =	sshll.u32 s28, $0x1;
	[dreg:$0x2] =	wrdreg s6  }
0xac: {  	[dreg:$0x3] =	wrdreg s8  }
0xad: {  	[dreg:$0x4] =	wrdreg $0xC0  }
0xae: {  	_ =	task [dreg:s10], $0x5FFFF  }
0xaf: {  	[dreg:$0x1] =	wrdreg $0xFFFFFFFF  }
0xb0: {  	[dreg:$0x0] =	wrdreg $0x60  }
0xb1: {  	[dreg:$0x2] =	wrdreg s24  }
0xb2: {  	[dreg:$0x3] =	wrdreg s2  }
0xb3: {  	[dreg:$0x4] =	wrdreg s18  }
0xb4: {  	[dreg:$0x5] =	wrdreg s4  }
0xb5: {  	[dreg:$0x6] =	wrdreg s5  }
0xb6: {  	[dreg:$0x7] =	wrdreg $0x1EB100  }
0xb7: {  	[dreg:$0x8] =	wrdreg $0x9  }
0xb8: {  	_ =	task.clear_ibuf [dreg:s10], $0x9FFFF;
	_ =	strace $0x90000046  }
0xb9: {  	s29 =	simm.s32 $0x9;
	_ =	strace $0x80000048  }
0xba: {  	_ =	swait.ge [sflag:s29], $0x1  }
0xbb: {  	[sflag:s29] =	ssyncadd.s32 $0xFFFFFFFF  }
0xbc: {  	_ =	strace $0x90000048  }
0xbd: {  	_ =	sfence  }
0xbe: {  	s30 =	sld [smem:$0x0];
	_ =	sdelay $0x2  }
0xbf: {  	s31 =	sshll.u32 s1, $0xD;
	s1 =	sshrl.u32 s1, $0x2  }
0xc0: {  	s3 =	sand.u32 $0x4000, s31;
	s1 =	sadd.s32 s1, s30  }
0xc1: {  	s0 =	sor.u32 s3, s0;
	s1 =	sshll.u32 s1, $0x11  }
0xc2: {  	s0 =	sor.u32 s1, s0  }
0xc3: {  	s0 =	sadd.s32 $0x8F2B, s0  }
0xc4: {  	[sflag:s0] =	ssyncadd.remote.s32 $0x1  }
0xc5: {  	_ =	sfence.sel $0xFFFF  }
0xc6: {  	[dreg:$0x0] =	wrdreg $0xFFFFFFFF;
	(pc) =	sbr.abs _section_cstart, $3  }
0xc7: {  	[dreg:$0x1] =	wrdreg $0xFFFFFFFF  }
0xc8: {  	_ =	task.clear_ibuf [dreg:s10], $0x2FFFF;
	_ =	strace $0x9FFFFFFF  }
0xc9: {  	(tm) =	ssettm $0x7FFFFFFF  }
tec
execute0_lowered:
.L_overlay_start_1:
0x0: {  	(tag) =	ssettag $0x1  }
0x1: {  	s3 =	rddreg [dreg:$0x0]  }
0x2: {  	s0 =	rddreg [dreg:$0x1]  }
0x3: {  	s1 =	rddreg [dreg:$0x2]  }
0x4: {  	s4 =	srdreg.scid;
	s2 =	rddreg [dreg:$0x3]  }
0x5: {  	s7 =	rddreg [dreg:$0x4];
	s8 =	stileid.u32  }
0x6: {  	s15 =	rddreg [dreg:$0x5];
	s28 =	simm.s32 $0x80;
	s29 =	simm.s32 $0xEA00  }
0x7: {  	s30 =	simm.s32 $0x1A00;
	s31 =	simm.s32 $0x1CA00;
	s4 =	sand.u32 $0x1, s4  }
0x8: {  	s25 =	sshll.u32 s8, $0x4;
	p0 =	sne.s32 s8, $0x0;
	s5 =	sshll.u32 s4, $0x4  }
0x9: {  	s10 =	ssub.s32 $0x2, s4;
	s26 =	sadd.s32 s25, s15;
	s4 =	sshll.u32 s4, $0x1  }
0xa: {  	s6 =	sor.u32 s8, s5;
	s5 =	simm.s32 $0x0;
	s11 =	sshrl.u32 s10, $0x1  }
0xb: {  	s4 =	sadd.s32 s7, s4;
	s7 =	simm.s32 $0x1A80;
	s8 =	simm.s32 $0x1D200  }
0xc: {  	s9 =	smul.u32 $0x186A0, s6;
	[smem:$0x7FF] =	sst s5;
	s6 =	sadd.s32 $0x187800, s3  }
0xd: {  	s3 =	ssub.s32 s10, s11;
	_ =	strace $0x80000047;
	[dreg:$0x10] =	wrdreg s26  }
0xe: {  	s11 =	simm.s32 $0x6;
	[dreg:$0x11] =	wrdreg s4;
	s3 =	smax.u32 s3, $0x1  }
0xf: {  	s26 =	simm.s32 $0x1;
	s4 =	simm.s32 $0xF200;
	s12 =	sshrl.u32 s9, $0x3  }
0x10: {  	s13 =	sadd.s32 $0xE00, s9;
	[dreg:$0x12] =	wrdreg s3;
	s16 =	sadd.s32 s1, s12  }
0x11: {  	s14 =	sadd.s32 $0x1500, s9;
	s17 =	sadd.s32 s2, s12;
	[dreg:$0x7] =	wrdreg s16  }
0x12: {  	s18 =	sadd.s32 s0, s12;
	s19 =	sadd.s32 $0xE0, s12;
	[dreg:$0x8] =	wrdreg s17  }
0x13: {  	s3 =	simm.s32 $0xC80;
	[dreg:$0x9] =	wrdreg s18;
	s20 =	sadd.s32 s1, s19  }
0x14: {  	s22 =	sadd.s32 $0x3020, s12;
	s21 =	sadd.s32 s2, s19;
	[dreg:$0xa] =	wrdreg s20  }
0x15: {  	s12 =	simm.s32 $0x4;
	s10 =	sadd.s32 s0, s19;
	[dreg:$0xb] =	wrdreg s21  }
0x16: {  	s23 =	sadd.s32 s1, s22;
	s24 =	sadd.s32 s2, s22;
	[dreg:$0xc] =	wrdreg s10  }
0x17: {  	s9 =	sadd.s32 s0, s22;
	s19 =	simm.s32 $0x2;
	[dreg:$0xd] =	wrdreg s23  }
0x18: {  	s22 =	simm.s32 $0xC00;
	s17 =	simm.s32 $0x0;
	[dreg:$0xe] =	wrdreg s24  }
0x19: {  	[dreg:$0xf] =	wrdreg s9;
	s21 =	simm.s32 $0xE00;
	s23 =	simm.s32 $0x700  }
0x1a: {  	s24 =	simm.s32 $0x1500;
	s9 =	simm.s32 $0x5;
	s10 =	simm.s32 $0x3  }
.LBB2_1:
0x1b: {  	[dreg:$0x13] =	wrdreg s17  }
0x1c: {  	s15 =	rddreg [dreg:$0x7]  }
0x1d: {  	[tilespmem:s5], [sflag:$0x1] =	stream.linear.gather [hbm4b:s15+s5], $0x700, $0x38;
	[tilespmem:$0x1EB20] =	vst v63  }
0x1e: {  	s20 =	rddreg [dreg:$0x8]  }
0x1f: {  	[tilespmem:s21], [sflag:$0x1] =	stream.linear.gather [hbm4b:s20+s5], $0x700, $0x38;
	[tilespmem:$0x1EB20] =	vst v63  }
0x20: {  	s25 =	rddreg [dreg:$0x9];
	s16 =	simm.s32 $0x1C00  }
0x21: {  	[tilespmem:s16], [sflag:$0x3] =	stream.linear.gather [hbm4b:s25+s5], $0x700, $0x38;
	[tilespmem:$0x1EB20] =	vst v63  }
0x22: {  	s17 =	rddreg [dreg:$0xa]  }
0x23: {  	[tilespmem:s23], [sflag:$0x2] =	stream.linear.gather [hbm4b:s17+s5], $0x700, $0x38;
	[tilespmem:$0x1EB20] =	vst v63  }
0x24: {  	s18 =	rddreg [dreg:$0xb]  }
0x25: {  	[tilespmem:s24], [sflag:$0x2] =	stream.linear.gather [hbm4b:s18+s5], $0x700, $0x38;
	[tilespmem:$0x1EB20] =	vst v63  }
0x26: {  	s20 =	rddreg [dreg:$0xc];
	s25 =	simm.s32 $0x2300  }
0x27: {  	[tilespmem:s25], [sflag:$0x4] =	stream.linear.gather [hbm4b:s20+s5], $0x700, $0x38;
	[tilespmem:$0x1EB20] =	vst v63  }
0x28: {  	_ =	swait.ge [sflag:s26], $0x700  }
0x29: {  	[sflag:s26] =	ssyncset.done $0x0  }
0x2a: {  	[sflag:s26] =	ssyncadd.s32 $0xFFFFF900  }
0x2b: {  	_ =	swait.ge [sflag:s26], $0x700  }
0x2c: {  	[sflag:s26] =	ssyncset.done $0x0  }
0x2d: {  	s16 =	simm.s32 $0x2A00;
	[sflag:s26] =	ssyncadd.s32 $0xFFFFF900  }
0x2e: {  	[tilespmem:s16], [sflag:$0x5] =	stream.indirect.gather [hbm4b:s6+s28], $0x10, s5, s28, $0xb8;
	[tilespmem:$0x1EB20] =	vst v63  }
0x2f: {  	s17 =	simm.s32 $0x10A00  }
0x30: {  	[tilespmem:s17], [sflag:$0x5] =	stream.indirect.gather [hbm4b:s6+s28], $0x10, s21, s28, $0xb8;
	[tilespmem:$0x1EB20] =	vst v63  }
0x31: {  	s18 =	simm.s32 $0x3200  }
0x32: {  	[tilespmem:s18], [sflag:$0x5] =	stream.indirect.gather [hbm4b:s6+s28], $0x10, s28, s28, $0xb8;
	[tilespmem:$0x1EB20] =	vst v63  }
0x33: {  	s20 =	simm.s32 $0xE80;
	s25 =	simm.s32 $0x11200  }
0x34: {  	[tilespmem:s25], [sflag:$0x5] =	stream.indirect.gather [hbm4b:s6+s28], $0x10, s20, s28, $0xb8;
	[tilespmem:$0x1EB20] =	vst v63  }
0x35: {  	s17 =	simm.s32 $0x100;
	s18 =	simm.s32 $0x3A00  }
0x36: {  	[tilespmem:s18], [sflag:$0x5] =	stream.indirect.gather [hbm4b:s6+s28], $0x10, s17, s28, $0xb8;
	[tilespmem:$0x1EB20] =	vst v63  }
0x37: {  	s20 =	simm.s32 $0xF00;
	s25 =	simm.s32 $0x11A00  }
0x38: {  	[tilespmem:s25], [sflag:$0x5] =	stream.indirect.gather [hbm4b:s6+s28], $0x10, s20, s28, $0xb8;
	[tilespmem:$0x1EB20] =	vst v63  }
0x39: {  	s17 =	simm.s32 $0x180;
	s18 =	simm.s32 $0x4200  }
0x3a: {  	[tilespmem:s18], [sflag:$0x5] =	stream.indirect.gather [hbm4b:s6+s28], $0x10, s17, s28, $0xb8;
	[tilespmem:$0x1EB20] =	vst v63  }
0x3b: {  	s20 =	simm.s32 $0xF80;
	s25 =	simm.s32 $0x12200  }
0x3c: {  	[tilespmem:s25], [sflag:$0x5] =	stream.indirect.gather [hbm4b:s6+s28], $0x10, s20, s28, $0xb8;
	[tilespmem:$0x1EB20] =	vst v63  }
0x3d: {  	s17 =	simm.s32 $0x200;
	s18 =	simm.s32 $0x4A00  }
0x3e: {  	[tilespmem:s18], [sflag:$0x5] =	stream.indirect.gather [hbm4b:s6+s28], $0x10, s17, s28, $0xb8;
	[tilespmem:$0x1EB20] =	vst v63  }
0x3f: {  	s20 =	simm.s32 $0x1000;
	s25 =	simm.s32 $0x12A00  }
0x40: {  	[tilespmem:s25], [sflag:$0x5] =	stream.indirect.gather [hbm4b:s6+s28], $0x10, s20, s28, $0xb8;
	[tilespmem:$0x1EB20] =	vst v63  }
0x41: {  	s17 =	simm.s32 $0x280;
	s18 =	simm.s32 $0x5200  }
0x42: {  	[tilespmem:s18], [sflag:$0x5] =	stream.indirect.gather [hbm4b:s6+s28], $0x10, s17, s28, $0xb8;
	[tilespmem:$0x1EB20] =	vst v63  }
0x43: {  	s20 =	simm.s32 $0x1080;
	s25 =	simm.s32 $0x13200  }
0x44: {  	[tilespmem:s25], [sflag:$0x5] =	stream.indirect.gather [hbm4b:s6+s28], $0x10, s20, s28, $0xb8;
	[tilespmem:$0x1EB20] =	vst v63  }
0x45: {  	s17 =	simm.s32 $0x300;
	s18 =	simm.s32 $0x5A00  }
0x46: {  	[tilespmem:s18], [sflag:$0x5] =	stream.indirect.gather [hbm4b:s6+s28], $0x10, s17, s28, $0xb8;
	[tilespmem:$0x1EB20] =	vst v63  }
0x47: {  	s20 =	simm.s32 $0x1100;
	s25 =	simm.s32 $0x13A00  }
0x48: {  	[tilespmem:s25], [sflag:$0x5] =	stream.indirect.gather [hbm4b:s6+s28], $0x10, s20, s28, $0xb8;
	[tilespmem:$0x1EB20] =	vst v63  }
0x49: {  	s17 =	simm.s32 $0x380;
	s18 =	simm.s32 $0x6200  }
0x4a: {  	[tilespmem:s18], [sflag:$0x5] =	stream.indirect.gather [hbm4b:s6+s28], $0x10, s17, s28, $0xb8;
	[tilespmem:$0x1EB20] =	vst v63  }
0x4b: {  	s20 =	simm.s32 $0x1180;
	s25 =	simm.s32 $0x14200  }
0x4c: {  	[tilespmem:s25], [sflag:$0x5] =	stream.indirect.gather [hbm4b:s6+s28], $0x10, s20, s28, $0xb8;
	[tilespmem:$0x1EB20] =	vst v63  }
0x4d: {  	s17 =	simm.s32 $0x400;
	s18 =	simm.s32 $0x6A00  }
0x4e: {  	[tilespmem:s18], [sflag:$0x5] =	stream.indirect.gather [hbm4b:s6+s28], $0x10, s17, s28, $0xb8;
	[tilespmem:$0x1EB20] =	vst v63  }
0x4f: {  	s20 =	simm.s32 $0x1200;
	s25 =	simm.s32 $0x14A00  }
0x50: {  	[tilespmem:s25], [sflag:$0x5] =	stream.indirect.gather [hbm4b:s6+s28], $0x10, s20, s28, $0xb8;
	[tilespmem:$0x1EB20] =	vst v63  }
0x51: {  	s17 =	simm.s32 $0x480;
	s18 =	simm.s32 $0x7200  }
0x52: {  	[tilespmem:s18], [sflag:$0x5] =	stream.indirect.gather [hbm4b:s6+s28], $0x10, s17, s28, $0xb8;
	[tilespmem:$0x1EB20] =	vst v63  }
0x53: {  	s20 =	simm.s32 $0x1280;
	s25 =	simm.s32 $0x15200  }
0x54: {  	[tilespmem:s25], [sflag:$0x5] =	stream.indirect.gather [hbm4b:s6+s28], $0x10, s20, s28, $0xb8;
	[tilespmem:$0x1EB20] =	vst v63  }
0x55: {  	s17 =	simm.s32 $0x500;
	s18 =	simm.s32 $0x7A00  }
0x56: {  	[tilespmem:s18], [sflag:$0x5] =	stream.indirect.gather [hbm4b:s6+s28], $0x10, s17, s28, $0xb8;
	[tilespmem:$0x1EB20] =	vst v63  }
0x57: {  	s20 =	simm.s32 $0x1300;
	s25 =	simm.s32 $0x15A00  }
0x58: {  	[tilespmem:s25], [sflag:$0x5] =	stream.indirect.gather [hbm4b:s6+s28], $0x10, s20, s28, $0xb8;
	[tilespmem:$0x1EB20] =	vst v63  }
0x59: {  	s17 =	simm.s32 $0x580;
	s18 =	simm.s32 $0x8200  }
0x5a: {  	[tilespmem:s18], [sflag:$0x5] =	stream.indirect.gather [hbm4b:s6+s28], $0x10, s17, s28, $0xb8;
	[tilespmem:$0x1EB20] =	vst v63  }
0x5b: {  	s20 =	simm.s32 $0x1380;
	s25 =	simm.s32 $0x16200  }
0x5c: {  	[tilespmem:s25], [sflag:$0x5] =	stream.indirect.gather [hbm4b:s6+s28], $0x10, s20, s28, $0xb8;
	[tilespmem:$0x1EB20] =	vst v63  }
0x5d: {  	s17 =	simm.s32 $0x600;
	s18 =	simm.s32 $0x8A00  }
0x5e: {  	[tilespmem:s18], [sflag:$0x5] =	stream.indirect.gather [hbm4b:s6+s28], $0x10, s17, s28, $0xb8;
	[tilespmem:$0x1EB20] =	vst v63  }
0x5f: {  	s20 =	simm.s32 $0x1400;
	s25 =	simm.s32 $0x16A00  }
0x60: {  	[tilespmem:s25], [sflag:$0x5] =	stream.indirect.gather [hbm4b:s6+s28], $0x10, s20, s28, $0xb8;
	[tilespmem:$0x1EB20] =	vst v63  }
0x61: {  	s17 =	simm.s32 $0x680;
	s18 =	simm.s32 $0x9200  }
0x62: {  	v2 =	vimm.f32 $0.0e+00;
	v3 =	vimm.f32 $0.0e+00;
	[tilespmem:s18], [sflag:$0x5] =	stream.indirect.gather [hbm4b:s6+s28], $0x10, s17, s28, $0xb8;
	[tilespmem:$0x1EB20] =	vst v63  }
0x63: {  	v6 =	vimm.f32 $0.0e+00;
	v7 =	vimm.f32 $0.0e+00;
	v5 =	vimm.f32 $0.0e+00;
	s15 =	simm.s32 $0x0;
	s20 =	simm.s32 $0x1480;
	s25 =	simm.s32 $0x17200  }
0x64: {  	v4 =	vimm.f32 $0.0e+00;
	v0 =	vimm.f32 $0.0e+00;
	v1 =	vimm.f32 $0.0e+00;
	[tilespmem:s25], [sflag:$0x5] =	stream.indirect.gather [hbm4b:s6+s28], $0x10, s20, s28, $0xb8;
	[tilespmem:$0x1EB20] =	vst v63  }
.LBB2_2:
0x65: {  	_ =	swait.ge [sflag:s19], $0x700  }
0x66: {  	[sflag:s19] =	ssyncset.done $0x0  }
0x67: {  	[sflag:s19] =	ssyncadd.s32 $0xFFFFF900  }
0x68: {  	_ =	swait.ge [sflag:s19], $0x700  }
0x69: {  	[sflag:s19] =	ssyncset.done $0x0  }
0x6a: {  	s16 =	simm.s32 $0x9A00;
	[sflag:s19] =	ssyncadd.s32 $0xFFFFF900  }
0x6b: {  	[tilespmem:s16], [sflag:$0x6] =	stream.indirect.gather [hbm4b:s6+s28], $0x10, s23, s28, $0xb8;
	[tilespmem:$0x1EB20] =	vst v63  }
0x6c: {  	s20 =	simm.s32 $0x17A00  }
0x6d: {  	[tilespmem:s20], [sflag:$0x6] =	stream.indirect.gather [hbm4b:s6+s28], $0x10, s24, s28, $0xb8;
	[tilespmem:$0x1EB20] =	vst v63  }
0x6e: {  	s25 =	simm.s32 $0x780;
	s17 =	simm.s32 $0xA200  }
0x6f: {  	[tilespmem:s17], [sflag:$0x6] =	stream.indirect.gather [hbm4b:s6+s28], $0x10, s25, s28, $0xb8;
	[tilespmem:$0x1EB20] =	vst v63  }
0x70: {  	s18 =	simm.s32 $0x18200;
	s17 =	simm.s32 $0x1580  }
0x71: {  	[tilespmem:s18], [sflag:$0x6] =	stream.indirect.gather [hbm4b:s6+s28], $0x10, s17, s28, $0xb8;
	[tilespmem:$0x1EB20] =	vst v63  }
0x72: {  	s20 =	simm.s32 $0x800;
	s25 =	simm.s32 $0xAA00  }
0x73: {  	[tilespmem:s25], [sflag:$0x6] =	stream.indirect.gather [hbm4b:s6+s28], $0x10, s20, s28, $0xb8;
	[tilespmem:$0x1EB20] =	vst v63  }
0x74: {  	s17 =	simm.s32 $0x1600;
	s18 =	simm.s32 $0x18A00  }
0x75: {  	[tilespmem:s18], [sflag:$0x6] =	stream.indirect.gather [hbm4b:s6+s28], $0x10, s17, s28, $0xb8;
	[tilespmem:$0x1EB20] =	vst v63  }
0x76: {  	s20 =	simm.s32 $0x880;
	s25 =	simm.s32 $0xB200  }
0x77: {  	[tilespmem:s25], [sflag:$0x6] =	stream.indirect.gather [hbm4b:s6+s28], $0x10, s20, s28, $0xb8;
	[tilespmem:$0x1EB20] =	vst v63  }
0x78: {  	s17 =	simm.s32 $0x1680;
	s18 =	simm.s32 $0x19200  }
0x79: {  	[tilespmem:s18], [sflag:$0x6] =	stream.indirect.gather [hbm4b:s6+s28], $0x10, s17, s28, $0xb8;
	[tilespmem:$0x1EB20] =	vst v63  }
0x7a: {  	s20 =	simm.s32 $0x900;
	s25 =	simm.s32 $0xBA00  }
0x7b: {  	[tilespmem:s25], [sflag:$0x6] =	stream.indirect.gather [hbm4b:s6+s28], $0x10, s20, s28, $0xb8;
	[tilespmem:$0x1EB20] =	vst v63  }
0x7c: {  	s17 =	simm.s32 $0x1700;
	s18 =	simm.s32 $0x19A00  }
0x7d: {  	[tilespmem:s18], [sflag:$0x6] =	stream.indirect.gather [hbm4b:s6+s28], $0x10, s17, s28, $0xb8;
	[tilespmem:$0x1EB20] =	vst v63  }
0x7e: {  	s20 =	simm.s32 $0x980;
	s25 =	simm.s32 $0xC200  }
0x7f: {  	[tilespmem:s25], [sflag:$0x6] =	stream.indirect.gather [hbm4b:s6+s28], $0x10, s20, s28, $0xb8;
	[tilespmem:$0x1EB20] =	vst v63  }
0x80: {  	s17 =	simm.s32 $0x1780;
	s18 =	simm.s32 $0x1A200  }
0x81: {  	[tilespmem:s18], [sflag:$0x6] =	stream.indirect.gather [hbm4b:s6+s28], $0x10, s17, s28, $0xb8;
	[tilespmem:$0x1EB20] =	vst v63  }
0x82: {  	s20 =	simm.s32 $0xA00;
	s25 =	simm.s32 $0xCA00  }
0x83: {  	[tilespmem:s25], [sflag:$0x6] =	stream.indirect.gather [hbm4b:s6+s28], $0x10, s20, s28, $0xb8;
	[tilespmem:$0x1EB20] =	vst v63  }
0x84: {  	s17 =	simm.s32 $0x1800;
	s18 =	simm.s32 $0x1AA00  }
0x85: {  	[tilespmem:s18], [sflag:$0x6] =	stream.indirect.gather [hbm4b:s6+s28], $0x10, s17, s28, $0xb8;
	[tilespmem:$0x1EB20] =	vst v63  }
0x86: {  	s20 =	simm.s32 $0xA80;
	s25 =	simm.s32 $0xD200  }
0x87: {  	[tilespmem:s25], [sflag:$0x6] =	stream.indirect.gather [hbm4b:s6+s28], $0x10, s20, s28, $0xb8;
	[tilespmem:$0x1EB20] =	vst v63  }
0x88: {  	s17 =	simm.s32 $0x1880;
	s18 =	simm.s32 $0x1B200  }
0x89: {  	[tilespmem:s18], [sflag:$0x6] =	stream.indirect.gather [hbm4b:s6+s28], $0x10, s17, s28, $0xb8;
	[tilespmem:$0x1EB20] =	vst v63  }
0x8a: {  	s20 =	simm.s32 $0xB00;
	s25 =	simm.s32 $0xDA00  }
0x8b: {  	[tilespmem:s25], [sflag:$0x6] =	stream.indirect.gather [hbm4b:s6+s28], $0x10, s20, s28, $0xb8;
	[tilespmem:$0x1EB20] =	vst v63  }
0x8c: {  	s17 =	simm.s32 $0x1900;
	s18 =	simm.s32 $0x1BA00  }
0x8d: {  	[tilespmem:s18], [sflag:$0x6] =	stream.indirect.gather [hbm4b:s6+s28], $0x10, s17, s28, $0xb8;
	[tilespmem:$0x1EB20] =	vst v63  }
0x8e: {  	s20 =	simm.s32 $0xB80;
	s25 =	simm.s32 $0xE200  }
0x8f: {  	[tilespmem:s25], [sflag:$0x6] =	stream.indirect.gather [hbm4b:s6+s28], $0x10, s20, s28, $0xb8;
	[tilespmem:$0x1EB20] =	vst v63  }
0x90: {  	s17 =	simm.s32 $0x1980;
	s18 =	simm.s32 $0x1C200  }
0x91: {  	[tilespmem:s18], [sflag:$0x6] =	stream.indirect.gather [hbm4b:s6+s28], $0x10, s17, s28, $0xb8;
	[tilespmem:$0x1EB20] =	vst v63  }
0x92: {  	_ = 	snop  }
0x93: {  	[tilespmem:s29], [sflag:$0x6] =	stream.indirect.gather [hbm4b:s6+s28], $0x10, s22, s28, $0xb8;
	[tilespmem:$0x1EB20] =	vst v63  }
0x94: {  	_ = 	snop  }
0x95: {  	[tilespmem:s31], [sflag:$0x6] =	stream.indirect.gather [hbm4b:s6+s28], $0x10, s30, s28, $0xb8;
	[tilespmem:$0x1EB20] =	vst v63  }
0x96: {  	_ = 	snop  }
0x97: {  	[tilespmem:s4], [sflag:$0x6] =	stream.indirect.gather [hbm4b:s6+s28], $0x10, s3, s28, $0xb8;
	[tilespmem:$0x1EB20] =	vst v63  }
0x98: {  	_ = 	snop  }
0x99: {  	[tilespmem:s8], [sflag:$0x6] =	stream.indirect.gather [hbm4b:s6+s28], $0x10, s7, s28, $0xb8;
	[tilespmem:$0x1EB20] =	vst v63  }
0x9a: {  	s20 =	simm.s32 $0xD00;
	s25 =	simm.s32 $0xFA00  }
0x9b: {  	[tilespmem:s25], [sflag:$0x6] =	stream.indirect.gather [hbm4b:s6+s28], $0x10, s20, s28, $0xb8;
	[tilespmem:$0x1EB20] =	vst v63  }
0x9c: {  	s17 =	simm.s32 $0x1B00;
	s18 =	simm.s32 $0x1DA00  }
0x9d: {  	[tilespmem:s18], [sflag:$0x6] =	stream.indirect.gather [hbm4b:s6+s28], $0x10, s17, s28, $0xb8;
	[tilespmem:$0x1EB20] =	vst v63  }
0x9e: {  	s20 =	simm.s32 $0xD80;
	s25 =	simm.s32 $0x10200  }
0x9f: {  	[tilespmem:s25], [sflag:$0x6] =	stream.indirect.gather [hbm4b:s6+s28], $0x10, s20, s28, $0xb8;
	[tilespmem:$0x1EB20] =	vst v63  }
0xa0: {  	s17 =	simm.s32 $0x1B80;
	s18 =	simm.s32 $0x1E200  }
0xa1: {  	[tilespmem:s18], [sflag:$0x6] =	stream.indirect.gather [hbm4b:s6+s28], $0x10, s17, s28, $0xb8;
	[tilespmem:$0x1EB20] =	vst v63  }
0xa2: {  	_ =	swait.ge [sflag:s9], $0x800  }
0xa3: {  	[sflag:s9] =	ssyncset.done $0x0  }
0xa4: {  	[sflag:s9] =	ssyncadd.s32 $0xFFFFF800  }
0xa5: {  	_ =	swait.ge [sflag:s9], $0x800  }
0xa6: {  	[sflag:s9] =	ssyncset.done $0x0  }
0xa7: {  	[sflag:s9] =	ssyncadd.s32 $0xFFFFF800  }
0xa8: {  	_ =	swait.ge [sflag:s9], $0x800  }
0xa9: {  	[sflag:s9] =	ssyncset.done $0x0  }
0xaa: {  	[sflag:s9] =	ssyncadd.s32 $0xFFFFF800  }
0xab: {  	_ =	swait.ge [sflag:s9], $0x800  }
0xac: {  	[sflag:s9] =	ssyncset.done $0x0  }
0xad: {  	[sflag:s9] =	ssyncadd.s32 $0xFFFFF800  }
0xae: {  	_ =	swait.ge [sflag:s9], $0x800  }
0xaf: {  	[sflag:s9] =	ssyncset.done $0x0  }
0xb0: {  	[sflag:s9] =	ssyncadd.s32 $0xFFFFF800  }
0xb1: {  	_ =	swait.ge [sflag:s9], $0x800  }
0xb2: {  	[sflag:s9] =	ssyncset.done $0x0  }
0xb3: {  	[sflag:s9] =	ssyncadd.s32 $0xFFFFF800  }
0xb4: {  	_ =	swait.ge [sflag:s9], $0x800  }
0xb5: {  	[sflag:s9] =	ssyncset.done $0x0  }
0xb6: {  	[sflag:s9] =	ssyncadd.s32 $0xFFFFF800  }
0xb7: {  	_ =	swait.ge [sflag:s9], $0x800  }
0xb8: {  	[sflag:s9] =	ssyncset.done $0x0  }
0xb9: {  	[sflag:s9] =	ssyncadd.s32 $0xFFFFF800  }
0xba: {  	_ =	swait.ge [sflag:s9], $0x800  }
0xbb: {  	[sflag:s9] =	ssyncset.done $0x0  }
0xbc: {  	[sflag:s9] =	ssyncadd.s32 $0xFFFFF800  }
0xbd: {  	_ =	swait.ge [sflag:s9], $0x800  }
0xbe: {  	[sflag:s9] =	ssyncset.done $0x0  }
0xbf: {  	[sflag:s9] =	ssyncadd.s32 $0xFFFFF800  }
0xc0: {  	_ =	swait.ge [sflag:s9], $0x800  }
0xc1: {  	[sflag:s9] =	ssyncset.done $0x0  }
0xc2: {  	[sflag:s9] =	ssyncadd.s32 $0xFFFFF800  }
0xc3: {  	_ =	swait.ge [sflag:s9], $0x800  }
0xc4: {  	[sflag:s9] =	ssyncset.done $0x0  }
0xc5: {  	[sflag:s9] =	ssyncadd.s32 $0xFFFFF800  }
0xc6: {  	_ =	swait.ge [sflag:s9], $0x800  }
0xc7: {  	[sflag:s9] =	ssyncset.done $0x0  }
0xc8: {  	[sflag:s9] =	ssyncadd.s32 $0xFFFFF800  }
0xc9: {  	_ =	swait.ge [sflag:s9], $0x800  }
0xca: {  	[sflag:s9] =	ssyncset.done $0x0  }
0xcb: {  	[sflag:s9] =	ssyncadd.s32 $0xFFFFF800  }
0xcc: {  	_ =	swait.ge [sflag:s9], $0x800  }
0xcd: {  	[sflag:s9] =	ssyncset.done $0x0  }
0xce: {  	[sflag:s9] =	ssyncadd.s32 $0xFFFFF800  }
0xcf: {  	_ =	swait.ge [sflag:s9], $0x800  }
0xd0: {  	[sflag:s9] =	ssyncset.done $0x0  }
0xd1: {  	[sflag:s9] =	ssyncadd.s32 $0xFFFFF800  }
0xd2: {  	_ =	swait.ge [sflag:s9], $0x800  }
0xd3: {  	[sflag:s9] =	ssyncset.done $0x0  }
0xd4: {  	[sflag:s9] =	ssyncadd.s32 $0xFFFFF800  }
0xd5: {  	_ =	swait.ge [sflag:s9], $0x800  }
0xd6: {  	[sflag:s9] =	ssyncset.done $0x0  }
0xd7: {  	[sflag:s9] =	ssyncadd.s32 $0xFFFFF800  }
0xd8: {  	_ =	swait.ge [sflag:s9], $0x800  }
0xd9: {  	[sflag:s9] =	ssyncset.done $0x0  }
0xda: {  	[sflag:s9] =	ssyncadd.s32 $0xFFFFF800  }
0xdb: {  	_ =	swait.ge [sflag:s9], $0x800  }
0xdc: {  	[sflag:s9] =	ssyncset.done $0x0  }
0xdd: {  	[sflag:s9] =	ssyncadd.s32 $0xFFFFF800  }
0xde: {  	_ =	swait.ge [sflag:s9], $0x800  }
0xdf: {  	[sflag:s9] =	ssyncset.done $0x0  }
0xe0: {  	[sflag:s9] =	ssyncadd.s32 $0xFFFFF800  }
0xe1: {  	_ =	swait.ge [sflag:s9], $0x800  }
0xe2: {  	[sflag:s9] =	ssyncset.done $0x0  }
0xe3: {  	[sflag:s9] =	ssyncadd.s32 $0xFFFFF800  }
0xe4: {  	_ =	swait.ge [sflag:s9], $0x800  }
0xe5: {  	[sflag:s9] =	ssyncset.done $0x0  }
0xe6: {  	[sflag:s9] =	ssyncadd.s32 $0xFFFFF800  }
0xe7: {  	_ =	swait.ge [sflag:s9], $0x800  }
0xe8: {  	[sflag:s9] =	ssyncset.done $0x0  }
0xe9: {  	[sflag:s9] =	ssyncadd.s32 $0xFFFFF800  }
0xea: {  	_ =	swait.ge [sflag:s9], $0x800  }
0xeb: {  	[sflag:s9] =	ssyncset.done $0x0  }
0xec: {  	[sflag:s9] =	ssyncadd.s32 $0xFFFFF800  }
0xed: {  	_ =	swait.ge [sflag:s9], $0x800  }
0xee: {  	[sflag:s9] =	ssyncset.done $0x0  }
0xef: {  	[sflag:s9] =	ssyncadd.s32 $0xFFFFF800  }
0xf0: {  	_ =	swait.ge [sflag:s9], $0x800  }
0xf1: {  	s16 =	smul.u32 $0xE00, s15;
	[sflag:s9] =	ssyncset.done $0x0  }
0xf2: {  	[sflag:s9] =	ssyncadd.s32 $0xFFFFF800  }
0xf3: {  	s20 =	sadd.s32 s16, s13;
	_ =	swait.ge [sflag:s9], $0x800  }
0xf4: {  	s17 =	sshrl.u32 s20, $0x3;
	[sflag:s9] =	ssyncset.done $0x0  }
0xf5: {  	s20 =	simm.s32 $0x0;
	s18 =	sadd.s32 s1, s17;
	[sflag:s9] =	ssyncadd.s32 $0xFFFFF800  }
0xf6: {  	[tilespmem:s20], [sflag:$0x1] =	stream.linear.gather [hbm4b:s18+s20], $0x700, $0x38;
	[tilespmem:$0x1EB20] =	vst v63  }
0xf7: {  	s25 =	sadd.s32 s2, s17  }
0xf8: {  	[tilespmem:s21], [sflag:$0x1] =	stream.linear.gather [hbm4b:s25+s20], $0x700, $0x38;
	[tilespmem:$0x1EB20] =	vst v63  }
0xf9: {  	_ =	swait.ge [sflag:s10], $0x700  }
0xfa: {  	[sflag:s10] =	ssyncset.done $0x0  }
0xfb: {  	s20 =	simm.s32 $0x1C00;
	[sflag:s10] =	ssyncadd.s32 $0xFFFFF900  }
0xfc: {  	s25 =	simm.s32 $0x0;
	v8 =	vld [tilespmem:s20+$0x0]  }
0xfd: {  	v9 =	vld [tilespmem:s25+$0x10AC0]  }
0xfe: {  	v10 =	vld [tilespmem:s25+$0x2AC0]  }
0xff: {  	v12 =	vld [tilespmem:s25+$0x10AA0]  }
0x100: {  	v11 =	vld [tilespmem:s25+$0x10AB0]  }
0x101: {  	v14 =	vld [tilespmem:s25+$0x2AA0]  }
0x102: {  	v13 =	vld [tilespmem:s25+$0x10A40]  }
0x103: {  	v15 =	vld [tilespmem:s25+$0x2A40]  }
0x104: {  	v16 =	vld [tilespmem:s25+$0x2AB0]  }
0x105: {  	v17 =	vld [tilespmem:s25+$0x10A30]  }
0x106: {  	v18 =	vld [tilespmem:s25+$0x10A90]  }
0x107: {  	v19 =	vld [tilespmem:s25+$0x10AD0]  }
0x108: {  	v20 =	vld [tilespmem:s25+$0x2A90]  }
0x109: {  	v21 =	vld [tilespmem:s25+$0x2AD0]  }
0x10a: {  	v24 =	vld [tilespmem:s25+$0x10A70];
	v22 =	vmul.f32 v9, v10;
	v23 =	vbroadcast v8, $0x4  }
0x10b: {  	v27 =	vld [tilespmem:s25+$0x10A60];
	v25 =	vbroadcast v8, $0xC;
	v13 =	vmul.f32 v13, v15  }
0x10c: {  	v29 =	vld [tilespmem:s25+$0x2A30];
	v26 =	vbroadcast v8, $0x7;
	v9 =	vbroadcast v8, $0x0  }
0x10d: {  	v15 =	vld [tilespmem:s25+$0x2A70];
	v28 =	vmul.f32 v11, v16;
	v10 =	vbroadcast v8, $0x1  }
0x10e: {  	v11 =	vld [tilespmem:s25+$0x2A60];
	v19 =	vmul.f32 v19, v21;
	v21 =	vbroadcast v8, $0x2  }
0x10f: {  	v31 =	vbroadcast v8, $0x6;
	v16 =	vmul.f32 v13, v23;
	v13 =	vld [tilespmem:s25+$0x10A50]  }
0x110: {  	v32 =	vbroadcast v8, $0xA;
	v61 =	vbroadcast v8, $0x3;
	v23 =	vld [tilespmem:s25+$0x2A50]  }
0x111: {  	v30 =	vld [tilespmem:s25+$0x10A20];
	v17 =	vmul.f32 v17, v29;
	v20 =	vmul.f32 v18, v20  }
0x112: {  	v33 =	vld [tilespmem:s25+$0x10AE0];
	v12 =	vmul.f32 v12, v14;
	v15 =	vmul.f32 v24, v15  }
0x113: {  	v62 =	vld [tilespmem:s25+$0x2AF0];
	v22 =	vmul.f32 v22, v25;
	v14 =	vmul.f32 v17, v61  }
0x114: {  	v27 =	vmul.f32 v27, v11;
	v11 =	vmul.f32 v15, v26;
	v15 =	vld [tilespmem:s25+$0x2A20]  }
0x115: {  	v17 =	vld [tilespmem:s25+$0x10A10];
	v26 =	vbroadcast v8, $0x5;
	v23 =	vmul.f32 v13, v23  }
0x116: {  	v24 =	vbroadcast v8, $0xB;
	v13 =	vmul.f32 v27, v31;
	v27 =	vld [tilespmem:s25+$0x10AF0]  }
0x117: {  	v7 =	vadd.f32 v16, v7;
	v18 =	vmul.f32 v23, v26;
	v26 =	vld [tilespmem:s25+$0x2AE0];
	v23 =	vbroadcast v8, $0xD  }
0x118: {  	v25 =	vbroadcast v8, $0x9;
	v16 =	vld [tilespmem:s25+$0x10A00];
	v5 =	vadd.f32 v14, v5;
	v14 =	vmul.f32 v28, v24  }
0x119: {  	v7 =	vadd.f32 v22, v7;
	v63 =	vmul.f32 v19, v23;
	v19 =	vld [tilespmem:s25+$0x2A10];
	v22 =	vmul.f32 v30, v15  }
0x11a: {  	v6 =	vadd.f32 v18, v6;
	v23 =	vld [tilespmem:s25+$0x2A00];
	v15 =	vmul.f32 v12, v32;
	v12 =	vmul.f32 v20, v25  }
0x11b: {  	v5 =	vadd.f32 v14, v5;
	v20 =	vld [tilespmem:s25+$0x2A80];
	v25 =	vbroadcast v8, $0xE;
	v18 =	vmul.f32 v22, v21  }
0x11c: {  	s18 =	simm.s32 $0x400;
	s20 =	simm.s32 $0x1C10;
	v6 =	vadd.f32 v63, v6;
	v24 =	vmul.f32 v33, v26;
	v21 =	vmul.f32 v27, v62;
	v22 =	vld [tilespmem:s25+$0x10A80]  }
.LBB2_3:
0x11d: {  	v14 =	vld [tilespmem:s20+$0x0];
	s25 =	sshra.s32 s18, $0x2;
	p1 =	sne.s32 s18, $0x1BC00;
	s18 =	sadd.s32 $0x400, s18;
	v4 =	vadd.f32 v18, v4  }
0x11e: {  	v3 =	vadd.f32 v13, v3;
	v18 =	vld [tilespmem:s25+$0x10AC0];
	v13 =	vmul.f32 v24, v25  }
0x11f: {  	v17 =	vmul.f32 v17, v19;
	v24 =	vld [tilespmem:s25+$0x2AC0];
	v16 =	vmul.f32 v16, v23;
	v4 =	vadd.f32 v15, v4  }
0x120: {  	v19 =	vbroadcast v8, $0x8;
	v23 =	vbroadcast v8, $0xF;
	v15 =	vld [tilespmem:s25+$0x10AA0];
	v3 =	vadd.f32 v13, v3  }
0x121: {  	v10 =	vmul.f32 v17, v10;
	v13 =	vld [tilespmem:s25+$0x10AB0];
	v9 =	vmul.f32 v16, v9  }
0x122: {  	v2 =	vadd.f32 v11, v2;
	v11 =	vmul.f32 v22, v20;
	v16 =	vmul.f32 v21, v23;
	v17 =	vld [tilespmem:s25+$0x2AA0];
	v8 =	vmovc v14  }
0x123: {  	v0 =	vadd.f32 v10, v0;
	v14 =	vld [tilespmem:s25+$0x10A40];
	v1 =	vadd.f32 v9, v1  }
0x124: {  	v10 =	vmul.f32 v11, v19;
	v9 =	vld [tilespmem:s25+$0x2A40];
	v18 =	vmul.f32 v18, v24  }
0x125: {  	v2 =	vadd.f32 v16, v2;
	v0 =	vadd.f32 v12, v0;
	v11 =	vld [tilespmem:s25+$0x2AB0]  }
0x126: {  	v1 =	vadd.f32 v10, v1;
	v12 =	vld [tilespmem:s25+$0x10A30]  }
0x127: {  	v16 =	vld [tilespmem:s25+$0x10A90]  }
0x128: {  	v19 =	vbroadcast v8, $0x4;
	v20 =	vbroadcast v8, $0xC;
	v21 =	vld [tilespmem:s25+$0x10AD0]  }
0x129: {  	v22 =	vbroadcast v8, $0x7;
	v14 =	vmul.f32 v14, v9;
	v23 =	vld [tilespmem:s25+$0x2A90]  }
0x12a: {  	v9 =	vbroadcast v8, $0x0;
	v24 =	vmul.f32 v13, v11;
	v11 =	vld [tilespmem:s25+$0x2AD0]  }
0x12b: {  	v10 =	vbroadcast v8, $0x1;
	v13 =	vmul.f32 v14, v19;
	v14 =	vld [tilespmem:s25+$0x10A70]  }
0x12c: {  	v19 =	vld [tilespmem:s25+$0x2A70]  }
0x12d: {  	v18 =	vmul.f32 v18, v20;
	v7 =	vadd.f32 v13, v7;
	v13 =	vld [tilespmem:s25+$0x10A60]  }
0x12e: {  	v20 =	vld [tilespmem:s25+$0x2A60]  }
0x12f: {  	v25 =	vld [tilespmem:s25+$0x10A50];
	v7 =	vadd.f32 v18, v7;
	v18 =	vmul.f32 v21, v11  }
0x130: {  	v27 =	vbroadcast v8, $0x9;
	v21 =	vbroadcast v8, $0x2;
	v26 =	vld [tilespmem:s25+$0x2A50]  }
0x131: {  	v28 =	vld [tilespmem:s25+$0x2A30];
	v11 =	vmul.f32 v14, v19;
	v14 =	vbroadcast v8, $0xB  }
0x132: {  	v29 =	vbroadcast v8, $0x6;
	v30 =	vbroadcast v8, $0xA;
	v19 =	vld [tilespmem:s25+$0x10A20]  }
0x133: {  	v13 =	vmul.f32 v13, v20;
	v11 =	vmul.f32 v11, v22;
	v22 =	vld [tilespmem:s25+$0x10AE0]  }
0x134: {  	v31 =	vbroadcast v8, $0x3;
	v32 =	vbroadcast v8, $0x5;
	v20 =	vld [tilespmem:s25+$0x2A20]  }
0x135: {  	v25 =	vmul.f32 v25, v26;
	v13 =	vmul.f32 v13, v29;
	v26 =	vld [tilespmem:s25+$0x10AF0]  }
0x136: {  	v12 =	vmul.f32 v12, v28;
	v28 =	vmul.f32 v16, v23;
	v29 =	vld [tilespmem:s25+$0x2AF0]  }
0x137: {  	v23 =	vmul.f32 v25, v32;
	v25 =	vbroadcast v8, $0xD;
	v32 =	vld [tilespmem:s25+$0x2AE0]  }
0x138: {  	v15 =	vmul.f32 v15, v17;
	v16 =	vld [tilespmem:s25+$0x10A00];
	v12 =	vmul.f32 v12, v31  }
.Ltmp0:
0x139: {  	v17 =	vld [tilespmem:s25+$0x10A10];
	v20 =	vmul.f32 v19, v20;
	v6 =	vadd.f32 v23, v6;
	v25 =	vmul.f32 v18, v25;
	(pc) =	sbr.rel @p1 .LBB2_3-.Ltmp0, $4  }
0x13a: {  	v15 =	vmul.f32 v15, v30;
	v14 =	vmul.f32 v24, v14;
	v19 =	vld [tilespmem:s25+$0x2A10];
	v5 =	vadd.f32 v12, v5  }
0x13b: {  	v12 =	vmul.f32 v28, v27;
	v23 =	vld [tilespmem:s25+$0x2A00];
	v18 =	vmul.f32 v20, v21;
	v6 =	vadd.f32 v25, v6  }
0x13c: {  	v21 =	vmul.f32 v26, v29;
	v20 =	vld [tilespmem:s25+$0x2A80];
	v5 =	vadd.f32 v14, v5;
	v24 =	vmul.f32 v22, v32  }
0x13d: {  	s20 =	sadd.s32 $0x10, s20;
	v25 =	vbroadcast v8, $0xE;
	v22 =	vld [tilespmem:s25+$0x10A80]  }
0x13e: {  	s17 =	sadd.s32 s0, s17;
	s18 =	simm.s32 $0x0;
	s20 =	simm.s32 $0x1C00  }
0x13f: {  	[tilespmem:s20], [sflag:$0x3] =	stream.linear.gather [hbm4b:s17+s18], $0x700, $0x38;
	[tilespmem:$0x1EB20] =	vst v63  }
0x140: {  	_ =	swait.ge [sflag:s26], $0x700  }
0x141: {  	[sflag:s26] =	ssyncset.done $0x0  }
0x142: {  	[sflag:s26] =	ssyncadd.s32 $0xFFFFF900  }
0x143: {  	_ =	swait.ge [sflag:s26], $0x700  }
0x144: {  	[sflag:s26] =	ssyncset.done $0x0  }
0x145: {  	s20 =	simm.s32 $0x2A00;
	[sflag:s26] =	ssyncadd.s32 $0xFFFFF900  }
0x146: {  	[tilespmem:s20], [sflag:$0x5] =	stream.indirect.gather [hbm4b:s6+s28], $0x10, s18, s28, $0xb8;
	[tilespmem:$0x1EB20] =	vst v63  }
0x147: {  	s25 =	simm.s32 $0x10A00  }
0x148: {  	[tilespmem:s25], [sflag:$0x5] =	stream.indirect.gather [hbm4b:s6+s28], $0x10, s21, s28, $0xb8;
	[tilespmem:$0x1EB20] =	vst v63  }
0x149: {  	s18 =	simm.s32 $0x3200  }
0x14a: {  	[tilespmem:s18], [sflag:$0x5] =	stream.indirect.gather [hbm4b:s6+s28], $0x10, s28, s28, $0xb8;
	[tilespmem:$0x1EB20] =	vst v63  }
0x14b: {  	s20 =	simm.s32 $0xE80;
	s25 =	simm.s32 $0x11200  }
0x14c: {  	[tilespmem:s25], [sflag:$0x5] =	stream.indirect.gather [hbm4b:s6+s28], $0x10, s20, s28, $0xb8;
	[tilespmem:$0x1EB20] =	vst v63  }
0x14d: {  	s20 =	simm.s32 $0x100;
	s25 =	simm.s32 $0x3A00  }
0x14e: {  	[tilespmem:s25], [sflag:$0x5] =	stream.indirect.gather [hbm4b:s6+s28], $0x10, s20, s28, $0xb8;
	[tilespmem:$0x1EB20] =	vst v63  }
0x14f: {  	s20 =	simm.s32 $0xF00;
	s25 =	simm.s32 $0x11A00  }
0x150: {  	[tilespmem:s25], [sflag:$0x5] =	stream.indirect.gather [hbm4b:s6+s28], $0x10, s20, s28, $0xb8;
	[tilespmem:$0x1EB20] =	vst v63  }
0x151: {  	s20 =	simm.s32 $0x180;
	s25 =	simm.s32 $0x4200  }
0x152: {  	[tilespmem:s25], [sflag:$0x5] =	stream.indirect.gather [hbm4b:s6+s28], $0x10, s20, s28, $0xb8;
	[tilespmem:$0x1EB20] =	vst v63  }
0x153: {  	s20 =	simm.s32 $0xF80;
	s25 =	simm.s32 $0x12200  }
0x154: {  	[tilespmem:s25], [sflag:$0x5] =	stream.indirect.gather [hbm4b:s6+s28], $0x10, s20, s28, $0xb8;
	[tilespmem:$0x1EB20] =	vst v63  }
0x155: {  	s20 =	simm.s32 $0x200;
	s25 =	simm.s32 $0x4A00  }
0x156: {  	[tilespmem:s25], [sflag:$0x5] =	stream.indirect.gather [hbm4b:s6+s28], $0x10, s20, s28, $0xb8;
	[tilespmem:$0x1EB20] =	vst v63  }
0x157: {  	s20 =	simm.s32 $0x1000;
	s25 =	simm.s32 $0x12A00  }
0x158: {  	[tilespmem:s25], [sflag:$0x5] =	stream.indirect.gather [hbm4b:s6+s28], $0x10, s20, s28, $0xb8;
	[tilespmem:$0x1EB20] =	vst v63  }
0x159: {  	s20 =	simm.s32 $0x280;
	s25 =	simm.s32 $0x5200  }
0x15a: {  	[tilespmem:s25], [sflag:$0x5] =	stream.indirect.gather [hbm4b:s6+s28], $0x10, s20, s28, $0xb8;
	[tilespmem:$0x1EB20] =	vst v63  }
0x15b: {  	s20 =	simm.s32 $0x1080;
	s25 =	simm.s32 $0x13200  }
0x15c: {  	[tilespmem:s25], [sflag:$0x5] =	stream.indirect.gather [hbm4b:s6+s28], $0x10, s20, s28, $0xb8;
	[tilespmem:$0x1EB20] =	vst v63  }
0x15d: {  	s20 =	simm.s32 $0x300;
	s25 =	simm.s32 $0x5A00  }
0x15e: {  	[tilespmem:s25], [sflag:$0x5] =	stream.indirect.gather [hbm4b:s6+s28], $0x10, s20, s28, $0xb8;
	[tilespmem:$0x1EB20] =	vst v63  }
0x15f: {  	s20 =	simm.s32 $0x1100;
	s25 =	simm.s32 $0x13A00  }
0x160: {  	[tilespmem:s25], [sflag:$0x5] =	stream.indirect.gather [hbm4b:s6+s28], $0x10, s20, s28, $0xb8;
	[tilespmem:$0x1EB20] =	vst v63  }
0x161: {  	s20 =	simm.s32 $0x380;
	s25 =	simm.s32 $0x6200  }
0x162: {  	[tilespmem:s25], [sflag:$0x5] =	stream.indirect.gather [hbm4b:s6+s28], $0x10, s20, s28, $0xb8;
	[tilespmem:$0x1EB20] =	vst v63  }
0x163: {  	s20 =	simm.s32 $0x1180;
	s25 =	simm.s32 $0x14200  }
0x164: {  	[tilespmem:s25], [sflag:$0x5] =	stream.indirect.gather [hbm4b:s6+s28], $0x10, s20, s28, $0xb8;
	[tilespmem:$0x1EB20] =	vst v63  }
0x165: {  	s20 =	simm.s32 $0x400;
	s25 =	simm.s32 $0x6A00  }
0x166: {  	[tilespmem:s25], [sflag:$0x5] =	stream.indirect.gather [hbm4b:s6+s28], $0x10, s20, s28, $0xb8;
	[tilespmem:$0x1EB20] =	vst v63  }
0x167: {  	s20 =	simm.s32 $0x1200;
	s25 =	simm.s32 $0x14A00  }
0x168: {  	[tilespmem:s25], [sflag:$0x5] =	stream.indirect.gather [hbm4b:s6+s28], $0x10, s20, s28, $0xb8;
	[tilespmem:$0x1EB20] =	vst v63  }
0x169: {  	s20 =	simm.s32 $0x480;
	s25 =	simm.s32 $0x7200  }
0x16a: {  	[tilespmem:s25], [sflag:$0x5] =	stream.indirect.gather [hbm4b:s6+s28], $0x10, s20, s28, $0xb8;
	[tilespmem:$0x1EB20] =	vst v63  }
0x16b: {  	s20 =	simm.s32 $0x1280;
	s25 =	simm.s32 $0x15200  }
0x16c: {  	[tilespmem:s25], [sflag:$0x5] =	stream.indirect.gather [hbm4b:s6+s28], $0x10, s20, s28, $0xb8;
	[tilespmem:$0x1EB20] =	vst v63  }
0x16d: {  	s20 =	simm.s32 $0x500;
	s25 =	simm.s32 $0x7A00  }
0x16e: {  	[tilespmem:s25], [sflag:$0x5] =	stream.indirect.gather [hbm4b:s6+s28], $0x10, s20, s28, $0xb8;
	[tilespmem:$0x1EB20] =	vst v63  }
0x16f: {  	s20 =	simm.s32 $0x1300;
	s25 =	simm.s32 $0x15A00  }
0x170: {  	[tilespmem:s25], [sflag:$0x5] =	stream.indirect.gather [hbm4b:s6+s28], $0x10, s20, s28, $0xb8;
	[tilespmem:$0x1EB20] =	vst v63  }
0x171: {  	s20 =	simm.s32 $0x580;
	s25 =	simm.s32 $0x8200  }
0x172: {  	[tilespmem:s25], [sflag:$0x5] =	stream.indirect.gather [hbm4b:s6+s28], $0x10, s20, s28, $0xb8;
	[tilespmem:$0x1EB20] =	vst v63  }
0x173: {  	s20 =	simm.s32 $0x1380;
	s25 =	simm.s32 $0x16200  }
0x174: {  	[tilespmem:s25], [sflag:$0x5] =	stream.indirect.gather [hbm4b:s6+s28], $0x10, s20, s28, $0xb8;
	[tilespmem:$0x1EB20] =	vst v63  }
0x175: {  	s20 =	simm.s32 $0x600;
	s25 =	simm.s32 $0x8A00  }
0x176: {  	[tilespmem:s25], [sflag:$0x5] =	stream.indirect.gather [hbm4b:s6+s28], $0x10, s20, s28, $0xb8;
	[tilespmem:$0x1EB20] =	vst v63  }
0x177: {  	s20 =	simm.s32 $0x1400;
	s25 =	simm.s32 $0x16A00  }
0x178: {  	[tilespmem:s25], [sflag:$0x5] =	stream.indirect.gather [hbm4b:s6+s28], $0x10, s20, s28, $0xb8;
	[tilespmem:$0x1EB20] =	vst v63  }
0x179: {  	s20 =	simm.s32 $0x680;
	s25 =	simm.s32 $0x9200  }
0x17a: {  	[tilespmem:s25], [sflag:$0x5] =	stream.indirect.gather [hbm4b:s6+s28], $0x10, s20, s28, $0xb8;
	[tilespmem:$0x1EB20] =	vst v63  }
0x17b: {  	s20 =	simm.s32 $0x1480;
	s25 =	simm.s32 $0x17200  }
0x17c: {  	[tilespmem:s25], [sflag:$0x5] =	stream.indirect.gather [hbm4b:s6+s28], $0x10, s20, s28, $0xb8;
	[tilespmem:$0x1EB20] =	vst v63  }
0x17d: {  	_ =	swait.ge [sflag:s11], $0x800  }
0x17e: {  	[sflag:s11] =	ssyncset.done $0x0  }
0x17f: {  	[sflag:s11] =	ssyncadd.s32 $0xFFFFF800  }
0x180: {  	_ =	swait.ge [sflag:s11], $0x800  }
0x181: {  	[sflag:s11] =	ssyncset.done $0x0  }
0x182: {  	[sflag:s11] =	ssyncadd.s32 $0xFFFFF800  }
0x183: {  	_ =	swait.ge [sflag:s11], $0x800  }
0x184: {  	[sflag:s11] =	ssyncset.done $0x0  }
0x185: {  	[sflag:s11] =	ssyncadd.s32 $0xFFFFF800  }
0x186: {  	_ =	swait.ge [sflag:s11], $0x800  }
0x187: {  	[sflag:s11] =	ssyncset.done $0x0  }
0x188: {  	[sflag:s11] =	ssyncadd.s32 $0xFFFFF800  }
0x189: {  	_ =	swait.ge [sflag:s11], $0x800  }
0x18a: {  	[sflag:s11] =	ssyncset.done $0x0  }
0x18b: {  	[sflag:s11] =	ssyncadd.s32 $0xFFFFF800  }
0x18c: {  	_ =	swait.ge [sflag:s11], $0x800  }
0x18d: {  	[sflag:s11] =	ssyncset.done $0x0  }
0x18e: {  	[sflag:s11] =	ssyncadd.s32 $0xFFFFF800  }
0x18f: {  	_ =	swait.ge [sflag:s11], $0x800  }
0x190: {  	[sflag:s11] =	ssyncset.done $0x0  }
0x191: {  	[sflag:s11] =	ssyncadd.s32 $0xFFFFF800  }
0x192: {  	_ =	swait.ge [sflag:s11], $0x800  }
0x193: {  	[sflag:s11] =	ssyncset.done $0x0  }
0x194: {  	[sflag:s11] =	ssyncadd.s32 $0xFFFFF800  }
0x195: {  	_ =	swait.ge [sflag:s11], $0x800  }
0x196: {  	[sflag:s11] =	ssyncset.done $0x0  }
0x197: {  	[sflag:s11] =	ssyncadd.s32 $0xFFFFF800  }
0x198: {  	_ =	swait.ge [sflag:s11], $0x800  }
0x199: {  	[sflag:s11] =	ssyncset.done $0x0  }
0x19a: {  	[sflag:s11] =	ssyncadd.s32 $0xFFFFF800  }
0x19b: {  	_ =	swait.ge [sflag:s11], $0x800  }
0x19c: {  	[sflag:s11] =	ssyncset.done $0x0  }
0x19d: {  	[sflag:s11] =	ssyncadd.s32 $0xFFFFF800  }
0x19e: {  	_ =	swait.ge [sflag:s11], $0x800  }
0x19f: {  	[sflag:s11] =	ssyncset.done $0x0  }
0x1a0: {  	[sflag:s11] =	ssyncadd.s32 $0xFFFFF800  }
0x1a1: {  	_ =	swait.ge [sflag:s11], $0x800  }
0x1a2: {  	[sflag:s11] =	ssyncset.done $0x0  }
0x1a3: {  	[sflag:s11] =	ssyncadd.s32 $0xFFFFF800  }
0x1a4: {  	_ =	swait.ge [sflag:s11], $0x800  }
0x1a5: {  	[sflag:s11] =	ssyncset.done $0x0  }
0x1a6: {  	[sflag:s11] =	ssyncadd.s32 $0xFFFFF800  }
0x1a7: {  	_ =	swait.ge [sflag:s11], $0x800  }
0x1a8: {  	[sflag:s11] =	ssyncset.done $0x0  }
0x1a9: {  	[sflag:s11] =	ssyncadd.s32 $0xFFFFF800  }
0x1aa: {  	_ =	swait.ge [sflag:s11], $0x800  }
0x1ab: {  	[sflag:s11] =	ssyncset.done $0x0  }
0x1ac: {  	[sflag:s11] =	ssyncadd.s32 $0xFFFFF800  }
0x1ad: {  	_ =	swait.ge [sflag:s11], $0x800  }
0x1ae: {  	[sflag:s11] =	ssyncset.done $0x0  }
0x1af: {  	[sflag:s11] =	ssyncadd.s32 $0xFFFFF800  }
0x1b0: {  	_ =	swait.ge [sflag:s11], $0x800  }
0x1b1: {  	[sflag:s11] =	ssyncset.done $0x0  }
0x1b2: {  	[sflag:s11] =	ssyncadd.s32 $0xFFFFF800  }
0x1b3: {  	_ =	swait.ge [sflag:s11], $0x800  }
0x1b4: {  	[sflag:s11] =	ssyncset.done $0x0  }
0x1b5: {  	[sflag:s11] =	ssyncadd.s32 $0xFFFFF800  }
0x1b6: {  	_ =	swait.ge [sflag:s11], $0x800  }
0x1b7: {  	[sflag:s11] =	ssyncset.done $0x0  }
0x1b8: {  	[sflag:s11] =	ssyncadd.s32 $0xFFFFF800  }
0x1b9: {  	_ =	swait.ge [sflag:s11], $0x800  }
0x1ba: {  	[sflag:s11] =	ssyncset.done $0x0  }
0x1bb: {  	[sflag:s11] =	ssyncadd.s32 $0xFFFFF800  }
0x1bc: {  	_ =	swait.ge [sflag:s11], $0x800  }
0x1bd: {  	[sflag:s11] =	ssyncset.done $0x0  }
0x1be: {  	[sflag:s11] =	ssyncadd.s32 $0xFFFFF800  }
0x1bf: {  	_ =	swait.ge [sflag:s11], $0x800  }
0x1c0: {  	[sflag:s11] =	ssyncset.done $0x0  }
0x1c1: {  	[sflag:s11] =	ssyncadd.s32 $0xFFFFF800  }
0x1c2: {  	_ =	swait.ge [sflag:s11], $0x800  }
0x1c3: {  	[sflag:s11] =	ssyncset.done $0x0  }
0x1c4: {  	[sflag:s11] =	ssyncadd.s32 $0xFFFFF800  }
0x1c5: {  	_ =	swait.ge [sflag:s11], $0x800  }
0x1c6: {  	[sflag:s11] =	ssyncset.done $0x0  }
0x1c7: {  	[sflag:s11] =	ssyncadd.s32 $0xFFFFF800  }
0x1c8: {  	_ =	swait.ge [sflag:s11], $0x800  }
0x1c9: {  	[sflag:s11] =	ssyncset.done $0x0  }
0x1ca: {  	[sflag:s11] =	ssyncadd.s32 $0xFFFFF800  }
0x1cb: {  	_ =	swait.ge [sflag:s11], $0x800  }
0x1cc: {  	[sflag:s11] =	ssyncset.done $0x0  }
0x1cd: {  	[sflag:s11] =	ssyncadd.s32 $0xFFFFF800  }
0x1ce: {  	_ =	swait.ge [sflag:s11], $0x800  }
0x1cf: {  	[sflag:s11] =	ssyncset.done $0x0  }
0x1d0: {  	[sflag:s11] =	ssyncadd.s32 $0xFFFFF800  }
0x1d1: {  	_ =	swait.ge [sflag:s12], $0x700  }
0x1d2: {  	[sflag:s12] =	ssyncset.done $0x0  }
0x1d3: {  	s20 =	simm.s32 $0x2300;
	[sflag:s12] =	ssyncadd.s32 $0xFFFFF900  }
0x1d4: {  	s25 =	simm.s32 $0x0;
	v14 =	vld [tilespmem:s20+$0x0]  }
0x1d5: {  	v26 =	vld [tilespmem:s25+$0x17AC0]  }
0x1d6: {  	v27 =	vld [tilespmem:s25+$0x9AC0]  }
0x1d7: {  	v29 =	vld [tilespmem:s25+$0x17AB0]  }
0x1d8: {  	v31 =	vld [tilespmem:s25+$0x17A40]  }
0x1d9: {  	v32 =	vld [tilespmem:s25+$0x9A40]  }
0x1da: {  	v33 =	vld [tilespmem:s25+$0x9AB0]  }
0x1db: {  	v24 =	vmul.f32 v24, v25;
	v17 =	vmul.f32 v17, v19;
	v25 =	vld [tilespmem:s25+$0x17AD0]  }
0x1dc: {  	v19 =	vbroadcast v8, $0x8;
	v20 =	vmul.f32 v22, v20;
	v22 =	vld [tilespmem:s25+$0x9AD0]  }
0x1dd: {  	v17 =	vmul.f32 v17, v10;
	v10 =	vld [tilespmem:s25+$0x17A70]  }
0x1de: {  	v8 =	vbroadcast v8, $0xF;
	v19 =	vmul.f32 v20, v19;
	v20 =	vld [tilespmem:s25+$0x9A70]  }
0x1df: {  	v16 =	vmul.f32 v16, v23;
	v57 =	vld [tilespmem:s25+$0x17A60]  }
0x1e0: {  	v21 =	vmul.f32 v21, v8;
	v58 =	vld [tilespmem:s25+$0x9A60]  }
0x1e1: {  	v4 =	vadd.f32 v18, v4;
	v16 =	vmul.f32 v16, v9;
	v28 =	vld [tilespmem:s25+$0x17AA0];
	v8 =	vbroadcast v14, $0x4  }
0x1e2: {  	v13 =	vadd.f32 v13, v3;
	v23 =	vld [tilespmem:s25+$0x17A30];
	v9 =	vmul.f32 v31, v32;
	v26 =	vmul.f32 v26, v27  }
0x1e3: {  	v2 =	vadd.f32 v11, v2;
	v35 =	vld [tilespmem:s25+$0x17A90];
	v27 =	vbroadcast v14, $0xC;
	v29 =	vmul.f32 v29, v33  }
0x1e4: {  	v3 =	vadd.f32 v15, v4;
	v15 =	vld [tilespmem:s25+$0x9A30];
	v18 =	vbroadcast v14, $0x7;
	v22 =	vmul.f32 v25, v22  }
0x1e5: {  	v4 =	vadd.f32 v24, v13;
	v13 =	vld [tilespmem:s25+$0x9A90];
	v10 =	vmul.f32 v10, v20;
	v20 =	vmul.f32 v57, v58  }
0x1e6: {  	v0 =	vadd.f32 v17, v0;
	v30 =	vld [tilespmem:s25+$0x9AA0];
	v24 =	vbroadcast v14, $0x2;
	v11 =	vbroadcast v14, $0x6  }
0x1e7: {  	v16 =	vadd.f32 v16, v1;
	v34 =	vld [tilespmem:s25+$0x17A50];
	v17 =	vbroadcast v14, $0x9;
	v60 =	vbroadcast v14, $0xB  }
0x1e8: {  	v0 =	vadd.f32 v12, v0;
	v12 =	vbroadcast v14, $0x5;
	v26 =	vmul.f32 v26, v27;
	v27 =	vld [tilespmem:s25+$0x9A50]  }
0x1e9: {  	v1 =	vadd.f32 v21, v2;
	v61 =	vld [tilespmem:s25+$0x17AF0];
	v15 =	vmul.f32 v23, v15;
	v21 =	vbroadcast v14, $0xA  }
0x1ea: {  	v25 =	vld [tilespmem:s25+$0x17A20];
	v62 =	vmul.f32 v35, v13;
	v23 =	vbroadcast v14, $0x3  }
0x1eb: {  	v2 =	vadd.f32 v19, v16;
	v16 =	vbroadcast v14, $0xD;
	v11 =	vmul.f32 v20, v11;
	v20 =	vld [tilespmem:s25+$0x9A20]  }
0x1ec: {  	v63 =	vld [tilespmem:s25+$0x9AF0];
	v28 =	vmul.f32 v28, v30;
	v59 =	vmul.f32 v9, v8  }
0x1ed: {  	v19 =	vld [tilespmem:s25+$0x9A10];
	v10 =	vmul.f32 v10, v18;
	v18 =	vmul.f32 v34, v27  }
0x1ee: {  	v8 =	vbroadcast v14, $0x0;
	v9 =	vbroadcast v14, $0x1;
	v27 =	vld [tilespmem:s25+$0x17AE0]  }
0x1ef: {  	v23 =	vmul.f32 v15, v23;
	v12 =	vmul.f32 v18, v12;
	v18 =	vld [tilespmem:s25+$0x9AE0]  }
0x1f0: {  	v13 =	vld [tilespmem:s25+$0x17A00];
	v22 =	vmul.f32 v22, v16;
	v7 =	vadd.f32 v59, v7;
	v20 =	vmul.f32 v25, v20  }
0x1f1: {  	v15 =	vld [tilespmem:s25+$0x17A10];
	v16 =	vmul.f32 v28, v21;
	v5 =	vadd.f32 v23, v5;
	v25 =	vmul.f32 v29, v60  }
0x1f2: {  	v21 =	vld [tilespmem:s25+$0x9A00];
	v7 =	vadd.f32 v26, v7;
	v23 =	vmul.f32 v20, v24;
	v6 =	vadd.f32 v12, v6  }
0x1f3: {  	v5 =	vadd.f32 v25, v5;
	v20 =	vld [tilespmem:s25+$0x17A80];
	v24 =	vbroadcast v14, $0xE;
	v12 =	vmul.f32 v62, v17  }
0x1f4: {  	s17 =	simm.s32 $0x400;
	s18 =	simm.s32 $0x2310;
	v17 =	vld [tilespmem:s25+$0x9A80];
	v6 =	vadd.f32 v22, v6;
	v22 =	vmul.f32 v27, v18;
	v18 =	vmul.f32 v61, v63  }
.LBB2_5:
0x1f5: {  	v25 =	vld [tilespmem:s18+$0x0];
	s20 =	sshra.s32 s17, $0x2;
	p1 =	sne.s32 s17, $0x1BC00;
	s17 =	sadd.s32 $0x400, s17;
	v3 =	vadd.f32 v23, v3  }
0x1f6: {  	v4 =	vadd.f32 v11, v4;
	v23 =	vld [tilespmem:s20+$0x17AC0];
	v11 =	vmul.f32 v22, v24  }
0x1f7: {  	v15 =	vmul.f32 v15, v19;
	v22 =	vld [tilespmem:s20+$0x9AC0];
	v13 =	vmul.f32 v13, v21;
	v3 =	vadd.f32 v16, v3  }
0x1f8: {  	v19 =	vbroadcast v14, $0x8;
	v16 =	vld [tilespmem:s20+$0x17AA0];
	v4 =	vadd.f32 v11, v4;
	v11 =	vbroadcast v14, $0xF  }
0x1f9: {  	v9 =	vmul.f32 v15, v9;
	v21 =	vld [tilespmem:s20+$0x17AB0];
	v8 =	vmul.f32 v13, v8  }
0x1fa: {  	v1 =	vadd.f32 v10, v1;
	v10 =	vmul.f32 v20, v17;
	v15 =	vld [tilespmem:s20+$0x9AA0];
	v11 =	vmul.f32 v18, v11;
	v14 =	vmovc v25  }
0x1fb: {  	v0 =	vadd.f32 v9, v0;
	v13 =	vld [tilespmem:s20+$0x17A40];
	v2 =	vadd.f32 v8, v2  }
0x1fc: {  	v9 =	vmul.f32 v10, v19;
	v8 =	vld [tilespmem:s20+$0x9A40];
	v17 =	vmul.f32 v23, v22  }
0x1fd: {  	v0 =	vadd.f32 v12, v0;
	v1 =	vadd.f32 v11, v1;
	v10 =	vld [tilespmem:s20+$0x9AB0]  }
0x1fe: {  	v2 =	vadd.f32 v9, v2;
	v12 =	vld [tilespmem:s20+$0x17A30]  }
0x1ff: {  	v18 =	vld [tilespmem:s20+$0x17A90]  }
0x200: {  	v19 =	vbroadcast v14, $0xC;
	v11 =	vbroadcast v14, $0x4;
	v20 =	vld [tilespmem:s20+$0x17AD0]  }
0x201: {  	v22 =	vbroadcast v14, $0x7;
	v13 =	vmul.f32 v13, v8;
	v23 =	vld [tilespmem:s20+$0x9A90]  }
0x202: {  	v8 =	vbroadcast v14, $0x0;
	v21 =	vmul.f32 v21, v10;
	v10 =	vld [tilespmem:s20+$0x9AD0]  }
0x203: {  	v9 =	vbroadcast v14, $0x1;
	v11 =	vmul.f32 v13, v11;
	v13 =	vld [tilespmem:s20+$0x17A70]  }
0x204: {  	v24 =	vld [tilespmem:s20+$0x9A70]  }
0x205: {  	v17 =	vmul.f32 v17, v19;
	v7 =	vadd.f32 v11, v7;
	v11 =	vld [tilespmem:s20+$0x17A60]  }
0x206: {  	v19 =	vld [tilespmem:s20+$0x9A60]  }
0x207: {  	v25 =	vld [tilespmem:s20+$0x17A50];
	v7 =	vadd.f32 v17, v7;
	v17 =	vmul.f32 v20, v10  }
0x208: {  	v27 =	vbroadcast v14, $0x9;
	v20 =	vbroadcast v14, $0x2;
	v26 =	vld [tilespmem:s20+$0x9A50]  }
0x209: {  	v28 =	vld [tilespmem:s20+$0x9A30];
	v10 =	vmul.f32 v13, v24;
	v24 =	vbroadcast v14, $0xB  }
0x20a: {  	v30 =	vbroadcast v14, $0xA;
	v13 =	vbroadcast v14, $0x6;
	v29 =	vld [tilespmem:s20+$0x17A20]  }
0x20b: {  	v11 =	vmul.f32 v11, v19;
	v10 =	vmul.f32 v10, v22;
	v22 =	vld [tilespmem:s20+$0x17AE0]  }
0x20c: {  	v31 =	vbroadcast v14, $0x3;
	v32 =	vbroadcast v14, $0x5;
	v19 =	vld [tilespmem:s20+$0x9A20]  }
0x20d: {  	v25 =	vmul.f32 v25, v26;
	v11 =	vmul.f32 v11, v13;
	v26 =	vld [tilespmem:s20+$0x17AF0]  }
0x20e: {  	v18 =	vmul.f32 v18, v23;
	v12 =	vmul.f32 v12, v28;
	v28 =	vld [tilespmem:s20+$0x9AF0]  }
0x20f: {  	v23 =	vmul.f32 v25, v32;
	v25 =	vbroadcast v14, $0xD;
	v32 =	vld [tilespmem:s20+$0x9AE0]  }
0x210: {  	v16 =	vmul.f32 v16, v15;
	v13 =	vld [tilespmem:s20+$0x17A00];
	v12 =	vmul.f32 v12, v31  }
.Ltmp1:
0x211: {  	v15 =	vld [tilespmem:s20+$0x17A10];
	v29 =	vmul.f32 v29, v19;
	v6 =	vadd.f32 v23, v6;
	v17 =	vmul.f32 v17, v25;
	(pc) =	sbr.rel @p1 .LBB2_5-.Ltmp1, $4  }
0x212: {  	v16 =	vmul.f32 v16, v30;
	v24 =	vmul.f32 v21, v24;
	v19 =	vld [tilespmem:s20+$0x9A10];
	v5 =	vadd.f32 v12, v5  }
0x213: {  	v12 =	vmul.f32 v18, v27;
	v21 =	vld [tilespmem:s20+$0x9A00];
	v23 =	vmul.f32 v29, v20;
	v6 =	vadd.f32 v17, v6  }
0x214: {  	v18 =	vmul.f32 v26, v28;
	v17 =	vld [tilespmem:s20+$0x9A80];
	v5 =	vadd.f32 v24, v5;
	v22 =	vmul.f32 v22, v32  }
0x215: {  	s18 =	sadd.s32 $0x10, s18;
	v24 =	vbroadcast v14, $0xE;
	v20 =	vld [tilespmem:s20+$0x17A80]  }
0x216: {  	_ = 	snop  }
0x217: {  	v15 =	vmul.f32 v15, v19  }
0x218: {  	v3 =	vadd.f32 v23, v3;
	v59 =	vbroadcast v14, $0x8;
	v13 =	vmul.f32 v13, v21  }
0x219: {  	v11 =	vadd.f32 v11, v4;
	v60 =	vbroadcast v14, $0xF;
	p1 =	seq.s32 s15, $0x1A;
	v9 =	vmul.f32 v15, v9  }
.Ltmp2:
0x21a: {  	v4 =	vadd.f32 v16, v3;
	v3 =	vmul.f32 v13, v8;
	v8 =	vmul.f32 v20, v17;
	(pc) =	sbr.rel @p1 .LBB2_8-.Ltmp2, $4  }
0x21b: {  	v1 =	vadd.f32 v10, v1;
	v61 =	vmul.f32 v22, v24;
	v62 =	vmul.f32 v18, v60  }
0x21c: {  	v0 =	vadd.f32 v9, v0;
	v63 =	vadd.f32 v3, v2;
	v8 =	vmul.f32 v8, v59  }
0x21d: {  	v3 =	vadd.f32 v61, v11;
	v2 =	vadd.f32 v62, v1  }
0x21e: {  	v0 =	vadd.f32 v12, v0;
	v1 =	vadd.f32 v8, v63  }
0x21f: {  	s16 =	sadd.s32 s16, s14  }
0x220: {  	s16 =	sshrl.u32 s16, $0x3  }
0x221: {  	s17 =	sadd.s32 s1, s16  }
0x222: {  	[tilespmem:s23], [sflag:$0x2] =	stream.linear.gather [hbm4b:s17+s5], $0x700, $0x38;
	[tilespmem:$0x1EB20] =	vst v63  }
.Ltmp3:
0x223: {  	_ = 	snop;
	(pc) =	sbr.rel .LBB2_2-.Ltmp3, $4  }
0x224: {  	s20 =	sadd.s32 s2, s16  }
0x225: {  	[tilespmem:s24], [sflag:$0x2] =	stream.linear.gather [hbm4b:s20+s5], $0x700, $0x38;
	[tilespmem:$0x1EB20] =	vst v63  }
0x226: {  	s25 =	simm.s32 $0x2300;
	s15 =	sadd.s32 $0x1, s15;
	s16 =	sadd.s32 s0, s16  }
0x227: {  	[tilespmem:s25], [sflag:$0x4] =	stream.linear.gather [hbm4b:s16+s5], $0x700, $0x38;
	[tilespmem:$0x1EB20] =	vst v63  }
.LBB2_8:
0x228: {  	_ =	swait.ge [sflag:s9], $0x800  }
0x229: {  	[sflag:s9] =	ssyncset.done $0x0  }
0x22a: {  	[sflag:s9] =	ssyncadd.s32 $0xFFFFF800  }
0x22b: {  	_ =	swait.ge [sflag:s9], $0x800  }
0x22c: {  	[sflag:s9] =	ssyncset.done $0x0  }
0x22d: {  	[sflag:s9] =	ssyncadd.s32 $0xFFFFF800  }
0x22e: {  	_ =	swait.ge [sflag:s9], $0x800  }
0x22f: {  	[sflag:s9] =	ssyncset.done $0x0  }
0x230: {  	[sflag:s9] =	ssyncadd.s32 $0xFFFFF800  }
0x231: {  	_ =	swait.ge [sflag:s9], $0x800  }
0x232: {  	[sflag:s9] =	ssyncset.done $0x0  }
0x233: {  	[sflag:s9] =	ssyncadd.s32 $0xFFFFF800  }
0x234: {  	_ =	swait.ge [sflag:s9], $0x800  }
0x235: {  	[sflag:s9] =	ssyncset.done $0x0  }
0x236: {  	[sflag:s9] =	ssyncadd.s32 $0xFFFFF800  }
0x237: {  	_ =	swait.ge [sflag:s9], $0x800  }
0x238: {  	[sflag:s9] =	ssyncset.done $0x0  }
0x239: {  	[sflag:s9] =	ssyncadd.s32 $0xFFFFF800  }
0x23a: {  	_ =	swait.ge [sflag:s9], $0x800  }
0x23b: {  	[sflag:s9] =	ssyncset.done $0x0  }
0x23c: {  	[sflag:s9] =	ssyncadd.s32 $0xFFFFF800  }
0x23d: {  	_ =	swait.ge [sflag:s9], $0x800  }
0x23e: {  	[sflag:s9] =	ssyncset.done $0x0  }
0x23f: {  	[sflag:s9] =	ssyncadd.s32 $0xFFFFF800  }
0x240: {  	_ =	swait.ge [sflag:s9], $0x800  }
0x241: {  	[sflag:s9] =	ssyncset.done $0x0  }
0x242: {  	[sflag:s9] =	ssyncadd.s32 $0xFFFFF800  }
0x243: {  	_ =	swait.ge [sflag:s9], $0x800  }
0x244: {  	[sflag:s9] =	ssyncset.done $0x0  }
0x245: {  	[sflag:s9] =	ssyncadd.s32 $0xFFFFF800  }
0x246: {  	_ =	swait.ge [sflag:s9], $0x800  }
0x247: {  	[sflag:s9] =	ssyncset.done $0x0  }
0x248: {  	[sflag:s9] =	ssyncadd.s32 $0xFFFFF800  }
0x249: {  	_ =	swait.ge [sflag:s9], $0x800  }
0x24a: {  	[sflag:s9] =	ssyncset.done $0x0  }
0x24b: {  	[sflag:s9] =	ssyncadd.s32 $0xFFFFF800  }
0x24c: {  	_ =	swait.ge [sflag:s9], $0x800  }
0x24d: {  	[sflag:s9] =	ssyncset.done $0x0  }
0x24e: {  	[sflag:s9] =	ssyncadd.s32 $0xFFFFF800  }
0x24f: {  	_ =	swait.ge [sflag:s9], $0x800  }
0x250: {  	[sflag:s9] =	ssyncset.done $0x0  }
0x251: {  	[sflag:s9] =	ssyncadd.s32 $0xFFFFF800  }
0x252: {  	_ =	swait.ge [sflag:s9], $0x800  }
0x253: {  	[sflag:s9] =	ssyncset.done $0x0  }
0x254: {  	[sflag:s9] =	ssyncadd.s32 $0xFFFFF800  }
0x255: {  	_ =	swait.ge [sflag:s9], $0x800  }
0x256: {  	[sflag:s9] =	ssyncset.done $0x0  }
0x257: {  	[sflag:s9] =	ssyncadd.s32 $0xFFFFF800  }
0x258: {  	_ =	swait.ge [sflag:s9], $0x800  }
0x259: {  	[sflag:s9] =	ssyncset.done $0x0  }
0x25a: {  	[sflag:s9] =	ssyncadd.s32 $0xFFFFF800  }
0x25b: {  	_ =	swait.ge [sflag:s9], $0x800  }
0x25c: {  	[sflag:s9] =	ssyncset.done $0x0  }
0x25d: {  	[sflag:s9] =	ssyncadd.s32 $0xFFFFF800  }
0x25e: {  	_ =	swait.ge [sflag:s9], $0x800  }
0x25f: {  	[sflag:s9] =	ssyncset.done $0x0  }
0x260: {  	[sflag:s9] =	ssyncadd.s32 $0xFFFFF800  }
0x261: {  	_ =	swait.ge [sflag:s9], $0x800  }
0x262: {  	[sflag:s9] =	ssyncset.done $0x0  }
0x263: {  	[sflag:s9] =	ssyncadd.s32 $0xFFFFF800  }
0x264: {  	_ =	swait.ge [sflag:s9], $0x800  }
0x265: {  	[sflag:s9] =	ssyncset.done $0x0  }
0x266: {  	[sflag:s9] =	ssyncadd.s32 $0xFFFFF800  }
0x267: {  	_ =	swait.ge [sflag:s9], $0x800  }
0x268: {  	[sflag:s9] =	ssyncset.done $0x0  }
0x269: {  	[sflag:s9] =	ssyncadd.s32 $0xFFFFF800  }
0x26a: {  	_ =	swait.ge [sflag:s9], $0x800  }
0x26b: {  	[sflag:s9] =	ssyncset.done $0x0  }
0x26c: {  	[sflag:s9] =	ssyncadd.s32 $0xFFFFF800  }
0x26d: {  	_ =	swait.ge [sflag:s9], $0x800  }
0x26e: {  	[sflag:s9] =	ssyncset.done $0x0  }
0x26f: {  	[sflag:s9] =	ssyncadd.s32 $0xFFFFF800  }
0x270: {  	_ =	swait.ge [sflag:s9], $0x800  }
0x271: {  	[sflag:s9] =	ssyncset.done $0x0  }
0x272: {  	[sflag:s9] =	ssyncadd.s32 $0xFFFFF800  }
0x273: {  	_ =	swait.ge [sflag:s9], $0x800  }
0x274: {  	[sflag:s9] =	ssyncset.done $0x0  }
0x275: {  	[sflag:s9] =	ssyncadd.s32 $0xFFFFF800  }
0x276: {  	_ =	swait.ge [sflag:s9], $0x800  }
0x277: {  	[sflag:s9] =	ssyncset.done $0x0  }
0x278: {  	[sflag:s9] =	ssyncadd.s32 $0xFFFFF800  }
0x279: {  	_ =	swait.ge [sflag:s9], $0x800  }
0x27a: {  	[sflag:s9] =	ssyncset.done $0x0  }
0x27b: {  	[sflag:s9] =	ssyncadd.s32 $0xFFFFF800  }
0x27c: {  	_ =	swait.ge [sflag:s10], $0x700  }
0x27d: {  	[sflag:s10] =	ssyncset.done $0x0  }
0x27e: {  	s15 =	simm.s32 $0x1C00;
	[sflag:s10] =	ssyncadd.s32 $0xFFFFF900  }
0x27f: {  	s16 =	simm.s32 $0x0;
	v8 =	vld [tilespmem:s15+$0x0]  }
0x280: {  	v9 =	vld [tilespmem:s16+$0x10AC0]  }
0x281: {  	v10 =	vld [tilespmem:s16+$0x2AC0]  }
0x282: {  	v12 =	vld [tilespmem:s16+$0x10AA0]  }
0x283: {  	v11 =	vld [tilespmem:s16+$0x10AB0]  }
0x284: {  	v13 =	vld [tilespmem:s16+$0x2AA0]  }
0x285: {  	v14 =	vld [tilespmem:s16+$0x10A40]  }
0x286: {  	v15 =	vld [tilespmem:s16+$0x2A40]  }
0x287: {  	v16 =	vld [tilespmem:s16+$0x2AB0]  }
0x288: {  	v17 =	vld [tilespmem:s16+$0x10A30]  }
0x289: {  	v18 =	vld [tilespmem:s16+$0x10A90]  }
0x28a: {  	v19 =	vld [tilespmem:s16+$0x10AD0]  }
0x28b: {  	v20 =	vld [tilespmem:s16+$0x2A90]  }
0x28c: {  	v21 =	vld [tilespmem:s16+$0x2AD0]  }
0x28d: {  	v24 =	vld [tilespmem:s16+$0x10A70];
	v22 =	vmul.f32 v9, v10;
	v23 =	vbroadcast v8, $0x4  }
0x28e: {  	v27 =	vld [tilespmem:s16+$0x10A60];
	v25 =	vbroadcast v8, $0xC;
	v14 =	vmul.f32 v14, v15  }
0x28f: {  	v29 =	vld [tilespmem:s16+$0x2A30];
	v26 =	vbroadcast v8, $0x7;
	v9 =	vbroadcast v8, $0x0  }
0x290: {  	v15 =	vld [tilespmem:s16+$0x2A70];
	v28 =	vmul.f32 v11, v16;
	v10 =	vbroadcast v8, $0x1  }
0x291: {  	v11 =	vld [tilespmem:s16+$0x2A60];
	v19 =	vmul.f32 v19, v21;
	v21 =	vbroadcast v8, $0x2  }
0x292: {  	v31 =	vbroadcast v8, $0x6;
	v16 =	vmul.f32 v14, v23;
	v14 =	vld [tilespmem:s16+$0x10A50]  }
0x293: {  	v32 =	vbroadcast v8, $0xA;
	v61 =	vbroadcast v8, $0x3;
	v23 =	vld [tilespmem:s16+$0x2A50]  }
0x294: {  	v30 =	vld [tilespmem:s16+$0x10A20];
	v17 =	vmul.f32 v17, v29;
	v20 =	vmul.f32 v18, v20  }
0x295: {  	v33 =	vld [tilespmem:s16+$0x10AE0];
	v12 =	vmul.f32 v12, v13;
	v15 =	vmul.f32 v24, v15  }
0x296: {  	v62 =	vld [tilespmem:s16+$0x2AF0];
	v22 =	vmul.f32 v22, v25;
	v13 =	vmul.f32 v17, v61  }
0x297: {  	v27 =	vmul.f32 v27, v11;
	v11 =	vmul.f32 v15, v26;
	v15 =	vld [tilespmem:s16+$0x2A20]  }
0x298: {  	v17 =	vld [tilespmem:s16+$0x10A10];
	v26 =	vbroadcast v8, $0x5;
	v23 =	vmul.f32 v14, v23  }
0x299: {  	v25 =	vbroadcast v8, $0x9;
	v7 =	vadd.f32 v16, v7;
	v14 =	vmul.f32 v27, v31;
	v27 =	vld [tilespmem:s16+$0x10AF0]  }
0x29a: {  	v5 =	vadd.f32 v13, v5;
	v18 =	vmul.f32 v23, v26;
	v26 =	vld [tilespmem:s16+$0x2AE0];
	v23 =	vbroadcast v8, $0xD  }
0x29b: {  	v16 =	vld [tilespmem:s16+$0x10A00];
	v13 =	vmul.f32 v20, v25;
	v24 =	vbroadcast v8, $0xB;
	v7 =	vadd.f32 v22, v7  }
0x29c: {  	v6 =	vadd.f32 v18, v6;
	v63 =	vmul.f32 v19, v23;
	v19 =	vld [tilespmem:s16+$0x2A10];
	v22 =	vmul.f32 v30, v15  }
0x29d: {  	v23 =	vld [tilespmem:s16+$0x2A00];
	v15 =	vmul.f32 v12, v32;
	v12 =	vmul.f32 v28, v24  }
0x29e: {  	v20 =	vld [tilespmem:s16+$0x2A80];
	v25 =	vbroadcast v8, $0xE;
	v6 =	vadd.f32 v63, v6;
	v18 =	vmul.f32 v22, v21  }
0x29f: {  	s15 =	simm.s32 $0x400;
	v24 =	vmul.f32 v33, v26;
	v5 =	vadd.f32 v12, v5;
	v21 =	vmul.f32 v27, v62;
	v22 =	vld [tilespmem:s16+$0x10A80];
	s16 =	simm.s32 $0x1C10  }
.LBB2_9:
0x2a0: {  	v12 =	vld [tilespmem:s16+$0x0];
	s17 =	sshra.s32 s15, $0x2;
	p1 =	sne.s32 s15, $0x1BC00;
	s15 =	sadd.s32 $0x400, s15;
	v4 =	vadd.f32 v18, v4  }
0x2a1: {  	v3 =	vadd.f32 v14, v3;
	v18 =	vld [tilespmem:s17+$0x10AC0];
	v14 =	vmul.f32 v24, v25  }
0x2a2: {  	v17 =	vmul.f32 v17, v19;
	v24 =	vld [tilespmem:s17+$0x2AC0];
	v16 =	vmul.f32 v16, v23;
	v4 =	vadd.f32 v15, v4  }
0x2a3: {  	v19 =	vbroadcast v8, $0x8;
	v23 =	vbroadcast v8, $0xF;
	v15 =	vld [tilespmem:s17+$0x10AA0];
	v3 =	vadd.f32 v14, v3  }
0x2a4: {  	v10 =	vmul.f32 v17, v10;
	v14 =	vld [tilespmem:s17+$0x10AB0];
	v9 =	vmul.f32 v16, v9  }
0x2a5: {  	v2 =	vadd.f32 v11, v2;
	v11 =	vmul.f32 v22, v20;
	v16 =	vmul.f32 v21, v23;
	v17 =	vld [tilespmem:s17+$0x2AA0];
	v8 =	vmovc v12  }
0x2a6: {  	v0 =	vadd.f32 v10, v0;
	v12 =	vld [tilespmem:s17+$0x10A40];
	v1 =	vadd.f32 v9, v1  }
0x2a7: {  	v10 =	vmul.f32 v11, v19;
	v9 =	vld [tilespmem:s17+$0x2A40];
	v18 =	vmul.f32 v18, v24  }
0x2a8: {  	v2 =	vadd.f32 v16, v2;
	v0 =	vadd.f32 v13, v0;
	v11 =	vld [tilespmem:s17+$0x2AB0]  }
0x2a9: {  	v1 =	vadd.f32 v10, v1;
	v13 =	vld [tilespmem:s17+$0x10A30]  }
0x2aa: {  	v16 =	vld [tilespmem:s17+$0x10A90]  }
0x2ab: {  	v19 =	vbroadcast v8, $0x4;
	v20 =	vbroadcast v8, $0xC;
	v21 =	vld [tilespmem:s17+$0x10AD0]  }
0x2ac: {  	v22 =	vbroadcast v8, $0x7;
	v12 =	vmul.f32 v12, v9;
	v23 =	vld [tilespmem:s17+$0x2A90]  }
0x2ad: {  	v9 =	vbroadcast v8, $0x0;
	v24 =	vmul.f32 v14, v11;
	v11 =	vld [tilespmem:s17+$0x2AD0]  }
0x2ae: {  	v10 =	vbroadcast v8, $0x1;
	v12 =	vmul.f32 v12, v19;
	v14 =	vld [tilespmem:s17+$0x10A70]  }
0x2af: {  	v19 =	vld [tilespmem:s17+$0x2A70]  }
0x2b0: {  	v18 =	vmul.f32 v18, v20;
	v7 =	vadd.f32 v12, v7;
	v12 =	vld [tilespmem:s17+$0x10A60]  }
0x2b1: {  	v20 =	vld [tilespmem:s17+$0x2A60]  }
0x2b2: {  	v25 =	vld [tilespmem:s17+$0x10A50];
	v7 =	vadd.f32 v18, v7;
	v18 =	vmul.f32 v21, v11  }
0x2b3: {  	v27 =	vbroadcast v8, $0x9;
	v21 =	vbroadcast v8, $0x2;
	v26 =	vld [tilespmem:s17+$0x2A50]  }
0x2b4: {  	v29 =	vbroadcast v8, $0xB;
	v28 =	vld [tilespmem:s17+$0x2A30];
	v11 =	vmul.f32 v14, v19  }
0x2b5: {  	v30 =	vbroadcast v8, $0xA;
	v14 =	vbroadcast v8, $0x6;
	v19 =	vld [tilespmem:s17+$0x10A20]  }
0x2b6: {  	v12 =	vmul.f32 v12, v20;
	v11 =	vmul.f32 v11, v22;
	v22 =	vld [tilespmem:s17+$0x10AE0]  }
0x2b7: {  	v31 =	vbroadcast v8, $0x3;
	v32 =	vbroadcast v8, $0x5;
	v20 =	vld [tilespmem:s17+$0x2A20]  }
0x2b8: {  	v25 =	vmul.f32 v25, v26;
	v14 =	vmul.f32 v12, v14;
	v12 =	vld [tilespmem:s17+$0x10AF0]  }
0x2b9: {  	v26 =	vmul.f32 v16, v23;
	v13 =	vmul.f32 v13, v28;
	v28 =	vld [tilespmem:s17+$0x2AF0]  }
0x2ba: {  	v23 =	vmul.f32 v25, v32;
	v25 =	vbroadcast v8, $0xD;
	v32 =	vld [tilespmem:s17+$0x2AE0]  }
0x2bb: {  	v15 =	vmul.f32 v15, v17;
	v16 =	vld [tilespmem:s17+$0x10A00];
	v13 =	vmul.f32 v13, v31  }
.Ltmp4:
0x2bc: {  	v17 =	vld [tilespmem:s17+$0x10A10];
	v20 =	vmul.f32 v19, v20;
	v6 =	vadd.f32 v23, v6;
	v25 =	vmul.f32 v18, v25;
	(pc) =	sbr.rel @p1 .LBB2_9-.Ltmp4, $4  }
0x2bd: {  	v15 =	vmul.f32 v15, v30;
	v24 =	vmul.f32 v24, v29;
	v19 =	vld [tilespmem:s17+$0x2A10];
	v5 =	vadd.f32 v13, v5  }
0x2be: {  	v13 =	vmul.f32 v26, v27;
	v23 =	vld [tilespmem:s17+$0x2A00];
	v18 =	vmul.f32 v20, v21;
	v6 =	vadd.f32 v25, v6  }
0x2bf: {  	v21 =	vmul.f32 v12, v28;
	v20 =	vld [tilespmem:s17+$0x2A80];
	v5 =	vadd.f32 v24, v5;
	v24 =	vmul.f32 v22, v32  }
0x2c0: {  	s16 =	sadd.s32 $0x10, s16;
	v25 =	vbroadcast v8, $0xE;
	v22 =	vld [tilespmem:s17+$0x10A80]  }
0x2c1: {  	s16 =	simm.s32 $0x0;
	s15 =	rddreg [dreg:$0xd];
	s18 =	simm.s32 $0x7  }
0x2c2: {  	[tilespmem:s23], [sflag:$0x7] =	stream.linear.gather [hbm4b:s15+s16], $0x5A0, $0x38;
	[tilespmem:$0x1EB20] =	vst v63  }
0x2c3: {  	_ =	swait.ge [sflag:s18], $0x5A0  }
0x2c4: {  	[sflag:s18] =	ssyncset.done $0x0  }
0x2c5: {  	s20 =	rddreg [dreg:$0xe];
	[sflag:s18] =	ssyncadd.s32 $0xFFFFFA60  }
0x2c6: {  	[tilespmem:s24], [sflag:$0x7] =	stream.linear.gather [hbm4b:s20+s16], $0x5A0, $0x38;
	[tilespmem:$0x1EB20] =	vst v63  }
0x2c7: {  	_ =	swait.ge [sflag:s18], $0x5A0  }
0x2c8: {  	[sflag:s18] =	ssyncset.done $0x0  }
0x2c9: {  	s15 =	simm.s32 $0x2300;
	s17 =	rddreg [dreg:$0xf];
	[sflag:s18] =	ssyncadd.s32 $0xFFFFFA60  }
0x2ca: {  	[tilespmem:s15], [sflag:$0x7] =	stream.linear.gather [hbm4b:s17+s16], $0x5A0, $0x38;
	[tilespmem:$0x1EB20] =	vst v63  }
0x2cb: {  	_ =	swait.ge [sflag:s18], $0x5A0  }
0x2cc: {  	[sflag:s18] =	ssyncset.done $0x0  }
0x2cd: {  	s25 =	simm.s32 $0x9A00;
	[sflag:s18] =	ssyncadd.s32 $0xFFFFFA60  }
0x2ce: {  	[tilespmem:s25], [sflag:$0x6] =	stream.indirect.gather [hbm4b:s6+s28], $0x10, s23, s28, $0xb8;
	[tilespmem:$0x1EB20] =	vst v63  }
0x2cf: {  	s17 =	simm.s32 $0x17A00  }
0x2d0: {  	[tilespmem:s17], [sflag:$0x6] =	stream.indirect.gather [hbm4b:s6+s28], $0x10, s24, s28, $0xb8;
	[tilespmem:$0x1EB20] =	vst v63  }
0x2d1: {  	s20 =	simm.s32 $0x780;
	s25 =	simm.s32 $0xA200  }
0x2d2: {  	[tilespmem:s25], [sflag:$0x6] =	stream.indirect.gather [hbm4b:s6+s28], $0x10, s20, s28, $0xb8;
	[tilespmem:$0x1EB20] =	vst v63  }
0x2d3: {  	s20 =	simm.s32 $0x1580;
	s25 =	simm.s32 $0x18200  }
0x2d4: {  	[tilespmem:s25], [sflag:$0x6] =	stream.indirect.gather [hbm4b:s6+s28], $0x10, s20, s28, $0xb8;
	[tilespmem:$0x1EB20] =	vst v63  }
0x2d5: {  	s20 =	simm.s32 $0x800;
	s25 =	simm.s32 $0xAA00  }
0x2d6: {  	[tilespmem:s25], [sflag:$0x6] =	stream.indirect.gather [hbm4b:s6+s28], $0x10, s20, s28, $0xb8;
	[tilespmem:$0x1EB20] =	vst v63  }
0x2d7: {  	s20 =	simm.s32 $0x1600;
	s25 =	simm.s32 $0x18A00  }
0x2d8: {  	[tilespmem:s25], [sflag:$0x6] =	stream.indirect.gather [hbm4b:s6+s28], $0x10, s20, s28, $0xb8;
	[tilespmem:$0x1EB20] =	vst v63  }
0x2d9: {  	s20 =	simm.s32 $0x880;
	s25 =	simm.s32 $0xB200  }
0x2da: {  	[tilespmem:s25], [sflag:$0x6] =	stream.indirect.gather [hbm4b:s6+s28], $0x10, s20, s28, $0xb8;
	[tilespmem:$0x1EB20] =	vst v63  }
0x2db: {  	s20 =	simm.s32 $0x1680;
	s25 =	simm.s32 $0x19200  }
0x2dc: {  	[tilespmem:s25], [sflag:$0x6] =	stream.indirect.gather [hbm4b:s6+s28], $0x10, s20, s28, $0xb8;
	[tilespmem:$0x1EB20] =	vst v63  }
0x2dd: {  	s20 =	simm.s32 $0x900;
	s25 =	simm.s32 $0xBA00  }
0x2de: {  	[tilespmem:s25], [sflag:$0x6] =	stream.indirect.gather [hbm4b:s6+s28], $0x10, s20, s28, $0xb8;
	[tilespmem:$0x1EB20] =	vst v63  }
0x2df: {  	s20 =	simm.s32 $0x1700;
	s25 =	simm.s32 $0x19A00  }
0x2e0: {  	[tilespmem:s25], [sflag:$0x6] =	stream.indirect.gather [hbm4b:s6+s28], $0x10, s20, s28, $0xb8;
	[tilespmem:$0x1EB20] =	vst v63  }
0x2e1: {  	s20 =	simm.s32 $0x980;
	s25 =	simm.s32 $0xC200  }
0x2e2: {  	[tilespmem:s25], [sflag:$0x6] =	stream.indirect.gather [hbm4b:s6+s28], $0x10, s20, s28, $0xb8;
	[tilespmem:$0x1EB20] =	vst v63  }
0x2e3: {  	s20 =	simm.s32 $0x1780;
	s25 =	simm.s32 $0x1A200  }
0x2e4: {  	[tilespmem:s25], [sflag:$0x6] =	stream.indirect.gather [hbm4b:s6+s28], $0x10, s20, s28, $0xb8;
	[tilespmem:$0x1EB20] =	vst v63  }
0x2e5: {  	s20 =	simm.s32 $0xA00;
	s25 =	simm.s32 $0xCA00  }
0x2e6: {  	[tilespmem:s25], [sflag:$0x6] =	stream.indirect.gather [hbm4b:s6+s28], $0x10, s20, s28, $0xb8;
	[tilespmem:$0x1EB20] =	vst v63  }
0x2e7: {  	s20 =	simm.s32 $0x1800;
	s25 =	simm.s32 $0x1AA00  }
0x2e8: {  	[tilespmem:s25], [sflag:$0x6] =	stream.indirect.gather [hbm4b:s6+s28], $0x10, s20, s28, $0xb8;
	[tilespmem:$0x1EB20] =	vst v63  }
0x2e9: {  	s20 =	simm.s32 $0xA80;
	s25 =	simm.s32 $0xD200  }
0x2ea: {  	[tilespmem:s25], [sflag:$0x6] =	stream.indirect.gather [hbm4b:s6+s28], $0x10, s20, s28, $0xb8;
	[tilespmem:$0x1EB20] =	vst v63  }
0x2eb: {  	s20 =	simm.s32 $0x1880;
	s25 =	simm.s32 $0x1B200  }
0x2ec: {  	[tilespmem:s25], [sflag:$0x6] =	stream.indirect.gather [hbm4b:s6+s28], $0x10, s20, s28, $0xb8;
	[tilespmem:$0x1EB20] =	vst v63  }
0x2ed: {  	s20 =	simm.s32 $0xB00;
	s25 =	simm.s32 $0xDA00  }
0x2ee: {  	[tilespmem:s25], [sflag:$0x6] =	stream.indirect.gather [hbm4b:s6+s28], $0x10, s20, s28, $0xb8;
	[tilespmem:$0x1EB20] =	vst v63  }
0x2ef: {  	s20 =	simm.s32 $0x1900;
	s25 =	simm.s32 $0x1BA00  }
0x2f0: {  	[tilespmem:s25], [sflag:$0x6] =	stream.indirect.gather [hbm4b:s6+s28], $0x10, s20, s28, $0xb8;
	[tilespmem:$0x1EB20] =	vst v63  }
0x2f1: {  	s20 =	simm.s32 $0xB80;
	s25 =	simm.s32 $0xE200  }
0x2f2: {  	[tilespmem:s25], [sflag:$0x6] =	stream.indirect.gather [hbm4b:s6+s28], $0x10, s20, s28, $0xb8;
	[tilespmem:$0x1EB20] =	vst v63  }
0x2f3: {  	s20 =	simm.s32 $0x1980;
	s25 =	simm.s32 $0x1C200  }
0x2f4: {  	[tilespmem:s25], [sflag:$0x6] =	stream.indirect.gather [hbm4b:s6+s28], $0x10, s20, s28, $0xb8;
	[tilespmem:$0x1EB20] =	vst v63  }
0x2f5: {  	_ = 	snop  }
0x2f6: {  	[tilespmem:s29], [sflag:$0x6] =	stream.indirect.gather [hbm4b:s6+s28], $0x10, s22, s28, $0xb8;
	[tilespmem:$0x1EB20] =	vst v63  }
0x2f7: {  	_ = 	snop  }
0x2f8: {  	[tilespmem:s31], [sflag:$0x6] =	stream.indirect.gather [hbm4b:s6+s28], $0x10, s30, s28, $0xb8;
	[tilespmem:$0x1EB20] =	vst v63  }
0x2f9: {  	s20 =	simm.s32 $0x20  }
0x2fa: {  	[tilespmem:s4], [sflag:$0x6] =	stream.indirect.gather [hbm4b:s6+s20], $0x10, s3, s20, $0xb8;
	[tilespmem:$0x1EB20] =	vst v63  }
0x2fb: {  	_ = 	snop  }
0x2fc: {  	[tilespmem:s8], [sflag:$0x6] =	stream.indirect.gather [hbm4b:s6+s20], $0x10, s7, s20, $0xb8;
	[tilespmem:$0x1EB20] =	vst v63  }
0x2fd: {  	_ =	swait.ge [sflag:s11], $0x800  }
0x2fe: {  	[sflag:s11] =	ssyncset.done $0x0  }
0x2ff: {  	[sflag:s11] =	ssyncadd.s32 $0xFFFFF800  }
0x300: {  	_ =	swait.ge [sflag:s11], $0x800  }
0x301: {  	[sflag:s11] =	ssyncset.done $0x0  }
0x302: {  	[sflag:s11] =	ssyncadd.s32 $0xFFFFF800  }
0x303: {  	_ =	swait.ge [sflag:s11], $0x800  }
0x304: {  	[sflag:s11] =	ssyncset.done $0x0  }
0x305: {  	[sflag:s11] =	ssyncadd.s32 $0xFFFFF800  }
0x306: {  	_ =	swait.ge [sflag:s11], $0x800  }
0x307: {  	[sflag:s11] =	ssyncset.done $0x0  }
0x308: {  	[sflag:s11] =	ssyncadd.s32 $0xFFFFF800  }
0x309: {  	_ =	swait.ge [sflag:s11], $0x800  }
0x30a: {  	[sflag:s11] =	ssyncset.done $0x0  }
0x30b: {  	[sflag:s11] =	ssyncadd.s32 $0xFFFFF800  }
0x30c: {  	_ =	swait.ge [sflag:s11], $0x800  }
0x30d: {  	[sflag:s11] =	ssyncset.done $0x0  }
0x30e: {  	[sflag:s11] =	ssyncadd.s32 $0xFFFFF800  }
0x30f: {  	_ =	swait.ge [sflag:s11], $0x800  }
0x310: {  	[sflag:s11] =	ssyncset.done $0x0  }
0x311: {  	[sflag:s11] =	ssyncadd.s32 $0xFFFFF800  }
0x312: {  	_ =	swait.ge [sflag:s11], $0x800  }
0x313: {  	[sflag:s11] =	ssyncset.done $0x0  }
0x314: {  	[sflag:s11] =	ssyncadd.s32 $0xFFFFF800  }
0x315: {  	_ =	swait.ge [sflag:s11], $0x800  }
0x316: {  	[sflag:s11] =	ssyncset.done $0x0  }
0x317: {  	[sflag:s11] =	ssyncadd.s32 $0xFFFFF800  }
0x318: {  	_ =	swait.ge [sflag:s11], $0x800  }
0x319: {  	[sflag:s11] =	ssyncset.done $0x0  }
0x31a: {  	[sflag:s11] =	ssyncadd.s32 $0xFFFFF800  }
0x31b: {  	_ =	swait.ge [sflag:s11], $0x800  }
0x31c: {  	[sflag:s11] =	ssyncset.done $0x0  }
0x31d: {  	[sflag:s11] =	ssyncadd.s32 $0xFFFFF800  }
0x31e: {  	_ =	swait.ge [sflag:s11], $0x800  }
0x31f: {  	[sflag:s11] =	ssyncset.done $0x0  }
0x320: {  	[sflag:s11] =	ssyncadd.s32 $0xFFFFF800  }
0x321: {  	_ =	swait.ge [sflag:s11], $0x800  }
0x322: {  	[sflag:s11] =	ssyncset.done $0x0  }
0x323: {  	[sflag:s11] =	ssyncadd.s32 $0xFFFFF800  }
0x324: {  	_ =	swait.ge [sflag:s11], $0x800  }
0x325: {  	[sflag:s11] =	ssyncset.done $0x0  }
0x326: {  	[sflag:s11] =	ssyncadd.s32 $0xFFFFF800  }
0x327: {  	_ =	swait.ge [sflag:s11], $0x800  }
0x328: {  	[sflag:s11] =	ssyncset.done $0x0  }
0x329: {  	[sflag:s11] =	ssyncadd.s32 $0xFFFFF800  }
0x32a: {  	_ =	swait.ge [sflag:s11], $0x800  }
0x32b: {  	[sflag:s11] =	ssyncset.done $0x0  }
0x32c: {  	[sflag:s11] =	ssyncadd.s32 $0xFFFFF800  }
0x32d: {  	_ =	swait.ge [sflag:s11], $0x800  }
0x32e: {  	[sflag:s11] =	ssyncset.done $0x0  }
0x32f: {  	[sflag:s11] =	ssyncadd.s32 $0xFFFFF800  }
0x330: {  	_ =	swait.ge [sflag:s11], $0x800  }
0x331: {  	[sflag:s11] =	ssyncset.done $0x0  }
0x332: {  	[sflag:s11] =	ssyncadd.s32 $0xFFFFF800  }
0x333: {  	_ =	swait.ge [sflag:s11], $0x800  }
0x334: {  	[sflag:s11] =	ssyncset.done $0x0  }
0x335: {  	[sflag:s11] =	ssyncadd.s32 $0xFFFFF800  }
0x336: {  	_ =	swait.ge [sflag:s11], $0x800  }
0x337: {  	[sflag:s11] =	ssyncset.done $0x0  }
0x338: {  	[sflag:s11] =	ssyncadd.s32 $0xFFFFF800  }
0x339: {  	_ =	swait.ge [sflag:s11], $0x800  }
0x33a: {  	[sflag:s11] =	ssyncset.done $0x0  }
0x33b: {  	[sflag:s11] =	ssyncadd.s32 $0xFFFFF800  }
0x33c: {  	_ =	swait.ge [sflag:s11], $0x800  }
0x33d: {  	[sflag:s11] =	ssyncset.done $0x0  }
0x33e: {  	[sflag:s11] =	ssyncadd.s32 $0xFFFFF800  }
0x33f: {  	_ =	swait.ge [sflag:s11], $0x200  }
0x340: {  	[sflag:s11] =	ssyncset.done $0x0  }
0x341: {  	[sflag:s11] =	ssyncadd.s32 $0xFFFFFE00  }
0x342: {  	_ =	swait.ge [sflag:s11], $0x200  }
0x343: {  	[sflag:s11] =	ssyncset.done $0x0  }
0x344: {  	[sflag:s11] =	ssyncadd.s32 $0xFFFFFE00  }
0x345: {  	s25 =	simm.s32 $0x0;
	v12 =	vld [tilespmem:s15+$0x0]  }
0x346: {  	v26 =	vld [tilespmem:s25+$0x17AC0]  }
0x347: {  	v27 =	vld [tilespmem:s25+$0x9AC0]  }
0x348: {  	v29 =	vld [tilespmem:s25+$0x17AB0]  }
0x349: {  	v31 =	vld [tilespmem:s25+$0x17A40]  }
0x34a: {  	v32 =	vld [tilespmem:s25+$0x9A40]  }
0x34b: {  	v33 =	vld [tilespmem:s25+$0x9AB0]  }
0x34c: {  	v24 =	vmul.f32 v24, v25;
	v17 =	vmul.f32 v17, v19;
	v25 =	vld [tilespmem:s25+$0x17AD0]  }
0x34d: {  	v19 =	vbroadcast v8, $0x8;
	v20 =	vmul.f32 v22, v20;
	v22 =	vld [tilespmem:s25+$0x9AD0]  }
0x34e: {  	v17 =	vmul.f32 v17, v10;
	v10 =	vld [tilespmem:s25+$0x17A70]  }
0x34f: {  	v8 =	vbroadcast v8, $0xF;
	v19 =	vmul.f32 v20, v19;
	v20 =	vld [tilespmem:s25+$0x9A70]  }
0x350: {  	v16 =	vmul.f32 v16, v23;
	v56 =	vld [tilespmem:s25+$0x17A60]  }
0x351: {  	v21 =	vmul.f32 v21, v8;
	v57 =	vld [tilespmem:s25+$0x9A60]  }
0x352: {  	v4 =	vadd.f32 v18, v4;
	v16 =	vmul.f32 v16, v9;
	v28 =	vld [tilespmem:s25+$0x17AA0];
	v8 =	vbroadcast v12, $0x4  }
0x353: {  	v3 =	vadd.f32 v14, v3;
	v30 =	vld [tilespmem:s25+$0x9AA0];
	v9 =	vmul.f32 v31, v32;
	v26 =	vmul.f32 v26, v27  }
0x354: {  	v2 =	vadd.f32 v11, v2;
	v23 =	vld [tilespmem:s25+$0x17A30];
	v27 =	vbroadcast v12, $0xC;
	v29 =	vmul.f32 v29, v33  }
0x355: {  	v4 =	vadd.f32 v15, v4;
	v15 =	vld [tilespmem:s25+$0x9A30];
	v18 =	vbroadcast v12, $0x7;
	v22 =	vmul.f32 v25, v22  }
0x356: {  	v3 =	vadd.f32 v24, v3;
	v34 =	vld [tilespmem:s25+$0x17A50];
	v10 =	vmul.f32 v10, v20;
	v24 =	vmul.f32 v56, v57  }
0x357: {  	v0 =	vadd.f32 v17, v0;
	v14 =	vld [tilespmem:s25+$0x17A90];
	v25 =	vbroadcast v12, $0x2;
	v11 =	vbroadcast v12, $0x6  }
0x358: {  	v16 =	vadd.f32 v16, v1;
	v59 =	vld [tilespmem:s25+$0x17A20];
	v60 =	vbroadcast v12, $0x9;
	v61 =	vbroadcast v12, $0xB  }
0x359: {  	v1 =	vadd.f32 v13, v0;
	v13 =	vbroadcast v12, $0x5;
	v26 =	vmul.f32 v26, v27;
	v27 =	vld [tilespmem:s25+$0x9A50]  }
0x35a: {  	v0 =	vadd.f32 v21, v2;
	v35 =	vld [tilespmem:s25+$0x9AF0];
	v15 =	vmul.f32 v23, v15;
	v21 =	vbroadcast v12, $0xA  }
0x35b: {  	v20 =	vld [tilespmem:s25+$0x9A90];
	v23 =	vbroadcast v12, $0x3;
	v58 =	vmul.f32 v9, v8  }
0x35c: {  	v8 =	vbroadcast v12, $0x0;
	v10 =	vmul.f32 v10, v18;
	v18 =	vld [tilespmem:s25+$0x9A20]  }
0x35d: {  	v62 =	vld [tilespmem:s25+$0x9AE0];
	v9 =	vbroadcast v12, $0x1;
	v11 =	vmul.f32 v24, v11  }
0x35e: {  	v24 =	vld [tilespmem:s25+$0x17AF0];
	v15 =	vmul.f32 v15, v23;
	v17 =	vmul.f32 v34, v27  }
0x35f: {  	v2 =	vadd.f32 v58, v7;
	v7 =	vadd.f32 v19, v16;
	v19 =	vmul.f32 v28, v30;
	v27 =	vld [tilespmem:s25+$0x17AE0]  }
0x360: {  	v23 =	vld [tilespmem:s25+$0x9A00];
	v13 =	vmul.f32 v17, v13;
	v17 =	vbroadcast v12, $0xD  }
0x361: {  	v16 =	vld [tilespmem:s25+$0x17A10];
	v20 =	vmul.f32 v14, v20;
	v2 =	vadd.f32 v26, v2;
	v26 =	vmul.f32 v59, v18  }
0x362: {  	v14 =	vld [tilespmem:s25+$0x17A00];
	v6 =	vadd.f32 v13, v6;
	v63 =	vmul.f32 v22, v17;
	v17 =	vmul.f32 v19, v21  }
0x363: {  	v15 =	vadd.f32 v15, v5;
	v18 =	vld [tilespmem:s25+$0x9A10];
	v21 =	vmul.f32 v29, v61;
	v22 =	vmul.f32 v26, v25  }
0x364: {  	v13 =	vmul.f32 v20, v60;
	v19 =	vld [tilespmem:s25+$0x9A80];
	v20 =	vmul.f32 v27, v62;
	v5 =	vadd.f32 v63, v6  }
0x365: {  	s16 =	simm.s32 $0x2310;
	s15 =	simm.s32 $0x400;
	v6 =	vadd.f32 v21, v15;
	v15 =	vmul.f32 v24, v35;
	v21 =	vld [tilespmem:s25+$0x17A80];
	v24 =	vbroadcast v12, $0xE  }
.LBB2_11:
0x366: {  	v25 =	vld [tilespmem:s16+$0x0];
	s17 =	sshra.s32 s15, $0x2;
	p1 =	sne.s32 s15, $0x16400;
	s15 =	sadd.s32 $0x400, s15;
	v4 =	vadd.f32 v22, v4  }
0x367: {  	v3 =	vadd.f32 v11, v3;
	v22 =	vld [tilespmem:s17+$0x17AC0];
	v11 =	vmul.f32 v20, v24  }
0x368: {  	v16 =	vmul.f32 v16, v18;
	v20 =	vld [tilespmem:s17+$0x9AC0];
	v14 =	vmul.f32 v14, v23;
	v4 =	vadd.f32 v17, v4  }
0x369: {  	v18 =	vbroadcast v12, $0x8;
	v17 =	vld [tilespmem:s17+$0x17AA0];
	v3 =	vadd.f32 v11, v3;
	v11 =	vbroadcast v12, $0xF  }
0x36a: {  	v9 =	vmul.f32 v16, v9;
	v23 =	vld [tilespmem:s17+$0x17AB0];
	v8 =	vmul.f32 v14, v8  }
0x36b: {  	v0 =	vadd.f32 v10, v0;
	v10 =	vmul.f32 v21, v19;
	v16 =	vld [tilespmem:s17+$0x9AA0];
	v11 =	vmul.f32 v15, v11;
	v12 =	vmovc v25  }
0x36c: {  	v1 =	vadd.f32 v9, v1;
	v14 =	vld [tilespmem:s17+$0x17A40];
	v7 =	vadd.f32 v8, v7  }
0x36d: {  	v9 =	vmul.f32 v10, v18;
	v8 =	vld [tilespmem:s17+$0x9A40];
	v15 =	vmul.f32 v22, v20  }
0x36e: {  	v1 =	vadd.f32 v13, v1;
	v0 =	vadd.f32 v11, v0;
	v10 =	vld [tilespmem:s17+$0x9AB0]  }
0x36f: {  	v7 =	vadd.f32 v9, v7;
	v13 =	vld [tilespmem:s17+$0x17A30]  }
0x370: {  	v18 =	vld [tilespmem:s17+$0x17A90]  }
0x371: {  	v19 =	vbroadcast v12, $0xC;
	v11 =	vbroadcast v12, $0x4;
	v20 =	vld [tilespmem:s17+$0x17AD0]  }
0x372: {  	v21 =	vbroadcast v12, $0x7;
	v14 =	vmul.f32 v14, v8;
	v22 =	vld [tilespmem:s17+$0x9A90]  }
0x373: {  	v8 =	vbroadcast v12, $0x0;
	v23 =	vmul.f32 v23, v10;
	v10 =	vld [tilespmem:s17+$0x9AD0]  }
0x374: {  	v9 =	vbroadcast v12, $0x1;
	v11 =	vmul.f32 v14, v11;
	v14 =	vld [tilespmem:s17+$0x17A70]  }
0x375: {  	v24 =	vld [tilespmem:s17+$0x9A70]  }
0x376: {  	v15 =	vmul.f32 v15, v19;
	v2 =	vadd.f32 v11, v2;
	v11 =	vld [tilespmem:s17+$0x17A60]  }
0x377: {  	v19 =	vld [tilespmem:s17+$0x9A60]  }
0x378: {  	v25 =	vld [tilespmem:s17+$0x17A50];
	v2 =	vadd.f32 v15, v2;
	v15 =	vmul.f32 v20, v10  }
0x379: {  	v27 =	vbroadcast v12, $0x9;
	v20 =	vbroadcast v12, $0x2;
	v26 =	vld [tilespmem:s17+$0x9A50]  }
0x37a: {  	v28 =	vld [tilespmem:s17+$0x9A30];
	v10 =	vmul.f32 v14, v24;
	v24 =	vbroadcast v12, $0xB  }
0x37b: {  	v30 =	vbroadcast v12, $0xA;
	v14 =	vbroadcast v12, $0x6;
	v29 =	vld [tilespmem:s17+$0x17A20]  }
0x37c: {  	v11 =	vmul.f32 v11, v19;
	v10 =	vmul.f32 v10, v21;
	v21 =	vld [tilespmem:s17+$0x17AE0]  }
0x37d: {  	v31 =	vbroadcast v12, $0x3;
	v32 =	vbroadcast v12, $0x5;
	v19 =	vld [tilespmem:s17+$0x9A20]  }
0x37e: {  	v25 =	vmul.f32 v25, v26;
	v11 =	vmul.f32 v11, v14;
	v26 =	vld [tilespmem:s17+$0x17AF0]  }
0x37f: {  	v13 =	vmul.f32 v13, v28;
	v28 =	vmul.f32 v18, v22;
	v33 =	vld [tilespmem:s17+$0x9AF0]  }
0x380: {  	v22 =	vbroadcast v12, $0xD;
	v18 =	vmul.f32 v25, v32;
	v25 =	vld [tilespmem:s17+$0x9AE0]  }
0x381: {  	v17 =	vmul.f32 v17, v16;
	v14 =	vld [tilespmem:s17+$0x17A00];
	v13 =	vmul.f32 v13, v31  }
.Ltmp5:
0x382: {  	v15 =	vmul.f32 v15, v22;
	v16 =	vld [tilespmem:s17+$0x17A10];
	v19 =	vmul.f32 v29, v19;
	v5 =	vadd.f32 v18, v5;
	(pc) =	sbr.rel @p1 .LBB2_11-.Ltmp5, $4  }
0x383: {  	v17 =	vmul.f32 v17, v30;
	v24 =	vmul.f32 v23, v24;
	v18 =	vld [tilespmem:s17+$0x9A10];
	v6 =	vadd.f32 v13, v6  }
0x384: {  	v13 =	vmul.f32 v28, v27;
	v23 =	vld [tilespmem:s17+$0x9A00];
	v22 =	vmul.f32 v19, v20;
	v5 =	vadd.f32 v15, v5  }
0x385: {  	v15 =	vmul.f32 v26, v33;
	v19 =	vld [tilespmem:s17+$0x9A80];
	v6 =	vadd.f32 v24, v6;
	v20 =	vmul.f32 v21, v25  }
0x386: {  	s16 =	sadd.s32 $0x10, s16;
	v24 =	vbroadcast v12, $0xE;
	v21 =	vld [tilespmem:s17+$0x17A80]  }
0x387: {  	_ = 	snop  }
0x388: {  	v16 =	vmul.f32 v16, v18  }
0x389: {  	v14 =	vmul.f32 v14, v23  }
0x38a: {  	v57 =	vbroadcast v12, $0x8;
	v9 =	vmul.f32 v16, v9  }
0x38b: {  	v8 =	vmul.f32 v14, v8;
	v58 =	vmul.f32 v21, v19;
	_ =	sdelay $0x1  }
0x38c: {  	v1 =	vadd.f32 v9, v1;
	v7 =	vadd.f32 v8, v7;
	v59 =	vmul.f32 v58, v57  }
0x38d: {  	v4 =	vadd.f32 v22, v4  }
0x38e: {  	v1 =	vadd.f32 v13, v1;
	v7 =	vadd.f32 v59, v7;
	_ =	sdelay $0x1  }
0x38f: {  	v4 =	vadd.f32 v17, v4;
	v1 =	vadd.f32 v1, v7;
	_ =	sdelay $0x1  }
0x390: {  	v1 =	vadd.f32 v4, v1;
	_ =	sdelay $0x1  }
0x391: {  	v1 =	vadd.f32 v6, v1  }
0x392: {  	v3 =	vadd.f32 v11, v3  }
0x393: {  	v61 =	vbroadcast v12, $0xF;
	v60 =	vmul.f32 v20, v24;
	v1 =	vadd.f32 v2, v1  }
0x394: {  	v0 =	vadd.f32 v10, v0  }
0x395: {  	v63 =	vmul.f32 v15, v61;
	v62 =	vadd.f32 v60, v3;
	v1 =	vadd.f32 v5, v1;
	_ =	sdelay $0x1  }
0x396: {  	v0 =	vadd.f32 v63, v0;
	v1 =	vadd.f32 v62, v1;
	_ =	sdelay $0x1  }
0x397: {  	v0 =	vadd.f32 v0, v1;
	_ =	sdelay $0x1  }
0x398: {  	s15 =	rddreg [dreg:$0x10];
	s16 =	simm.s32 $0x1EA00;
	[tilespmem:$0x1EA00] =	vst v0  }
0x399: {  	[spmem:s15] =	stream.linear.scatter [tilespmem:s16], [sflag:$0x7], $0x10, $0x38;
	[tilespmem:$0x1EB20] =	vst v63  }
0x39a: {  	_ =	swait.ge [sflag:s18], $0x10  }
0x39b: {  	[sflag:s18] =	ssyncset.done $0x0  }
0x39c: {  	[sflag:s18] =	ssyncadd.s32 $0xFFFFFFF0  }
0x39d: {  	[bflag:$0x0] =	sbarrier.arrive $0xFFFF  }
0x39e: {  	s15 =	simm.s32 @!p0 $0x1EA10;
	s16 =	rddreg [dreg:$0x5]  }
0x39f: {  	[tilespmem:s15], [sflag:$0x7] =	stream.linear.gather @!p0 [spmem:s16], $0x100, $0x38;
	[tilespmem:$0x1EB20] =	vst v63  }
0x3a0: {  	s15 =	simm.s32 @!p0 $0x7  }
0x3a1: {  	_ =	swait.ge @!p0 [sflag:s15], $0x100  }
0x3a2: {  	[sflag:s15] =	ssyncset.done @!p0 $0x0  }
0x3a3: {  	[sflag:s15] =	ssyncadd.s32 @!p0 $0xFFFFFF00  }
0x3a4: {  	v0 =	vld @!p0 [tilespmem:$0x1EA10]  }
0x3a5: {  	v1 =	vld @!p0 [tilespmem:$0x1EA20];
	_ =	sdelay $0x1  }
0x3a6: {  	v2 =	vld @!p0 [tilespmem:$0x1EA30];
	_ =	sdelay $0x1  }
0x3a7: {  	v3 =	vld @!p0 [tilespmem:$0x1EA40]  }
0x3a8: {  	v0 =	vadd.f32 @!p0 v1, v0  }
0x3a9: {  	v1 =	vld @!p0 [tilespmem:$0x1EA50]  }
0x3aa: {  	v0 =	vadd.f32 @!p0 v2, v0  }
0x3ab: {  	v2 =	vld @!p0 [tilespmem:$0x1EA60]  }
0x3ac: {  	v0 =	vadd.f32 @!p0 v3, v0  }
0x3ad: {  	v3 =	vld @!p0 [tilespmem:$0x1EA70]  }
0x3ae: {  	v0 =	vadd.f32 @!p0 v1, v0  }
0x3af: {  	v1 =	vld @!p0 [tilespmem:$0x1EA80]  }
0x3b0: {  	v0 =	vadd.f32 @!p0 v2, v0  }
0x3b1: {  	v2 =	vld @!p0 [tilespmem:$0x1EA90]  }
0x3b2: {  	v0 =	vadd.f32 @!p0 v3, v0  }
0x3b3: {  	v3 =	vld @!p0 [tilespmem:$0x1EAA0]  }
0x3b4: {  	v0 =	vadd.f32 @!p0 v1, v0  }
0x3b5: {  	v1 =	vld @!p0 [tilespmem:$0x1EAB0]  }
0x3b6: {  	v0 =	vadd.f32 @!p0 v2, v0  }
0x3b7: {  	v2 =	vld @!p0 [tilespmem:$0x1EAC0]  }
0x3b8: {  	v0 =	vadd.f32 @!p0 v3, v0  }
0x3b9: {  	v3 =	vld @!p0 [tilespmem:$0x1EAD0]  }
0x3ba: {  	v0 =	vadd.f32 @!p0 v1, v0  }
0x3bb: {  	v1 =	vld @!p0 [tilespmem:$0x1EAE0]  }
0x3bc: {  	v0 =	vadd.f32 @!p0 v2, v0  }
0x3bd: {  	v2 =	vld @!p0 [tilespmem:$0x1EAF0]  }
0x3be: {  	v0 =	vadd.f32 @!p0 v3, v0  }
0x3bf: {  	v3 =	vld @!p0 [tilespmem:$0x1EB00]  }
0x3c0: {  	v0 =	vadd.f32 @!p0 v1, v0;
	_ =	sdelay $0x1  }
0x3c1: {  	v0 =	vadd.f32 @!p0 v2, v0;
	_ =	sdelay $0x1  }
0x3c2: {  	v0 =	vadd.f32 @!p0 v3, v0;
	_ =	sdelay $0x1  }
0x3c3: {  	s17 =	simm.s32 @!p0 $0x1EA00;
	s16 =	simm.s32 @!p0 $0x0;
	s18 =	rddreg [dreg:$0x11];
	[tilespmem:$0x1EA00] =	vst @!p0 v0  }
0x3c4: {  	[hbm4b:s18+s16] =	stream.linear.scatter @!p0 [tilespmem:s17], [sflag:$0x7], $0x10, $0x38;
	[tilespmem:$0x1EB20] =	vst v63  }
0x3c5: {  	_ =	swait.ge @!p0 [sflag:s15], $0x10  }
0x3c6: {  	s20 =	rddreg [dreg:$0x13]  }
0x3c7: {  	s25 =	rddreg [dreg:$0x12];
	s17 =	sadd.s32 $0x1, s20  }
0x3c8: {  	p1 =	sne.s32 s17, s25  }
.Ltmp6:
0x3c9: {  	_ = 	snop;
	(pc) =	sbr.rel @p1 .LBB2_1-.Ltmp6, $3  }
0x3ca: {  	_ =	sdelay $0x1  }
0x3cb: {  	[sflag:s15] =	ssyncset.done @!p0 $0x0  }
0x3cc: {  	[sflag:s15] =	ssyncadd.s32 @!p0 $0xFFFFFFF0  }
0x3cd: {  	_ =	sfence.sel $0x180000  }
0x3ce: {  	[bflag:$0x0] =	sbarrier.arrive $0xFFFF  }
0x3cf: {  	_ =	strace $0x90000047  }
0x3d0: {  	[bflag:$0x2] =	sbarrier.arrive $0xFFFF  }
0x3d1: {  	s0 =	rddreg [dreg:$0x6]  }
0x3d2: {  	s0 =	sadd.s32 @!p0 $0x100000, s0  }
0x3d3: {  	[sflag:s0] =	ssyncadd.tile.s32 @!p0 $0x1;
	_ =	shalt  }
.Lfunc_end2:
_tile_overlayer_lowered:
.L_overlay_start_2:
0x3d4: {  	(tag) =	ssettag $0x2  }
0x3d5: {  	s0 =	rddreg [dreg:$0x0];
	s2 =	stileid.u32  }
0x3d6: {  	s1 =	rddreg [dreg:$0x1];
	p0 =	sne.s32 s2, $0x0  }
0x3d7: {  	s3 =	rddreg [dreg:$0x2];
	[bflag:$0x3] =	sbarrier.arrive $0xFFFF;
	s2 =	simm.s32 @!p0 $0x1C07  }
0x3d8: {  	[timem:s3], [sflag:s2] =	dma.local @!p0 [hbm:s0], s1  }
0x3d9: {  	s0 =	simm.s32 @!p0 $0x7  }
0x3da: {  	_ =	swait.ge @!p0 [sflag:s0], s1  }
0x3db: {  	s1 =	ssub.s32 @!p0 $0x0, s1;
	[sflag:s0] =	ssyncset.done @!p0 $0x0  }
0x3dc: {  	[sflag:s0] =	ssyncadd.s32 @!p0 s1  }
0x3dd: {  	[bflag:$0x3] =	sbarrier.arrive $0xFFFF  }
0x3de: {  	_ =	shalt  }

</sc_bundles>
